<compile_context>
chip_gen: v7x
topology: tpu7x:2x2x1
jax: 0.10.2.dev20260603
libtpu: 0.0.44.dev20260713+nightly
codegen_flags: <defaults>
</compile_context>

<pallas_src>
import functools

import jax
import jax.numpy as jnp
from jax import lax
from jax.experimental import pallas as pl
from jax.experimental.pallas import tpu as pltpu
from jax.experimental.pallas import tpu_sc as plsc

T = 2048
DM = 1024
H = 16
KVH = 8
DH = 64
HALF = DH // 2
E = 8
DFF = 1024
THETA = 500000.0
EPS = 1e-5

BT = 256
BQ = 256
NB = T // BT
SLOTS = 8
NC, NS = 2, 16
NW = NC * NS
RPW = T // NW
BE = 128
NBE = T // BE


def _rmsnorm(x, w):
    return x * lax.rsqrt(jnp.mean(x * x, axis=-1, keepdims=True) + EPS) * w


def _sigmoid(x):
    return 1.0 / (1.0 + jnp.exp(-x))


def _silu(x):
    return x * _sigmoid(x)


def _qkv_body(x_ref, win_ref, wqa_ref, wqb_ref, wka_ref, wkb_ref, wv_ref,
              cq_ref, sq_ref, ck_ref, sk_ref, qwa_ref, qwb_ref, kwa_ref,
              kwb_ref, qa_ref, qb_ref, ka_ref, kb_ref, v_ref):
    x = x_ref[...]
    xn = _rmsnorm(x, win_ref[...])
    qa = jnp.dot(xn, wqa_ref[...], preferred_element_type=jnp.float32)
    qb = jnp.dot(xn, wqb_ref[...], preferred_element_type=jnp.float32)
    ka = jnp.dot(xn, wka_ref[...], preferred_element_type=jnp.float32)
    kb = jnp.dot(xn, wkb_ref[...], preferred_element_type=jnp.float32)
    v = jnp.dot(xn, wv_ref[...], preferred_element_type=jnp.float32)
    cq, sq = cq_ref[...], sq_ref[...]
    ck, sk = ck_ref[...], sk_ref[...]
    ra = qa * cq - qb * sq
    rb = qb * cq + qa * sq
    rka = ka * ck - kb * sk
    rkb = kb * ck + ka * sk
    qss = (jnp.sum(ra * ra, axis=-1, keepdims=True)
           + jnp.sum(rb * rb, axis=-1, keepdims=True)) / (H * DH)
    qsc = lax.rsqrt(qss + EPS)
    kss = (jnp.sum(rka * rka, axis=-1, keepdims=True)
           + jnp.sum(rkb * rkb, axis=-1, keepdims=True)) / (KVH * DH)
    ksc = lax.rsqrt(kss + EPS)
    qa_ref[...] = ra * qsc * qwa_ref[...]
    qb_ref[...] = rb * qsc * qwb_ref[...]
    ka_ref[...] = rka * ksc * kwa_ref[...]
    kb_ref[...] = rkb * ksc * kwb_ref[...]
    v_ref[...] = v


def _qkv_call(x, win, wqa, wqb, wka, wkb, wv, cq, sq, ck, sk, qwa, qwb,
              kwa, kwb):
    f32 = jnp.float32
    full = lambda s: pl.BlockSpec(s, lambda i: (0, 0))
    row = lambda c: pl.BlockSpec((BT, c), lambda i: (i, 0))
    return pl.pallas_call(
        _qkv_body,
        grid=(NB,),
        in_specs=[
            row(DM), full((1, DM)),
            full((DM, H * HALF)), full((DM, H * HALF)),
            full((DM, KVH * HALF)), full((DM, KVH * HALF)),
            full((DM, KVH * DH)),
            row(H * HALF), row(H * HALF), row(KVH * HALF), row(KVH * HALF),
            full((1, H * HALF)), full((1, H * HALF)),
            full((1, KVH * HALF)), full((1, KVH * HALF)),
        ],
        out_specs=[row(H * HALF), row(H * HALF), row(KVH * HALF),
                   row(KVH * HALF), row(KVH * DH)],
        out_shape=[
            jax.ShapeDtypeStruct((T, H * HALF), f32),
            jax.ShapeDtypeStruct((T, H * HALF), f32),
            jax.ShapeDtypeStruct((T, KVH * HALF), f32),
            jax.ShapeDtypeStruct((T, KVH * HALF), f32),
            jax.ShapeDtypeStruct((T, KVH * DH), f32),
        ],
    )(x, win, wqa, wqb, wka, wkb, wv, cq, sq, ck, sk, qwa, qwb, kwa, kwb)


def _attn_body(q_ref, k_ref, v_ref, o_ref, *, ext, qoff):
    i = pl.program_id(0)
    scale = DH ** -0.5
    outs = []
    for h in range(H):
        q = q_ref[h]
        kh = h // 2
        s = lax.dot_general(q, k_ref[kh], (((1,), (1,)), ((), ())),
                            preferred_element_type=jnp.float32) * scale
        rows = lax.broadcasted_iota(jnp.int32, (BQ, ext), 0) + qoff + i * BQ
        cols = lax.broadcasted_iota(jnp.int32, (BQ, ext), 1)
        s = jnp.where(cols <= rows, s, -1e30)
        m = jnp.max(s, axis=-1, keepdims=True)
        p = jnp.exp(s - m)
        p = p / jnp.sum(p, axis=-1, keepdims=True)
        outs.append(jnp.dot(p, v_ref[kh],
                            preferred_element_type=jnp.float32))
    o_ref[...] = jnp.concatenate(outs, axis=1)


def _attn_call(q3, k3, v3):
    chunks = []
    nq_per_call = 2
    rows_per_call = nq_per_call * BQ
    for c in range(T // rows_per_call):
        ext = (c + 1) * rows_per_call
        qoff = c * rows_per_call
        body = functools.partial(_attn_body, ext=ext, qoff=qoff)
        out = pl.pallas_call(
            body,
            grid=(nq_per_call,),
            in_specs=[
                pl.BlockSpec((H, BQ, DH), lambda i: (0, i, 0)),
                pl.BlockSpec((KVH, ext, DH), lambda i: (0, 0, 0)),
                pl.BlockSpec((KVH, ext, DH), lambda i: (0, 0, 0)),
            ],
            out_specs=pl.BlockSpec((BQ, H * DH), lambda i: (i, 0)),
            out_shape=jax.ShapeDtypeStruct((rows_per_call, H * DH),
                                           jnp.float32),
        )(lax.slice_in_dim(q3, qoff, qoff + rows_per_call, axis=1), k3, v3)
        chunks.append(out)
    return jnp.concatenate(chunks, axis=0)


def _post_body(attn_ref, res_ref, wo_ref, wpost_ref, resid_ref, x2_ref):
    o = jnp.dot(attn_ref[...], wo_ref[...], preferred_element_type=jnp.float32)
    resid = o + res_ref[...]
    resid_ref[...] = resid
    x2_ref[...] = _rmsnorm(resid, wpost_ref[...])


def _post_call(attn2, hidden, Wo, wpost):
    row = pl.BlockSpec((BT, DM), lambda i: (i, 0))
    return pl.pallas_call(
        _post_body,
        grid=(NB,),
        in_specs=[row, row, pl.BlockSpec((DM, DM), lambda i: (0, 0)),
                  pl.BlockSpec((1, DM), lambda i: (0, 0))],
        out_specs=[row, row],
        out_shape=[jax.ShapeDtypeStruct((T, DM), jnp.float32),
                   jax.ShapeDtypeStruct((T, DM), jnp.float32)],
    )(attn2, hidden, Wo, wpost)


def _route_body(x2_ref, wr_ref, pos_ref, score_ref, esel_ref, amask_ref,
                cend_ref):
    x2 = x2_ref[...]
    logits = jnp.dot(x2, wr_ref[...], preferred_element_type=jnp.float32)
    col = lax.broadcasted_iota(jnp.int32, (T, 128), 1)
    valid = col < E
    logits = jnp.where(valid, logits, -1e30)
    mx = jnp.max(logits, axis=-1, keepdims=True)
    colf = col.astype(jnp.float32)
    idxf = jnp.min(jnp.where(logits == mx, colf, 128.0), axis=-1,
                   keepdims=True)
    score_ref[...] = _sigmoid(mx)
    onehot = (colf == idxf).astype(jnp.float32) * valid.astype(jnp.float32)
    counts = jnp.sum(onehot, axis=0, keepdims=True)
    r128 = lax.broadcasted_iota(jnp.int32, (128, 128), 0)
    c128 = lax.broadcasted_iota(jnp.int32, (128, 128), 1)
    upper_incl = ((r128 <= c128) & (r128 < E)).astype(jnp.float32)
    cend = jnp.dot(counts, upper_incl, preferred_element_type=jnp.float32,
                   precision=lax.Precision.HIGHEST)
    offs = cend - counts
    incl = onehot
    sh = 1
    while sh < T:
        incl = incl + jnp.concatenate(
            [jnp.zeros((sh, 128), jnp.float32), incl[:T - sh]], axis=0)
        sh *= 2
    rank = incl - onehot
    pos = jnp.sum(jnp.where(colf == idxf, offs + rank, 0.0), axis=-1,
                  keepdims=True)
    pos_ref[...] = pos.astype(jnp.int32)
    cendb = jnp.broadcast_to(cend, (NBE, 128))
    bstart = (lax.broadcasted_iota(jnp.int32, (NBE, 128), 0) * BE
              ).astype(jnp.float32)
    validb = lax.broadcasted_iota(jnp.int32, (NBE, 128), 1) < E
    lo = jnp.sum(((cendb <= bstart) & validb).astype(jnp.int32), axis=-1,
                 keepdims=True)
    hi = jnp.sum(((cendb <= bstart + (BE - 1)) & validb).astype(jnp.int32),
                 axis=-1, keepdims=True)
    j = lax.broadcasted_iota(jnp.int32, (NBE, 128), 1)
    esel_ref[...] = jnp.minimum(lo + j, hi)
    amask_ref[...] = (j <= hi - lo).astype(jnp.int32)
    cend_ref[...] = cend.astype(jnp.int32)


def _route_call(x2, Wr128):
    f32 = jnp.float32
    i32 = jnp.int32
    return pl.pallas_call(
        _route_body,
        grid=(1,),
        in_specs=[pl.BlockSpec((T, DM), lambda i: (0, 0)),
                  pl.BlockSpec((DM, 128), lambda i: (0, 0))],
        out_specs=[pl.BlockSpec((T, 1), lambda i: (0, 0)),
                   pl.BlockSpec((T, 1), lambda i: (0, 0)),
                   pl.BlockSpec((NBE, 128), lambda i: (0, 0)),
                   pl.BlockSpec((NBE, 128), lambda i: (0, 0)),
                   pl.BlockSpec((1, 128), lambda i: (0, 0))],
        out_shape=[jax.ShapeDtypeStruct((T, 1), i32),
                   jax.ShapeDtypeStruct((T, 1), f32),
                   jax.ShapeDtypeStruct((NBE, 128), i32),
                   jax.ShapeDtypeStruct((NBE, 128), i32),
                   jax.ShapeDtypeStruct((1, 128), i32)],
    )(x2, Wr128)


def _sc_scatter_rows(x, pos):
    mesh = plsc.VectorSubcoreMesh(core_axis_name="c", subcore_axis_name="s")

    @functools.partial(
        pl.kernel, mesh=mesh,
        out_type=jax.ShapeDtypeStruct((T, DM), jnp.float32),
        scratch_types=[pltpu.VMEM((RPW,), jnp.int32),
                       pltpu.VMEM((RPW, DM), jnp.float32),
                       pltpu.SemaphoreType.DMA],
    )
    def k(x_hbm, pos_hbm, out_hbm, idx_v, rows_v, sem):
        wid = lax.axis_index("s") * NC + lax.axis_index("c")
        base = wid * RPW
        pltpu.sync_copy(pos_hbm.at[pl.ds(base, RPW)], idx_v)
        pltpu.sync_copy(x_hbm.at[pl.ds(base, RPW)], rows_v)
        pltpu.async_copy(rows_v, out_hbm.at[idx_v], sem).wait()

    return k(x, pos)


def _sc_gather_rows(y, pos):
    mesh = plsc.VectorSubcoreMesh(core_axis_name="c", subcore_axis_name="s")

    @functools.partial(
        pl.kernel, mesh=mesh,
        out_type=jax.ShapeDtypeStruct((T, DM), jnp.float32),
        scratch_types=[pltpu.VMEM((RPW,), jnp.int32),
                       pltpu.VMEM((RPW, DM), jnp.float32),
                       pltpu.SemaphoreType.DMA],
    )
    def k(y_hbm, pos_hbm, out_hbm, idx_v, rows_v, sem):
        wid = lax.axis_index("s") * NC + lax.axis_index("c")
        base = wid * RPW
        pltpu.sync_copy(pos_hbm.at[pl.ds(base, RPW)], idx_v)
        pltpu.async_copy(y_hbm.at[idx_v], rows_v, sem).wait()
        pltpu.sync_copy(rows_v, out_hbm.at[pl.ds(base, RPW)])

    return k(y, pos)


def _moe_body(esel_ref, amask_ref, cend_ref, xs_ref, w1_ref, w3_ref, w2_ref,
              y_ref):
    b = pl.program_id(0)
    j = pl.program_id(1)

    @pl.when(j == 0)
    def _init():
        y_ref[...] = jnp.zeros_like(y_ref)

    @pl.when(amask_ref[b, j] == 1)
    def _compute():
        e = esel_ref[b, j]
        rid = lax.broadcasted_iota(jnp.int32, (BE, 1), 0) + b * BE
        er = jnp.zeros((BE, 1), jnp.int32)
        for ee in range(E):
            er = er + (rid >= cend_ref[ee]).astype(jnp.int32)
        x = jnp.where(er == e, xs_ref[...], 0.0)
        h1 = jnp.dot(x, w1_ref[0], preferred_element_type=jnp.float32)
        h3 = jnp.dot(x, w3_ref[0], preferred_element_type=jnp.float32)
        hg = _silu(h1) * h3
        y_ref[...] += jnp.dot(hg, w2_ref[0],
                              preferred_element_type=jnp.float32)


def _moe_call(esel, amask, cend, xs, W1, W3, W2):
    grid_spec = pltpu.PrefetchScalarGridSpec(
        num_scalar_prefetch=3,
        grid=(NBE, SLOTS),
        in_specs=[
            pl.BlockSpec((BE, DM), lambda b, j, es, am, ce: (b, 0)),
            pl.BlockSpec((1, DM, DFF), lambda b, j, es, am, ce: (es[b, j], 0, 0)),
            pl.BlockSpec((1, DM, DFF), lambda b, j, es, am, ce: (es[b, j], 0, 0)),
            pl.BlockSpec((1, DFF, DM), lambda b, j, es, am, ce: (es[b, j], 0, 0)),
        ],
        out_specs=pl.BlockSpec((BE, DM), lambda b, j, es, am, ce: (b, 0)),
    )
    return pl.pallas_call(
        _moe_body,
        grid_spec=grid_spec,
        out_shape=jax.ShapeDtypeStruct((T, DM), jnp.float32),
    )(esel, amask, cend, xs, W1, W3, W2)


def _shared_body(x2_ref, routed_ref, score_ref, wg_ref, wu_ref, wd_ref,
                 out_ref):
    x = x2_ref[...]
    g = jnp.dot(x, wg_ref[...], preferred_element_type=jnp.float32)
    u = jnp.dot(x, wu_ref[...], preferred_element_type=jnp.float32)
    sh = jnp.dot(_silu(g) * u, wd_ref[...],
                 preferred_element_type=jnp.float32)
    out_ref[...] = sh + routed_ref[...] * score_ref[...]


def _shared_call(x2, routed, score, Wg, Wu, Wd):
    row = pl.BlockSpec((BT, DM), lambda i: (i, 0))
    wfull = pl.BlockSpec((DM, DFF), lambda i: (0, 0))
    return pl.pallas_call(
        _shared_body,
        grid=(NB,),
        in_specs=[row, row, pl.BlockSpec((BT, 1), lambda i: (i, 0)),
                  wfull, wfull, pl.BlockSpec((DFF, DM), lambda i: (0, 0))],
        out_specs=row,
        out_shape=jax.ShapeDtypeStruct((T, DM), jnp.float32),
    )(x2, routed, score, Wg, Wu, Wd)


def kernel(positions, hidden_states, rms_in_w, Wqkv, q_norm_w, k_norm_w, Wo,
           rms_post_w, Wr, W1, W3, W2, Wg, Wu, Wd):
    f32 = jnp.float32
    Wq = Wqkv[:, :H * DH].reshape(DM, H, DH)
    Wk = Wqkv[:, H * DH:H * DH + KVH * DH].reshape(DM, KVH, DH)
    Wv = Wqkv[:, H * DH + KVH * DH:]
    wqa = Wq[:, :, :HALF].reshape(DM, H * HALF)
    wqb = Wq[:, :, HALF:].reshape(DM, H * HALF)
    wka = Wk[:, :, :HALF].reshape(DM, KVH * HALF)
    wkb = Wk[:, :, HALF:].reshape(DM, KVH * HALF)
    qw = q_norm_w.reshape(H, DH)
    qwa = qw[:, :HALF].reshape(1, H * HALF)
    qwb = qw[:, HALF:].reshape(1, H * HALF)
    kw = k_norm_w.reshape(KVH, DH)
    kwa = kw[:, :HALF].reshape(1, KVH * HALF)
    kwb = kw[:, HALF:].reshape(1, KVH * HALF)
    inv = 1.0 / (THETA ** (jnp.arange(HALF, dtype=f32) / HALF))
    freqs = positions.astype(f32)[:, None] * inv[None, :]
    cos = jnp.cos(freqs)
    sin = jnp.sin(freqs)
    cq = jnp.tile(cos, (1, H))
    sq = jnp.tile(sin, (1, H))
    ck = jnp.tile(cos, (1, KVH))
    sk = jnp.tile(sin, (1, KVH))
    Wr128 = jnp.zeros((DM, 128), f32).at[:, :E].set(Wr)

    qa, qb, ka, kb, v = _qkv_call(
        hidden_states, rms_in_w.reshape(1, DM), wqa, wqb, wka, wkb, Wv,
        cq, sq, ck, sk, qwa, qwb, kwa, kwb)

    q3 = jnp.concatenate([qa.reshape(T, H, HALF), qb.reshape(T, H, HALF)],
                         axis=-1).transpose(1, 0, 2)
    k3 = jnp.concatenate([ka.reshape(T, KVH, HALF), kb.reshape(T, KVH, HALF)],
                         axis=-1).transpose(1, 0, 2)
    v3 = v.reshape(T, KVH, DH).transpose(1, 0, 2)

    attn2 = _attn_call(q3, k3, v3)

    resid, x2 = _post_call(attn2, hidden_states, Wo,
                           rms_post_w.reshape(1, DM))

    pos2, score2, esel8, amask8, cend8 = _route_call(x2, Wr128)
    pos = pos2.reshape(T)
    esel = esel8[:, :SLOTS]
    amask = amask8[:, :SLOTS]
    cend = cend8[0, :E]

    xs = _sc_scatter_rows(x2, pos)

    ys = _moe_call(esel, amask, cend, xs, W1, W3, W2)

    routed = _sc_gather_rows(ys, pos)

    h = _shared_call(x2, routed, score2, Wg, Wu, Wd)
    return (h, resid)

# --- scband reference (transcript-rebuilt; emitter-appended) ---
"""Pipeline reference for scband-llama4-decoder-layer-31172872634828 (READ-ONLY COPY).

The authoritative reference and input builder live on the scoring server;
editing this copy changes nothing except your own understanding.
"""

import jax, jax.numpy as jnp
import numpy as np

T = 2048
DM = 1024
H = 16
KVH = 8
DH = 64
E = 8
TOPK = 1
DFF = 1024
THETA = 500000.0
EPS = 1e-5


def rms_norm(x, w, eps=EPS):
    return x * jax.lax.rsqrt(jnp.mean(x * x, axis=-1, keepdims=True) + eps) * w


def apply_rope(x, positions, theta=THETA):
    t, nh, dh = x.shape
    half = dh // 2
    inv_freq = 1.0 / (theta ** (jnp.arange(0, half, dtype=jnp.float32) / half))
    freqs = positions.astype(jnp.float32)[:, None] * inv_freq[None, :]
    cos = jnp.cos(freqs)[:, None, :]
    sin = jnp.sin(freqs)[:, None, :]
    x1 = x[..., :half]
    x2 = x[..., half:]
    return jnp.concatenate([x1 * cos - x2 * sin, x2 * cos + x1 * sin], axis=-1)


def attention(positions, h, Wqkv, q_norm_w, k_norm_w, Wo):
    t = h.shape[0]
    qkv = h @ Wqkv
    q, k, v = jnp.split(qkv, [H * DH, H * DH + KVH * DH], axis=-1)
    q = apply_rope(q.reshape(t, H, DH), positions).reshape(t, H * DH)
    k = apply_rope(k.reshape(t, KVH, DH), positions).reshape(t, KVH * DH)
    q = rms_norm(q, q_norm_w)
    k = rms_norm(k, k_norm_w)
    q = q.reshape(t, H, DH)
    k = k.reshape(t, KVH, DH)
    v = v.reshape(t, KVH, DH)
    n_rep = H // KVH
    k = jnp.repeat(k, n_rep, axis=1)
    v = jnp.repeat(v, n_rep, axis=1)
    scale = DH ** -0.5
    scores = jnp.einsum('thd,shd->hts', q, k) * scale
    causal = jnp.tril(jnp.ones((t, t), dtype=bool))
    scores = jnp.where(causal[None, :, :], scores, -1e30)
    probs = jax.nn.softmax(scores, axis=-1)
    out = jnp.einsum('hts,shd->thd', probs, v).reshape(t, H * DH)
    return out @ Wo


def moe(x, Wr, W1, W3, W2, Wg, Wu, Wd):
    router_logits = x @ Wr
    scores, idx = jax.lax.top_k(router_logits, TOPK)
    scores = jax.nn.sigmoid(scores.astype(jnp.float32)).astype(x.dtype)
    routed = jnp.zeros_like(x)
    for e in range(E):
        gate = jnp.sum(jnp.where(idx == e, scores, 0.0), axis=-1, keepdims=True)
        hg = jax.nn.silu(x @ W1[e]) * (x @ W3[e])
        routed = routed + gate * (hg @ W2[e])
    shared = (jax.nn.silu(x @ Wg) * (x @ Wu)) @ Wd
    return routed + shared


def setup_inputs(seed: int = 0) -> dict:
    key = jax.random.key(seed)
    ks = jax.random.split(key, 16)
    s = 0.02
    return {
        'positions': jnp.arange(T, dtype=jnp.int64) if jax.config.jax_enable_x64 else jnp.arange(T, dtype=jnp.int32),
        'hidden_states': jax.random.normal(ks[0], (T, DM), dtype=jnp.float32),
        'rms_in_w': jnp.ones((DM,), dtype=jnp.float32),
        'Wqkv': jax.random.normal(ks[1], (DM, H * DH + 2 * KVH * DH), dtype=jnp.float32) * s,
        'q_norm_w': jnp.ones((H * DH,), dtype=jnp.float32),
        'k_norm_w': jnp.ones((KVH * DH,), dtype=jnp.float32),
        'Wo': jax.random.normal(ks[2], (H * DH, DM), dtype=jnp.float32) * s,
        'rms_post_w': jnp.ones((DM,), dtype=jnp.float32),
        'Wr': jax.random.normal(ks[3], (DM, E), dtype=jnp.float32) * s,
        'W1': jax.random.normal(ks[4], (E, DM, DFF), dtype=jnp.float32) * s,
        'W3': jax.random.normal(ks[5], (E, DM, DFF), dtype=jnp.float32) * s,
        'W2': jax.random.normal(ks[6], (E, DFF, DM), dtype=jnp.float32) * s,
        'Wg': jax.random.normal(ks[7], (DM, DFF), dtype=jnp.float32) * s,
        'Wu': jax.random.normal(ks[8], (DM, DFF), dtype=jnp.float32) * s,
        'Wd': jax.random.normal(ks[9], (DFF, DM), dtype=jnp.float32) * s,
    }


def reference(positions, hidden_states, rms_in_w, Wqkv, q_norm_w, k_norm_w, Wo, rms_post_w, Wr, W1, W3, W2, Wg, Wu, Wd):
    residual = hidden_states
    h = rms_norm(hidden_states, rms_in_w)
    h = attention(positions, h, Wqkv, q_norm_w, k_norm_w, Wo)
    residual = h + residual
    h = rms_norm(residual, rms_post_w)
    h = moe(h, Wr, W1, W3, W2, Wg, Wu, Wd)
    return (h, residual)

if __name__ == "__main__":
    import jax
    _d = setup_inputs()
    print(jax.jit(kernel)(*tuple(_d.values())))

</pallas_src>

<mosaic_0001>
#map = affine_map<(d0, d1) -> (0, 0)>
#map1 = affine_map<(d0, d1) -> (0)>
module attributes {stable_mosaic.version = 14 : i64} {
  func.func @k(%arg0: i32, %arg1: i32, %arg2: memref<2048x1024xf32, #tpu.memory_space<hbm>>, %arg3: memref<2048xi32, #tpu.memory_space<hbm>>, %arg4: memref<2048x1024xf32, #tpu.memory_space<hbm>>, %arg5: memref<64xi32, #tpu.memory_space<vmem>>, %arg6: memref<64x1024xf32, #tpu.memory_space<vmem>>, %arg7: memref<!tpu.dma_semaphore, #tpu.memory_space<semaphore_mem>>) attributes {dimension_semantics = [#tpu.dimension_semantics<core_parallel>, #tpu.dimension_semantics<subcore_parallel>], iteration_bounds = array<i64: 2, 16>, scalar_prefetch = 0 : i64, scratch_operands = 3 : i64, tpu.core_type = #tpu.core_type<sc_vector_subcore>, window_params = [{transform_indices = #map}, {transform_indices = #map1}, {transform_indices = #map}]} {
    %mul3A = arith.constant 2 : i32
    %mul3A_0 = arith.muli %arg1, %mul3A : i32
    %add3A = arith.addi %mul3A_0, %arg0 : i32
    %mul3A_1 = arith.constant 64 : i32
    %mul3A_2 = arith.muli %add3A, %mul3A_1 : i32
    "tpu.region"() ({
      %run_scoped3A = tpu.sem_alloc : memref<!tpu.dma_semaphore, #tpu.memory_space<semaphore_mem>>
      %dma_start3A_7 = tpu.memref_slice %arg3[%mul3A_2] : memref<2048xi32, #tpu.memory_space<hbm>> -> memref<64xi32, #tpu.memory_space<hbm>>
      %dma_start3A_8 = tpu.memref_slice %arg3[%mul3A_2] : memref<2048xi32, #tpu.memory_space<hbm>> -> memref<64xi32, #tpu.memory_space<hbm>>
      tpu.enqueue_dma source(%dma_start3A_8 : memref<64xi32, #tpu.memory_space<hbm>>) target(%arg5 : memref<64xi32, #tpu.memory_space<vmem>>) target_semaphore(%run_scoped3A : memref<!tpu.dma_semaphore, #tpu.memory_space<semaphore_mem>>)
      %dma_wait3A_9 = tpu.memref_slice %arg3[%mul3A_2] : memref<2048xi32, #tpu.memory_space<hbm>> -> memref<64xi32, #tpu.memory_space<hbm>>
      %dma_wait3A_10 = tpu.memref_slice %arg3[%mul3A_2] : memref<2048xi32, #tpu.memory_space<hbm>> -> memref<64xi32, #tpu.memory_space<hbm>>
      tpu.wait_dma2 semaphore(%run_scoped3A : memref<!tpu.dma_semaphore, #tpu.memory_space<semaphore_mem>>) src(%dma_wait3A_10 : memref<64xi32, #tpu.memory_space<hbm>>) dst(%arg5 : memref<64xi32, #tpu.memory_space<vmem>>)
      tpu.yield
    }) : () -> ()
    %dma_start3A = arith.constant 0 : i32
    %dma_start3A_3 = arith.constant 0 : i32
    %dma_start3A_4 = tpu.memref_slice %arg2[%dma_start3A, %dma_start3A_3] : memref<2048x1024xf32, #tpu.memory_space<hbm>> -> memref<2048x1024xf32, #tpu.memory_space<hbm>>
    tpu.enqueue_indirect_dma source(%dma_start3A_4 : memref<2048x1024xf32, #tpu.memory_space<hbm>>) target(%arg6 : memref<64x1024xf32, #tpu.memory_space<vmem>>) offsets(%arg5 : memref<64xi32, #tpu.memory_space<vmem>>) semaphore(%arg7 : memref<!tpu.dma_semaphore, #tpu.memory_space<semaphore_mem>>)
    %dma_wait3A = arith.constant 0 : i32
    %dma_wait3A_5 = arith.constant 0 : i32
    %dma_wait3A_6 = tpu.memref_slice %arg2[%dma_wait3A, %dma_wait3A_5] : memref<2048x1024xf32, #tpu.memory_space<hbm>> -> memref<2048x1024xf32, #tpu.memory_space<hbm>>
    tpu.wait_indirect_dma semaphore(%arg7 : memref<!tpu.dma_semaphore, #tpu.memory_space<semaphore_mem>>) src(%dma_wait3A_6 : memref<2048x1024xf32, #tpu.memory_space<hbm>>) dst(%arg6 : memref<64x1024xf32, #tpu.memory_space<vmem>>)
    "tpu.region"() ({
      %run_scoped3A = tpu.sem_alloc : memref<!tpu.dma_semaphore, #tpu.memory_space<semaphore_mem>>
      %dma_start3A_7 = arith.constant 0 : i32
      %dma_start3A_8 = tpu.memref_slice %arg4[%mul3A_2, %dma_start3A_7] : memref<2048x1024xf32, #tpu.memory_space<hbm>> -> memref<64x1024xf32, #tpu.memory_space<hbm>>
      %dma_start3A_9 = arith.constant 0 : i32
      %dma_start3A_10 = tpu.memref_slice %arg4[%mul3A_2, %dma_start3A_9] : memref<2048x1024xf32, #tpu.memory_space<hbm>> -> memref<64x1024xf32, #tpu.memory_space<hbm>>
      tpu.enqueue_dma source(%arg6 : memref<64x1024xf32, #tpu.memory_space<vmem>>) target(%dma_start3A_10 : memref<64x1024xf32, #tpu.memory_space<hbm>>) target_semaphore(%run_scoped3A : memref<!tpu.dma_semaphore, #tpu.memory_space<semaphore_mem>>)
      %dma_wait3A_11 = arith.constant 0 : i32
      %dma_wait3A_12 = tpu.memref_slice %arg4[%mul3A_2, %dma_wait3A_11] : memref<2048x1024xf32, #tpu.memory_space<hbm>> -> memref<64x1024xf32, #tpu.memory_space<hbm>>
      %dma_wait3A_13 = arith.constant 0 : i32
      %dma_wait3A_14 = tpu.memref_slice %arg4[%mul3A_2, %dma_wait3A_13] : memref<2048x1024xf32, #tpu.memory_space<hbm>> -> memref<64x1024xf32, #tpu.memory_space<hbm>>
      tpu.wait_dma2 semaphore(%run_scoped3A : memref<!tpu.dma_semaphore, #tpu.memory_space<semaphore_mem>>) src(%arg6 : memref<64x1024xf32, #tpu.memory_space<vmem>>) dst(%dma_wait3A_14 : memref<64x1024xf32, #tpu.memory_space<hbm>>)
      tpu.yield
    }) : () -> ()
    return
  }
}

#map = affine_map<(d0, d1) -> (0, 0)>
#map1 = affine_map<(d0, d1) -> (0)>
module attributes {stable_mosaic.version = 14 : i64} {
  func.func @k(%arg0: i32, %arg1: i32, %arg2: memref<2048x1024xf32, #tpu.memory_space<hbm>>, %arg3: memref<2048xi32, #tpu.memory_space<hbm>>, %arg4: memref<2048x1024xf32, #tpu.memory_space<hbm>>, %arg5: memref<64xi32, #tpu.memory_space<vmem>>, %arg6: memref<64x1024xf32, #tpu.memory_space<vmem>>, %arg7: memref<!tpu.dma_semaphore, #tpu.memory_space<semaphore_mem>>) attributes {dimension_semantics = [#tpu.dimension_semantics<core_parallel>, #tpu.dimension_semantics<subcore_parallel>], iteration_bounds = array<i64: 2, 16>, scalar_prefetch = 0 : i64, scratch_operands = 3 : i64, tpu.core_type = #tpu.core_type<sc_vector_subcore>, window_params = [{transform_indices = #map}, {transform_indices = #map1}, {transform_indices = #map}]} {
    %mul3A = arith.constant 2 : i32
    %mul3A_0 = arith.muli %arg1, %mul3A : i32
    %add3A = arith.addi %mul3A_0, %arg0 : i32
    %mul3A_1 = arith.constant 64 : i32
    %mul3A_2 = arith.muli %add3A, %mul3A_1 : i32
    "tpu.region"() ({
      %run_scoped3A = tpu.sem_alloc : memref<!tpu.dma_semaphore, #tpu.memory_space<semaphore_mem>>
      %dma_start3A_7 = tpu.memref_slice %arg3[%mul3A_2] : memref<2048xi32, #tpu.memory_space<hbm>> -> memref<64xi32, #tpu.memory_space<hbm>>
      %dma_start3A_8 = tpu.memref_slice %arg3[%mul3A_2] : memref<2048xi32, #tpu.memory_space<hbm>> -> memref<64xi32, #tpu.memory_space<hbm>>
      tpu.enqueue_dma source(%dma_start3A_8 : memref<64xi32, #tpu.memory_space<hbm>>) target(%arg5 : memref<64xi32, #tpu.memory_space<vmem>>) target_semaphore(%run_scoped3A : memref<!tpu.dma_semaphore, #tpu.memory_space<semaphore_mem>>)
      %dma_wait3A_9 = tpu.memref_slice %arg3[%mul3A_2] : memref<2048xi32, #tpu.memory_space<hbm>> -> memref<64xi32, #tpu.memory_space<hbm>>
      %dma_wait3A_10 = tpu.memref_slice %arg3[%mul3A_2] : memref<2048xi32, #tpu.memory_space<hbm>> -> memref<64xi32, #tpu.memory_space<hbm>>
      tpu.wait_dma2 semaphore(%run_scoped3A : memref<!tpu.dma_semaphore, #tpu.memory_space<semaphore_mem>>) src(%dma_wait3A_10 : memref<64xi32, #tpu.memory_space<hbm>>) dst(%arg5 : memref<64xi32, #tpu.memory_space<vmem>>)
      tpu.yield
    }) : () -> ()
    "tpu.region"() ({
      %run_scoped3A = tpu.sem_alloc : memref<!tpu.dma_semaphore, #tpu.memory_space<semaphore_mem>>
      %dma_start3A_7 = arith.constant 0 : i32
      %dma_start3A_8 = tpu.memref_slice %arg2[%mul3A_2, %dma_start3A_7] : memref<2048x1024xf32, #tpu.memory_space<hbm>> -> memref<64x1024xf32, #tpu.memory_space<hbm>>
      %dma_start3A_9 = arith.constant 0 : i32
      %dma_start3A_10 = tpu.memref_slice %arg2[%mul3A_2, %dma_start3A_9] : memref<2048x1024xf32, #tpu.memory_space<hbm>> -> memref<64x1024xf32, #tpu.memory_space<hbm>>
      tpu.enqueue_dma source(%dma_start3A_10 : memref<64x1024xf32, #tpu.memory_space<hbm>>) target(%arg6 : memref<64x1024xf32, #tpu.memory_space<vmem>>) target_semaphore(%run_scoped3A : memref<!tpu.dma_semaphore, #tpu.memory_space<semaphore_mem>>)
      %dma_wait3A_11 = arith.constant 0 : i32
      %dma_wait3A_12 = tpu.memref_slice %arg2[%mul3A_2, %dma_wait3A_11] : memref<2048x1024xf32, #tpu.memory_space<hbm>> -> memref<64x1024xf32, #tpu.memory_space<hbm>>
      %dma_wait3A_13 = arith.constant 0 : i32
      %dma_wait3A_14 = tpu.memref_slice %arg2[%mul3A_2, %dma_wait3A_13] : memref<2048x1024xf32, #tpu.memory_space<hbm>> -> memref<64x1024xf32, #tpu.memory_space<hbm>>
      tpu.wait_dma2 semaphore(%run_scoped3A : memref<!tpu.dma_semaphore, #tpu.memory_space<semaphore_mem>>) src(%dma_wait3A_14 : memref<64x1024xf32, #tpu.memory_space<hbm>>) dst(%arg6 : memref<64x1024xf32, #tpu.memory_space<vmem>>)
      tpu.yield
    }) : () -> ()
    %dma_start3A = arith.constant 0 : i32
    %dma_start3A_3 = arith.constant 0 : i32
    %dma_start3A_4 = tpu.memref_slice %arg4[%dma_start3A, %dma_start3A_3] : memref<2048x1024xf32, #tpu.memory_space<hbm>> -> memref<2048x1024xf32, #tpu.memory_space<hbm>>
    tpu.enqueue_indirect_dma source(%arg6 : memref<64x1024xf32, #tpu.memory_space<vmem>>) target(%dma_start3A_4 : memref<2048x1024xf32, #tpu.memory_space<hbm>>) offsets(%arg5 : memref<64xi32, #tpu.memory_space<vmem>>) semaphore(%arg7 : memref<!tpu.dma_semaphore, #tpu.memory_space<semaphore_mem>>)
    %dma_wait3A = arith.constant 0 : i32
    %dma_wait3A_5 = arith.constant 0 : i32
    %dma_wait3A_6 = tpu.memref_slice %arg4[%dma_wait3A, %dma_wait3A_5] : memref<2048x1024xf32, #tpu.memory_space<hbm>> -> memref<2048x1024xf32, #tpu.memory_space<hbm>>
    tpu.wait_indirect_dma semaphore(%arg7 : memref<!tpu.dma_semaphore, #tpu.memory_space<semaphore_mem>>) src(%arg6 : memref<64x1024xf32, #tpu.memory_space<vmem>>) dst(%dma_wait3A_6 : memref<2048x1024xf32, #tpu.memory_space<hbm>>)
    return
  }
}

module attributes {stable_mosaic.version = 14 : i64} {
  func.func @_qkv_body(%arg0: i32, %arg1: memref<256x1024xf32, #tpu.memory_space<vmem>>, %arg2: memref<1x1024xf32, #tpu.memory_space<vmem>>, %arg3: memref<1024x512xf32, #tpu.memory_space<vmem>>, %arg4: memref<1024x512xf32, #tpu.memory_space<vmem>>, %arg5: memref<1024x256xf32, #tpu.memory_space<vmem>>, %arg6: memref<1024x256xf32, #tpu.memory_space<vmem>>, %arg7: memref<1024x512xf32, #tpu.memory_space<vmem>>, %arg8: memref<256x512xf32, #tpu.memory_space<vmem>>, %arg9: memref<256x512xf32, #tpu.memory_space<vmem>>, %arg10: memref<256x256xf32, #tpu.memory_space<vmem>>, %arg11: memref<256x256xf32, #tpu.memory_space<vmem>>, %arg12: memref<1x512xf32, #tpu.memory_space<vmem>>, %arg13: memref<1x512xf32, #tpu.memory_space<vmem>>, %arg14: memref<1x256xf32, #tpu.memory_space<vmem>>, %arg15: memref<1x256xf32, #tpu.memory_space<vmem>>, %arg16: memref<256x512xf32, #tpu.memory_space<vmem>>, %arg17: memref<256x512xf32, #tpu.memory_space<vmem>>, %arg18: memref<256x256xf32, #tpu.memory_space<vmem>>, %arg19: memref<256x256xf32, #tpu.memory_space<vmem>>, %arg20: memref<256x512xf32, #tpu.memory_space<vmem>>) attributes {dimension_semantics = [#tpu.dimension_semantics<arbitrary>], iteration_bounds = array<i64: 8>, scalar_prefetch = 0 : i64, scratch_operands = 0 : i64, tpu.core_type = #tpu.core_type<tc>, window_params = [{transform_indices = @transform_0, window_bounds = array<i64: 256, 1024>}, {pipeline_mode = #tpu.pipeline_mode<synchronous>, transform_indices = @transform_1, window_bounds = array<i64: 1, 1024>}, {pipeline_mode = #tpu.pipeline_mode<synchronous>, transform_indices = @transform_2, window_bounds = array<i64: 1024, 512>}, {pipeline_mode = #tpu.pipeline_mode<synchronous>, transform_indices = @transform_3, window_bounds = array<i64: 1024, 512>}, {pipeline_mode = #tpu.pipeline_mode<synchronous>, transform_indices = @transform_4, window_bounds = array<i64: 1024, 256>}, {pipeline_mode = #tpu.pipeline_mode<synchronous>, transform_indices = @transform_5, window_bounds = array<i64: 1024, 256>}, {pipeline_mode = #tpu.pipeline_mode<synchronous>, transform_indices = @transform_6, window_bounds = array<i64: 1024, 512>}, {transform_indices = @transform_7, window_bounds = array<i64: 256, 512>}, {transform_indices = @transform_8, window_bounds = array<i64: 256, 512>}, {transform_indices = @transform_9, window_bounds = array<i64: 256, 256>}, {transform_indices = @transform_10, window_bounds = array<i64: 256, 256>}, {pipeline_mode = #tpu.pipeline_mode<synchronous>, transform_indices = @transform_11, window_bounds = array<i64: 1, 512>}, {pipeline_mode = #tpu.pipeline_mode<synchronous>, transform_indices = @transform_12, window_bounds = array<i64: 1, 512>}, {pipeline_mode = #tpu.pipeline_mode<synchronous>, transform_indices = @transform_13, window_bounds = array<i64: 1, 256>}, {pipeline_mode = #tpu.pipeline_mode<synchronous>, transform_indices = @transform_14, window_bounds = array<i64: 1, 256>}, {transform_indices = @transform_15, window_bounds = array<i64: 256, 512>}, {transform_indices = @transform_16, window_bounds = array<i64: 256, 512>}, {transform_indices = @transform_17, window_bounds = array<i64: 256, 256>}, {transform_indices = @transform_18, window_bounds = array<i64: 256, 256>}, {transform_indices = @transform_19, window_bounds = array<i64: 256, 512>}]} {
    %get3A = arith.constant 0 : index
    %get3A_0 = arith.constant 0 : index
    %get3A_1 = vector.load %arg1[%get3A, %get3A_0] : memref<256x1024xf32, #tpu.memory_space<vmem>>, vector<256x1024xf32>
    %get3A_2 = arith.constant 0 : index
    %get3A_3 = arith.constant 0 : index
    %get3A_4 = vector.load %arg2[%get3A_2, %get3A_3] : memref<1x1024xf32, #tpu.memory_space<vmem>>, vector<1x1024xf32>
    %mul3A = arith.mulf %get3A_1, %get3A_1 : vector<256x1024xf32>
    %reduce_sum3A = arith.constant dense<0.000000e+00> : vector<256xf32>
    %reduce_sum3A_5 = vector.multi_reduction <add>, %mul3A, %reduce_sum3A [1] : vector<256x1024xf32> to vector<256xf32>
    %broadcast_in_dim3A = vector.shape_cast %reduce_sum3A_5 : vector<256xf32> to vector<256x1xf32>
    %div3A = arith.constant 1.024000e+03 : f32
    %div3A_6 = vector.broadcast %div3A : f32 to vector<256x1xf32>
    %div3A_7 = arith.divf %broadcast_in_dim3A, %div3A_6 : vector<256x1xf32>
    %add3A = arith.constant 9.99999974E-6 : f32
    %add3A_8 = vector.broadcast %add3A : f32 to vector<256x1xf32>
    %add3A_9 = arith.addf %div3A_7, %add3A_8 : vector<256x1xf32>
    %rsqrt3A = math.rsqrt %add3A_9 : vector<256x1xf32>
    %mul3A_10 = vector.broadcast %rsqrt3A : vector<256x1xf32> to vector<256x1024xf32>
    %mul3A_11 = arith.mulf %get3A_1, %mul3A_10 : vector<256x1024xf32>
    %mul3A_12 = vector.broadcast %get3A_4 : vector<1x1024xf32> to vector<256x1024xf32>
    %mul3A_13 = arith.mulf %mul3A_11, %mul3A_12 : vector<256x1024xf32>
    %get3A_14 = arith.constant 0 : index
    %get3A_15 = arith.constant 0 : index
    %get3A_16 = vector.load %arg3[%get3A_14, %get3A_15] : memref<1024x512xf32, #tpu.memory_space<vmem>>, vector<1024x512xf32>
    %dot_general3A = arith.constant dense<0.000000e+00> : vector<256x512xf32>
    %dot_general3A_17 = tpu.matmul %mul3A_13, %get3A_16, %dot_general3A {dimension_numbers = #tpu.dot_dimension_numbers<[1], [0], [0], [1], [0, 0, 1, 1], [], []>, transpose_lhs_hint = false} : vector<256x1024xf32>, vector<1024x512xf32>, vector<256x512xf32> -> vector<256x512xf32>
    %get3A_18 = arith.constant 0 : index
    %get3A_19 = arith.constant 0 : index
    %get3A_20 = vector.load %arg4[%get3A_18, %get3A_19] : memref<1024x512xf32, #tpu.memory_space<vmem>>, vector<1024x512xf32>
    %dot_general3A_21 = arith.constant dense<0.000000e+00> : vector<256x512xf32>
    %dot_general3A_22 = tpu.matmul %mul3A_13, %get3A_20, %dot_general3A_21 {dimension_numbers = #tpu.dot_dimension_numbers<[1], [0], [0], [1], [0, 0, 1, 1], [], []>, transpose_lhs_hint = false} : vector<256x1024xf32>, vector<1024x512xf32>, vector<256x512xf32> -> vector<256x512xf32>
    %get3A_23 = arith.constant 0 : index
    %get3A_24 = arith.constant 0 : index
    %get3A_25 = vector.load %arg5[%get3A_23, %get3A_24] : memref<1024x256xf32, #tpu.memory_space<vmem>>, vector<1024x256xf32>
    %dot_general3A_26 = arith.constant dense<0.000000e+00> : vector<256x256xf32>
    %dot_general3A_27 = tpu.matmul %mul3A_13, %get3A_25, %dot_general3A_26 {dimension_numbers = #tpu.dot_dimension_numbers<[1], [0], [0], [1], [0, 0, 1, 1], [], []>, transpose_lhs_hint = false} : vector<256x1024xf32>, vector<1024x256xf32>, vector<256x256xf32> -> vector<256x256xf32>
    %get3A_28 = arith.constant 0 : index
    %get3A_29 = arith.constant 0 : index
    %get3A_30 = vector.load %arg6[%get3A_28, %get3A_29] : memref<1024x256xf32, #tpu.memory_space<vmem>>, vector<1024x256xf32>
    %dot_general3A_31 = arith.constant dense<0.000000e+00> : vector<256x256xf32>
    %dot_general3A_32 = tpu.matmul %mul3A_13, %get3A_30, %dot_general3A_31 {dimension_numbers = #tpu.dot_dimension_numbers<[1], [0], [0], [1], [0, 0, 1, 1], [], []>, transpose_lhs_hint = false} : vector<256x1024xf32>, vector<1024x256xf32>, vector<256x256xf32> -> vector<256x256xf32>
    %get3A_33 = arith.constant 0 : index
    %get3A_34 = arith.constant 0 : index
    %get3A_35 = vector.load %arg7[%get3A_33, %get3A_34] : memref<1024x512xf32, #tpu.memory_space<vmem>>, vector<1024x512xf32>
    %dot_general3A_36 = arith.constant dense<0.000000e+00> : vector<256x512xf32>
    %dot_general3A_37 = tpu.matmul %mul3A_13, %get3A_35, %dot_general3A_36 {dimension_numbers = #tpu.dot_dimension_numbers<[1], [0], [0], [1], [0, 0, 1, 1], [], []>, transpose_lhs_hint = false} : vector<256x1024xf32>, vector<1024x512xf32>, vector<256x512xf32> -> vector<256x512xf32>
    %get3A_38 = arith.constant 0 : index
    %get3A_39 = arith.constant 0 : index
    %get3A_40 = vector.load %arg8[%get3A_38, %get3A_39] : memref<256x512xf32, #tpu.memory_space<vmem>>, vector<256x512xf32>
    %get3A_41 = arith.constant 0 : index
    %get3A_42 = arith.constant 0 : index
    %get3A_43 = vector.load %arg9[%get3A_41, %get3A_42] : memref<256x512xf32, #tpu.memory_space<vmem>>, vector<256x512xf32>
    %get3A_44 = arith.constant 0 : index
    %get3A_45 = arith.constant 0 : index
    %get3A_46 = vector.load %arg10[%get3A_44, %get3A_45] : memref<256x256xf32, #tpu.memory_space<vmem>>, vector<256x256xf32>
    %get3A_47 = arith.constant 0 : index
    %get3A_48 = arith.constant 0 : index
    %get3A_49 = vector.load %arg11[%get3A_47, %get3A_48] : memref<256x256xf32, #tpu.memory_space<vmem>>, vector<256x256xf32>
    %mul3A_50 = arith.mulf %dot_general3A_17, %get3A_40 : vector<256x512xf32>
    %mul3A_51 = arith.mulf %dot_general3A_22, %get3A_43 : vector<256x512xf32>
    %sub3A = arith.subf %mul3A_50, %mul3A_51 : vector<256x512xf32>
    %mul3A_52 = arith.mulf %dot_general3A_22, %get3A_40 : vector<256x512xf32>
    %mul3A_53 = arith.mulf %dot_general3A_17, %get3A_43 : vector<256x512xf32>
    %add3A_54 = arith.addf %mul3A_52, %mul3A_53 : vector<256x512xf32>
    %mul3A_55 = arith.mulf %dot_general3A_27, %get3A_46 : vector<256x256xf32>
    %mul3A_56 = arith.mulf %dot_general3A_32, %get3A_49 : vector<256x256xf32>
    %sub3A_57 = arith.subf %mul3A_55, %mul3A_56 : vector<256x256xf32>
    %mul3A_58 = arith.mulf %dot_general3A_32, %get3A_46 : vector<256x256xf32>
    %mul3A_59 = arith.mulf %dot_general3A_27, %get3A_49 : vector<256x256xf32>
    %add3A_60 = arith.addf %mul3A_58, %mul3A_59 : vector<256x256xf32>
    %mul3A_61 = arith.mulf %sub3A, %sub3A : vector<256x512xf32>
    %reduce_sum3A_62 = arith.constant dense<0.000000e+00> : vector<256xf32>
    %reduce_sum3A_63 = vector.multi_reduction <add>, %mul3A_61, %reduce_sum3A_62 [1] : vector<256x512xf32> to vector<256xf32>
    %broadcast_in_dim3A_64 = vector.shape_cast %reduce_sum3A_63 : vector<256xf32> to vector<256x1xf32>
    %mul3A_65 = arith.mulf %add3A_54, %add3A_54 : vector<256x512xf32>
    %reduce_sum3A_66 = arith.constant dense<0.000000e+00> : vector<256xf32>
    %reduce_sum3A_67 = vector.multi_reduction <add>, %mul3A_65, %reduce_sum3A_66 [1] : vector<256x512xf32> to vector<256xf32>
    %broadcast_in_dim3A_68 = vector.shape_cast %reduce_sum3A_67 : vector<256xf32> to vector<256x1xf32>
    %add3A_69 = arith.addf %broadcast_in_dim3A_64, %broadcast_in_dim3A_68 : vector<256x1xf32>
    %div3A_70 = arith.constant 1.024000e+03 : f32
    %div3A_71 = vector.broadcast %div3A_70 : f32 to vector<256x1xf32>
    %div3A_72 = arith.divf %add3A_69, %div3A_71 : vector<256x1xf32>
    %add3A_73 = arith.constant 9.99999974E-6 : f32
    %add3A_74 = vector.broadcast %add3A_73 : f32 to vector<256x1xf32>
    %add3A_75 = arith.addf %div3A_72, %add3A_74 : vector<256x1xf32>
    %rsqrt3A_76 = math.rsqrt %add3A_75 : vector<256x1xf32>
    %mul3A_77 = arith.mulf %sub3A_57, %sub3A_57 : vector<256x256xf32>
    %reduce_sum3A_78 = arith.constant dense<0.000000e+00> : vector<256xf32>
    %reduce_sum3A_79 = vector.multi_reduction <add>, %mul3A_77, %reduce_sum3A_78 [1] : vector<256x256xf32> to vector<256xf32>
    %broadcast_in_dim3A_80 = vector.shape_cast %reduce_sum3A_79 : vector<256xf32> to vector<256x1xf32>
    %mul3A_81 = arith.mulf %add3A_60, %add3A_60 : vector<256x256xf32>
    %reduce_sum3A_82 = arith.constant dense<0.000000e+00> : vector<256xf32>
    %reduce_sum3A_83 = vector.multi_reduction <add>, %mul3A_81, %reduce_sum3A_82 [1] : vector<256x256xf32> to vector<256xf32>
    %broadcast_in_dim3A_84 = vector.shape_cast %reduce_sum3A_83 : vector<256xf32> to vector<256x1xf32>
    %add3A_85 = arith.addf %broadcast_in_dim3A_80, %broadcast_in_dim3A_84 : vector<256x1xf32>
    %div3A_86 = arith.constant 5.120000e+02 : f32
    %div3A_87 = vector.broadcast %div3A_86 : f32 to vector<256x1xf32>
    %div3A_88 = arith.divf %add3A_85, %div3A_87 : vector<256x1xf32>
    %add3A_89 = arith.constant 9.99999974E-6 : f32
    %add3A_90 = vector.broadcast %add3A_89 : f32 to vector<256x1xf32>
    %add3A_91 = arith.addf %div3A_88, %add3A_90 : vector<256x1xf32>
    %rsqrt3A_92 = math.rsqrt %add3A_91 : vector<256x1xf32>
    %mul3A_93 = vector.broadcast %rsqrt3A_76 : vector<256x1xf32> to vector<256x512xf32>
    %mul3A_94 = arith.mulf %sub3A, %mul3A_93 : vector<256x512xf32>
    %get3A_95 = arith.constant 0 : index
    %get3A_96 = arith.constant 0 : index
    %get3A_97 = vector.load %arg12[%get3A_95, %get3A_96] : memref<1x512xf32, #tpu.memory_space<vmem>>, vector<1x512xf32>
    %mul3A_98 = vector.broadcast %get3A_97 : vector<1x512xf32> to vector<256x512xf32>
    %mul3A_99 = arith.mulf %mul3A_94, %mul3A_98 : vector<256x512xf32>
    %swap3A = arith.constant 0 : index
    %swap3A_100 = arith.constant 0 : index
    %swap3A_101 = vector.load %arg16[%swap3A, %swap3A_100] : memref<256x512xf32, #tpu.memory_space<vmem>>, vector<256x512xf32>
    tpu.vector_store %arg16[%swap3A, %swap3A_100], %mul3A_99 {strides = array<i32>} : memref<256x512xf32, #tpu.memory_space<vmem>>, vector<256x512xf32>,
    %mul3A_102 = vector.broadcast %rsqrt3A_76 : vector<256x1xf32> to vector<256x512xf32>
    %mul3A_103 = arith.mulf %add3A_54, %mul3A_102 : vector<256x512xf32>
    %get3A_104 = arith.constant 0 : index
    %get3A_105 = arith.constant 0 : index
    %get3A_106 = vector.load %arg13[%get3A_104, %get3A_105] : memref<1x512xf32, #tpu.memory_space<vmem>>, vector<1x512xf32>
    %mul3A_107 = vector.broadcast %get3A_106 : vector<1x512xf32> to vector<256x512xf32>
    %mul3A_108 = arith.mulf %mul3A_103, %mul3A_107 : vector<256x512xf32>
    %swap3A_109 = arith.constant 0 : index
    %swap3A_110 = arith.constant 0 : index
    %swap3A_111 = vector.load %arg17[%swap3A_109, %swap3A_110] : memref<256x512xf32, #tpu.memory_space<vmem>>, vector<256x512xf32>
    tpu.vector_store %arg17[%swap3A_109, %swap3A_110], %mul3A_108 {strides = array<i32>} : memref<256x512xf32, #tpu.memory_space<vmem>>, vector<256x512xf32>,
    %mul3A_112 = vector.broadcast %rsqrt3A_92 : vector<256x1xf32> to vector<256x256xf32>
    %mul3A_113 = arith.mulf %sub3A_57, %mul3A_112 : vector<256x256xf32>
    %get3A_114 = arith.constant 0 : index
    %get3A_115 = arith.constant 0 : index
    %get3A_116 = vector.load %arg14[%get3A_114, %get3A_115] : memref<1x256xf32, #tpu.memory_space<vmem>>, vector<1x256xf32>
    %mul3A_117 = vector.broadcast %get3A_116 : vector<1x256xf32> to vector<256x256xf32>
    %mul3A_118 = arith.mulf %mul3A_113, %mul3A_117 : vector<256x256xf32>
    %swap3A_119 = arith.constant 0 : index
    %swap3A_120 = arith.constant 0 : index
    %swap3A_121 = vector.load %arg18[%swap3A_119, %swap3A_120] : memref<256x256xf32, #tpu.memory_space<vmem>>, vector<256x256xf32>
    tpu.vector_store %arg18[%swap3A_119, %swap3A_120], %mul3A_118 {strides = array<i32>} : memref<256x256xf32, #tpu.memory_space<vmem>>, vector<256x256xf32>,
    %mul3A_122 = vector.broadcast %rsqrt3A_92 : vector<256x1xf32> to vector<256x256xf32>
    %mul3A_123 = arith.mulf %add3A_60, %mul3A_122 : vector<256x256xf32>
    %get3A_124 = arith.constant 0 : index
    %get3A_125 = arith.constant 0 : index
    %get3A_126 = vector.load %arg15[%get3A_124, %get3A_125] : memref<1x256xf32, #tpu.memory_space<vmem>>, vector<1x256xf32>
    %mul3A_127 = vector.broadcast %get3A_126 : vector<1x256xf32> to vector<256x256xf32>
    %mul3A_128 = arith.mulf %mul3A_123, %mul3A_127 : vector<256x256xf32>
    %swap3A_129 = arith.constant 0 : index
    %swap3A_130 = arith.constant 0 : index
    %swap3A_131 = vector.load %arg19[%swap3A_129, %swap3A_130] : memref<256x256xf32, #tpu.memory_space<vmem>>, vector<256x256xf32>
    tpu.vector_store %arg19[%swap3A_129, %swap3A_130], %mul3A_128 {strides = array<i32>} : memref<256x256xf32, #tpu.memory_space<vmem>>, vector<256x256xf32>,
    %swap3A_132 = arith.constant 0 : index
    %swap3A_133 = arith.constant 0 : index
    %swap3A_134 = vector.load %arg20[%swap3A_132, %swap3A_133] : memref<256x512xf32, #tpu.memory_space<vmem>>, vector<256x512xf32>
    tpu.vector_store %arg20[%swap3A_132, %swap3A_133], %dot_general3A_37 {strides = array<i32>} : memref<256x512xf32, #tpu.memory_space<vmem>>, vector<256x512xf32>,
    return
  }
  func.func @transform_0(%arg0: i32) -> (i32, i32) {
    %c0_i32 = arith.constant 0 : i32
    %c0_i32_0 = arith.constant 0 : i32
    return %arg0, %c0_i32 : i32, i32
  }
  func.func @transform_1(%arg0: i32) -> (i32, i32) {
    %c0_i32 = arith.constant 0 : i32
    %c0_i32_0 = arith.constant 0 : i32
    %c0_i32_1 = arith.constant 0 : i32
    return %c0_i32, %c0_i32_0 : i32, i32
  }
  func.func @transform_2(%arg0: i32) -> (i32, i32) {
    %c0_i32 = arith.constant 0 : i32
    %c0_i32_0 = arith.constant 0 : i32
    %c0_i32_1 = arith.constant 0 : i32
    return %c0_i32, %c0_i32_0 : i32, i32
  }
  func.func @transform_3(%arg0: i32) -> (i32, i32) {
    %c0_i32 = arith.constant 0 : i32
    %c0_i32_0 = arith.constant 0 : i32
    %c0_i32_1 = arith.constant 0 : i32
    return %c0_i32, %c0_i32_0 : i32, i32
  }
  func.func @transform_4(%arg0: i32) -> (i32, i32) {
    %c0_i32 = arith.constant 0 : i32
    %c0_i32_0 = arith.constant 0 : i32
    %c0_i32_1 = arith.constant 0 : i32
    return %c0_i32, %c0_i32_0 : i32, i32
  }
  func.func @transform_5(%arg0: i32) -> (i32, i32) {
    %c0_i32 = arith.constant 0 : i32
    %c0_i32_0 = arith.constant 0 : i32
    %c0_i32_1 = arith.constant 0 : i32
    return %c0_i32, %c0_i32_0 : i32, i32
  }
  func.func @transform_6(%arg0: i32) -> (i32, i32) {
    %c0_i32 = arith.constant 0 : i32
    %c0_i32_0 = arith.constant 0 : i32
    %c0_i32_1 = arith.constant 0 : i32
    return %c0_i32, %c0_i32_0 : i32, i32
  }
  func.func @transform_7(%arg0: i32) -> (i32, i32) {
    %c0_i32 = arith.constant 0 : i32
    %c0_i32_0 = arith.constant 0 : i32
    return %arg0, %c0_i32 : i32, i32
  }
  func.func @transform_8(%arg0: i32) -> (i32, i32) {
    %c0_i32 = arith.constant 0 : i32
    %c0_i32_0 = arith.constant 0 : i32
    return %arg0, %c0_i32 : i32, i32
  }
  func.func @transform_9(%arg0: i32) -> (i32, i32) {
    %c0_i32 = arith.constant 0 : i32
    %c0_i32_0 = arith.constant 0 : i32
    return %arg0, %c0_i32 : i32, i32
  }
  func.func @transform_10(%arg0: i32) -> (i32, i32) {
    %c0_i32 = arith.constant 0 : i32
    %c0_i32_0 = arith.constant 0 : i32
    return %arg0, %c0_i32 : i32, i32
  }
  func.func @transform_11(%arg0: i32) -> (i32, i32) {
    %c0_i32 = arith.constant 0 : i32
    %c0_i32_0 = arith.constant 0 : i32
    %c0_i32_1 = arith.constant 0 : i32
    return %c0_i32, %c0_i32_0 : i32, i32
  }
  func.func @transform_12(%arg0: i32) -> (i32, i32) {
    %c0_i32 = arith.constant 0 : i32
    %c0_i32_0 = arith.constant 0 : i32
    %c0_i32_1 = arith.constant 0 : i32
    return %c0_i32, %c0_i32_0 : i32, i32
  }
  func.func @transform_13(%arg0: i32) -> (i32, i32) {
    %c0_i32 = arith.constant 0 : i32
    %c0_i32_0 = arith.constant 0 : i32
    %c0_i32_1 = arith.constant 0 : i32
    return %c0_i32, %c0_i32_0 : i32, i32
  }
  func.func @transform_14(%arg0: i32) -> (i32, i32) {
    %c0_i32 = arith.constant 0 : i32
    %c0_i32_0 = arith.constant 0 : i32
    %c0_i32_1 = arith.constant 0 : i32
    return %c0_i32, %c0_i32_0 : i32, i32
  }
  func.func @transform_15(%arg0: i32) -> (i32, i32) {
    %c0_i32 = arith.constant 0 : i32
    %c0_i32_0 = arith.constant 0 : i32
    return %arg0, %c0_i32 : i32, i32
  }
  func.func @transform_16(%arg0: i32) -> (i32, i32) {
    %c0_i32 = arith.constant 0 : i32
    %c0_i32_0 = arith.constant 0 : i32
    return %arg0, %c0_i32 : i32, i32
  }
  func.func @transform_17(%arg0: i32) -> (i32, i32) {
    %c0_i32 = arith.constant 0 : i32
    %c0_i32_0 = arith.constant 0 : i32
    return %arg0, %c0_i32 : i32, i32
  }
  func.func @transform_18(%arg0: i32) -> (i32, i32) {
    %c0_i32 = arith.constant 0 : i32
    %c0_i32_0 = arith.constant 0 : i32
    return %arg0, %c0_i32 : i32, i32
  }
  func.func @transform_19(%arg0: i32) -> (i32, i32) {
    %c0_i32 = arith.constant 0 : i32
    %c0_i32_0 = arith.constant 0 : i32
    return %arg0, %c0_i32 : i32, i32
  }
}

module attributes {stable_mosaic.version = 14 : i64} {
  func.func @_attn_body(%arg0: i32, %arg1: memref<16x256x64xf32, #tpu.memory_space<vmem>>, %arg2: memref<8x2048x64xf32, #tpu.memory_space<vmem>>, %arg3: memref<8x2048x64xf32, #tpu.memory_space<vmem>>, %arg4: memref<256x1024xf32, #tpu.memory_space<vmem>>) attributes {dimension_semantics = [#tpu.dimension_semantics<arbitrary>], iteration_bounds = array<i64: 2>, scalar_prefetch = 0 : i64, scratch_operands = 0 : i64, tpu.core_type = #tpu.core_type<tc>, window_params = [{transform_indices = @transform_0, window_bounds = array<i64: 16, 256, 64>}, {pipeline_mode = #tpu.pipeline_mode<synchronous>, transform_indices = @transform_1, window_bounds = array<i64: 8, 2048, 64>}, {pipeline_mode = #tpu.pipeline_mode<synchronous>, transform_indices = @transform_2, window_bounds = array<i64: 8, 2048, 64>}, {transform_indices = @transform_3, window_bounds = array<i64: 256, 1024>}]} {
    %get3A = arith.constant 0 : index
    %get3A_0 = arith.constant 0 : index
    %get3A_1 = arith.constant 0 : index
    %get3A_2 = vector.load %arg1[%get3A, %get3A_0, %get3A_1] : memref<16x256x64xf32, #tpu.memory_space<vmem>>, vector<1x256x64xf32>
    %get3A_3 = vector.shape_cast %get3A_2 : vector<1x256x64xf32> to vector<256x64xf32>
    %get3A_4 = arith.constant 0 : index
    %get3A_5 = arith.constant 0 : index
    %get3A_6 = arith.constant 0 : index
    %get3A_7 = vector.load %arg2[%get3A_4, %get3A_5, %get3A_6] : memref<8x2048x64xf32, #tpu.memory_space<vmem>>, vector<1x2048x64xf32>
    %get3A_8 = vector.shape_cast %get3A_7 : vector<1x2048x64xf32> to vector<2048x64xf32>
    %dot_general3A = arith.constant dense<0.000000e+00> : vector<256x2048xf32>
    %dot_general3A_9 = tpu.matmul %get3A_3, %get3A_8, %dot_general3A {dimension_numbers = #tpu.dot_dimension_numbers<[1], [1], [0], [0], [0, 0, 1, 0], [], []>, transpose_lhs_hint = false} : vector<256x64xf32>, vector<2048x64xf32>, vector<256x2048xf32> -> vector<256x2048xf32>
    %mul3A = arith.constant 1.250000e-01 : f32
    %mul3A_10 = vector.broadcast %mul3A : f32 to vector<256x2048xf32>
    %mul3A_11 = arith.mulf %dot_general3A_9, %mul3A_10 : vector<256x2048xf32>
    %iota3A = tpu.iota {dimensions = array<i32: 0>} : vector<256x2048xi32>
    %add3A = arith.constant 1536 : i32
    %add3A_12 = vector.broadcast %add3A : i32 to vector<256x2048xi32>
    %add3A_13 = arith.addi %iota3A, %add3A_12 : vector<256x2048xi32>
    %mul3A_14 = arith.constant 256 : i32
    %mul3A_15 = arith.muli %arg0, %mul3A_14 : i32
    %add3A_16 = vector.broadcast %mul3A_15 : i32 to vector<256x2048xi32>
    %add3A_17 = arith.addi %add3A_13, %add3A_16 : vector<256x2048xi32>
    %iota3A_18 = tpu.iota {dimensions = array<i32: 1>} : vector<256x2048xi32>
    %le3A = arith.cmpi sle, %iota3A_18, %add3A_17 : vector<256x2048xi32>
    %jit3A = arith.constant -1.000000e+30 : f32
    %broadcast_in_dim3A = vector.broadcast %jit3A : f32 to vector<256x2048xf32>
    %select_n3A = arith.select %le3A, %mul3A_11, %broadcast_in_dim3A : vector<256x2048xi1>, vector<256x2048xf32>
    %reduce_max3A = arith.constant dense<0xFF800000> : vector<256xf32>
    %reduce_max3A_19 = vector.multi_reduction <maximumf>, %select_n3A, %reduce_max3A [1] : vector<256x2048xf32> to vector<256xf32>
    %broadcast_in_dim3A_20 = vector.shape_cast %reduce_max3A_19 : vector<256xf32> to vector<256x1xf32>
    %sub3A = vector.broadcast %broadcast_in_dim3A_20 : vector<256x1xf32> to vector<256x2048xf32>
    %sub3A_21 = arith.subf %select_n3A, %sub3A : vector<256x2048xf32>
    %exp3A = math.exp %sub3A_21 : vector<256x2048xf32>
    %reduce_sum3A = arith.constant dense<0.000000e+00> : vector<256xf32>
    %reduce_sum3A_22 = vector.multi_reduction <add>, %exp3A, %reduce_sum3A [1] : vector<256x2048xf32> to vector<256xf32>
    %broadcast_in_dim3A_23 = vector.shape_cast %reduce_sum3A_22 : vector<256xf32> to vector<256x1xf32>
    %div3A = vector.broadcast %broadcast_in_dim3A_23 : vector<256x1xf32> to vector<256x2048xf32>
    %div3A_24 = arith.divf %exp3A, %div3A : vector<256x2048xf32>
    %get3A_25 = arith.constant 0 : index
    %get3A_26 = arith.constant 0 : index
    %get3A_27 = arith.constant 0 : index
    %get3A_28 = vector.load %arg3[%get3A_25, %get3A_26, %get3A_27] : memref<8x2048x64xf32, #tpu.memory_space<vmem>>, vector<1x2048x64xf32>
    %get3A_29 = vector.shape_cast %get3A_28 : vector<1x2048x64xf32> to vector<2048x64xf32>
    %dot_general3A_30 = arith.constant dense<0.000000e+00> : vector<256x64xf32>
    %dot_general3A_31 = tpu.matmul %div3A_24, %get3A_29, %dot_general3A_30 {dimension_numbers = #tpu.dot_dimension_numbers<[1], [0], [0], [1], [0, 0, 1, 1], [], []>, transpose_lhs_hint = false} : vector<256x2048xf32>, vector<2048x64xf32>, vector<256x64xf32> -> vector<256x64xf32>
    %get3A_32 = arith.constant 1 : index
    %get3A_33 = arith.constant 0 : index
    %get3A_34 = arith.constant 0 : index
    %get3A_35 = vector.load %arg1[%get3A_32, %get3A_33, %get3A_34] : memref<16x256x64xf32, #tpu.memory_space<vmem>>, vector<1x256x64xf32>
    %get3A_36 = vector.shape_cast %get3A_35 : vector<1x256x64xf32> to vector<256x64xf32>
    %get3A_37 = arith.constant 0 : index
    %get3A_38 = arith.constant 0 : index
    %get3A_39 = arith.constant 0 : index
    %get3A_40 = vector.load %arg2[%get3A_37, %get3A_38, %get3A_39] : memref<8x2048x64xf32, #tpu.memory_space<vmem>>, vector<1x2048x64xf32>
    %get3A_41 = vector.shape_cast %get3A_40 : vector<1x2048x64xf32> to vector<2048x64xf32>
    %dot_general3A_42 = arith.constant dense<0.000000e+00> : vector<256x2048xf32>
    %dot_general3A_43 = tpu.matmul %get3A_36, %get3A_41, %dot_general3A_42 {dimension_numbers = #tpu.dot_dimension_numbers<[1], [1], [0], [0], [0, 0, 1, 0], [], []>, transpose_lhs_hint = false} : vector<256x64xf32>, vector<2048x64xf32>, vector<256x2048xf32> -> vector<256x2048xf32>
    %mul3A_44 = arith.constant 1.250000e-01 : f32
    %mul3A_45 = vector.broadcast %mul3A_44 : f32 to vector<256x2048xf32>
    %mul3A_46 = arith.mulf %dot_general3A_43, %mul3A_45 : vector<256x2048xf32>
    %iota3A_47 = tpu.iota {dimensions = array<i32: 0>} : vector<256x2048xi32>
    %add3A_48 = arith.constant 1536 : i32
    %add3A_49 = vector.broadcast %add3A_48 : i32 to vector<256x2048xi32>
    %add3A_50 = arith.addi %iota3A_47, %add3A_49 : vector<256x2048xi32>
    %mul3A_51 = arith.constant 256 : i32
    %mul3A_52 = arith.muli %arg0, %mul3A_51 : i32
    %add3A_53 = vector.broadcast %mul3A_52 : i32 to vector<256x2048xi32>
    %add3A_54 = arith.addi %add3A_50, %add3A_53 : vector<256x2048xi32>
    %iota3A_55 = tpu.iota {dimensions = array<i32: 1>} : vector<256x2048xi32>
    %le3A_56 = arith.cmpi sle, %iota3A_55, %add3A_54 : vector<256x2048xi32>
    %jit3A_57 = arith.constant -1.000000e+30 : f32
    %broadcast_in_dim3A_58 = vector.broadcast %jit3A_57 : f32 to vector<256x2048xf32>
    %select_n3A_59 = arith.select %le3A_56, %mul3A_46, %broadcast_in_dim3A_58 : vector<256x2048xi1>, vector<256x2048xf32>
    %reduce_max3A_60 = arith.constant dense<0xFF800000> : vector<256xf32>
    %reduce_max3A_61 = vector.multi_reduction <maximumf>, %select_n3A_59, %reduce_max3A_60 [1] : vector<256x2048xf32> to vector<256xf32>
    %broadcast_in_dim3A_62 = vector.shape_cast %reduce_max3A_61 : vector<256xf32> to vector<256x1xf32>
    %sub3A_63 = vector.broadcast %broadcast_in_dim3A_62 : vector<256x1xf32> to vector<256x2048xf32>
    %sub3A_64 = arith.subf %select_n3A_59, %sub3A_63 : vector<256x2048xf32>
    %exp3A_65 = math.exp %sub3A_64 : vector<256x2048xf32>
    %reduce_sum3A_66 = arith.constant dense<0.000000e+00> : vector<256xf32>
    %reduce_sum3A_67 = vector.multi_reduction <add>, %exp3A_65, %reduce_sum3A_66 [1] : vector<256x2048xf32> to vector<256xf32>
    %broadcast_in_dim3A_68 = vector.shape_cast %reduce_sum3A_67 : vector<256xf32> to vector<256x1xf32>
    %div3A_69 = vector.broadcast %broadcast_in_dim3A_68 : vector<256x1xf32> to vector<256x2048xf32>
    %div3A_70 = arith.divf %exp3A_65, %div3A_69 : vector<256x2048xf32>
    %get3A_71 = arith.constant 0 : index
    %get3A_72 = arith.constant 0 : index
    %get3A_73 = arith.constant 0 : index
    %get3A_74 = vector.load %arg3[%get3A_71, %get3A_72, %get3A_73] : memref<8x2048x64xf32, #tpu.memory_space<vmem>>, vector<1x2048x64xf32>
    %get3A_75 = vector.shape_cast %get3A_74 : vector<1x2048x64xf32> to vector<2048x64xf32>
    %dot_general3A_76 = arith.constant dense<0.000000e+00> : vector<256x64xf32>
    %dot_general3A_77 = tpu.matmul %div3A_70, %get3A_75, %dot_general3A_76 {dimension_numbers = #tpu.dot_dimension_numbers<[1], [0], [0], [1], [0, 0, 1, 1], [], []>, transpose_lhs_hint = false} : vector<256x2048xf32>, vector<2048x64xf32>, vector<256x64xf32> -> vector<256x64xf32>
    %get3A_78 = arith.constant 2 : index
    %get3A_79 = arith.constant 0 : index
    %get3A_80 = arith.constant 0 : index
    %get3A_81 = vector.load %arg1[%get3A_78, %get3A_79, %get3A_80] : memref<16x256x64xf32, #tpu.memory_space<vmem>>, vector<1x256x64xf32>
    %get3A_82 = vector.shape_cast %get3A_81 : vector<1x256x64xf32> to vector<256x64xf32>
    %get3A_83 = arith.constant 1 : index
    %get3A_84 = arith.constant 0 : index
    %get3A_85 = arith.constant 0 : index
    %get3A_86 = vector.load %arg2[%get3A_83, %get3A_84, %get3A_85] : memref<8x2048x64xf32, #tpu.memory_space<vmem>>, vector<1x2048x64xf32>
    %get3A_87 = vector.shape_cast %get3A_86 : vector<1x2048x64xf32> to vector<2048x64xf32>
    %dot_general3A_88 = arith.constant dense<0.000000e+00> : vector<256x2048xf32>
    %dot_general3A_89 = tpu.matmul %get3A_82, %get3A_87, %dot_general3A_88 {dimension_numbers = #tpu.dot_dimension_numbers<[1], [1], [0], [0], [0, 0, 1, 0], [], []>, transpose_lhs_hint = false} : vector<256x64xf32>, vector<2048x64xf32>, vector<256x2048xf32> -> vector<256x2048xf32>
    %mul3A_90 = arith.constant 1.250000e-01 : f32
    %mul3A_91 = vector.broadcast %mul3A_90 : f32 to vector<256x2048xf32>
    %mul3A_92 = arith.mulf %dot_general3A_89, %mul3A_91 : vector<256x2048xf32>
    %iota3A_93 = tpu.iota {dimensions = array<i32: 0>} : vector<256x2048xi32>
    %add3A_94 = arith.constant 1536 : i32
    %add3A_95 = vector.broadcast %add3A_94 : i32 to vector<256x2048xi32>
    %add3A_96 = arith.addi %iota3A_93, %add3A_95 : vector<256x2048xi32>
    %mul3A_97 = arith.constant 256 : i32
    %mul3A_98 = arith.muli %arg0, %mul3A_97 : i32
    %add3A_99 = vector.broadcast %mul3A_98 : i32 to vector<256x2048xi32>
    %add3A_100 = arith.addi %add3A_96, %add3A_99 : vector<256x2048xi32>
    %iota3A_101 = tpu.iota {dimensions = array<i32: 1>} : vector<256x2048xi32>
    %le3A_102 = arith.cmpi sle, %iota3A_101, %add3A_100 : vector<256x2048xi32>
    %jit3A_103 = arith.constant -1.000000e+30 : f32
    %broadcast_in_dim3A_104 = vector.broadcast %jit3A_103 : f32 to vector<256x2048xf32>
    %select_n3A_105 = arith.select %le3A_102, %mul3A_92, %broadcast_in_dim3A_104 : vector<256x2048xi1>, vector<256x2048xf32>
    %reduce_max3A_106 = arith.constant dense<0xFF800000> : vector<256xf32>
    %reduce_max3A_107 = vector.multi_reduction <maximumf>, %select_n3A_105, %reduce_max3A_106 [1] : vector<256x2048xf32> to vector<256xf32>
    %broadcast_in_dim3A_108 = vector.shape_cast %reduce_max3A_107 : vector<256xf32> to vector<256x1xf32>
    %sub3A_109 = vector.broadcast %broadcast_in_dim3A_108 : vector<256x1xf32> to vector<256x2048xf32>
    %sub3A_110 = arith.subf %select_n3A_105, %sub3A_109 : vector<256x2048xf32>
    %exp3A_111 = math.exp %sub3A_110 : vector<256x2048xf32>
    %reduce_sum3A_112 = arith.constant dense<0.000000e+00> : vector<256xf32>
    %reduce_sum3A_113 = vector.multi_reduction <add>, %exp3A_111, %reduce_sum3A_112 [1] : vector<256x2048xf32> to vector<256xf32>
    %broadcast_in_dim3A_114 = vector.shape_cast %reduce_sum3A_113 : vector<256xf32> to vector<256x1xf32>
    %div3A_115 = vector.broadcast %broadcast_in_dim3A_114 : vector<256x1xf32> to vector<256x2048xf32>
    %div3A_116 = arith.divf %exp3A_111, %div3A_115 : vector<256x2048xf32>
    %get3A_117 = arith.constant 1 : index
    %get3A_118 = arith.constant 0 : index
    %get3A_119 = arith.constant 0 : index
    %get3A_120 = vector.load %arg3[%get3A_117, %get3A_118, %get3A_119] : memref<8x2048x64xf32, #tpu.memory_space<vmem>>, vector<1x2048x64xf32>
    %get3A_121 = vector.shape_cast %get3A_120 : vector<1x2048x64xf32> to vector<2048x64xf32>
    %dot_general3A_122 = arith.constant dense<0.000000e+00> : vector<256x64xf32>
    %dot_general3A_123 = tpu.matmul %div3A_116, %get3A_121, %dot_general3A_122 {dimension_numbers = #tpu.dot_dimension_numbers<[1], [0], [0], [1], [0, 0, 1, 1], [], []>, transpose_lhs_hint = false} : vector<256x2048xf32>, vector<2048x64xf32>, vector<256x64xf32> -> vector<256x64xf32>
    %get3A_124 = arith.constant 3 : index
    %get3A_125 = arith.constant 0 : index
    %get3A_126 = arith.constant 0 : index
    %get3A_127 = vector.load %arg1[%get3A_124, %get3A_125, %get3A_126] : memref<16x256x64xf32, #tpu.memory_space<vmem>>, vector<1x256x64xf32>
    %get3A_128 = vector.shape_cast %get3A_127 : vector<1x256x64xf32> to vector<256x64xf32>
    %get3A_129 = arith.constant 1 : index
    %get3A_130 = arith.constant 0 : index
    %get3A_131 = arith.constant 0 : index
    %get3A_132 = vector.load %arg2[%get3A_129, %get3A_130, %get3A_131] : memref<8x2048x64xf32, #tpu.memory_space<vmem>>, vector<1x2048x64xf32>
    %get3A_133 = vector.shape_cast %get3A_132 : vector<1x2048x64xf32> to vector<2048x64xf32>
    %dot_general3A_134 = arith.constant dense<0.000000e+00> : vector<256x2048xf32>
    %dot_general3A_135 = tpu.matmul %get3A_128, %get3A_133, %dot_general3A_134 {dimension_numbers = #tpu.dot_dimension_numbers<[1], [1], [0], [0], [0, 0, 1, 0], [], []>, transpose_lhs_hint = false} : vector<256x64xf32>, vector<2048x64xf32>, vector<256x2048xf32> -> vector<256x2048xf32>
    %mul3A_136 = arith.constant 1.250000e-01 : f32
    %mul3A_137 = vector.broadcast %mul3A_136 : f32 to vector<256x2048xf32>
    %mul3A_138 = arith.mulf %dot_general3A_135, %mul3A_137 : vector<256x2048xf32>
    %iota3A_139 = tpu.iota {dimensions = array<i32: 0>} : vector<256x2048xi32>
    %add3A_140 = arith.constant 1536 : i32
    %add3A_141 = vector.broadcast %add3A_140 : i32 to vector<256x2048xi32>
    %add3A_142 = arith.addi %iota3A_139, %add3A_141 : vector<256x2048xi32>
    %mul3A_143 = arith.constant 256 : i32
    %mul3A_144 = arith.muli %arg0, %mul3A_143 : i32
    %add3A_145 = vector.broadcast %mul3A_144 : i32 to vector<256x2048xi32>
    %add3A_146 = arith.addi %add3A_142, %add3A_145 : vector<256x2048xi32>
    %iota3A_147 = tpu.iota {dimensions = array<i32: 1>} : vector<256x2048xi32>
    %le3A_148 = arith.cmpi sle, %iota3A_147, %add3A_146 : vector<256x2048xi32>
    %jit3A_149 = arith.constant -1.000000e+30 : f32
    %broadcast_in_dim3A_150 = vector.broadcast %jit3A_149 : f32 to vector<256x2048xf32>
    %select_n3A_151 = arith.select %le3A_148, %mul3A_138, %broadcast_in_dim3A_150 : vector<256x2048xi1>, vector<256x2048xf32>
    %reduce_max3A_152 = arith.constant dense<0xFF800000> : vector<256xf32>
    %reduce_max3A_153 = vector.multi_reduction <maximumf>, %select_n3A_151, %reduce_max3A_152 [1] : vector<256x2048xf32> to vector<256xf32>
    %broadcast_in_dim3A_154 = vector.shape_cast %reduce_max3A_153 : vector<256xf32> to vector<256x1xf32>
    %sub3A_155 = vector.broadcast %broadcast_in_dim3A_154 : vector<256x1xf32> to vector<256x2048xf32>
    %sub3A_156 = arith.subf %select_n3A_151, %sub3A_155 : vector<256x2048xf32>
    %exp3A_157 = math.exp %sub3A_156 : vector<256x2048xf32>
    %reduce_sum3A_158 = arith.constant dense<0.000000e+00> : vector<256xf32>
    %reduce_sum3A_159 = vector.multi_reduction <add>, %exp3A_157, %reduce_sum3A_158 [1] : vector<256x2048xf32> to vector<256xf32>
    %broadcast_in_dim3A_160 = vector.shape_cast %reduce_sum3A_159 : vector<256xf32> to vector<256x1xf32>
    %div3A_161 = vector.broadcast %broadcast_in_dim3A_160 : vector<256x1xf32> to vector<256x2048xf32>
    %div3A_162 = arith.divf %exp3A_157, %div3A_161 : vector<256x2048xf32>
    %get3A_163 = arith.constant 1 : index
    %get3A_164 = arith.constant 0 : index
    %get3A_165 = arith.constant 0 : index
    %get3A_166 = vector.load %arg3[%get3A_163, %get3A_164, %get3A_165] : memref<8x2048x64xf32, #tpu.memory_space<vmem>>, vector<1x2048x64xf32>
    %get3A_167 = vector.shape_cast %get3A_166 : vector<1x2048x64xf32> to vector<2048x64xf32>
    %dot_general3A_168 = arith.constant dense<0.000000e+00> : vector<256x64xf32>
    %dot_general3A_169 = tpu.matmul %div3A_162, %get3A_167, %dot_general3A_168 {dimension_numbers = #tpu.dot_dimension_numbers<[1], [0], [0], [1], [0, 0, 1, 1], [], []>, transpose_lhs_hint = false} : vector<256x2048xf32>, vector<2048x64xf32>, vector<256x64xf32> -> vector<256x64xf32>
    %get3A_170 = arith.constant 4 : index
    %get3A_171 = arith.constant 0 : index
    %get3A_172 = arith.constant 0 : index
    %get3A_173 = vector.load %arg1[%get3A_170, %get3A_171, %get3A_172] : memref<16x256x64xf32, #tpu.memory_space<vmem>>, vector<1x256x64xf32>
    %get3A_174 = vector.shape_cast %get3A_173 : vector<1x256x64xf32> to vector<256x64xf32>
    %get3A_175 = arith.constant 2 : index
    %get3A_176 = arith.constant 0 : index
    %get3A_177 = arith.constant 0 : index
    %get3A_178 = vector.load %arg2[%get3A_175, %get3A_176, %get3A_177] : memref<8x2048x64xf32, #tpu.memory_space<vmem>>, vector<1x2048x64xf32>
    %get3A_179 = vector.shape_cast %get3A_178 : vector<1x2048x64xf32> to vector<2048x64xf32>
    %dot_general3A_180 = arith.constant dense<0.000000e+00> : vector<256x2048xf32>
    %dot_general3A_181 = tpu.matmul %get3A_174, %get3A_179, %dot_general3A_180 {dimension_numbers = #tpu.dot_dimension_numbers<[1], [1], [0], [0], [0, 0, 1, 0], [], []>, transpose_lhs_hint = false} : vector<256x64xf32>, vector<2048x64xf32>, vector<256x2048xf32> -> vector<256x2048xf32>
    %mul3A_182 = arith.constant 1.250000e-01 : f32
    %mul3A_183 = vector.broadcast %mul3A_182 : f32 to vector<256x2048xf32>
    %mul3A_184 = arith.mulf %dot_general3A_181, %mul3A_183 : vector<256x2048xf32>
    %iota3A_185 = tpu.iota {dimensions = array<i32: 0>} : vector<256x2048xi32>
    %add3A_186 = arith.constant 1536 : i32
    %add3A_187 = vector.broadcast %add3A_186 : i32 to vector<256x2048xi32>
    %add3A_188 = arith.addi %iota3A_185, %add3A_187 : vector<256x2048xi32>
    %mul3A_189 = arith.constant 256 : i32
    %mul3A_190 = arith.muli %arg0, %mul3A_189 : i32
    %add3A_191 = vector.broadcast %mul3A_190 : i32 to vector<256x2048xi32>
    %add3A_192 = arith.addi %add3A_188, %add3A_191 : vector<256x2048xi32>
    %iota3A_193 = tpu.iota {dimensions = array<i32: 1>} : vector<256x2048xi32>
    %le3A_194 = arith.cmpi sle, %iota3A_193, %add3A_192 : vector<256x2048xi32>
    %jit3A_195 = arith.constant -1.000000e+30 : f32
    %broadcast_in_dim3A_196 = vector.broadcast %jit3A_195 : f32 to vector<256x2048xf32>
    %select_n3A_197 = arith.select %le3A_194, %mul3A_184, %broadcast_in_dim3A_196 : vector<256x2048xi1>, vector<256x2048xf32>
    %reduce_max3A_198 = arith.constant dense<0xFF800000> : vector<256xf32>
    %reduce_max3A_199 = vector.multi_reduction <maximumf>, %select_n3A_197, %reduce_max3A_198 [1] : vector<256x2048xf32> to vector<256xf32>
    %broadcast_in_dim3A_200 = vector.shape_cast %reduce_max3A_199 : vector<256xf32> to vector<256x1xf32>
    %sub3A_201 = vector.broadcast %broadcast_in_dim3A_200 : vector<256x1xf32> to vector<256x2048xf32>
    %sub3A_202 = arith.subf %select_n3A_197, %sub3A_201 : vector<256x2048xf32>
    %exp3A_203 = math.exp %sub3A_202 : vector<256x2048xf32>
    %reduce_sum3A_204 = arith.constant dense<0.000000e+00> : vector<256xf32>
    %reduce_sum3A_205 = vector.multi_reduction <add>, %exp3A_203, %reduce_sum3A_204 [1] : vector<256x2048xf32> to vector<256xf32>
    %broadcast_in_dim3A_206 = vector.shape_cast %reduce_sum3A_205 : vector<256xf32> to vector<256x1xf32>
    %div3A_207 = vector.broadcast %broadcast_in_dim3A_206 : vector<256x1xf32> to vector<256x2048xf32>
    %div3A_208 = arith.divf %exp3A_203, %div3A_207 : vector<256x2048xf32>
    %get3A_209 = arith.constant 2 : index
    %get3A_210 = arith.constant 0 : index
    %get3A_211 = arith.constant 0 : index
    %get3A_212 = vector.load %arg3[%get3A_209, %get3A_210, %get3A_211] : memref<8x2048x64xf32, #tpu.memory_space<vmem>>, vector<1x2048x64xf32>
    %get3A_213 = vector.shape_cast %get3A_212 : vector<1x2048x64xf32> to vector<2048x64xf32>
    %dot_general3A_214 = arith.constant dense<0.000000e+00> : vector<256x64xf32>
    %dot_general3A_215 = tpu.matmul %div3A_208, %get3A_213, %dot_general3A_214 {dimension_numbers = #tpu.dot_dimension_numbers<[1], [0], [0], [1], [0, 0, 1, 1], [], []>, transpose_lhs_hint = false} : vector<256x2048xf32>, vector<2048x64xf32>, vector<256x64xf32> -> vector<256x64xf32>
    %get3A_216 = arith.constant 5 : index
    %get3A_217 = arith.constant 0 : index
    %get3A_218 = arith.constant 0 : index
    %get3A_219 = vector.load %arg1[%get3A_216, %get3A_217, %get3A_218] : memref<16x256x64xf32, #tpu.memory_space<vmem>>, vector<1x256x64xf32>
    %get3A_220 = vector.shape_cast %get3A_219 : vector<1x256x64xf32> to vector<256x64xf32>
    %get3A_221 = arith.constant 2 : index
    %get3A_222 = arith.constant 0 : index
    %get3A_223 = arith.constant 0 : index
    %get3A_224 = vector.load %arg2[%get3A_221, %get3A_222, %get3A_223] : memref<8x2048x64xf32, #tpu.memory_space<vmem>>, vector<1x2048x64xf32>
    %get3A_225 = vector.shape_cast %get3A_224 : vector<1x2048x64xf32> to vector<2048x64xf32>
    %dot_general3A_226 = arith.constant dense<0.000000e+00> : vector<256x2048xf32>
    %dot_general3A_227 = tpu.matmul %get3A_220, %get3A_225, %dot_general3A_226 {dimension_numbers = #tpu.dot_dimension_numbers<[1], [1], [0], [0], [0, 0, 1, 0], [], []>, transpose_lhs_hint = false} : vector<256x64xf32>, vector<2048x64xf32>, vector<256x2048xf32> -> vector<256x2048xf32>
    %mul3A_228 = arith.constant 1.250000e-01 : f32
    %mul3A_229 = vector.broadcast %mul3A_228 : f32 to vector<256x2048xf32>
    %mul3A_230 = arith.mulf %dot_general3A_227, %mul3A_229 : vector<256x2048xf32>
    %iota3A_231 = tpu.iota {dimensions = array<i32: 0>} : vector<256x2048xi32>
    %add3A_232 = arith.constant 1536 : i32
    %add3A_233 = vector.broadcast %add3A_232 : i32 to vector<256x2048xi32>
    %add3A_234 = arith.addi %iota3A_231, %add3A_233 : vector<256x2048xi32>
    %mul3A_235 = arith.constant 256 : i32
    %mul3A_236 = arith.muli %arg0, %mul3A_235 : i32
    %add3A_237 = vector.broadcast %mul3A_236 : i32 to vector<256x2048xi32>
    %add3A_238 = arith.addi %add3A_234, %add3A_237 : vector<256x2048xi32>
    %iota3A_239 = tpu.iota {dimensions = array<i32: 1>} : vector<256x2048xi32>
    %le3A_240 = arith.cmpi sle, %iota3A_239, %add3A_238 : vector<256x2048xi32>
    %jit3A_241 = arith.constant -1.000000e+30 : f32
    %broadcast_in_dim3A_242 = vector.broadcast %jit3A_241 : f32 to vector<256x2048xf32>
    %select_n3A_243 = arith.select %le3A_240, %mul3A_230, %broadcast_in_dim3A_242 : vector<256x2048xi1>, vector<256x2048xf32>
    %reduce_max3A_244 = arith.constant dense<0xFF800000> : vector<256xf32>
    %reduce_max3A_245 = vector.multi_reduction <maximumf>, %select_n3A_243, %reduce_max3A_244 [1] : vector<256x2048xf32> to vector<256xf32>
    %broadcast_in_dim3A_246 = vector.shape_cast %reduce_max3A_245 : vector<256xf32> to vector<256x1xf32>
    %sub3A_247 = vector.broadcast %broadcast_in_dim3A_246 : vector<256x1xf32> to vector<256x2048xf32>
    %sub3A_248 = arith.subf %select_n3A_243, %sub3A_247 : vector<256x2048xf32>
    %exp3A_249 = math.exp %sub3A_248 : vector<256x2048xf32>
    %reduce_sum3A_250 = arith.constant dense<0.000000e+00> : vector<256xf32>
    %reduce_sum3A_251 = vector.multi_reduction <add>, %exp3A_249, %reduce_sum3A_250 [1] : vector<256x2048xf32> to vector<256xf32>
    %broadcast_in_dim3A_252 = vector.shape_cast %reduce_sum3A_251 : vector<256xf32> to vector<256x1xf32>
    %div3A_253 = vector.broadcast %broadcast_in_dim3A_252 : vector<256x1xf32> to vector<256x2048xf32>
    %div3A_254 = arith.divf %exp3A_249, %div3A_253 : vector<256x2048xf32>
    %get3A_255 = arith.constant 2 : index
    %get3A_256 = arith.constant 0 : index
    %get3A_257 = arith.constant 0 : index
    %get3A_258 = vector.load %arg3[%get3A_255, %get3A_256, %get3A_257] : memref<8x2048x64xf32, #tpu.memory_space<vmem>>, vector<1x2048x64xf32>
    %get3A_259 = vector.shape_cast %get3A_258 : vector<1x2048x64xf32> to vector<2048x64xf32>
    %dot_general3A_260 = arith.constant dense<0.000000e+00> : vector<256x64xf32>
    %dot_general3A_261 = tpu.matmul %div3A_254, %get3A_259, %dot_general3A_260 {dimension_numbers = #tpu.dot_dimension_numbers<[1], [0], [0], [1], [0, 0, 1, 1], [], []>, transpose_lhs_hint = false} : vector<256x2048xf32>, vector<2048x64xf32>, vector<256x64xf32> -> vector<256x64xf32>
    %get3A_262 = arith.constant 6 : index
    %get3A_263 = arith.constant 0 : index
    %get3A_264 = arith.constant 0 : index
    %get3A_265 = vector.load %arg1[%get3A_262, %get3A_263, %get3A_264] : memref<16x256x64xf32, #tpu.memory_space<vmem>>, vector<1x256x64xf32>
    %get3A_266 = vector.shape_cast %get3A_265 : vector<1x256x64xf32> to vector<256x64xf32>
    %get3A_267 = arith.constant 3 : index
    %get3A_268 = arith.constant 0 : index
    %get3A_269 = arith.constant 0 : index
    %get3A_270 = vector.load %arg2[%get3A_267, %get3A_268, %get3A_269] : memref<8x2048x64xf32, #tpu.memory_space<vmem>>, vector<1x2048x64xf32>
    %get3A_271 = vector.shape_cast %get3A_270 : vector<1x2048x64xf32> to vector<2048x64xf32>
    %dot_general3A_272 = arith.constant dense<0.000000e+00> : vector<256x2048xf32>
    %dot_general3A_273 = tpu.matmul %get3A_266, %get3A_271, %dot_general3A_272 {dimension_numbers = #tpu.dot_dimension_numbers<[1], [1], [0], [0], [0, 0, 1, 0], [], []>, transpose_lhs_hint = false} : vector<256x64xf32>, vector<2048x64xf32>, vector<256x2048xf32> -> vector<256x2048xf32>
    %mul3A_274 = arith.constant 1.250000e-01 : f32
    %mul3A_275 = vector.broadcast %mul3A_274 : f32 to vector<256x2048xf32>
    %mul3A_276 = arith.mulf %dot_general3A_273, %mul3A_275 : vector<256x2048xf32>
    %iota3A_277 = tpu.iota {dimensions = array<i32: 0>} : vector<256x2048xi32>
    %add3A_278 = arith.constant 1536 : i32
    %add3A_279 = vector.broadcast %add3A_278 : i32 to vector<256x2048xi32>
    %add3A_280 = arith.addi %iota3A_277, %add3A_279 : vector<256x2048xi32>
    %mul3A_281 = arith.constant 256 : i32
    %mul3A_282 = arith.muli %arg0, %mul3A_281 : i32
    %add3A_283 = vector.broadcast %mul3A_282 : i32 to vector<256x2048xi32>
    %add3A_284 = arith.addi %add3A_280, %add3A_283 : vector<256x2048xi32>
    %iota3A_285 = tpu.iota {dimensions = array<i32: 1>} : vector<256x2048xi32>
    %le3A_286 = arith.cmpi sle, %iota3A_285, %add3A_284 : vector<256x2048xi32>
    %jit3A_287 = arith.constant -1.000000e+30 : f32
    %broadcast_in_dim3A_288 = vector.broadcast %jit3A_287 : f32 to vector<256x2048xf32>
    %select_n3A_289 = arith.select %le3A_286, %mul3A_276, %broadcast_in_dim3A_288 : vector<256x2048xi1>, vector<256x2048xf32>
    %reduce_max3A_290 = arith.constant dense<0xFF800000> : vector<256xf32>
    %reduce_max3A_291 = vector.multi_reduction <maximumf>, %select_n3A_289, %reduce_max3A_290 [1] : vector<256x2048xf32> to vector<256xf32>
    %broadcast_in_dim3A_292 = vector.shape_cast %reduce_max3A_291 : vector<256xf32> to vector<256x1xf32>
    %sub3A_293 = vector.broadcast %broadcast_in_dim3A_292 : vector<256x1xf32> to vector<256x2048xf32>
    %sub3A_294 = arith.subf %select_n3A_289, %sub3A_293 : vector<256x2048xf32>
    %exp3A_295 = math.exp %sub3A_294 : vector<256x2048xf32>
    %reduce_sum3A_296 = arith.constant dense<0.000000e+00> : vector<256xf32>
    %reduce_sum3A_297 = vector.multi_reduction <add>, %exp3A_295, %reduce_sum3A_296 [1] : vector<256x2048xf32> to vector<256xf32>
    %broadcast_in_dim3A_298 = vector.shape_cast %reduce_sum3A_297 : vector<256xf32> to vector<256x1xf32>
    %div3A_299 = vector.broadcast %broadcast_in_dim3A_298 : vector<256x1xf32> to vector<256x2048xf32>
    %div3A_300 = arith.divf %exp3A_295, %div3A_299 : vector<256x2048xf32>
    %get3A_301 = arith.constant 3 : index
    %get3A_302 = arith.constant 0 : index
    %get3A_303 = arith.constant 0 : index
    %get3A_304 = vector.load %arg3[%get3A_301, %get3A_302, %get3A_303] : memref<8x2048x64xf32, #tpu.memory_space<vmem>>, vector<1x2048x64xf32>
    %get3A_305 = vector.shape_cast %get3A_304 : vector<1x2048x64xf32> to vector<2048x64xf32>
    %dot_general3A_306 = arith.constant dense<0.000000e+00> : vector<256x64xf32>
    %dot_general3A_307 = tpu.matmul %div3A_300, %get3A_305, %dot_general3A_306 {dimension_numbers = #tpu.dot_dimension_numbers<[1], [0], [0], [1], [0, 0, 1, 1], [], []>, transpose_lhs_hint = false} : vector<256x2048xf32>, vector<2048x64xf32>, vector<256x64xf32> -> vector<256x64xf32>
    %get3A_308 = arith.constant 7 : index
    %get3A_309 = arith.constant 0 : index
    %get3A_310 = arith.constant 0 : index
    %get3A_311 = vector.load %arg1[%get3A_308, %get3A_309, %get3A_310] : memref<16x256x64xf32, #tpu.memory_space<vmem>>, vector<1x256x64xf32>
    %get3A_312 = vector.shape_cast %get3A_311 : vector<1x256x64xf32> to vector<256x64xf32>
    %get3A_313 = arith.constant 3 : index
    %get3A_314 = arith.constant 0 : index
    %get3A_315 = arith.constant 0 : index
    %get3A_316 = vector.load %arg2[%get3A_313, %get3A_314, %get3A_315] : memref<8x2048x64xf32, #tpu.memory_space<vmem>>, vector<1x2048x64xf32>
    %get3A_317 = vector.shape_cast %get3A_316 : vector<1x2048x64xf32> to vector<2048x64xf32>
    %dot_general3A_318 = arith.constant dense<0.000000e+00> : vector<256x2048xf32>
    %dot_general3A_319 = tpu.matmul %get3A_312, %get3A_317, %dot_general3A_318 {dimension_numbers = #tpu.dot_dimension_numbers<[1], [1], [0], [0], [0, 0, 1, 0], [], []>, transpose_lhs_hint = false} : vector<256x64xf32>, vector<2048x64xf32>, vector<256x2048xf32> -> vector<256x2048xf32>
    %mul3A_320 = arith.constant 1.250000e-01 : f32
    %mul3A_321 = vector.broadcast %mul3A_320 : f32 to vector<256x2048xf32>
    %mul3A_322 = arith.mulf %dot_general3A_319, %mul3A_321 : vector<256x2048xf32>
    %iota3A_323 = tpu.iota {dimensions = array<i32: 0>} : vector<256x2048xi32>
    %add3A_324 = arith.constant 1536 : i32
    %add3A_325 = vector.broadcast %add3A_324 : i32 to vector<256x2048xi32>
    %add3A_326 = arith.addi %iota3A_323, %add3A_325 : vector<256x2048xi32>
    %mul3A_327 = arith.constant 256 : i32
    %mul3A_328 = arith.muli %arg0, %mul3A_327 : i32
    %add3A_329 = vector.broadcast %mul3A_328 : i32 to vector<256x2048xi32>
    %add3A_330 = arith.addi %add3A_326, %add3A_329 : vector<256x2048xi32>
    %iota3A_331 = tpu.iota {dimensions = array<i32: 1>} : vector<256x2048xi32>
    %le3A_332 = arith.cmpi sle, %iota3A_331, %add3A_330 : vector<256x2048xi32>
    %jit3A_333 = arith.constant -1.000000e+30 : f32
    %broadcast_in_dim3A_334 = vector.broadcast %jit3A_333 : f32 to vector<256x2048xf32>
    %select_n3A_335 = arith.select %le3A_332, %mul3A_322, %broadcast_in_dim3A_334 : vector<256x2048xi1>, vector<256x2048xf32>
    %reduce_max3A_336 = arith.constant dense<0xFF800000> : vector<256xf32>
    %reduce_max3A_337 = vector.multi_reduction <maximumf>, %select_n3A_335, %reduce_max3A_336 [1] : vector<256x2048xf32> to vector<256xf32>
    %broadcast_in_dim3A_338 = vector.shape_cast %reduce_max3A_337 : vector<256xf32> to vector<256x1xf32>
    %sub3A_339 = vector.broadcast %broadcast_in_dim3A_338 : vector<256x1xf32> to vector<256x2048xf32>
    %sub3A_340 = arith.subf %select_n3A_335, %sub3A_339 : vector<256x2048xf32>
    %exp3A_341 = math.exp %sub3A_340 : vector<256x2048xf32>
    %reduce_sum3A_342 = arith.constant dense<0.000000e+00> : vector<256xf32>
    %reduce_sum3A_343 = vector.multi_reduction <add>, %exp3A_341, %reduce_sum3A_342 [1] : vector<256x2048xf32> to vector<256xf32>
    %broadcast_in_dim3A_344 = vector.shape_cast %reduce_sum3A_343 : vector<256xf32> to vector<256x1xf32>
    %div3A_345 = vector.broadcast %broadcast_in_dim3A_344 : vector<256x1xf32> to vector<256x2048xf32>
    %div3A_346 = arith.divf %exp3A_341, %div3A_345 : vector<256x2048xf32>
    %get3A_347 = arith.constant 3 : index
    %get3A_348 = arith.constant 0 : index
    %get3A_349 = arith.constant 0 : index
    %get3A_350 = vector.load %arg3[%get3A_347, %get3A_348, %get3A_349] : memref<8x2048x64xf32, #tpu.memory_space<vmem>>, vector<1x2048x64xf32>
    %get3A_351 = vector.shape_cast %get3A_350 : vector<1x2048x64xf32> to vector<2048x64xf32>
    %dot_general3A_352 = arith.constant dense<0.000000e+00> : vector<256x64xf32>
    %dot_general3A_353 = tpu.matmul %div3A_346, %get3A_351, %dot_general3A_352 {dimension_numbers = #tpu.dot_dimension_numbers<[1], [0], [0], [1], [0, 0, 1, 1], [], []>, transpose_lhs_hint = false} : vector<256x2048xf32>, vector<2048x64xf32>, vector<256x64xf32> -> vector<256x64xf32>
    %get3A_354 = arith.constant 8 : index
    %get3A_355 = arith.constant 0 : index
    %get3A_356 = arith.constant 0 : index
    %get3A_357 = vector.load %arg1[%get3A_354, %get3A_355, %get3A_356] : memref<16x256x64xf32, #tpu.memory_space<vmem>>, vector<1x256x64xf32>
    %get3A_358 = vector.shape_cast %get3A_357 : vector<1x256x64xf32> to vector<256x64xf32>
    %get3A_359 = arith.constant 4 : index
    %get3A_360 = arith.constant 0 : index
    %get3A_361 = arith.constant 0 : index
    %get3A_362 = vector.load %arg2[%get3A_359, %get3A_360, %get3A_361] : memref<8x2048x64xf32, #tpu.memory_space<vmem>>, vector<1x2048x64xf32>
    %get3A_363 = vector.shape_cast %get3A_362 : vector<1x2048x64xf32> to vector<2048x64xf32>
    %dot_general3A_364 = arith.constant dense<0.000000e+00> : vector<256x2048xf32>
    %dot_general3A_365 = tpu.matmul %get3A_358, %get3A_363, %dot_general3A_364 {dimension_numbers = #tpu.dot_dimension_numbers<[1], [1], [0], [0], [0, 0, 1, 0], [], []>, transpose_lhs_hint = false} : vector<256x64xf32>, vector<2048x64xf32>, vector<256x2048xf32> -> vector<256x2048xf32>
    %mul3A_366 = arith.constant 1.250000e-01 : f32
    %mul3A_367 = vector.broadcast %mul3A_366 : f32 to vector<256x2048xf32>
    %mul3A_368 = arith.mulf %dot_general3A_365, %mul3A_367 : vector<256x2048xf32>
    %iota3A_369 = tpu.iota {dimensions = array<i32: 0>} : vector<256x2048xi32>
    %add3A_370 = arith.constant 1536 : i32
    %add3A_371 = vector.broadcast %add3A_370 : i32 to vector<256x2048xi32>
    %add3A_372 = arith.addi %iota3A_369, %add3A_371 : vector<256x2048xi32>
    %mul3A_373 = arith.constant 256 : i32
    %mul3A_374 = arith.muli %arg0, %mul3A_373 : i32
    %add3A_375 = vector.broadcast %mul3A_374 : i32 to vector<256x2048xi32>
    %add3A_376 = arith.addi %add3A_372, %add3A_375 : vector<256x2048xi32>
    %iota3A_377 = tpu.iota {dimensions = array<i32: 1>} : vector<256x2048xi32>
    %le3A_378 = arith.cmpi sle, %iota3A_377, %add3A_376 : vector<256x2048xi32>
    %jit3A_379 = arith.constant -1.000000e+30 : f32
    %broadcast_in_dim3A_380 = vector.broadcast %jit3A_379 : f32 to vector<256x2048xf32>
    %select_n3A_381 = arith.select %le3A_378, %mul3A_368, %broadcast_in_dim3A_380 : vector<256x2048xi1>, vector<256x2048xf32>
    %reduce_max3A_382 = arith.constant dense<0xFF800000> : vector<256xf32>
    %reduce_max3A_383 = vector.multi_reduction <maximumf>, %select_n3A_381, %reduce_max3A_382 [1] : vector<256x2048xf32> to vector<256xf32>
    %broadcast_in_dim3A_384 = vector.shape_cast %reduce_max3A_383 : vector<256xf32> to vector<256x1xf32>
    %sub3A_385 = vector.broadcast %broadcast_in_dim3A_384 : vector<256x1xf32> to vector<256x2048xf32>
    %sub3A_386 = arith.subf %select_n3A_381, %sub3A_385 : vector<256x2048xf32>
    %exp3A_387 = math.exp %sub3A_386 : vector<256x2048xf32>
    %reduce_sum3A_388 = arith.constant dense<0.000000e+00> : vector<256xf32>
    %reduce_sum3A_389 = vector.multi_reduction <add>, %exp3A_387, %reduce_sum3A_388 [1] : vector<256x2048xf32> to vector<256xf32>
    %broadcast_in_dim3A_390 = vector.shape_cast %reduce_sum3A_389 : vector<256xf32> to vector<256x1xf32>
    %div3A_391 = vector.broadcast %broadcast_in_dim3A_390 : vector<256x1xf32> to vector<256x2048xf32>
    %div3A_392 = arith.divf %exp3A_387, %div3A_391 : vector<256x2048xf32>
    %get3A_393 = arith.constant 4 : index
    %get3A_394 = arith.constant 0 : index
    %get3A_395 = arith.constant 0 : index
    %get3A_396 = vector.load %arg3[%get3A_393, %get3A_394, %get3A_395] : memref<8x2048x64xf32, #tpu.memory_space<vmem>>, vector<1x2048x64xf32>
    %get3A_397 = vector.shape_cast %get3A_396 : vector<1x2048x64xf32> to vector<2048x64xf32>
    %dot_general3A_398 = arith.constant dense<0.000000e+00> : vector<256x64xf32>
    %dot_general3A_399 = tpu.matmul %div3A_392, %get3A_397, %dot_general3A_398 {dimension_numbers = #tpu.dot_dimension_numbers<[1], [0], [0], [1], [0, 0, 1, 1], [], []>, transpose_lhs_hint = false} : vector<256x2048xf32>, vector<2048x64xf32>, vector<256x64xf32> -> vector<256x64xf32>
    %get3A_400 = arith.constant 9 : index
    %get3A_401 = arith.constant 0 : index
    %get3A_402 = arith.constant 0 : index
    %get3A_403 = vector.load %arg1[%get3A_400, %get3A_401, %get3A_402] : memref<16x256x64xf32, #tpu.memory_space<vmem>>, vector<1x256x64xf32>
    %get3A_404 = vector.shape_cast %get3A_403 : vector<1x256x64xf32> to vector<256x64xf32>
    %get3A_405 = arith.constant 4 : index
    %get3A_406 = arith.constant 0 : index
    %get3A_407 = arith.constant 0 : index
    %get3A_408 = vector.load %arg2[%get3A_405, %get3A_406, %get3A_407] : memref<8x2048x64xf32, #tpu.memory_space<vmem>>, vector<1x2048x64xf32>
    %get3A_409 = vector.shape_cast %get3A_408 : vector<1x2048x64xf32> to vector<2048x64xf32>
    %dot_general3A_410 = arith.constant dense<0.000000e+00> : vector<256x2048xf32>
    %dot_general3A_411 = tpu.matmul %get3A_404, %get3A_409, %dot_general3A_410 {dimension_numbers = #tpu.dot_dimension_numbers<[1], [1], [0], [0], [0, 0, 1, 0], [], []>, transpose_lhs_hint = false} : vector<256x64xf32>, vector<2048x64xf32>, vector<256x2048xf32> -> vector<256x2048xf32>
    %mul3A_412 = arith.constant 1.250000e-01 : f32
    %mul3A_413 = vector.broadcast %mul3A_412 : f32 to vector<256x2048xf32>
    %mul3A_414 = arith.mulf %dot_general3A_411, %mul3A_413 : vector<256x2048xf32>
    %iota3A_415 = tpu.iota {dimensions = array<i32: 0>} : vector<256x2048xi32>
    %add3A_416 = arith.constant 1536 : i32
    %add3A_417 = vector.broadcast %add3A_416 : i32 to vector<256x2048xi32>
    %add3A_418 = arith.addi %iota3A_415, %add3A_417 : vector<256x2048xi32>
    %mul3A_419 = arith.constant 256 : i32
    %mul3A_420 = arith.muli %arg0, %mul3A_419 : i32
    %add3A_421 = vector.broadcast %mul3A_420 : i32 to vector<256x2048xi32>
    %add3A_422 = arith.addi %add3A_418, %add3A_421 : vector<256x2048xi32>
    %iota3A_423 = tpu.iota {dimensions = array<i32: 1>} : vector<256x2048xi32>
    %le3A_424 = arith.cmpi sle, %iota3A_423, %add3A_422 : vector<256x2048xi32>
    %jit3A_425 = arith.constant -1.000000e+30 : f32
    %broadcast_in_dim3A_426 = vector.broadcast %jit3A_425 : f32 to vector<256x2048xf32>
    %select_n3A_427 = arith.select %le3A_424, %mul3A_414, %broadcast_in_dim3A_426 : vector<256x2048xi1>, vector<256x2048xf32>
    %reduce_max3A_428 = arith.constant dense<0xFF800000> : vector<256xf32>
    %reduce_max3A_429 = vector.multi_reduction <maximumf>, %select_n3A_427, %reduce_max3A_428 [1] : vector<256x2048xf32> to vector<256xf32>
    %broadcast_in_dim3A_430 = vector.shape_cast %reduce_max3A_429 : vector<256xf32> to vector<256x1xf32>
    %sub3A_431 = vector.broadcast %broadcast_in_dim3A_430 : vector<256x1xf32> to vector<256x2048xf32>
    %sub3A_432 = arith.subf %select_n3A_427, %sub3A_431 : vector<256x2048xf32>
    %exp3A_433 = math.exp %sub3A_432 : vector<256x2048xf32>
    %reduce_sum3A_434 = arith.constant dense<0.000000e+00> : vector<256xf32>
    %reduce_sum3A_435 = vector.multi_reduction <add>, %exp3A_433, %reduce_sum3A_434 [1] : vector<256x2048xf32> to vector<256xf32>
    %broadcast_in_dim3A_436 = vector.shape_cast %reduce_sum3A_435 : vector<256xf32> to vector<256x1xf32>
    %div3A_437 = vector.broadcast %broadcast_in_dim3A_436 : vector<256x1xf32> to vector<256x2048xf32>
    %div3A_438 = arith.divf %exp3A_433, %div3A_437 : vector<256x2048xf32>
    %get3A_439 = arith.constant 4 : index
    %get3A_440 = arith.constant 0 : index
    %get3A_441 = arith.constant 0 : index
    %get3A_442 = vector.load %arg3[%get3A_439, %get3A_440, %get3A_441] : memref<8x2048x64xf32, #tpu.memory_space<vmem>>, vector<1x2048x64xf32>
    %get3A_443 = vector.shape_cast %get3A_442 : vector<1x2048x64xf32> to vector<2048x64xf32>
    %dot_general3A_444 = arith.constant dense<0.000000e+00> : vector<256x64xf32>
    %dot_general3A_445 = tpu.matmul %div3A_438, %get3A_443, %dot_general3A_444 {dimension_numbers = #tpu.dot_dimension_numbers<[1], [0], [0], [1], [0, 0, 1, 1], [], []>, transpose_lhs_hint = false} : vector<256x2048xf32>, vector<2048x64xf32>, vector<256x64xf32> -> vector<256x64xf32>
    %get3A_446 = arith.constant 10 : index
    %get3A_447 = arith.constant 0 : index
    %get3A_448 = arith.constant 0 : index
    %get3A_449 = vector.load %arg1[%get3A_446, %get3A_447, %get3A_448] : memref<16x256x64xf32, #tpu.memory_space<vmem>>, vector<1x256x64xf32>
    %get3A_450 = vector.shape_cast %get3A_449 : vector<1x256x64xf32> to vector<256x64xf32>
    %get3A_451 = arith.constant 5 : index
    %get3A_452 = arith.constant 0 : index
    %get3A_453 = arith.constant 0 : index
    %get3A_454 = vector.load %arg2[%get3A_451, %get3A_452, %get3A_453] : memref<8x2048x64xf32, #tpu.memory_space<vmem>>, vector<1x2048x64xf32>
    %get3A_455 = vector.shape_cast %get3A_454 : vector<1x2048x64xf32> to vector<2048x64xf32>
    %dot_general3A_456 = arith.constant dense<0.000000e+00> : vector<256x2048xf32>
    %dot_general3A_457 = tpu.matmul %get3A_450, %get3A_455, %dot_general3A_456 {dimension_numbers = #tpu.dot_dimension_numbers<[1], [1], [0], [0], [0, 0, 1, 0], [], []>, transpose_lhs_hint = false} : vector<256x64xf32>, vector<2048x64xf32>, vector<256x2048xf32> -> vector<256x2048xf32>
    %mul3A_458 = arith.constant 1.250000e-01 : f32
    %mul3A_459 = vector.broadcast %mul3A_458 : f32 to vector<256x2048xf32>
    %mul3A_460 = arith.mulf %dot_general3A_457, %mul3A_459 : vector<256x2048xf32>
    %iota3A_461 = tpu.iota {dimensions = array<i32: 0>} : vector<256x2048xi32>
    %add3A_462 = arith.constant 1536 : i32
    %add3A_463 = vector.broadcast %add3A_462 : i32 to vector<256x2048xi32>
    %add3A_464 = arith.addi %iota3A_461, %add3A_463 : vector<256x2048xi32>
    %mul3A_465 = arith.constant 256 : i32
    %mul3A_466 = arith.muli %arg0, %mul3A_465 : i32
    %add3A_467 = vector.broadcast %mul3A_466 : i32 to vector<256x2048xi32>
    %add3A_468 = arith.addi %add3A_464, %add3A_467 : vector<256x2048xi32>
    %iota3A_469 = tpu.iota {dimensions = array<i32: 1>} : vector<256x2048xi32>
    %le3A_470 = arith.cmpi sle, %iota3A_469, %add3A_468 : vector<256x2048xi32>
    %jit3A_471 = arith.constant -1.000000e+30 : f32
    %broadcast_in_dim3A_472 = vector.broadcast %jit3A_471 : f32 to vector<256x2048xf32>
    %select_n3A_473 = arith.select %le3A_470, %mul3A_460, %broadcast_in_dim3A_472 : vector<256x2048xi1>, vector<256x2048xf32>
    %reduce_max3A_474 = arith.constant dense<0xFF800000> : vector<256xf32>
    %reduce_max3A_475 = vector.multi_reduction <maximumf>, %select_n3A_473, %reduce_max3A_474 [1] : vector<256x2048xf32> to vector<256xf32>
    %broadcast_in_dim3A_476 = vector.shape_cast %reduce_max3A_475 : vector<256xf32> to vector<256x1xf32>
    %sub3A_477 = vector.broadcast %broadcast_in_dim3A_476 : vector<256x1xf32> to vector<256x2048xf32>
    %sub3A_478 = arith.subf %select_n3A_473, %sub3A_477 : vector<256x2048xf32>
    %exp3A_479 = math.exp %sub3A_478 : vector<256x2048xf32>
    %reduce_sum3A_480 = arith.constant dense<0.000000e+00> : vector<256xf32>
    %reduce_sum3A_481 = vector.multi_reduction <add>, %exp3A_479, %reduce_sum3A_480 [1] : vector<256x2048xf32> to vector<256xf32>
    %broadcast_in_dim3A_482 = vector.shape_cast %reduce_sum3A_481 : vector<256xf32> to vector<256x1xf32>
    %div3A_483 = vector.broadcast %broadcast_in_dim3A_482 : vector<256x1xf32> to vector<256x2048xf32>
    %div3A_484 = arith.divf %exp3A_479, %div3A_483 : vector<256x2048xf32>
    %get3A_485 = arith.constant 5 : index
    %get3A_486 = arith.constant 0 : index
    %get3A_487 = arith.constant 0 : index
    %get3A_488 = vector.load %arg3[%get3A_485, %get3A_486, %get3A_487] : memref<8x2048x64xf32, #tpu.memory_space<vmem>>, vector<1x2048x64xf32>
    %get3A_489 = vector.shape_cast %get3A_488 : vector<1x2048x64xf32> to vector<2048x64xf32>
    %dot_general3A_490 = arith.constant dense<0.000000e+00> : vector<256x64xf32>
    %dot_general3A_491 = tpu.matmul %div3A_484, %get3A_489, %dot_general3A_490 {dimension_numbers = #tpu.dot_dimension_numbers<[1], [0], [0], [1], [0, 0, 1, 1], [], []>, transpose_lhs_hint = false} : vector<256x2048xf32>, vector<2048x64xf32>, vector<256x64xf32> -> vector<256x64xf32>
    %get3A_492 = arith.constant 11 : index
    %get3A_493 = arith.constant 0 : index
    %get3A_494 = arith.constant 0 : index
    %get3A_495 = vector.load %arg1[%get3A_492, %get3A_493, %get3A_494] : memref<16x256x64xf32, #tpu.memory_space<vmem>>, vector<1x256x64xf32>
    %get3A_496 = vector.shape_cast %get3A_495 : vector<1x256x64xf32> to vector<256x64xf32>
    %get3A_497 = arith.constant 5 : index
    %get3A_498 = arith.constant 0 : index
    %get3A_499 = arith.constant 0 : index
    %get3A_500 = vector.load %arg2[%get3A_497, %get3A_498, %get3A_499] : memref<8x2048x64xf32, #tpu.memory_space<vmem>>, vector<1x2048x64xf32>
    %get3A_501 = vector.shape_cast %get3A_500 : vector<1x2048x64xf32> to vector<2048x64xf32>
    %dot_general3A_502 = arith.constant dense<0.000000e+00> : vector<256x2048xf32>
    %dot_general3A_503 = tpu.matmul %get3A_496, %get3A_501, %dot_general3A_502 {dimension_numbers = #tpu.dot_dimension_numbers<[1], [1], [0], [0], [0, 0, 1, 0], [], []>, transpose_lhs_hint = false} : vector<256x64xf32>, vector<2048x64xf32>, vector<256x2048xf32> -> vector<256x2048xf32>
    %mul3A_504 = arith.constant 1.250000e-01 : f32
    %mul3A_505 = vector.broadcast %mul3A_504 : f32 to vector<256x2048xf32>
    %mul3A_506 = arith.mulf %dot_general3A_503, %mul3A_505 : vector<256x2048xf32>
    %iota3A_507 = tpu.iota {dimensions = array<i32: 0>} : vector<256x2048xi32>
    %add3A_508 = arith.constant 1536 : i32
    %add3A_509 = vector.broadcast %add3A_508 : i32 to vector<256x2048xi32>
    %add3A_510 = arith.addi %iota3A_507, %add3A_509 : vector<256x2048xi32>
    %mul3A_511 = arith.constant 256 : i32
    %mul3A_512 = arith.muli %arg0, %mul3A_511 : i32
    %add3A_513 = vector.broadcast %mul3A_512 : i32 to vector<256x2048xi32>
    %add3A_514 = arith.addi %add3A_510, %add3A_513 : vector<256x2048xi32>
    %iota3A_515 = tpu.iota {dimensions = array<i32: 1>} : vector<256x2048xi32>
    %le3A_516 = arith.cmpi sle, %iota3A_515, %add3A_514 : vector<256x2048xi32>
    %jit3A_517 = arith.constant -1.000000e+30 : f32
    %broadcast_in_dim3A_518 = vector.broadcast %jit3A_517 : f32 to vector<256x2048xf32>
    %select_n3A_519 = arith.select %le3A_516, %mul3A_506, %broadcast_in_dim3A_518 : vector<256x2048xi1>, vector<256x2048xf32>
    %reduce_max3A_520 = arith.constant dense<0xFF800000> : vector<256xf32>
    %reduce_max3A_521 = vector.multi_reduction <maximumf>, %select_n3A_519, %reduce_max3A_520 [1] : vector<256x2048xf32> to vector<256xf32>
    %broadcast_in_dim3A_522 = vector.shape_cast %reduce_max3A_521 : vector<256xf32> to vector<256x1xf32>
    %sub3A_523 = vector.broadcast %broadcast_in_dim3A_522 : vector<256x1xf32> to vector<256x2048xf32>
    %sub3A_524 = arith.subf %select_n3A_519, %sub3A_523 : vector<256x2048xf32>
    %exp3A_525 = math.exp %sub3A_524 : vector<256x2048xf32>
    %reduce_sum3A_526 = arith.constant dense<0.000000e+00> : vector<256xf32>
    %reduce_sum3A_527 = vector.multi_reduction <add>, %exp3A_525, %reduce_sum3A_526 [1] : vector<256x2048xf32> to vector<256xf32>
    %broadcast_in_dim3A_528 = vector.shape_cast %reduce_sum3A_527 : vector<256xf32> to vector<256x1xf32>
    %div3A_529 = vector.broadcast %broadcast_in_dim3A_528 : vector<256x1xf32> to vector<256x2048xf32>
    %div3A_530 = arith.divf %exp3A_525, %div3A_529 : vector<256x2048xf32>
    %get3A_531 = arith.constant 5 : index
    %get3A_532 = arith.constant 0 : index
    %get3A_533 = arith.constant 0 : index
    %get3A_534 = vector.load %arg3[%get3A_531, %get3A_532, %get3A_533] : memref<8x2048x64xf32, #tpu.memory_space<vmem>>, vector<1x2048x64xf32>
    %get3A_535 = vector.shape_cast %get3A_534 : vector<1x2048x64xf32> to vector<2048x64xf32>
    %dot_general3A_536 = arith.constant dense<0.000000e+00> : vector<256x64xf32>
    %dot_general3A_537 = tpu.matmul %div3A_530, %get3A_535, %dot_general3A_536 {dimension_numbers = #tpu.dot_dimension_numbers<[1], [0], [0], [1], [0, 0, 1, 1], [], []>, transpose_lhs_hint = false} : vector<256x2048xf32>, vector<2048x64xf32>, vector<256x64xf32> -> vector<256x64xf32>
    %get3A_538 = arith.constant 12 : index
    %get3A_539 = arith.constant 0 : index
    %get3A_540 = arith.constant 0 : index
    %get3A_541 = vector.load %arg1[%get3A_538, %get3A_539, %get3A_540] : memref<16x256x64xf32, #tpu.memory_space<vmem>>, vector<1x256x64xf32>
    %get3A_542 = vector.shape_cast %get3A_541 : vector<1x256x64xf32> to vector<256x64xf32>
    %get3A_543 = arith.constant 6 : index
    %get3A_544 = arith.constant 0 : index
    %get3A_545 = arith.constant 0 : index
    %get3A_546 = vector.load %arg2[%get3A_543, %get3A_544, %get3A_545] : memref<8x2048x64xf32, #tpu.memory_space<vmem>>, vector<1x2048x64xf32>
    %get3A_547 = vector.shape_cast %get3A_546 : vector<1x2048x64xf32> to vector<2048x64xf32>
    %dot_general3A_548 = arith.constant dense<0.000000e+00> : vector<256x2048xf32>
    %dot_general3A_549 = tpu.matmul %get3A_542, %get3A_547, %dot_general3A_548 {dimension_numbers = #tpu.dot_dimension_numbers<[1], [1], [0], [0], [0, 0, 1, 0], [], []>, transpose_lhs_hint = false} : vector<256x64xf32>, vector<2048x64xf32>, vector<256x2048xf32> -> vector<256x2048xf32>
    %mul3A_550 = arith.constant 1.250000e-01 : f32
    %mul3A_551 = vector.broadcast %mul3A_550 : f32 to vector<256x2048xf32>
    %mul3A_552 = arith.mulf %dot_general3A_549, %mul3A_551 : vector<256x2048xf32>
    %iota3A_553 = tpu.iota {dimensions = array<i32: 0>} : vector<256x2048xi32>
    %add3A_554 = arith.constant 1536 : i32
    %add3A_555 = vector.broadcast %add3A_554 : i32 to vector<256x2048xi32>
    %add3A_556 = arith.addi %iota3A_553, %add3A_555 : vector<256x2048xi32>
    %mul3A_557 = arith.constant 256 : i32
    %mul3A_558 = arith.muli %arg0, %mul3A_557 : i32
    %add3A_559 = vector.broadcast %mul3A_558 : i32 to vector<256x2048xi32>
    %add3A_560 = arith.addi %add3A_556, %add3A_559 : vector<256x2048xi32>
    %iota3A_561 = tpu.iota {dimensions = array<i32: 1>} : vector<256x2048xi32>
    %le3A_562 = arith.cmpi sle, %iota3A_561, %add3A_560 : vector<256x2048xi32>
    %jit3A_563 = arith.constant -1.000000e+30 : f32
    %broadcast_in_dim3A_564 = vector.broadcast %jit3A_563 : f32 to vector<256x2048xf32>
    %select_n3A_565 = arith.select %le3A_562, %mul3A_552, %broadcast_in_dim3A_564 : vector<256x2048xi1>, vector<256x2048xf32>
    %reduce_max3A_566 = arith.constant dense<0xFF800000> : vector<256xf32>
    %reduce_max3A_567 = vector.multi_reduction <maximumf>, %select_n3A_565, %reduce_max3A_566 [1] : vector<256x2048xf32> to vector<256xf32>
    %broadcast_in_dim3A_568 = vector.shape_cast %reduce_max3A_567 : vector<256xf32> to vector<256x1xf32>
    %sub3A_569 = vector.broadcast %broadcast_in_dim3A_568 : vector<256x1xf32> to vector<256x2048xf32>
    %sub3A_570 = arith.subf %select_n3A_565, %sub3A_569 : vector<256x2048xf32>
    %exp3A_571 = math.exp %sub3A_570 : vector<256x2048xf32>
    %reduce_sum3A_572 = arith.constant dense<0.000000e+00> : vector<256xf32>
    %reduce_sum3A_573 = vector.multi_reduction <add>, %exp3A_571, %reduce_sum3A_572 [1] : vector<256x2048xf32> to vector<256xf32>
    %broadcast_in_dim3A_574 = vector.shape_cast %reduce_sum3A_573 : vector<256xf32> to vector<256x1xf32>
    %div3A_575 = vector.broadcast %broadcast_in_dim3A_574 : vector<256x1xf32> to vector<256x2048xf32>
    %div3A_576 = arith.divf %exp3A_571, %div3A_575 : vector<256x2048xf32>
    %get3A_577 = arith.constant 6 : index
    %get3A_578 = arith.constant 0 : index
    %get3A_579 = arith.constant 0 : index
    %get3A_580 = vector.load %arg3[%get3A_577, %get3A_578, %get3A_579] : memref<8x2048x64xf32, #tpu.memory_space<vmem>>, vector<1x2048x64xf32>
    %get3A_581 = vector.shape_cast %get3A_580 : vector<1x2048x64xf32> to vector<2048x64xf32>
    %dot_general3A_582 = arith.constant dense<0.000000e+00> : vector<256x64xf32>
    %dot_general3A_583 = tpu.matmul %div3A_576, %get3A_581, %dot_general3A_582 {dimension_numbers = #tpu.dot_dimension_numbers<[1], [0], [0], [1], [0, 0, 1, 1], [], []>, transpose_lhs_hint = false} : vector<256x2048xf32>, vector<2048x64xf32>, vector<256x64xf32> -> vector<256x64xf32>
    %get3A_584 = arith.constant 13 : index
    %get3A_585 = arith.constant 0 : index
    %get3A_586 = arith.constant 0 : index
    %get3A_587 = vector.load %arg1[%get3A_584, %get3A_585, %get3A_586] : memref<16x256x64xf32, #tpu.memory_space<vmem>>, vector<1x256x64xf32>
    %get3A_588 = vector.shape_cast %get3A_587 : vector<1x256x64xf32> to vector<256x64xf32>
    %get3A_589 = arith.constant 6 : index
    %get3A_590 = arith.constant 0 : index
    %get3A_591 = arith.constant 0 : index
    %get3A_592 = vector.load %arg2[%get3A_589, %get3A_590, %get3A_591] : memref<8x2048x64xf32, #tpu.memory_space<vmem>>, vector<1x2048x64xf32>
    %get3A_593 = vector.shape_cast %get3A_592 : vector<1x2048x64xf32> to vector<2048x64xf32>
    %dot_general3A_594 = arith.constant dense<0.000000e+00> : vector<256x2048xf32>
    %dot_general3A_595 = tpu.matmul %get3A_588, %get3A_593, %dot_general3A_594 {dimension_numbers = #tpu.dot_dimension_numbers<[1], [1], [0], [0], [0, 0, 1, 0], [], []>, transpose_lhs_hint = false} : vector<256x64xf32>, vector<2048x64xf32>, vector<256x2048xf32> -> vector<256x2048xf32>
    %mul3A_596 = arith.constant 1.250000e-01 : f32
    %mul3A_597 = vector.broadcast %mul3A_596 : f32 to vector<256x2048xf32>
    %mul3A_598 = arith.mulf %dot_general3A_595, %mul3A_597 : vector<256x2048xf32>
    %iota3A_599 = tpu.iota {dimensions = array<i32: 0>} : vector<256x2048xi32>
    %add3A_600 = arith.constant 1536 : i32
    %add3A_601 = vector.broadcast %add3A_600 : i32 to vector<256x2048xi32>
    %add3A_602 = arith.addi %iota3A_599, %add3A_601 : vector<256x2048xi32>
    %mul3A_603 = arith.constant 256 : i32
    %mul3A_604 = arith.muli %arg0, %mul3A_603 : i32
    %add3A_605 = vector.broadcast %mul3A_604 : i32 to vector<256x2048xi32>
    %add3A_606 = arith.addi %add3A_602, %add3A_605 : vector<256x2048xi32>
    %iota3A_607 = tpu.iota {dimensions = array<i32: 1>} : vector<256x2048xi32>
    %le3A_608 = arith.cmpi sle, %iota3A_607, %add3A_606 : vector<256x2048xi32>
    %jit3A_609 = arith.constant -1.000000e+30 : f32
    %broadcast_in_dim3A_610 = vector.broadcast %jit3A_609 : f32 to vector<256x2048xf32>
    %select_n3A_611 = arith.select %le3A_608, %mul3A_598, %broadcast_in_dim3A_610 : vector<256x2048xi1>, vector<256x2048xf32>
    %reduce_max3A_612 = arith.constant dense<0xFF800000> : vector<256xf32>
    %reduce_max3A_613 = vector.multi_reduction <maximumf>, %select_n3A_611, %reduce_max3A_612 [1] : vector<256x2048xf32> to vector<256xf32>
    %broadcast_in_dim3A_614 = vector.shape_cast %reduce_max3A_613 : vector<256xf32> to vector<256x1xf32>
    %sub3A_615 = vector.broadcast %broadcast_in_dim3A_614 : vector<256x1xf32> to vector<256x2048xf32>
    %sub3A_616 = arith.subf %select_n3A_611, %sub3A_615 : vector<256x2048xf32>
    %exp3A_617 = math.exp %sub3A_616 : vector<256x2048xf32>
    %reduce_sum3A_618 = arith.constant dense<0.000000e+00> : vector<256xf32>
    %reduce_sum3A_619 = vector.multi_reduction <add>, %exp3A_617, %reduce_sum3A_618 [1] : vector<256x2048xf32> to vector<256xf32>
    %broadcast_in_dim3A_620 = vector.shape_cast %reduce_sum3A_619 : vector<256xf32> to vector<256x1xf32>
    %div3A_621 = vector.broadcast %broadcast_in_dim3A_620 : vector<256x1xf32> to vector<256x2048xf32>
    %div3A_622 = arith.divf %exp3A_617, %div3A_621 : vector<256x2048xf32>
    %get3A_623 = arith.constant 6 : index
    %get3A_624 = arith.constant 0 : index
    %get3A_625 = arith.constant 0 : index
    %get3A_626 = vector.load %arg3[%get3A_623, %get3A_624, %get3A_625] : memref<8x2048x64xf32, #tpu.memory_space<vmem>>, vector<1x2048x64xf32>
    %get3A_627 = vector.shape_cast %get3A_626 : vector<1x2048x64xf32> to vector<2048x64xf32>
    %dot_general3A_628 = arith.constant dense<0.000000e+00> : vector<256x64xf32>
    %dot_general3A_629 = tpu.matmul %div3A_622, %get3A_627, %dot_general3A_628 {dimension_numbers = #tpu.dot_dimension_numbers<[1], [0], [0], [1], [0, 0, 1, 1], [], []>, transpose_lhs_hint = false} : vector<256x2048xf32>, vector<2048x64xf32>, vector<256x64xf32> -> vector<256x64xf32>
    %get3A_630 = arith.constant 14 : index
    %get3A_631 = arith.constant 0 : index
    %get3A_632 = arith.constant 0 : index
    %get3A_633 = vector.load %arg1[%get3A_630, %get3A_631, %get3A_632] : memref<16x256x64xf32, #tpu.memory_space<vmem>>, vector<1x256x64xf32>
    %get3A_634 = vector.shape_cast %get3A_633 : vector<1x256x64xf32> to vector<256x64xf32>
    %get3A_635 = arith.constant 7 : index
    %get3A_636 = arith.constant 0 : index
    %get3A_637 = arith.constant 0 : index
    %get3A_638 = vector.load %arg2[%get3A_635, %get3A_636, %get3A_637] : memref<8x2048x64xf32, #tpu.memory_space<vmem>>, vector<1x2048x64xf32>
    %get3A_639 = vector.shape_cast %get3A_638 : vector<1x2048x64xf32> to vector<2048x64xf32>
    %dot_general3A_640 = arith.constant dense<0.000000e+00> : vector<256x2048xf32>
    %dot_general3A_641 = tpu.matmul %get3A_634, %get3A_639, %dot_general3A_640 {dimension_numbers = #tpu.dot_dimension_numbers<[1], [1], [0], [0], [0, 0, 1, 0], [], []>, transpose_lhs_hint = false} : vector<256x64xf32>, vector<2048x64xf32>, vector<256x2048xf32> -> vector<256x2048xf32>
    %mul3A_642 = arith.constant 1.250000e-01 : f32
    %mul3A_643 = vector.broadcast %mul3A_642 : f32 to vector<256x2048xf32>
    %mul3A_644 = arith.mulf %dot_general3A_641, %mul3A_643 : vector<256x2048xf32>
    %iota3A_645 = tpu.iota {dimensions = array<i32: 0>} : vector<256x2048xi32>
    %add3A_646 = arith.constant 1536 : i32
    %add3A_647 = vector.broadcast %add3A_646 : i32 to vector<256x2048xi32>
    %add3A_648 = arith.addi %iota3A_645, %add3A_647 : vector<256x2048xi32>
    %mul3A_649 = arith.constant 256 : i32
    %mul3A_650 = arith.muli %arg0, %mul3A_649 : i32
    %add3A_651 = vector.broadcast %mul3A_650 : i32 to vector<256x2048xi32>
    %add3A_652 = arith.addi %add3A_648, %add3A_651 : vector<256x2048xi32>
    %iota3A_653 = tpu.iota {dimensions = array<i32: 1>} : vector<256x2048xi32>
    %le3A_654 = arith.cmpi sle, %iota3A_653, %add3A_652 : vector<256x2048xi32>
    %jit3A_655 = arith.constant -1.000000e+30 : f32
    %broadcast_in_dim3A_656 = vector.broadcast %jit3A_655 : f32 to vector<256x2048xf32>
    %select_n3A_657 = arith.select %le3A_654, %mul3A_644, %broadcast_in_dim3A_656 : vector<256x2048xi1>, vector<256x2048xf32>
    %reduce_max3A_658 = arith.constant dense<0xFF800000> : vector<256xf32>
    %reduce_max3A_659 = vector.multi_reduction <maximumf>, %select_n3A_657, %reduce_max3A_658 [1] : vector<256x2048xf32> to vector<256xf32>
    %broadcast_in_dim3A_660 = vector.shape_cast %reduce_max3A_659 : vector<256xf32> to vector<256x1xf32>
    %sub3A_661 = vector.broadcast %broadcast_in_dim3A_660 : vector<256x1xf32> to vector<256x2048xf32>
    %sub3A_662 = arith.subf %select_n3A_657, %sub3A_661 : vector<256x2048xf32>
    %exp3A_663 = math.exp %sub3A_662 : vector<256x2048xf32>
    %reduce_sum3A_664 = arith.constant dense<0.000000e+00> : vector<256xf32>
    %reduce_sum3A_665 = vector.multi_reduction <add>, %exp3A_663, %reduce_sum3A_664 [1] : vector<256x2048xf32> to vector<256xf32>
    %broadcast_in_dim3A_666 = vector.shape_cast %reduce_sum3A_665 : vector<256xf32> to vector<256x1xf32>
    %div3A_667 = vector.broadcast %broadcast_in_dim3A_666 : vector<256x1xf32> to vector<256x2048xf32>
    %div3A_668 = arith.divf %exp3A_663, %div3A_667 : vector<256x2048xf32>
    %get3A_669 = arith.constant 7 : index
    %get3A_670 = arith.constant 0 : index
    %get3A_671 = arith.constant 0 : index
    %get3A_672 = vector.load %arg3[%get3A_669, %get3A_670, %get3A_671] : memref<8x2048x64xf32, #tpu.memory_space<vmem>>, vector<1x2048x64xf32>
    %get3A_673 = vector.shape_cast %get3A_672 : vector<1x2048x64xf32> to vector<2048x64xf32>
    %dot_general3A_674 = arith.constant dense<0.000000e+00> : vector<256x64xf32>
    %dot_general3A_675 = tpu.matmul %div3A_668, %get3A_673, %dot_general3A_674 {dimension_numbers = #tpu.dot_dimension_numbers<[1], [0], [0], [1], [0, 0, 1, 1], [], []>, transpose_lhs_hint = false} : vector<256x2048xf32>, vector<2048x64xf32>, vector<256x64xf32> -> vector<256x64xf32>
    %get3A_676 = arith.constant 15 : index
    %get3A_677 = arith.constant 0 : index
    %get3A_678 = arith.constant 0 : index
    %get3A_679 = vector.load %arg1[%get3A_676, %get3A_677, %get3A_678] : memref<16x256x64xf32, #tpu.memory_space<vmem>>, vector<1x256x64xf32>
    %get3A_680 = vector.shape_cast %get3A_679 : vector<1x256x64xf32> to vector<256x64xf32>
    %get3A_681 = arith.constant 7 : index
    %get3A_682 = arith.constant 0 : index
    %get3A_683 = arith.constant 0 : index
    %get3A_684 = vector.load %arg2[%get3A_681, %get3A_682, %get3A_683] : memref<8x2048x64xf32, #tpu.memory_space<vmem>>, vector<1x2048x64xf32>
    %get3A_685 = vector.shape_cast %get3A_684 : vector<1x2048x64xf32> to vector<2048x64xf32>
    %dot_general3A_686 = arith.constant dense<0.000000e+00> : vector<256x2048xf32>
    %dot_general3A_687 = tpu.matmul %get3A_680, %get3A_685, %dot_general3A_686 {dimension_numbers = #tpu.dot_dimension_numbers<[1], [1], [0], [0], [0, 0, 1, 0], [], []>, transpose_lhs_hint = false} : vector<256x64xf32>, vector<2048x64xf32>, vector<256x2048xf32> -> vector<256x2048xf32>
    %mul3A_688 = arith.constant 1.250000e-01 : f32
    %mul3A_689 = vector.broadcast %mul3A_688 : f32 to vector<256x2048xf32>
    %mul3A_690 = arith.mulf %dot_general3A_687, %mul3A_689 : vector<256x2048xf32>
    %iota3A_691 = tpu.iota {dimensions = array<i32: 0>} : vector<256x2048xi32>
    %add3A_692 = arith.constant 1536 : i32
    %add3A_693 = vector.broadcast %add3A_692 : i32 to vector<256x2048xi32>
    %add3A_694 = arith.addi %iota3A_691, %add3A_693 : vector<256x2048xi32>
    %mul3A_695 = arith.constant 256 : i32
    %mul3A_696 = arith.muli %arg0, %mul3A_695 : i32
    %add3A_697 = vector.broadcast %mul3A_696 : i32 to vector<256x2048xi32>
    %add3A_698 = arith.addi %add3A_694, %add3A_697 : vector<256x2048xi32>
    %iota3A_699 = tpu.iota {dimensions = array<i32: 1>} : vector<256x2048xi32>
    %le3A_700 = arith.cmpi sle, %iota3A_699, %add3A_698 : vector<256x2048xi32>
    %jit3A_701 = arith.constant -1.000000e+30 : f32
    %broadcast_in_dim3A_702 = vector.broadcast %jit3A_701 : f32 to vector<256x2048xf32>
    %select_n3A_703 = arith.select %le3A_700, %mul3A_690, %broadcast_in_dim3A_702 : vector<256x2048xi1>, vector<256x2048xf32>
    %reduce_max3A_704 = arith.constant dense<0xFF800000> : vector<256xf32>
    %reduce_max3A_705 = vector.multi_reduction <maximumf>, %select_n3A_703, %reduce_max3A_704 [1] : vector<256x2048xf32> to vector<256xf32>
    %broadcast_in_dim3A_706 = vector.shape_cast %reduce_max3A_705 : vector<256xf32> to vector<256x1xf32>
    %sub3A_707 = vector.broadcast %broadcast_in_dim3A_706 : vector<256x1xf32> to vector<256x2048xf32>
    %sub3A_708 = arith.subf %select_n3A_703, %sub3A_707 : vector<256x2048xf32>
    %exp3A_709 = math.exp %sub3A_708 : vector<256x2048xf32>
    %reduce_sum3A_710 = arith.constant dense<0.000000e+00> : vector<256xf32>
    %reduce_sum3A_711 = vector.multi_reduction <add>, %exp3A_709, %reduce_sum3A_710 [1] : vector<256x2048xf32> to vector<256xf32>
    %broadcast_in_dim3A_712 = vector.shape_cast %reduce_sum3A_711 : vector<256xf32> to vector<256x1xf32>
    %div3A_713 = vector.broadcast %broadcast_in_dim3A_712 : vector<256x1xf32> to vector<256x2048xf32>
    %div3A_714 = arith.divf %exp3A_709, %div3A_713 : vector<256x2048xf32>
    %get3A_715 = arith.constant 7 : index
    %get3A_716 = arith.constant 0 : index
    %get3A_717 = arith.constant 0 : index
    %get3A_718 = vector.load %arg3[%get3A_715, %get3A_716, %get3A_717] : memref<8x2048x64xf32, #tpu.memory_space<vmem>>, vector<1x2048x64xf32>
    %get3A_719 = vector.shape_cast %get3A_718 : vector<1x2048x64xf32> to vector<2048x64xf32>
    %dot_general3A_720 = arith.constant dense<0.000000e+00> : vector<256x64xf32>
    %dot_general3A_721 = tpu.matmul %div3A_714, %get3A_719, %dot_general3A_720 {dimension_numbers = #tpu.dot_dimension_numbers<[1], [0], [0], [1], [0, 0, 1, 1], [], []>, transpose_lhs_hint = false} : vector<256x2048xf32>, vector<2048x64xf32>, vector<256x64xf32> -> vector<256x64xf32>
    %concatenate3A = tpu.concatenate %dot_general3A_31, %dot_general3A_77, %dot_general3A_123, %dot_general3A_169, %dot_general3A_215, %dot_general3A_261, %dot_general3A_307, %dot_general3A_353, %dot_general3A_399, %dot_general3A_445, %dot_general3A_491, %dot_general3A_537, %dot_general3A_583, %dot_general3A_629, %dot_general3A_675, %dot_general3A_721 in 1 : vector<256x64xf32>, vector<256x64xf32>, vector<256x64xf32>, vector<256x64xf32>, vector<256x64xf32>, vector<256x64xf32>, vector<256x64xf32>, vector<256x64xf32>, vector<256x64xf32>, vector<256x64xf32>, vector<256x64xf32>, vector<256x64xf32>, vector<256x64xf32>, vector<256x64xf32>, vector<256x64xf32>, vector<256x64xf32> -> vector<256x1024xf32>
    %swap3A = arith.constant 0 : index
    %swap3A_722 = arith.constant 0 : index
    %swap3A_723 = vector.load %arg4[%swap3A, %swap3A_722] : memref<256x1024xf32, #tpu.memory_space<vmem>>, vector<256x1024xf32>
    tpu.vector_store %arg4[%swap3A, %swap3A_722], %concatenate3A {strides = array<i32>} : memref<256x1024xf32, #tpu.memory_space<vmem>>, vector<256x1024xf32>,
    return
  }
  func.func @transform_0(%arg0: i32) -> (i32, i32, i32) {
    %c0_i32 = arith.constant 0 : i32
    %c0_i32_0 = arith.constant 0 : i32
    %c0_i32_1 = arith.constant 0 : i32
    return %c0_i32, %arg0, %c0_i32_0 : i32, i32, i32
  }
  func.func @transform_1(%arg0: i32) -> (i32, i32, i32) {
    %c0_i32 = arith.constant 0 : i32
    %c0_i32_0 = arith.constant 0 : i32
    %c0_i32_1 = arith.constant 0 : i32
    %c0_i32_2 = arith.constant 0 : i32
    return %c0_i32, %c0_i32_0, %c0_i32_1 : i32, i32, i32
  }
  func.func @transform_2(%arg0: i32) -> (i32, i32, i32) {
    %c0_i32 = arith.constant 0 : i32
    %c0_i32_0 = arith.constant 0 : i32
    %c0_i32_1 = arith.constant 0 : i32
    %c0_i32_2 = arith.constant 0 : i32
    return %c0_i32, %c0_i32_0, %c0_i32_1 : i32, i32, i32
  }
  func.func @transform_3(%arg0: i32) -> (i32, i32) {
    %c0_i32 = arith.constant 0 : i32
    %c0_i32_0 = arith.constant 0 : i32
    return %arg0, %c0_i32 : i32, i32
  }
}

module attributes {stable_mosaic.version = 14 : i64} {
  func.func @_attn_body(%arg0: i32, %arg1: memref<16x256x64xf32, #tpu.memory_space<vmem>>, %arg2: memref<8x1536x64xf32, #tpu.memory_space<vmem>>, %arg3: memref<8x1536x64xf32, #tpu.memory_space<vmem>>, %arg4: memref<256x1024xf32, #tpu.memory_space<vmem>>) attributes {dimension_semantics = [#tpu.dimension_semantics<arbitrary>], iteration_bounds = array<i64: 2>, scalar_prefetch = 0 : i64, scratch_operands = 0 : i64, tpu.core_type = #tpu.core_type<tc>, window_params = [{transform_indices = @transform_0, window_bounds = array<i64: 16, 256, 64>}, {transform_indices = @transform_1, window_bounds = array<i64: 8, 1536, 64>}, {transform_indices = @transform_2, window_bounds = array<i64: 8, 1536, 64>}, {transform_indices = @transform_3, window_bounds = array<i64: 256, 1024>}]} {
    %get3A = arith.constant 0 : index
    %get3A_0 = arith.constant 0 : index
    %get3A_1 = arith.constant 0 : index
    %get3A_2 = vector.load %arg1[%get3A, %get3A_0, %get3A_1] : memref<16x256x64xf32, #tpu.memory_space<vmem>>, vector<1x256x64xf32>
    %get3A_3 = vector.shape_cast %get3A_2 : vector<1x256x64xf32> to vector<256x64xf32>
    %get3A_4 = arith.constant 0 : index
    %get3A_5 = arith.constant 0 : index
    %get3A_6 = arith.constant 0 : index
    %get3A_7 = vector.load %arg2[%get3A_4, %get3A_5, %get3A_6] : memref<8x1536x64xf32, #tpu.memory_space<vmem>>, vector<1x1536x64xf32>
    %get3A_8 = vector.shape_cast %get3A_7 : vector<1x1536x64xf32> to vector<1536x64xf32>
    %dot_general3A = arith.constant dense<0.000000e+00> : vector<256x1536xf32>
    %dot_general3A_9 = tpu.matmul %get3A_3, %get3A_8, %dot_general3A {dimension_numbers = #tpu.dot_dimension_numbers<[1], [1], [0], [0], [0, 0, 1, 0], [], []>, transpose_lhs_hint = false} : vector<256x64xf32>, vector<1536x64xf32>, vector<256x1536xf32> -> vector<256x1536xf32>
    %mul3A = arith.constant 1.250000e-01 : f32
    %mul3A_10 = vector.broadcast %mul3A : f32 to vector<256x1536xf32>
    %mul3A_11 = arith.mulf %dot_general3A_9, %mul3A_10 : vector<256x1536xf32>
    %iota3A = tpu.iota {dimensions = array<i32: 0>} : vector<256x1536xi32>
    %add3A = arith.constant 1024 : i32
    %add3A_12 = vector.broadcast %add3A : i32 to vector<256x1536xi32>
    %add3A_13 = arith.addi %iota3A, %add3A_12 : vector<256x1536xi32>
    %mul3A_14 = arith.constant 256 : i32
    %mul3A_15 = arith.muli %arg0, %mul3A_14 : i32
    %add3A_16 = vector.broadcast %mul3A_15 : i32 to vector<256x1536xi32>
    %add3A_17 = arith.addi %add3A_13, %add3A_16 : vector<256x1536xi32>
    %iota3A_18 = tpu.iota {dimensions = array<i32: 1>} : vector<256x1536xi32>
    %le3A = arith.cmpi sle, %iota3A_18, %add3A_17 : vector<256x1536xi32>
    %jit3A = arith.constant -1.000000e+30 : f32
    %broadcast_in_dim3A = vector.broadcast %jit3A : f32 to vector<256x1536xf32>
    %select_n3A = arith.select %le3A, %mul3A_11, %broadcast_in_dim3A : vector<256x1536xi1>, vector<256x1536xf32>
    %reduce_max3A = arith.constant dense<0xFF800000> : vector<256xf32>
    %reduce_max3A_19 = vector.multi_reduction <maximumf>, %select_n3A, %reduce_max3A [1] : vector<256x1536xf32> to vector<256xf32>
    %broadcast_in_dim3A_20 = vector.shape_cast %reduce_max3A_19 : vector<256xf32> to vector<256x1xf32>
    %sub3A = vector.broadcast %broadcast_in_dim3A_20 : vector<256x1xf32> to vector<256x1536xf32>
    %sub3A_21 = arith.subf %select_n3A, %sub3A : vector<256x1536xf32>
    %exp3A = math.exp %sub3A_21 : vector<256x1536xf32>
    %reduce_sum3A = arith.constant dense<0.000000e+00> : vector<256xf32>
    %reduce_sum3A_22 = vector.multi_reduction <add>, %exp3A, %reduce_sum3A [1] : vector<256x1536xf32> to vector<256xf32>
    %broadcast_in_dim3A_23 = vector.shape_cast %reduce_sum3A_22 : vector<256xf32> to vector<256x1xf32>
    %div3A = vector.broadcast %broadcast_in_dim3A_23 : vector<256x1xf32> to vector<256x1536xf32>
    %div3A_24 = arith.divf %exp3A, %div3A : vector<256x1536xf32>
    %get3A_25 = arith.constant 0 : index
    %get3A_26 = arith.constant 0 : index
    %get3A_27 = arith.constant 0 : index
    %get3A_28 = vector.load %arg3[%get3A_25, %get3A_26, %get3A_27] : memref<8x1536x64xf32, #tpu.memory_space<vmem>>, vector<1x1536x64xf32>
    %get3A_29 = vector.shape_cast %get3A_28 : vector<1x1536x64xf32> to vector<1536x64xf32>
    %dot_general3A_30 = arith.constant dense<0.000000e+00> : vector<256x64xf32>
    %dot_general3A_31 = tpu.matmul %div3A_24, %get3A_29, %dot_general3A_30 {dimension_numbers = #tpu.dot_dimension_numbers<[1], [0], [0], [1], [0, 0, 1, 1], [], []>, transpose_lhs_hint = false} : vector<256x1536xf32>, vector<1536x64xf32>, vector<256x64xf32> -> vector<256x64xf32>
    %get3A_32 = arith.constant 1 : index
    %get3A_33 = arith.constant 0 : index
    %get3A_34 = arith.constant 0 : index
    %get3A_35 = vector.load %arg1[%get3A_32, %get3A_33, %get3A_34] : memref<16x256x64xf32, #tpu.memory_space<vmem>>, vector<1x256x64xf32>
    %get3A_36 = vector.shape_cast %get3A_35 : vector<1x256x64xf32> to vector<256x64xf32>
    %get3A_37 = arith.constant 0 : index
    %get3A_38 = arith.constant 0 : index
    %get3A_39 = arith.constant 0 : index
    %get3A_40 = vector.load %arg2[%get3A_37, %get3A_38, %get3A_39] : memref<8x1536x64xf32, #tpu.memory_space<vmem>>, vector<1x1536x64xf32>
    %get3A_41 = vector.shape_cast %get3A_40 : vector<1x1536x64xf32> to vector<1536x64xf32>
    %dot_general3A_42 = arith.constant dense<0.000000e+00> : vector<256x1536xf32>
    %dot_general3A_43 = tpu.matmul %get3A_36, %get3A_41, %dot_general3A_42 {dimension_numbers = #tpu.dot_dimension_numbers<[1], [1], [0], [0], [0, 0, 1, 0], [], []>, transpose_lhs_hint = false} : vector<256x64xf32>, vector<1536x64xf32>, vector<256x1536xf32> -> vector<256x1536xf32>
    %mul3A_44 = arith.constant 1.250000e-01 : f32
    %mul3A_45 = vector.broadcast %mul3A_44 : f32 to vector<256x1536xf32>
    %mul3A_46 = arith.mulf %dot_general3A_43, %mul3A_45 : vector<256x1536xf32>
    %iota3A_47 = tpu.iota {dimensions = array<i32: 0>} : vector<256x1536xi32>
    %add3A_48 = arith.constant 1024 : i32
    %add3A_49 = vector.broadcast %add3A_48 : i32 to vector<256x1536xi32>
    %add3A_50 = arith.addi %iota3A_47, %add3A_49 : vector<256x1536xi32>
    %mul3A_51 = arith.constant 256 : i32
    %mul3A_52 = arith.muli %arg0, %mul3A_51 : i32
    %add3A_53 = vector.broadcast %mul3A_52 : i32 to vector<256x1536xi32>
    %add3A_54 = arith.addi %add3A_50, %add3A_53 : vector<256x1536xi32>
    %iota3A_55 = tpu.iota {dimensions = array<i32: 1>} : vector<256x1536xi32>
    %le3A_56 = arith.cmpi sle, %iota3A_55, %add3A_54 : vector<256x1536xi32>
    %jit3A_57 = arith.constant -1.000000e+30 : f32
    %broadcast_in_dim3A_58 = vector.broadcast %jit3A_57 : f32 to vector<256x1536xf32>
    %select_n3A_59 = arith.select %le3A_56, %mul3A_46, %broadcast_in_dim3A_58 : vector<256x1536xi1>, vector<256x1536xf32>
    %reduce_max3A_60 = arith.constant dense<0xFF800000> : vector<256xf32>
    %reduce_max3A_61 = vector.multi_reduction <maximumf>, %select_n3A_59, %reduce_max3A_60 [1] : vector<256x1536xf32> to vector<256xf32>
    %broadcast_in_dim3A_62 = vector.shape_cast %reduce_max3A_61 : vector<256xf32> to vector<256x1xf32>
    %sub3A_63 = vector.broadcast %broadcast_in_dim3A_62 : vector<256x1xf32> to vector<256x1536xf32>
    %sub3A_64 = arith.subf %select_n3A_59, %sub3A_63 : vector<256x1536xf32>
    %exp3A_65 = math.exp %sub3A_64 : vector<256x1536xf32>
    %reduce_sum3A_66 = arith.constant dense<0.000000e+00> : vector<256xf32>
    %reduce_sum3A_67 = vector.multi_reduction <add>, %exp3A_65, %reduce_sum3A_66 [1] : vector<256x1536xf32> to vector<256xf32>
    %broadcast_in_dim3A_68 = vector.shape_cast %reduce_sum3A_67 : vector<256xf32> to vector<256x1xf32>
    %div3A_69 = vector.broadcast %broadcast_in_dim3A_68 : vector<256x1xf32> to vector<256x1536xf32>
    %div3A_70 = arith.divf %exp3A_65, %div3A_69 : vector<256x1536xf32>
    %get3A_71 = arith.constant 0 : index
    %get3A_72 = arith.constant 0 : index
    %get3A_73 = arith.constant 0 : index
    %get3A_74 = vector.load %arg3[%get3A_71, %get3A_72, %get3A_73] : memref<8x1536x64xf32, #tpu.memory_space<vmem>>, vector<1x1536x64xf32>
    %get3A_75 = vector.shape_cast %get3A_74 : vector<1x1536x64xf32> to vector<1536x64xf32>
    %dot_general3A_76 = arith.constant dense<0.000000e+00> : vector<256x64xf32>
    %dot_general3A_77 = tpu.matmul %div3A_70, %get3A_75, %dot_general3A_76 {dimension_numbers = #tpu.dot_dimension_numbers<[1], [0], [0], [1], [0, 0, 1, 1], [], []>, transpose_lhs_hint = false} : vector<256x1536xf32>, vector<1536x64xf32>, vector<256x64xf32> -> vector<256x64xf32>
    %get3A_78 = arith.constant 2 : index
    %get3A_79 = arith.constant 0 : index
    %get3A_80 = arith.constant 0 : index
    %get3A_81 = vector.load %arg1[%get3A_78, %get3A_79, %get3A_80] : memref<16x256x64xf32, #tpu.memory_space<vmem>>, vector<1x256x64xf32>
    %get3A_82 = vector.shape_cast %get3A_81 : vector<1x256x64xf32> to vector<256x64xf32>
    %get3A_83 = arith.constant 1 : index
    %get3A_84 = arith.constant 0 : index
    %get3A_85 = arith.constant 0 : index
    %get3A_86 = vector.load %arg2[%get3A_83, %get3A_84, %get3A_85] : memref<8x1536x64xf32, #tpu.memory_space<vmem>>, vector<1x1536x64xf32>
    %get3A_87 = vector.shape_cast %get3A_86 : vector<1x1536x64xf32> to vector<1536x64xf32>
    %dot_general3A_88 = arith.constant dense<0.000000e+00> : vector<256x1536xf32>
    %dot_general3A_89 = tpu.matmul %get3A_82, %get3A_87, %dot_general3A_88 {dimension_numbers = #tpu.dot_dimension_numbers<[1], [1], [0], [0], [0, 0, 1, 0], [], []>, transpose_lhs_hint = false} : vector<256x64xf32>, vector<1536x64xf32>, vector<256x1536xf32> -> vector<256x1536xf32>
    %mul3A_90 = arith.constant 1.250000e-01 : f32
    %mul3A_91 = vector.broadcast %mul3A_90 : f32 to vector<256x1536xf32>
    %mul3A_92 = arith.mulf %dot_general3A_89, %mul3A_91 : vector<256x1536xf32>
    %iota3A_93 = tpu.iota {dimensions = array<i32: 0>} : vector<256x1536xi32>
    %add3A_94 = arith.constant 1024 : i32
    %add3A_95 = vector.broadcast %add3A_94 : i32 to vector<256x1536xi32>
    %add3A_96 = arith.addi %iota3A_93, %add3A_95 : vector<256x1536xi32>
    %mul3A_97 = arith.constant 256 : i32
    %mul3A_98 = arith.muli %arg0, %mul3A_97 : i32
    %add3A_99 = vector.broadcast %mul3A_98 : i32 to vector<256x1536xi32>
    %add3A_100 = arith.addi %add3A_96, %add3A_99 : vector<256x1536xi32>
    %iota3A_101 = tpu.iota {dimensions = array<i32: 1>} : vector<256x1536xi32>
    %le3A_102 = arith.cmpi sle, %iota3A_101, %add3A_100 : vector<256x1536xi32>
    %jit3A_103 = arith.constant -1.000000e+30 : f32
    %broadcast_in_dim3A_104 = vector.broadcast %jit3A_103 : f32 to vector<256x1536xf32>
    %select_n3A_105 = arith.select %le3A_102, %mul3A_92, %broadcast_in_dim3A_104 : vector<256x1536xi1>, vector<256x1536xf32>
    %reduce_max3A_106 = arith.constant dense<0xFF800000> : vector<256xf32>
    %reduce_max3A_107 = vector.multi_reduction <maximumf>, %select_n3A_105, %reduce_max3A_106 [1] : vector<256x1536xf32> to vector<256xf32>
    %broadcast_in_dim3A_108 = vector.shape_cast %reduce_max3A_107 : vector<256xf32> to vector<256x1xf32>
    %sub3A_109 = vector.broadcast %broadcast_in_dim3A_108 : vector<256x1xf32> to vector<256x1536xf32>
    %sub3A_110 = arith.subf %select_n3A_105, %sub3A_109 : vector<256x1536xf32>
    %exp3A_111 = math.exp %sub3A_110 : vector<256x1536xf32>
    %reduce_sum3A_112 = arith.constant dense<0.000000e+00> : vector<256xf32>
    %reduce_sum3A_113 = vector.multi_reduction <add>, %exp3A_111, %reduce_sum3A_112 [1] : vector<256x1536xf32> to vector<256xf32>
    %broadcast_in_dim3A_114 = vector.shape_cast %reduce_sum3A_113 : vector<256xf32> to vector<256x1xf32>
    %div3A_115 = vector.broadcast %broadcast_in_dim3A_114 : vector<256x1xf32> to vector<256x1536xf32>
    %div3A_116 = arith.divf %exp3A_111, %div3A_115 : vector<256x1536xf32>
    %get3A_117 = arith.constant 1 : index
    %get3A_118 = arith.constant 0 : index
    %get3A_119 = arith.constant 0 : index
    %get3A_120 = vector.load %arg3[%get3A_117, %get3A_118, %get3A_119] : memref<8x1536x64xf32, #tpu.memory_space<vmem>>, vector<1x1536x64xf32>
    %get3A_121 = vector.shape_cast %get3A_120 : vector<1x1536x64xf32> to vector<1536x64xf32>
    %dot_general3A_122 = arith.constant dense<0.000000e+00> : vector<256x64xf32>
    %dot_general3A_123 = tpu.matmul %div3A_116, %get3A_121, %dot_general3A_122 {dimension_numbers = #tpu.dot_dimension_numbers<[1], [0], [0], [1], [0, 0, 1, 1], [], []>, transpose_lhs_hint = false} : vector<256x1536xf32>, vector<1536x64xf32>, vector<256x64xf32> -> vector<256x64xf32>
    %get3A_124 = arith.constant 3 : index
    %get3A_125 = arith.constant 0 : index
    %get3A_126 = arith.constant 0 : index
    %get3A_127 = vector.load %arg1[%get3A_124, %get3A_125, %get3A_126] : memref<16x256x64xf32, #tpu.memory_space<vmem>>, vector<1x256x64xf32>
    %get3A_128 = vector.shape_cast %get3A_127 : vector<1x256x64xf32> to vector<256x64xf32>
    %get3A_129 = arith.constant 1 : index
    %get3A_130 = arith.constant 0 : index
    %get3A_131 = arith.constant 0 : index
    %get3A_132 = vector.load %arg2[%get3A_129, %get3A_130, %get3A_131] : memref<8x1536x64xf32, #tpu.memory_space<vmem>>, vector<1x1536x64xf32>
    %get3A_133 = vector.shape_cast %get3A_132 : vector<1x1536x64xf32> to vector<1536x64xf32>
    %dot_general3A_134 = arith.constant dense<0.000000e+00> : vector<256x1536xf32>
    %dot_general3A_135 = tpu.matmul %get3A_128, %get3A_133, %dot_general3A_134 {dimension_numbers = #tpu.dot_dimension_numbers<[1], [1], [0], [0], [0, 0, 1, 0], [], []>, transpose_lhs_hint = false} : vector<256x64xf32>, vector<1536x64xf32>, vector<256x1536xf32> -> vector<256x1536xf32>
    %mul3A_136 = arith.constant 1.250000e-01 : f32
    %mul3A_137 = vector.broadcast %mul3A_136 : f32 to vector<256x1536xf32>
    %mul3A_138 = arith.mulf %dot_general3A_135, %mul3A_137 : vector<256x1536xf32>
    %iota3A_139 = tpu.iota {dimensions = array<i32: 0>} : vector<256x1536xi32>
    %add3A_140 = arith.constant 1024 : i32
    %add3A_141 = vector.broadcast %add3A_140 : i32 to vector<256x1536xi32>
    %add3A_142 = arith.addi %iota3A_139, %add3A_141 : vector<256x1536xi32>
    %mul3A_143 = arith.constant 256 : i32
    %mul3A_144 = arith.muli %arg0, %mul3A_143 : i32
    %add3A_145 = vector.broadcast %mul3A_144 : i32 to vector<256x1536xi32>
    %add3A_146 = arith.addi %add3A_142, %add3A_145 : vector<256x1536xi32>
    %iota3A_147 = tpu.iota {dimensions = array<i32: 1>} : vector<256x1536xi32>
    %le3A_148 = arith.cmpi sle, %iota3A_147, %add3A_146 : vector<256x1536xi32>
    %jit3A_149 = arith.constant -1.000000e+30 : f32
    %broadcast_in_dim3A_150 = vector.broadcast %jit3A_149 : f32 to vector<256x1536xf32>
    %select_n3A_151 = arith.select %le3A_148, %mul3A_138, %broadcast_in_dim3A_150 : vector<256x1536xi1>, vector<256x1536xf32>
    %reduce_max3A_152 = arith.constant dense<0xFF800000> : vector<256xf32>
    %reduce_max3A_153 = vector.multi_reduction <maximumf>, %select_n3A_151, %reduce_max3A_152 [1] : vector<256x1536xf32> to vector<256xf32>
    %broadcast_in_dim3A_154 = vector.shape_cast %reduce_max3A_153 : vector<256xf32> to vector<256x1xf32>
    %sub3A_155 = vector.broadcast %broadcast_in_dim3A_154 : vector<256x1xf32> to vector<256x1536xf32>
    %sub3A_156 = arith.subf %select_n3A_151, %sub3A_155 : vector<256x1536xf32>
    %exp3A_157 = math.exp %sub3A_156 : vector<256x1536xf32>
    %reduce_sum3A_158 = arith.constant dense<0.000000e+00> : vector<256xf32>
    %reduce_sum3A_159 = vector.multi_reduction <add>, %exp3A_157, %reduce_sum3A_158 [1] : vector<256x1536xf32> to vector<256xf32>
    %broadcast_in_dim3A_160 = vector.shape_cast %reduce_sum3A_159 : vector<256xf32> to vector<256x1xf32>
    %div3A_161 = vector.broadcast %broadcast_in_dim3A_160 : vector<256x1xf32> to vector<256x1536xf32>
    %div3A_162 = arith.divf %exp3A_157, %div3A_161 : vector<256x1536xf32>
    %get3A_163 = arith.constant 1 : index
    %get3A_164 = arith.constant 0 : index
    %get3A_165 = arith.constant 0 : index
    %get3A_166 = vector.load %arg3[%get3A_163, %get3A_164, %get3A_165] : memref<8x1536x64xf32, #tpu.memory_space<vmem>>, vector<1x1536x64xf32>
    %get3A_167 = vector.shape_cast %get3A_166 : vector<1x1536x64xf32> to vector<1536x64xf32>
    %dot_general3A_168 = arith.constant dense<0.000000e+00> : vector<256x64xf32>
    %dot_general3A_169 = tpu.matmul %div3A_162, %get3A_167, %dot_general3A_168 {dimension_numbers = #tpu.dot_dimension_numbers<[1], [0], [0], [1], [0, 0, 1, 1], [], []>, transpose_lhs_hint = false} : vector<256x1536xf32>, vector<1536x64xf32>, vector<256x64xf32> -> vector<256x64xf32>
    %get3A_170 = arith.constant 4 : index
    %get3A_171 = arith.constant 0 : index
    %get3A_172 = arith.constant 0 : index
    %get3A_173 = vector.load %arg1[%get3A_170, %get3A_171, %get3A_172] : memref<16x256x64xf32, #tpu.memory_space<vmem>>, vector<1x256x64xf32>
    %get3A_174 = vector.shape_cast %get3A_173 : vector<1x256x64xf32> to vector<256x64xf32>
    %get3A_175 = arith.constant 2 : index
    %get3A_176 = arith.constant 0 : index
    %get3A_177 = arith.constant 0 : index
    %get3A_178 = vector.load %arg2[%get3A_175, %get3A_176, %get3A_177] : memref<8x1536x64xf32, #tpu.memory_space<vmem>>, vector<1x1536x64xf32>
    %get3A_179 = vector.shape_cast %get3A_178 : vector<1x1536x64xf32> to vector<1536x64xf32>
    %dot_general3A_180 = arith.constant dense<0.000000e+00> : vector<256x1536xf32>
    %dot_general3A_181 = tpu.matmul %get3A_174, %get3A_179, %dot_general3A_180 {dimension_numbers = #tpu.dot_dimension_numbers<[1], [1], [0], [0], [0, 0, 1, 0], [], []>, transpose_lhs_hint = false} : vector<256x64xf32>, vector<1536x64xf32>, vector<256x1536xf32> -> vector<256x1536xf32>
    %mul3A_182 = arith.constant 1.250000e-01 : f32
    %mul3A_183 = vector.broadcast %mul3A_182 : f32 to vector<256x1536xf32>
    %mul3A_184 = arith.mulf %dot_general3A_181, %mul3A_183 : vector<256x1536xf32>
    %iota3A_185 = tpu.iota {dimensions = array<i32: 0>} : vector<256x1536xi32>
    %add3A_186 = arith.constant 1024 : i32
    %add3A_187 = vector.broadcast %add3A_186 : i32 to vector<256x1536xi32>
    %add3A_188 = arith.addi %iota3A_185, %add3A_187 : vector<256x1536xi32>
    %mul3A_189 = arith.constant 256 : i32
    %mul3A_190 = arith.muli %arg0, %mul3A_189 : i32
    %add3A_191 = vector.broadcast %mul3A_190 : i32 to vector<256x1536xi32>
    %add3A_192 = arith.addi %add3A_188, %add3A_191 : vector<256x1536xi32>
    %iota3A_193 = tpu.iota {dimensions = array<i32: 1>} : vector<256x1536xi32>
    %le3A_194 = arith.cmpi sle, %iota3A_193, %add3A_192 : vector<256x1536xi32>
    %jit3A_195 = arith.constant -1.000000e+30 : f32
    %broadcast_in_dim3A_196 = vector.broadcast %jit3A_195 : f32 to vector<256x1536xf32>
    %select_n3A_197 = arith.select %le3A_194, %mul3A_184, %broadcast_in_dim3A_196 : vector<256x1536xi1>, vector<256x1536xf32>
    %reduce_max3A_198 = arith.constant dense<0xFF800000> : vector<256xf32>
    %reduce_max3A_199 = vector.multi_reduction <maximumf>, %select_n3A_197, %reduce_max3A_198 [1] : vector<256x1536xf32> to vector<256xf32>
    %broadcast_in_dim3A_200 = vector.shape_cast %reduce_max3A_199 : vector<256xf32> to vector<256x1xf32>
    %sub3A_201 = vector.broadcast %broadcast_in_dim3A_200 : vector<256x1xf32> to vector<256x1536xf32>
    %sub3A_202 = arith.subf %select_n3A_197, %sub3A_201 : vector<256x1536xf32>
    %exp3A_203 = math.exp %sub3A_202 : vector<256x1536xf32>
    %reduce_sum3A_204 = arith.constant dense<0.000000e+00> : vector<256xf32>
    %reduce_sum3A_205 = vector.multi_reduction <add>, %exp3A_203, %reduce_sum3A_204 [1] : vector<256x1536xf32> to vector<256xf32>
    %broadcast_in_dim3A_206 = vector.shape_cast %reduce_sum3A_205 : vector<256xf32> to vector<256x1xf32>
    %div3A_207 = vector.broadcast %broadcast_in_dim3A_206 : vector<256x1xf32> to vector<256x1536xf32>
    %div3A_208 = arith.divf %exp3A_203, %div3A_207 : vector<256x1536xf32>
    %get3A_209 = arith.constant 2 : index
    %get3A_210 = arith.constant 0 : index
    %get3A_211 = arith.constant 0 : index
    %get3A_212 = vector.load %arg3[%get3A_209, %get3A_210, %get3A_211] : memref<8x1536x64xf32, #tpu.memory_space<vmem>>, vector<1x1536x64xf32>
    %get3A_213 = vector.shape_cast %get3A_212 : vector<1x1536x64xf32> to vector<1536x64xf32>
    %dot_general3A_214 = arith.constant dense<0.000000e+00> : vector<256x64xf32>
    %dot_general3A_215 = tpu.matmul %div3A_208, %get3A_213, %dot_general3A_214 {dimension_numbers = #tpu.dot_dimension_numbers<[1], [0], [0], [1], [0, 0, 1, 1], [], []>, transpose_lhs_hint = false} : vector<256x1536xf32>, vector<1536x64xf32>, vector<256x64xf32> -> vector<256x64xf32>
    %get3A_216 = arith.constant 5 : index
    %get3A_217 = arith.constant 0 : index
    %get3A_218 = arith.constant 0 : index
    %get3A_219 = vector.load %arg1[%get3A_216, %get3A_217, %get3A_218] : memref<16x256x64xf32, #tpu.memory_space<vmem>>, vector<1x256x64xf32>
    %get3A_220 = vector.shape_cast %get3A_219 : vector<1x256x64xf32> to vector<256x64xf32>
    %get3A_221 = arith.constant 2 : index
    %get3A_222 = arith.constant 0 : index
    %get3A_223 = arith.constant 0 : index
    %get3A_224 = vector.load %arg2[%get3A_221, %get3A_222, %get3A_223] : memref<8x1536x64xf32, #tpu.memory_space<vmem>>, vector<1x1536x64xf32>
    %get3A_225 = vector.shape_cast %get3A_224 : vector<1x1536x64xf32> to vector<1536x64xf32>
    %dot_general3A_226 = arith.constant dense<0.000000e+00> : vector<256x1536xf32>
    %dot_general3A_227 = tpu.matmul %get3A_220, %get3A_225, %dot_general3A_226 {dimension_numbers = #tpu.dot_dimension_numbers<[1], [1], [0], [0], [0, 0, 1, 0], [], []>, transpose_lhs_hint = false} : vector<256x64xf32>, vector<1536x64xf32>, vector<256x1536xf32> -> vector<256x1536xf32>
    %mul3A_228 = arith.constant 1.250000e-01 : f32
    %mul3A_229 = vector.broadcast %mul3A_228 : f32 to vector<256x1536xf32>
    %mul3A_230 = arith.mulf %dot_general3A_227, %mul3A_229 : vector<256x1536xf32>
    %iota3A_231 = tpu.iota {dimensions = array<i32: 0>} : vector<256x1536xi32>
    %add3A_232 = arith.constant 1024 : i32
    %add3A_233 = vector.broadcast %add3A_232 : i32 to vector<256x1536xi32>
    %add3A_234 = arith.addi %iota3A_231, %add3A_233 : vector<256x1536xi32>
    %mul3A_235 = arith.constant 256 : i32
    %mul3A_236 = arith.muli %arg0, %mul3A_235 : i32
    %add3A_237 = vector.broadcast %mul3A_236 : i32 to vector<256x1536xi32>
    %add3A_238 = arith.addi %add3A_234, %add3A_237 : vector<256x1536xi32>
    %iota3A_239 = tpu.iota {dimensions = array<i32: 1>} : vector<256x1536xi32>
    %le3A_240 = arith.cmpi sle, %iota3A_239, %add3A_238 : vector<256x1536xi32>
    %jit3A_241 = arith.constant -1.000000e+30 : f32
    %broadcast_in_dim3A_242 = vector.broadcast %jit3A_241 : f32 to vector<256x1536xf32>
    %select_n3A_243 = arith.select %le3A_240, %mul3A_230, %broadcast_in_dim3A_242 : vector<256x1536xi1>, vector<256x1536xf32>
    %reduce_max3A_244 = arith.constant dense<0xFF800000> : vector<256xf32>
    %reduce_max3A_245 = vector.multi_reduction <maximumf>, %select_n3A_243, %reduce_max3A_244 [1] : vector<256x1536xf32> to vector<256xf32>
    %broadcast_in_dim3A_246 = vector.shape_cast %reduce_max3A_245 : vector<256xf32> to vector<256x1xf32>
    %sub3A_247 = vector.broadcast %broadcast_in_dim3A_246 : vector<256x1xf32> to vector<256x1536xf32>
    %sub3A_248 = arith.subf %select_n3A_243, %sub3A_247 : vector<256x1536xf32>
    %exp3A_249 = math.exp %sub3A_248 : vector<256x1536xf32>
    %reduce_sum3A_250 = arith.constant dense<0.000000e+00> : vector<256xf32>
    %reduce_sum3A_251 = vector.multi_reduction <add>, %exp3A_249, %reduce_sum3A_250 [1] : vector<256x1536xf32> to vector<256xf32>
    %broadcast_in_dim3A_252 = vector.shape_cast %reduce_sum3A_251 : vector<256xf32> to vector<256x1xf32>
    %div3A_253 = vector.broadcast %broadcast_in_dim3A_252 : vector<256x1xf32> to vector<256x1536xf32>
    %div3A_254 = arith.divf %exp3A_249, %div3A_253 : vector<256x1536xf32>
    %get3A_255 = arith.constant 2 : index
    %get3A_256 = arith.constant 0 : index
    %get3A_257 = arith.constant 0 : index
    %get3A_258 = vector.load %arg3[%get3A_255, %get3A_256, %get3A_257] : memref<8x1536x64xf32, #tpu.memory_space<vmem>>, vector<1x1536x64xf32>
    %get3A_259 = vector.shape_cast %get3A_258 : vector<1x1536x64xf32> to vector<1536x64xf32>
    %dot_general3A_260 = arith.constant dense<0.000000e+00> : vector<256x64xf32>
    %dot_general3A_261 = tpu.matmul %div3A_254, %get3A_259, %dot_general3A_260 {dimension_numbers = #tpu.dot_dimension_numbers<[1], [0], [0], [1], [0, 0, 1, 1], [], []>, transpose_lhs_hint = false} : vector<256x1536xf32>, vector<1536x64xf32>, vector<256x64xf32> -> vector<256x64xf32>
    %get3A_262 = arith.constant 6 : index
    %get3A_263 = arith.constant 0 : index
    %get3A_264 = arith.constant 0 : index
    %get3A_265 = vector.load %arg1[%get3A_262, %get3A_263, %get3A_264] : memref<16x256x64xf32, #tpu.memory_space<vmem>>, vector<1x256x64xf32>
    %get3A_266 = vector.shape_cast %get3A_265 : vector<1x256x64xf32> to vector<256x64xf32>
    %get3A_267 = arith.constant 3 : index
    %get3A_268 = arith.constant 0 : index
    %get3A_269 = arith.constant 0 : index
    %get3A_270 = vector.load %arg2[%get3A_267, %get3A_268, %get3A_269] : memref<8x1536x64xf32, #tpu.memory_space<vmem>>, vector<1x1536x64xf32>
    %get3A_271 = vector.shape_cast %get3A_270 : vector<1x1536x64xf32> to vector<1536x64xf32>
    %dot_general3A_272 = arith.constant dense<0.000000e+00> : vector<256x1536xf32>
    %dot_general3A_273 = tpu.matmul %get3A_266, %get3A_271, %dot_general3A_272 {dimension_numbers = #tpu.dot_dimension_numbers<[1], [1], [0], [0], [0, 0, 1, 0], [], []>, transpose_lhs_hint = false} : vector<256x64xf32>, vector<1536x64xf32>, vector<256x1536xf32> -> vector<256x1536xf32>
    %mul3A_274 = arith.constant 1.250000e-01 : f32
    %mul3A_275 = vector.broadcast %mul3A_274 : f32 to vector<256x1536xf32>
    %mul3A_276 = arith.mulf %dot_general3A_273, %mul3A_275 : vector<256x1536xf32>
    %iota3A_277 = tpu.iota {dimensions = array<i32: 0>} : vector<256x1536xi32>
    %add3A_278 = arith.constant 1024 : i32
    %add3A_279 = vector.broadcast %add3A_278 : i32 to vector<256x1536xi32>
    %add3A_280 = arith.addi %iota3A_277, %add3A_279 : vector<256x1536xi32>
    %mul3A_281 = arith.constant 256 : i32
    %mul3A_282 = arith.muli %arg0, %mul3A_281 : i32
    %add3A_283 = vector.broadcast %mul3A_282 : i32 to vector<256x1536xi32>
    %add3A_284 = arith.addi %add3A_280, %add3A_283 : vector<256x1536xi32>
    %iota3A_285 = tpu.iota {dimensions = array<i32: 1>} : vector<256x1536xi32>
    %le3A_286 = arith.cmpi sle, %iota3A_285, %add3A_284 : vector<256x1536xi32>
    %jit3A_287 = arith.constant -1.000000e+30 : f32
    %broadcast_in_dim3A_288 = vector.broadcast %jit3A_287 : f32 to vector<256x1536xf32>
    %select_n3A_289 = arith.select %le3A_286, %mul3A_276, %broadcast_in_dim3A_288 : vector<256x1536xi1>, vector<256x1536xf32>
    %reduce_max3A_290 = arith.constant dense<0xFF800000> : vector<256xf32>
    %reduce_max3A_291 = vector.multi_reduction <maximumf>, %select_n3A_289, %reduce_max3A_290 [1] : vector<256x1536xf32> to vector<256xf32>
    %broadcast_in_dim3A_292 = vector.shape_cast %reduce_max3A_291 : vector<256xf32> to vector<256x1xf32>
    %sub3A_293 = vector.broadcast %broadcast_in_dim3A_292 : vector<256x1xf32> to vector<256x1536xf32>
    %sub3A_294 = arith.subf %select_n3A_289, %sub3A_293 : vector<256x1536xf32>
    %exp3A_295 = math.exp %sub3A_294 : vector<256x1536xf32>
    %reduce_sum3A_296 = arith.constant dense<0.000000e+00> : vector<256xf32>
    %reduce_sum3A_297 = vector.multi_reduction <add>, %exp3A_295, %reduce_sum3A_296 [1] : vector<256x1536xf32> to vector<256xf32>
    %broadcast_in_dim3A_298 = vector.shape_cast %reduce_sum3A_297 : vector<256xf32> to vector<256x1xf32>
    %div3A_299 = vector.broadcast %broadcast_in_dim3A_298 : vector<256x1xf32> to vector<256x1536xf32>
    %div3A_300 = arith.divf %exp3A_295, %div3A_299 : vector<256x1536xf32>
    %get3A_301 = arith.constant 3 : index
    %get3A_302 = arith.constant 0 : index
    %get3A_303 = arith.constant 0 : index
    %get3A_304 = vector.load %arg3[%get3A_301, %get3A_302, %get3A_303] : memref<8x1536x64xf32, #tpu.memory_space<vmem>>, vector<1x1536x64xf32>
    %get3A_305 = vector.shape_cast %get3A_304 : vector<1x1536x64xf32> to vector<1536x64xf32>
    %dot_general3A_306 = arith.constant dense<0.000000e+00> : vector<256x64xf32>
    %dot_general3A_307 = tpu.matmul %div3A_300, %get3A_305, %dot_general3A_306 {dimension_numbers = #tpu.dot_dimension_numbers<[1], [0], [0], [1], [0, 0, 1, 1], [], []>, transpose_lhs_hint = false} : vector<256x1536xf32>, vector<1536x64xf32>, vector<256x64xf32> -> vector<256x64xf32>
    %get3A_308 = arith.constant 7 : index
    %get3A_309 = arith.constant 0 : index
    %get3A_310 = arith.constant 0 : index
    %get3A_311 = vector.load %arg1[%get3A_308, %get3A_309, %get3A_310] : memref<16x256x64xf32, #tpu.memory_space<vmem>>, vector<1x256x64xf32>
    %get3A_312 = vector.shape_cast %get3A_311 : vector<1x256x64xf32> to vector<256x64xf32>
    %get3A_313 = arith.constant 3 : index
    %get3A_314 = arith.constant 0 : index
    %get3A_315 = arith.constant 0 : index
    %get3A_316 = vector.load %arg2[%get3A_313, %get3A_314, %get3A_315] : memref<8x1536x64xf32, #tpu.memory_space<vmem>>, vector<1x1536x64xf32>
    %get3A_317 = vector.shape_cast %get3A_316 : vector<1x1536x64xf32> to vector<1536x64xf32>
    %dot_general3A_318 = arith.constant dense<0.000000e+00> : vector<256x1536xf32>
    %dot_general3A_319 = tpu.matmul %get3A_312, %get3A_317, %dot_general3A_318 {dimension_numbers = #tpu.dot_dimension_numbers<[1], [1], [0], [0], [0, 0, 1, 0], [], []>, transpose_lhs_hint = false} : vector<256x64xf32>, vector<1536x64xf32>, vector<256x1536xf32> -> vector<256x1536xf32>
    %mul3A_320 = arith.constant 1.250000e-01 : f32
    %mul3A_321 = vector.broadcast %mul3A_320 : f32 to vector<256x1536xf32>
    %mul3A_322 = arith.mulf %dot_general3A_319, %mul3A_321 : vector<256x1536xf32>
    %iota3A_323 = tpu.iota {dimensions = array<i32: 0>} : vector<256x1536xi32>
    %add3A_324 = arith.constant 1024 : i32
    %add3A_325 = vector.broadcast %add3A_324 : i32 to vector<256x1536xi32>
    %add3A_326 = arith.addi %iota3A_323, %add3A_325 : vector<256x1536xi32>
    %mul3A_327 = arith.constant 256 : i32
    %mul3A_328 = arith.muli %arg0, %mul3A_327 : i32
    %add3A_329 = vector.broadcast %mul3A_328 : i32 to vector<256x1536xi32>
    %add3A_330 = arith.addi %add3A_326, %add3A_329 : vector<256x1536xi32>
    %iota3A_331 = tpu.iota {dimensions = array<i32: 1>} : vector<256x1536xi32>
    %le3A_332 = arith.cmpi sle, %iota3A_331, %add3A_330 : vector<256x1536xi32>
    %jit3A_333 = arith.constant -1.000000e+30 : f32
    %broadcast_in_dim3A_334 = vector.broadcast %jit3A_333 : f32 to vector<256x1536xf32>
    %select_n3A_335 = arith.select %le3A_332, %mul3A_322, %broadcast_in_dim3A_334 : vector<256x1536xi1>, vector<256x1536xf32>
    %reduce_max3A_336 = arith.constant dense<0xFF800000> : vector<256xf32>
    %reduce_max3A_337 = vector.multi_reduction <maximumf>, %select_n3A_335, %reduce_max3A_336 [1] : vector<256x1536xf32> to vector<256xf32>
    %broadcast_in_dim3A_338 = vector.shape_cast %reduce_max3A_337 : vector<256xf32> to vector<256x1xf32>
    %sub3A_339 = vector.broadcast %broadcast_in_dim3A_338 : vector<256x1xf32> to vector<256x1536xf32>
    %sub3A_340 = arith.subf %select_n3A_335, %sub3A_339 : vector<256x1536xf32>
    %exp3A_341 = math.exp %sub3A_340 : vector<256x1536xf32>
    %reduce_sum3A_342 = arith.constant dense<0.000000e+00> : vector<256xf32>
    %reduce_sum3A_343 = vector.multi_reduction <add>, %exp3A_341, %reduce_sum3A_342 [1] : vector<256x1536xf32> to vector<256xf32>
    %broadcast_in_dim3A_344 = vector.shape_cast %reduce_sum3A_343 : vector<256xf32> to vector<256x1xf32>
    %div3A_345 = vector.broadcast %broadcast_in_dim3A_344 : vector<256x1xf32> to vector<256x1536xf32>
    %div3A_346 = arith.divf %exp3A_341, %div3A_345 : vector<256x1536xf32>
    %get3A_347 = arith.constant 3 : index
    %get3A_348 = arith.constant 0 : index
    %get3A_349 = arith.constant 0 : index
    %get3A_350 = vector.load %arg3[%get3A_347, %get3A_348, %get3A_349] : memref<8x1536x64xf32, #tpu.memory_space<vmem>>, vector<1x1536x64xf32>
    %get3A_351 = vector.shape_cast %get3A_350 : vector<1x1536x64xf32> to vector<1536x64xf32>
    %dot_general3A_352 = arith.constant dense<0.000000e+00> : vector<256x64xf32>
    %dot_general3A_353 = tpu.matmul %div3A_346, %get3A_351, %dot_general3A_352 {dimension_numbers = #tpu.dot_dimension_numbers<[1], [0], [0], [1], [0, 0, 1, 1], [], []>, transpose_lhs_hint = false} : vector<256x1536xf32>, vector<1536x64xf32>, vector<256x64xf32> -> vector<256x64xf32>
    %get3A_354 = arith.constant 8 : index
    %get3A_355 = arith.constant 0 : index
    %get3A_356 = arith.constant 0 : index
    %get3A_357 = vector.load %arg1[%get3A_354, %get3A_355, %get3A_356] : memref<16x256x64xf32, #tpu.memory_space<vmem>>, vector<1x256x64xf32>
    %get3A_358 = vector.shape_cast %get3A_357 : vector<1x256x64xf32> to vector<256x64xf32>
    %get3A_359 = arith.constant 4 : index
    %get3A_360 = arith.constant 0 : index
    %get3A_361 = arith.constant 0 : index
    %get3A_362 = vector.load %arg2[%get3A_359, %get3A_360, %get3A_361] : memref<8x1536x64xf32, #tpu.memory_space<vmem>>, vector<1x1536x64xf32>
    %get3A_363 = vector.shape_cast %get3A_362 : vector<1x1536x64xf32> to vector<1536x64xf32>
    %dot_general3A_364 = arith.constant dense<0.000000e+00> : vector<256x1536xf32>
    %dot_general3A_365 = tpu.matmul %get3A_358, %get3A_363, %dot_general3A_364 {dimension_numbers = #tpu.dot_dimension_numbers<[1], [1], [0], [0], [0, 0, 1, 0], [], []>, transpose_lhs_hint = false} : vector<256x64xf32>, vector<1536x64xf32>, vector<256x1536xf32> -> vector<256x1536xf32>
    %mul3A_366 = arith.constant 1.250000e-01 : f32
    %mul3A_367 = vector.broadcast %mul3A_366 : f32 to vector<256x1536xf32>
    %mul3A_368 = arith.mulf %dot_general3A_365, %mul3A_367 : vector<256x1536xf32>
    %iota3A_369 = tpu.iota {dimensions = array<i32: 0>} : vector<256x1536xi32>
    %add3A_370 = arith.constant 1024 : i32
    %add3A_371 = vector.broadcast %add3A_370 : i32 to vector<256x1536xi32>
    %add3A_372 = arith.addi %iota3A_369, %add3A_371 : vector<256x1536xi32>
    %mul3A_373 = arith.constant 256 : i32
    %mul3A_374 = arith.muli %arg0, %mul3A_373 : i32
    %add3A_375 = vector.broadcast %mul3A_374 : i32 to vector<256x1536xi32>
    %add3A_376 = arith.addi %add3A_372, %add3A_375 : vector<256x1536xi32>
    %iota3A_377 = tpu.iota {dimensions = array<i32: 1>} : vector<256x1536xi32>
    %le3A_378 = arith.cmpi sle, %iota3A_377, %add3A_376 : vector<256x1536xi32>
    %jit3A_379 = arith.constant -1.000000e+30 : f32
    %broadcast_in_dim3A_380 = vector.broadcast %jit3A_379 : f32 to vector<256x1536xf32>
    %select_n3A_381 = arith.select %le3A_378, %mul3A_368, %broadcast_in_dim3A_380 : vector<256x1536xi1>, vector<256x1536xf32>
    %reduce_max3A_382 = arith.constant dense<0xFF800000> : vector<256xf32>
    %reduce_max3A_383 = vector.multi_reduction <maximumf>, %select_n3A_381, %reduce_max3A_382 [1] : vector<256x1536xf32> to vector<256xf32>
    %broadcast_in_dim3A_384 = vector.shape_cast %reduce_max3A_383 : vector<256xf32> to vector<256x1xf32>
    %sub3A_385 = vector.broadcast %broadcast_in_dim3A_384 : vector<256x1xf32> to vector<256x1536xf32>
    %sub3A_386 = arith.subf %select_n3A_381, %sub3A_385 : vector<256x1536xf32>
    %exp3A_387 = math.exp %sub3A_386 : vector<256x1536xf32>
    %reduce_sum3A_388 = arith.constant dense<0.000000e+00> : vector<256xf32>
    %reduce_sum3A_389 = vector.multi_reduction <add>, %exp3A_387, %reduce_sum3A_388 [1] : vector<256x1536xf32> to vector<256xf32>
    %broadcast_in_dim3A_390 = vector.shape_cast %reduce_sum3A_389 : vector<256xf32> to vector<256x1xf32>
    %div3A_391 = vector.broadcast %broadcast_in_dim3A_390 : vector<256x1xf32> to vector<256x1536xf32>
    %div3A_392 = arith.divf %exp3A_387, %div3A_391 : vector<256x1536xf32>
    %get3A_393 = arith.constant 4 : index
    %get3A_394 = arith.constant 0 : index
    %get3A_395 = arith.constant 0 : index
    %get3A_396 = vector.load %arg3[%get3A_393, %get3A_394, %get3A_395] : memref<8x1536x64xf32, #tpu.memory_space<vmem>>, vector<1x1536x64xf32>
    %get3A_397 = vector.shape_cast %get3A_396 : vector<1x1536x64xf32> to vector<1536x64xf32>
    %dot_general3A_398 = arith.constant dense<0.000000e+00> : vector<256x64xf32>
    %dot_general3A_399 = tpu.matmul %div3A_392, %get3A_397, %dot_general3A_398 {dimension_numbers = #tpu.dot_dimension_numbers<[1], [0], [0], [1], [0, 0, 1, 1], [], []>, transpose_lhs_hint = false} : vector<256x1536xf32>, vector<1536x64xf32>, vector<256x64xf32> -> vector<256x64xf32>
    %get3A_400 = arith.constant 9 : index
    %get3A_401 = arith.constant 0 : index
    %get3A_402 = arith.constant 0 : index
    %get3A_403 = vector.load %arg1[%get3A_400, %get3A_401, %get3A_402] : memref<16x256x64xf32, #tpu.memory_space<vmem>>, vector<1x256x64xf32>
    %get3A_404 = vector.shape_cast %get3A_403 : vector<1x256x64xf32> to vector<256x64xf32>
    %get3A_405 = arith.constant 4 : index
    %get3A_406 = arith.constant 0 : index
    %get3A_407 = arith.constant 0 : index
    %get3A_408 = vector.load %arg2[%get3A_405, %get3A_406, %get3A_407] : memref<8x1536x64xf32, #tpu.memory_space<vmem>>, vector<1x1536x64xf32>
    %get3A_409 = vector.shape_cast %get3A_408 : vector<1x1536x64xf32> to vector<1536x64xf32>
    %dot_general3A_410 = arith.constant dense<0.000000e+00> : vector<256x1536xf32>
    %dot_general3A_411 = tpu.matmul %get3A_404, %get3A_409, %dot_general3A_410 {dimension_numbers = #tpu.dot_dimension_numbers<[1], [1], [0], [0], [0, 0, 1, 0], [], []>, transpose_lhs_hint = false} : vector<256x64xf32>, vector<1536x64xf32>, vector<256x1536xf32> -> vector<256x1536xf32>
    %mul3A_412 = arith.constant 1.250000e-01 : f32
    %mul3A_413 = vector.broadcast %mul3A_412 : f32 to vector<256x1536xf32>
    %mul3A_414 = arith.mulf %dot_general3A_411, %mul3A_413 : vector<256x1536xf32>
    %iota3A_415 = tpu.iota {dimensions = array<i32: 0>} : vector<256x1536xi32>
    %add3A_416 = arith.constant 1024 : i32
    %add3A_417 = vector.broadcast %add3A_416 : i32 to vector<256x1536xi32>
    %add3A_418 = arith.addi %iota3A_415, %add3A_417 : vector<256x1536xi32>
    %mul3A_419 = arith.constant 256 : i32
    %mul3A_420 = arith.muli %arg0, %mul3A_419 : i32
    %add3A_421 = vector.broadcast %mul3A_420 : i32 to vector<256x1536xi32>
    %add3A_422 = arith.addi %add3A_418, %add3A_421 : vector<256x1536xi32>
    %iota3A_423 = tpu.iota {dimensions = array<i32: 1>} : vector<256x1536xi32>
    %le3A_424 = arith.cmpi sle, %iota3A_423, %add3A_422 : vector<256x1536xi32>
    %jit3A_425 = arith.constant -1.000000e+30 : f32
    %broadcast_in_dim3A_426 = vector.broadcast %jit3A_425 : f32 to vector<256x1536xf32>
    %select_n3A_427 = arith.select %le3A_424, %mul3A_414, %broadcast_in_dim3A_426 : vector<256x1536xi1>, vector<256x1536xf32>
    %reduce_max3A_428 = arith.constant dense<0xFF800000> : vector<256xf32>
    %reduce_max3A_429 = vector.multi_reduction <maximumf>, %select_n3A_427, %reduce_max3A_428 [1] : vector<256x1536xf32> to vector<256xf32>
    %broadcast_in_dim3A_430 = vector.shape_cast %reduce_max3A_429 : vector<256xf32> to vector<256x1xf32>
    %sub3A_431 = vector.broadcast %broadcast_in_dim3A_430 : vector<256x1xf32> to vector<256x1536xf32>
    %sub3A_432 = arith.subf %select_n3A_427, %sub3A_431 : vector<256x1536xf32>
    %exp3A_433 = math.exp %sub3A_432 : vector<256x1536xf32>
    %reduce_sum3A_434 = arith.constant dense<0.000000e+00> : vector<256xf32>
    %reduce_sum3A_435 = vector.multi_reduction <add>, %exp3A_433, %reduce_sum3A_434 [1] : vector<256x1536xf32> to vector<256xf32>
    %broadcast_in_dim3A_436 = vector.shape_cast %reduce_sum3A_435 : vector<256xf32> to vector<256x1xf32>
    %div3A_437 = vector.broadcast %broadcast_in_dim3A_436 : vector<256x1xf32> to vector<256x1536xf32>
    %div3A_438 = arith.divf %exp3A_433, %div3A_437 : vector<256x1536xf32>
    %get3A_439 = arith.constant 4 : index
    %get3A_440 = arith.constant 0 : index
    %get3A_441 = arith.constant 0 : index
    %get3A_442 = vector.load %arg3[%get3A_439, %get3A_440, %get3A_441] : memref<8x1536x64xf32, #tpu.memory_space<vmem>>, vector<1x1536x64xf32>
    %get3A_443 = vector.shape_cast %get3A_442 : vector<1x1536x64xf32> to vector<1536x64xf32>
    %dot_general3A_444 = arith.constant dense<0.000000e+00> : vector<256x64xf32>
    %dot_general3A_445 = tpu.matmul %div3A_438, %get3A_443, %dot_general3A_444 {dimension_numbers = #tpu.dot_dimension_numbers<[1], [0], [0], [1], [0, 0, 1, 1], [], []>, transpose_lhs_hint = false} : vector<256x1536xf32>, vector<1536x64xf32>, vector<256x64xf32> -> vector<256x64xf32>
    %get3A_446 = arith.constant 10 : index
    %get3A_447 = arith.constant 0 : index
    %get3A_448 = arith.constant 0 : index
    %get3A_449 = vector.load %arg1[%get3A_446, %get3A_447, %get3A_448] : memref<16x256x64xf32, #tpu.memory_space<vmem>>, vector<1x256x64xf32>
    %get3A_450 = vector.shape_cast %get3A_449 : vector<1x256x64xf32> to vector<256x64xf32>
    %get3A_451 = arith.constant 5 : index
    %get3A_452 = arith.constant 0 : index
    %get3A_453 = arith.constant 0 : index
    %get3A_454 = vector.load %arg2[%get3A_451, %get3A_452, %get3A_453] : memref<8x1536x64xf32, #tpu.memory_space<vmem>>, vector<1x1536x64xf32>
    %get3A_455 = vector.shape_cast %get3A_454 : vector<1x1536x64xf32> to vector<1536x64xf32>
    %dot_general3A_456 = arith.constant dense<0.000000e+00> : vector<256x1536xf32>
    %dot_general3A_457 = tpu.matmul %get3A_450, %get3A_455, %dot_general3A_456 {dimension_numbers = #tpu.dot_dimension_numbers<[1], [1], [0], [0], [0, 0, 1, 0], [], []>, transpose_lhs_hint = false} : vector<256x64xf32>, vector<1536x64xf32>, vector<256x1536xf32> -> vector<256x1536xf32>
    %mul3A_458 = arith.constant 1.250000e-01 : f32
    %mul3A_459 = vector.broadcast %mul3A_458 : f32 to vector<256x1536xf32>
    %mul3A_460 = arith.mulf %dot_general3A_457, %mul3A_459 : vector<256x1536xf32>
    %iota3A_461 = tpu.iota {dimensions = array<i32: 0>} : vector<256x1536xi32>
    %add3A_462 = arith.constant 1024 : i32
    %add3A_463 = vector.broadcast %add3A_462 : i32 to vector<256x1536xi32>
    %add3A_464 = arith.addi %iota3A_461, %add3A_463 : vector<256x1536xi32>
    %mul3A_465 = arith.constant 256 : i32
    %mul3A_466 = arith.muli %arg0, %mul3A_465 : i32
    %add3A_467 = vector.broadcast %mul3A_466 : i32 to vector<256x1536xi32>
    %add3A_468 = arith.addi %add3A_464, %add3A_467 : vector<256x1536xi32>
    %iota3A_469 = tpu.iota {dimensions = array<i32: 1>} : vector<256x1536xi32>
    %le3A_470 = arith.cmpi sle, %iota3A_469, %add3A_468 : vector<256x1536xi32>
    %jit3A_471 = arith.constant -1.000000e+30 : f32
    %broadcast_in_dim3A_472 = vector.broadcast %jit3A_471 : f32 to vector<256x1536xf32>
    %select_n3A_473 = arith.select %le3A_470, %mul3A_460, %broadcast_in_dim3A_472 : vector<256x1536xi1>, vector<256x1536xf32>
    %reduce_max3A_474 = arith.constant dense<0xFF800000> : vector<256xf32>
    %reduce_max3A_475 = vector.multi_reduction <maximumf>, %select_n3A_473, %reduce_max3A_474 [1] : vector<256x1536xf32> to vector<256xf32>
    %broadcast_in_dim3A_476 = vector.shape_cast %reduce_max3A_475 : vector<256xf32> to vector<256x1xf32>
    %sub3A_477 = vector.broadcast %broadcast_in_dim3A_476 : vector<256x1xf32> to vector<256x1536xf32>
    %sub3A_478 = arith.subf %select_n3A_473, %sub3A_477 : vector<256x1536xf32>
    %exp3A_479 = math.exp %sub3A_478 : vector<256x1536xf32>
    %reduce_sum3A_480 = arith.constant dense<0.000000e+00> : vector<256xf32>
    %reduce_sum3A_481 = vector.multi_reduction <add>, %exp3A_479, %reduce_sum3A_480 [1] : vector<256x1536xf32> to vector<256xf32>
    %broadcast_in_dim3A_482 = vector.shape_cast %reduce_sum3A_481 : vector<256xf32> to vector<256x1xf32>
    %div3A_483 = vector.broadcast %broadcast_in_dim3A_482 : vector<256x1xf32> to vector<256x1536xf32>
    %div3A_484 = arith.divf %exp3A_479, %div3A_483 : vector<256x1536xf32>
    %get3A_485 = arith.constant 5 : index
    %get3A_486 = arith.constant 0 : index
    %get3A_487 = arith.constant 0 : index
    %get3A_488 = vector.load %arg3[%get3A_485, %get3A_486, %get3A_487] : memref<8x1536x64xf32, #tpu.memory_space<vmem>>, vector<1x1536x64xf32>
    %get3A_489 = vector.shape_cast %get3A_488 : vector<1x1536x64xf32> to vector<1536x64xf32>
    %dot_general3A_490 = arith.constant dense<0.000000e+00> : vector<256x64xf32>
    %dot_general3A_491 = tpu.matmul %div3A_484, %get3A_489, %dot_general3A_490 {dimension_numbers = #tpu.dot_dimension_numbers<[1], [0], [0], [1], [0, 0, 1, 1], [], []>, transpose_lhs_hint = false} : vector<256x1536xf32>, vector<1536x64xf32>, vector<256x64xf32> -> vector<256x64xf32>
    %get3A_492 = arith.constant 11 : index
    %get3A_493 = arith.constant 0 : index
    %get3A_494 = arith.constant 0 : index
    %get3A_495 = vector.load %arg1[%get3A_492, %get3A_493, %get3A_494] : memref<16x256x64xf32, #tpu.memory_space<vmem>>, vector<1x256x64xf32>
    %get3A_496 = vector.shape_cast %get3A_495 : vector<1x256x64xf32> to vector<256x64xf32>
    %get3A_497 = arith.constant 5 : index
    %get3A_498 = arith.constant 0 : index
    %get3A_499 = arith.constant 0 : index
    %get3A_500 = vector.load %arg2[%get3A_497, %get3A_498, %get3A_499] : memref<8x1536x64xf32, #tpu.memory_space<vmem>>, vector<1x1536x64xf32>
    %get3A_501 = vector.shape_cast %get3A_500 : vector<1x1536x64xf32> to vector<1536x64xf32>
    %dot_general3A_502 = arith.constant dense<0.000000e+00> : vector<256x1536xf32>
    %dot_general3A_503 = tpu.matmul %get3A_496, %get3A_501, %dot_general3A_502 {dimension_numbers = #tpu.dot_dimension_numbers<[1], [1], [0], [0], [0, 0, 1, 0], [], []>, transpose_lhs_hint = false} : vector<256x64xf32>, vector<1536x64xf32>, vector<256x1536xf32> -> vector<256x1536xf32>
    %mul3A_504 = arith.constant 1.250000e-01 : f32
    %mul3A_505 = vector.broadcast %mul3A_504 : f32 to vector<256x1536xf32>
    %mul3A_506 = arith.mulf %dot_general3A_503, %mul3A_505 : vector<256x1536xf32>
    %iota3A_507 = tpu.iota {dimensions = array<i32: 0>} : vector<256x1536xi32>
    %add3A_508 = arith.constant 1024 : i32
    %add3A_509 = vector.broadcast %add3A_508 : i32 to vector<256x1536xi32>
    %add3A_510 = arith.addi %iota3A_507, %add3A_509 : vector<256x1536xi32>
    %mul3A_511 = arith.constant 256 : i32
    %mul3A_512 = arith.muli %arg0, %mul3A_511 : i32
    %add3A_513 = vector.broadcast %mul3A_512 : i32 to vector<256x1536xi32>
    %add3A_514 = arith.addi %add3A_510, %add3A_513 : vector<256x1536xi32>
    %iota3A_515 = tpu.iota {dimensions = array<i32: 1>} : vector<256x1536xi32>
    %le3A_516 = arith.cmpi sle, %iota3A_515, %add3A_514 : vector<256x1536xi32>
    %jit3A_517 = arith.constant -1.000000e+30 : f32
    %broadcast_in_dim3A_518 = vector.broadcast %jit3A_517 : f32 to vector<256x1536xf32>
    %select_n3A_519 = arith.select %le3A_516, %mul3A_506, %broadcast_in_dim3A_518 : vector<256x1536xi1>, vector<256x1536xf32>
    %reduce_max3A_520 = arith.constant dense<0xFF800000> : vector<256xf32>
    %reduce_max3A_521 = vector.multi_reduction <maximumf>, %select_n3A_519, %reduce_max3A_520 [1] : vector<256x1536xf32> to vector<256xf32>
    %broadcast_in_dim3A_522 = vector.shape_cast %reduce_max3A_521 : vector<256xf32> to vector<256x1xf32>
    %sub3A_523 = vector.broadcast %broadcast_in_dim3A_522 : vector<256x1xf32> to vector<256x1536xf32>
    %sub3A_524 = arith.subf %select_n3A_519, %sub3A_523 : vector<256x1536xf32>
    %exp3A_525 = math.exp %sub3A_524 : vector<256x1536xf32>
    %reduce_sum3A_526 = arith.constant dense<0.000000e+00> : vector<256xf32>
    %reduce_sum3A_527 = vector.multi_reduction <add>, %exp3A_525, %reduce_sum3A_526 [1] : vector<256x1536xf32> to vector<256xf32>
    %broadcast_in_dim3A_528 = vector.shape_cast %reduce_sum3A_527 : vector<256xf32> to vector<256x1xf32>
    %div3A_529 = vector.broadcast %broadcast_in_dim3A_528 : vector<256x1xf32> to vector<256x1536xf32>
    %div3A_530 = arith.divf %exp3A_525, %div3A_529 : vector<256x1536xf32>
    %get3A_531 = arith.constant 5 : index
    %get3A_532 = arith.constant 0 : index
    %get3A_533 = arith.constant 0 : index
    %get3A_534 = vector.load %arg3[%get3A_531, %get3A_532, %get3A_533] : memref<8x1536x64xf32, #tpu.memory_space<vmem>>, vector<1x1536x64xf32>
    %get3A_535 = vector.shape_cast %get3A_534 : vector<1x1536x64xf32> to vector<1536x64xf32>
    %dot_general3A_536 = arith.constant dense<0.000000e+00> : vector<256x64xf32>
    %dot_general3A_537 = tpu.matmul %div3A_530, %get3A_535, %dot_general3A_536 {dimension_numbers = #tpu.dot_dimension_numbers<[1], [0], [0], [1], [0, 0, 1, 1], [], []>, transpose_lhs_hint = false} : vector<256x1536xf32>, vector<1536x64xf32>, vector<256x64xf32> -> vector<256x64xf32>
    %get3A_538 = arith.constant 12 : index
    %get3A_539 = arith.constant 0 : index
    %get3A_540 = arith.constant 0 : index
    %get3A_541 = vector.load %arg1[%get3A_538, %get3A_539, %get3A_540] : memref<16x256x64xf32, #tpu.memory_space<vmem>>, vector<1x256x64xf32>
    %get3A_542 = vector.shape_cast %get3A_541 : vector<1x256x64xf32> to vector<256x64xf32>
    %get3A_543 = arith.constant 6 : index
    %get3A_544 = arith.constant 0 : index
    %get3A_545 = arith.constant 0 : index
    %get3A_546 = vector.load %arg2[%get3A_543, %get3A_544, %get3A_545] : memref<8x1536x64xf32, #tpu.memory_space<vmem>>, vector<1x1536x64xf32>
    %get3A_547 = vector.shape_cast %get3A_546 : vector<1x1536x64xf32> to vector<1536x64xf32>
    %dot_general3A_548 = arith.constant dense<0.000000e+00> : vector<256x1536xf32>
    %dot_general3A_549 = tpu.matmul %get3A_542, %get3A_547, %dot_general3A_548 {dimension_numbers = #tpu.dot_dimension_numbers<[1], [1], [0], [0], [0, 0, 1, 0], [], []>, transpose_lhs_hint = false} : vector<256x64xf32>, vector<1536x64xf32>, vector<256x1536xf32> -> vector<256x1536xf32>
    %mul3A_550 = arith.constant 1.250000e-01 : f32
    %mul3A_551 = vector.broadcast %mul3A_550 : f32 to vector<256x1536xf32>
    %mul3A_552 = arith.mulf %dot_general3A_549, %mul3A_551 : vector<256x1536xf32>
    %iota3A_553 = tpu.iota {dimensions = array<i32: 0>} : vector<256x1536xi32>
    %add3A_554 = arith.constant 1024 : i32
    %add3A_555 = vector.broadcast %add3A_554 : i32 to vector<256x1536xi32>
    %add3A_556 = arith.addi %iota3A_553, %add3A_555 : vector<256x1536xi32>
    %mul3A_557 = arith.constant 256 : i32
    %mul3A_558 = arith.muli %arg0, %mul3A_557 : i32
    %add3A_559 = vector.broadcast %mul3A_558 : i32 to vector<256x1536xi32>
    %add3A_560 = arith.addi %add3A_556, %add3A_559 : vector<256x1536xi32>
    %iota3A_561 = tpu.iota {dimensions = array<i32: 1>} : vector<256x1536xi32>
    %le3A_562 = arith.cmpi sle, %iota3A_561, %add3A_560 : vector<256x1536xi32>
    %jit3A_563 = arith.constant -1.000000e+30 : f32
    %broadcast_in_dim3A_564 = vector.broadcast %jit3A_563 : f32 to vector<256x1536xf32>
    %select_n3A_565 = arith.select %le3A_562, %mul3A_552, %broadcast_in_dim3A_564 : vector<256x1536xi1>, vector<256x1536xf32>
    %reduce_max3A_566 = arith.constant dense<0xFF800000> : vector<256xf32>
    %reduce_max3A_567 = vector.multi_reduction <maximumf>, %select_n3A_565, %reduce_max3A_566 [1] : vector<256x1536xf32> to vector<256xf32>
    %broadcast_in_dim3A_568 = vector.shape_cast %reduce_max3A_567 : vector<256xf32> to vector<256x1xf32>
    %sub3A_569 = vector.broadcast %broadcast_in_dim3A_568 : vector<256x1xf32> to vector<256x1536xf32>
    %sub3A_570 = arith.subf %select_n3A_565, %sub3A_569 : vector<256x1536xf32>
    %exp3A_571 = math.exp %sub3A_570 : vector<256x1536xf32>
    %reduce_sum3A_572 = arith.constant dense<0.000000e+00> : vector<256xf32>
    %reduce_sum3A_573 = vector.multi_reduction <add>, %exp3A_571, %reduce_sum3A_572 [1] : vector<256x1536xf32> to vector<256xf32>
    %broadcast_in_dim3A_574 = vector.shape_cast %reduce_sum3A_573 : vector<256xf32> to vector<256x1xf32>
    %div3A_575 = vector.broadcast %broadcast_in_dim3A_574 : vector<256x1xf32> to vector<256x1536xf32>
    %div3A_576 = arith.divf %exp3A_571, %div3A_575 : vector<256x1536xf32>
    %get3A_577 = arith.constant 6 : index
    %get3A_578 = arith.constant 0 : index
    %get3A_579 = arith.constant 0 : index
    %get3A_580 = vector.load %arg3[%get3A_577, %get3A_578, %get3A_579] : memref<8x1536x64xf32, #tpu.memory_space<vmem>>, vector<1x1536x64xf32>
    %get3A_581 = vector.shape_cast %get3A_580 : vector<1x1536x64xf32> to vector<1536x64xf32>
    %dot_general3A_582 = arith.constant dense<0.000000e+00> : vector<256x64xf32>
    %dot_general3A_583 = tpu.matmul %div3A_576, %get3A_581, %dot_general3A_582 {dimension_numbers = #tpu.dot_dimension_numbers<[1], [0], [0], [1], [0, 0, 1, 1], [], []>, transpose_lhs_hint = false} : vector<256x1536xf32>, vector<1536x64xf32>, vector<256x64xf32> -> vector<256x64xf32>
    %get3A_584 = arith.constant 13 : index
    %get3A_585 = arith.constant 0 : index
    %get3A_586 = arith.constant 0 : index
    %get3A_587 = vector.load %arg1[%get3A_584, %get3A_585, %get3A_586] : memref<16x256x64xf32, #tpu.memory_space<vmem>>, vector<1x256x64xf32>
    %get3A_588 = vector.shape_cast %get3A_587 : vector<1x256x64xf32> to vector<256x64xf32>
    %get3A_589 = arith.constant 6 : index
    %get3A_590 = arith.constant 0 : index
    %get3A_591 = arith.constant 0 : index
    %get3A_592 = vector.load %arg2[%get3A_589, %get3A_590, %get3A_591] : memref<8x1536x64xf32, #tpu.memory_space<vmem>>, vector<1x1536x64xf32>
    %get3A_593 = vector.shape_cast %get3A_592 : vector<1x1536x64xf32> to vector<1536x64xf32>
    %dot_general3A_594 = arith.constant dense<0.000000e+00> : vector<256x1536xf32>
    %dot_general3A_595 = tpu.matmul %get3A_588, %get3A_593, %dot_general3A_594 {dimension_numbers = #tpu.dot_dimension_numbers<[1], [1], [0], [0], [0, 0, 1, 0], [], []>, transpose_lhs_hint = false} : vector<256x64xf32>, vector<1536x64xf32>, vector<256x1536xf32> -> vector<256x1536xf32>
    %mul3A_596 = arith.constant 1.250000e-01 : f32
    %mul3A_597 = vector.broadcast %mul3A_596 : f32 to vector<256x1536xf32>
    %mul3A_598 = arith.mulf %dot_general3A_595, %mul3A_597 : vector<256x1536xf32>
    %iota3A_599 = tpu.iota {dimensions = array<i32: 0>} : vector<256x1536xi32>
    %add3A_600 = arith.constant 1024 : i32
    %add3A_601 = vector.broadcast %add3A_600 : i32 to vector<256x1536xi32>
    %add3A_602 = arith.addi %iota3A_599, %add3A_601 : vector<256x1536xi32>
    %mul3A_603 = arith.constant 256 : i32
    %mul3A_604 = arith.muli %arg0, %mul3A_603 : i32
    %add3A_605 = vector.broadcast %mul3A_604 : i32 to vector<256x1536xi32>
    %add3A_606 = arith.addi %add3A_602, %add3A_605 : vector<256x1536xi32>
    %iota3A_607 = tpu.iota {dimensions = array<i32: 1>} : vector<256x1536xi32>
    %le3A_608 = arith.cmpi sle, %iota3A_607, %add3A_606 : vector<256x1536xi32>
    %jit3A_609 = arith.constant -1.000000e+30 : f32
    %broadcast_in_dim3A_610 = vector.broadcast %jit3A_609 : f32 to vector<256x1536xf32>
    %select_n3A_611 = arith.select %le3A_608, %mul3A_598, %broadcast_in_dim3A_610 : vector<256x1536xi1>, vector<256x1536xf32>
    %reduce_max3A_612 = arith.constant dense<0xFF800000> : vector<256xf32>
    %reduce_max3A_613 = vector.multi_reduction <maximumf>, %select_n3A_611, %reduce_max3A_612 [1] : vector<256x1536xf32> to vector<256xf32>
    %broadcast_in_dim3A_614 = vector.shape_cast %reduce_max3A_613 : vector<256xf32> to vector<256x1xf32>
    %sub3A_615 = vector.broadcast %broadcast_in_dim3A_614 : vector<256x1xf32> to vector<256x1536xf32>
    %sub3A_616 = arith.subf %select_n3A_611, %sub3A_615 : vector<256x1536xf32>
    %exp3A_617 = math.exp %sub3A_616 : vector<256x1536xf32>
    %reduce_sum3A_618 = arith.constant dense<0.000000e+00> : vector<256xf32>
    %reduce_sum3A_619 = vector.multi_reduction <add>, %exp3A_617, %reduce_sum3A_618 [1] : vector<256x1536xf32> to vector<256xf32>
    %broadcast_in_dim3A_620 = vector.shape_cast %reduce_sum3A_619 : vector<256xf32> to vector<256x1xf32>
    %div3A_621 = vector.broadcast %broadcast_in_dim3A_620 : vector<256x1xf32> to vector<256x1536xf32>
    %div3A_622 = arith.divf %exp3A_617, %div3A_621 : vector<256x1536xf32>
    %get3A_623 = arith.constant 6 : index
    %get3A_624 = arith.constant 0 : index
    %get3A_625 = arith.constant 0 : index
    %get3A_626 = vector.load %arg3[%get3A_623, %get3A_624, %get3A_625] : memref<8x1536x64xf32, #tpu.memory_space<vmem>>, vector<1x1536x64xf32>
    %get3A_627 = vector.shape_cast %get3A_626 : vector<1x1536x64xf32> to vector<1536x64xf32>
    %dot_general3A_628 = arith.constant dense<0.000000e+00> : vector<256x64xf32>
    %dot_general3A_629 = tpu.matmul %div3A_622, %get3A_627, %dot_general3A_628 {dimension_numbers = #tpu.dot_dimension_numbers<[1], [0], [0], [1], [0, 0, 1, 1], [], []>, transpose_lhs_hint = false} : vector<256x1536xf32>, vector<1536x64xf32>, vector<256x64xf32> -> vector<256x64xf32>
    %get3A_630 = arith.constant 14 : index
    %get3A_631 = arith.constant 0 : index
    %get3A_632 = arith.constant 0 : index
    %get3A_633 = vector.load %arg1[%get3A_630, %get3A_631, %get3A_632] : memref<16x256x64xf32, #tpu.memory_space<vmem>>, vector<1x256x64xf32>
    %get3A_634 = vector.shape_cast %get3A_633 : vector<1x256x64xf32> to vector<256x64xf32>
    %get3A_635 = arith.constant 7 : index
    %get3A_636 = arith.constant 0 : index
    %get3A_637 = arith.constant 0 : index
    %get3A_638 = vector.load %arg2[%get3A_635, %get3A_636, %get3A_637] : memref<8x1536x64xf32, #tpu.memory_space<vmem>>, vector<1x1536x64xf32>
    %get3A_639 = vector.shape_cast %get3A_638 : vector<1x1536x64xf32> to vector<1536x64xf32>
    %dot_general3A_640 = arith.constant dense<0.000000e+00> : vector<256x1536xf32>
    %dot_general3A_641 = tpu.matmul %get3A_634, %get3A_639, %dot_general3A_640 {dimension_numbers = #tpu.dot_dimension_numbers<[1], [1], [0], [0], [0, 0, 1, 0], [], []>, transpose_lhs_hint = false} : vector<256x64xf32>, vector<1536x64xf32>, vector<256x1536xf32> -> vector<256x1536xf32>
    %mul3A_642 = arith.constant 1.250000e-01 : f32
    %mul3A_643 = vector.broadcast %mul3A_642 : f32 to vector<256x1536xf32>
    %mul3A_644 = arith.mulf %dot_general3A_641, %mul3A_643 : vector<256x1536xf32>
    %iota3A_645 = tpu.iota {dimensions = array<i32: 0>} : vector<256x1536xi32>
    %add3A_646 = arith.constant 1024 : i32
    %add3A_647 = vector.broadcast %add3A_646 : i32 to vector<256x1536xi32>
    %add3A_648 = arith.addi %iota3A_645, %add3A_647 : vector<256x1536xi32>
    %mul3A_649 = arith.constant 256 : i32
    %mul3A_650 = arith.muli %arg0, %mul3A_649 : i32
    %add3A_651 = vector.broadcast %mul3A_650 : i32 to vector<256x1536xi32>
    %add3A_652 = arith.addi %add3A_648, %add3A_651 : vector<256x1536xi32>
    %iota3A_653 = tpu.iota {dimensions = array<i32: 1>} : vector<256x1536xi32>
    %le3A_654 = arith.cmpi sle, %iota3A_653, %add3A_652 : vector<256x1536xi32>
    %jit3A_655 = arith.constant -1.000000e+30 : f32
    %broadcast_in_dim3A_656 = vector.broadcast %jit3A_655 : f32 to vector<256x1536xf32>
    %select_n3A_657 = arith.select %le3A_654, %mul3A_644, %broadcast_in_dim3A_656 : vector<256x1536xi1>, vector<256x1536xf32>
    %reduce_max3A_658 = arith.constant dense<0xFF800000> : vector<256xf32>
    %reduce_max3A_659 = vector.multi_reduction <maximumf>, %select_n3A_657, %reduce_max3A_658 [1] : vector<256x1536xf32> to vector<256xf32>
    %broadcast_in_dim3A_660 = vector.shape_cast %reduce_max3A_659 : vector<256xf32> to vector<256x1xf32>
    %sub3A_661 = vector.broadcast %broadcast_in_dim3A_660 : vector<256x1xf32> to vector<256x1536xf32>
    %sub3A_662 = arith.subf %select_n3A_657, %sub3A_661 : vector<256x1536xf32>
    %exp3A_663 = math.exp %sub3A_662 : vector<256x1536xf32>
    %reduce_sum3A_664 = arith.constant dense<0.000000e+00> : vector<256xf32>
    %reduce_sum3A_665 = vector.multi_reduction <add>, %exp3A_663, %reduce_sum3A_664 [1] : vector<256x1536xf32> to vector<256xf32>
    %broadcast_in_dim3A_666 = vector.shape_cast %reduce_sum3A_665 : vector<256xf32> to vector<256x1xf32>
    %div3A_667 = vector.broadcast %broadcast_in_dim3A_666 : vector<256x1xf32> to vector<256x1536xf32>
    %div3A_668 = arith.divf %exp3A_663, %div3A_667 : vector<256x1536xf32>
    %get3A_669 = arith.constant 7 : index
    %get3A_670 = arith.constant 0 : index
    %get3A_671 = arith.constant 0 : index
    %get3A_672 = vector.load %arg3[%get3A_669, %get3A_670, %get3A_671] : memref<8x1536x64xf32, #tpu.memory_space<vmem>>, vector<1x1536x64xf32>
    %get3A_673 = vector.shape_cast %get3A_672 : vector<1x1536x64xf32> to vector<1536x64xf32>
    %dot_general3A_674 = arith.constant dense<0.000000e+00> : vector<256x64xf32>
    %dot_general3A_675 = tpu.matmul %div3A_668, %get3A_673, %dot_general3A_674 {dimension_numbers = #tpu.dot_dimension_numbers<[1], [0], [0], [1], [0, 0, 1, 1], [], []>, transpose_lhs_hint = false} : vector<256x1536xf32>, vector<1536x64xf32>, vector<256x64xf32> -> vector<256x64xf32>
    %get3A_676 = arith.constant 15 : index
    %get3A_677 = arith.constant 0 : index
    %get3A_678 = arith.constant 0 : index
    %get3A_679 = vector.load %arg1[%get3A_676, %get3A_677, %get3A_678] : memref<16x256x64xf32, #tpu.memory_space<vmem>>, vector<1x256x64xf32>
    %get3A_680 = vector.shape_cast %get3A_679 : vector<1x256x64xf32> to vector<256x64xf32>
    %get3A_681 = arith.constant 7 : index
    %get3A_682 = arith.constant 0 : index
    %get3A_683 = arith.constant 0 : index
    %get3A_684 = vector.load %arg2[%get3A_681, %get3A_682, %get3A_683] : memref<8x1536x64xf32, #tpu.memory_space<vmem>>, vector<1x1536x64xf32>
    %get3A_685 = vector.shape_cast %get3A_684 : vector<1x1536x64xf32> to vector<1536x64xf32>
    %dot_general3A_686 = arith.constant dense<0.000000e+00> : vector<256x1536xf32>
    %dot_general3A_687 = tpu.matmul %get3A_680, %get3A_685, %dot_general3A_686 {dimension_numbers = #tpu.dot_dimension_numbers<[1], [1], [0], [0], [0, 0, 1, 0], [], []>, transpose_lhs_hint = false} : vector<256x64xf32>, vector<1536x64xf32>, vector<256x1536xf32> -> vector<256x1536xf32>
    %mul3A_688 = arith.constant 1.250000e-01 : f32
    %mul3A_689 = vector.broadcast %mul3A_688 : f32 to vector<256x1536xf32>
    %mul3A_690 = arith.mulf %dot_general3A_687, %mul3A_689 : vector<256x1536xf32>
    %iota3A_691 = tpu.iota {dimensions = array<i32: 0>} : vector<256x1536xi32>
    %add3A_692 = arith.constant 1024 : i32
    %add3A_693 = vector.broadcast %add3A_692 : i32 to vector<256x1536xi32>
    %add3A_694 = arith.addi %iota3A_691, %add3A_693 : vector<256x1536xi32>
    %mul3A_695 = arith.constant 256 : i32
    %mul3A_696 = arith.muli %arg0, %mul3A_695 : i32
    %add3A_697 = vector.broadcast %mul3A_696 : i32 to vector<256x1536xi32>
    %add3A_698 = arith.addi %add3A_694, %add3A_697 : vector<256x1536xi32>
    %iota3A_699 = tpu.iota {dimensions = array<i32: 1>} : vector<256x1536xi32>
    %le3A_700 = arith.cmpi sle, %iota3A_699, %add3A_698 : vector<256x1536xi32>
    %jit3A_701 = arith.constant -1.000000e+30 : f32
    %broadcast_in_dim3A_702 = vector.broadcast %jit3A_701 : f32 to vector<256x1536xf32>
    %select_n3A_703 = arith.select %le3A_700, %mul3A_690, %broadcast_in_dim3A_702 : vector<256x1536xi1>, vector<256x1536xf32>
    %reduce_max3A_704 = arith.constant dense<0xFF800000> : vector<256xf32>
    %reduce_max3A_705 = vector.multi_reduction <maximumf>, %select_n3A_703, %reduce_max3A_704 [1] : vector<256x1536xf32> to vector<256xf32>
    %broadcast_in_dim3A_706 = vector.shape_cast %reduce_max3A_705 : vector<256xf32> to vector<256x1xf32>
    %sub3A_707 = vector.broadcast %broadcast_in_dim3A_706 : vector<256x1xf32> to vector<256x1536xf32>
    %sub3A_708 = arith.subf %select_n3A_703, %sub3A_707 : vector<256x1536xf32>
    %exp3A_709 = math.exp %sub3A_708 : vector<256x1536xf32>
    %reduce_sum3A_710 = arith.constant dense<0.000000e+00> : vector<256xf32>
    %reduce_sum3A_711 = vector.multi_reduction <add>, %exp3A_709, %reduce_sum3A_710 [1] : vector<256x1536xf32> to vector<256xf32>
    %broadcast_in_dim3A_712 = vector.shape_cast %reduce_sum3A_711 : vector<256xf32> to vector<256x1xf32>
    %div3A_713 = vector.broadcast %broadcast_in_dim3A_712 : vector<256x1xf32> to vector<256x1536xf32>
    %div3A_714 = arith.divf %exp3A_709, %div3A_713 : vector<256x1536xf32>
    %get3A_715 = arith.constant 7 : index
    %get3A_716 = arith.constant 0 : index
    %get3A_717 = arith.constant 0 : index
    %get3A_718 = vector.load %arg3[%get3A_715, %get3A_716, %get3A_717] : memref<8x1536x64xf32, #tpu.memory_space<vmem>>, vector<1x1536x64xf32>
    %get3A_719 = vector.shape_cast %get3A_718 : vector<1x1536x64xf32> to vector<1536x64xf32>
    %dot_general3A_720 = arith.constant dense<0.000000e+00> : vector<256x64xf32>
    %dot_general3A_721 = tpu.matmul %div3A_714, %get3A_719, %dot_general3A_720 {dimension_numbers = #tpu.dot_dimension_numbers<[1], [0], [0], [1], [0, 0, 1, 1], [], []>, transpose_lhs_hint = false} : vector<256x1536xf32>, vector<1536x64xf32>, vector<256x64xf32> -> vector<256x64xf32>
    %concatenate3A = tpu.concatenate %dot_general3A_31, %dot_general3A_77, %dot_general3A_123, %dot_general3A_169, %dot_general3A_215, %dot_general3A_261, %dot_general3A_307, %dot_general3A_353, %dot_general3A_399, %dot_general3A_445, %dot_general3A_491, %dot_general3A_537, %dot_general3A_583, %dot_general3A_629, %dot_general3A_675, %dot_general3A_721 in 1 : vector<256x64xf32>, vector<256x64xf32>, vector<256x64xf32>, vector<256x64xf32>, vector<256x64xf32>, vector<256x64xf32>, vector<256x64xf32>, vector<256x64xf32>, vector<256x64xf32>, vector<256x64xf32>, vector<256x64xf32>, vector<256x64xf32>, vector<256x64xf32>, vector<256x64xf32>, vector<256x64xf32>, vector<256x64xf32> -> vector<256x1024xf32>
    %swap3A = arith.constant 0 : index
    %swap3A_722 = arith.constant 0 : index
    %swap3A_723 = vector.load %arg4[%swap3A, %swap3A_722] : memref<256x1024xf32, #tpu.memory_space<vmem>>, vector<256x1024xf32>
    tpu.vector_store %arg4[%swap3A, %swap3A_722], %concatenate3A {strides = array<i32>} : memref<256x1024xf32, #tpu.memory_space<vmem>>, vector<256x1024xf32>,
    return
  }
  func.func @transform_0(%arg0: i32) -> (i32, i32, i32) {
    %c0_i32 = arith.constant 0 : i32
    %c0_i32_0 = arith.constant 0 : i32
    %c0_i32_1 = arith.constant 0 : i32
    return %c0_i32, %arg0, %c0_i32_0 : i32, i32, i32
  }
  func.func @transform_1(%arg0: i32) -> (i32, i32, i32) {
    %c0_i32 = arith.constant 0 : i32
    %c0_i32_0 = arith.constant 0 : i32
    %c0_i32_1 = arith.constant 0 : i32
    %c0_i32_2 = arith.constant 0 : i32
    return %c0_i32, %c0_i32_0, %c0_i32_1 : i32, i32, i32
  }
  func.func @transform_2(%arg0: i32) -> (i32, i32, i32) {
    %c0_i32 = arith.constant 0 : i32
    %c0_i32_0 = arith.constant 0 : i32
    %c0_i32_1 = arith.constant 0 : i32
    %c0_i32_2 = arith.constant 0 : i32
    return %c0_i32, %c0_i32_0, %c0_i32_1 : i32, i32, i32
  }
  func.func @transform_3(%arg0: i32) -> (i32, i32) {
    %c0_i32 = arith.constant 0 : i32
    %c0_i32_0 = arith.constant 0 : i32
    return %arg0, %c0_i32 : i32, i32
  }
}

module attributes {stable_mosaic.version = 14 : i64} {
  func.func @_attn_body(%arg0: i32, %arg1: memref<16x256x64xf32, #tpu.memory_space<vmem>>, %arg2: memref<8x1024x64xf32, #tpu.memory_space<vmem>>, %arg3: memref<8x1024x64xf32, #tpu.memory_space<vmem>>, %arg4: memref<256x1024xf32, #tpu.memory_space<vmem>>) attributes {dimension_semantics = [#tpu.dimension_semantics<arbitrary>], iteration_bounds = array<i64: 2>, scalar_prefetch = 0 : i64, scratch_operands = 0 : i64, tpu.core_type = #tpu.core_type<tc>, window_params = [{transform_indices = @transform_0, window_bounds = array<i64: 16, 256, 64>}, {transform_indices = @transform_1, window_bounds = array<i64: 8, 1024, 64>}, {transform_indices = @transform_2, window_bounds = array<i64: 8, 1024, 64>}, {transform_indices = @transform_3, window_bounds = array<i64: 256, 1024>}]} {
    %get3A = arith.constant 0 : index
    %get3A_0 = arith.constant 0 : index
    %get3A_1 = arith.constant 0 : index
    %get3A_2 = vector.load %arg1[%get3A, %get3A_0, %get3A_1] : memref<16x256x64xf32, #tpu.memory_space<vmem>>, vector<1x256x64xf32>
    %get3A_3 = vector.shape_cast %get3A_2 : vector<1x256x64xf32> to vector<256x64xf32>
    %get3A_4 = arith.constant 0 : index
    %get3A_5 = arith.constant 0 : index
    %get3A_6 = arith.constant 0 : index
    %get3A_7 = vector.load %arg2[%get3A_4, %get3A_5, %get3A_6] : memref<8x1024x64xf32, #tpu.memory_space<vmem>>, vector<1x1024x64xf32>
    %get3A_8 = vector.shape_cast %get3A_7 : vector<1x1024x64xf32> to vector<1024x64xf32>
    %dot_general3A = arith.constant dense<0.000000e+00> : vector<256x1024xf32>
    %dot_general3A_9 = tpu.matmul %get3A_3, %get3A_8, %dot_general3A {dimension_numbers = #tpu.dot_dimension_numbers<[1], [1], [0], [0], [0, 0, 1, 0], [], []>, transpose_lhs_hint = false} : vector<256x64xf32>, vector<1024x64xf32>, vector<256x1024xf32> -> vector<256x1024xf32>
    %mul3A = arith.constant 1.250000e-01 : f32
    %mul3A_10 = vector.broadcast %mul3A : f32 to vector<256x1024xf32>
    %mul3A_11 = arith.mulf %dot_general3A_9, %mul3A_10 : vector<256x1024xf32>
    %iota3A = tpu.iota {dimensions = array<i32: 0>} : vector<256x1024xi32>
    %add3A = arith.constant 512 : i32
    %add3A_12 = vector.broadcast %add3A : i32 to vector<256x1024xi32>
    %add3A_13 = arith.addi %iota3A, %add3A_12 : vector<256x1024xi32>
    %mul3A_14 = arith.constant 256 : i32
    %mul3A_15 = arith.muli %arg0, %mul3A_14 : i32
    %add3A_16 = vector.broadcast %mul3A_15 : i32 to vector<256x1024xi32>
    %add3A_17 = arith.addi %add3A_13, %add3A_16 : vector<256x1024xi32>
    %iota3A_18 = tpu.iota {dimensions = array<i32: 1>} : vector<256x1024xi32>
    %le3A = arith.cmpi sle, %iota3A_18, %add3A_17 : vector<256x1024xi32>
    %jit3A = arith.constant -1.000000e+30 : f32
    %broadcast_in_dim3A = vector.broadcast %jit3A : f32 to vector<256x1024xf32>
    %select_n3A = arith.select %le3A, %mul3A_11, %broadcast_in_dim3A : vector<256x1024xi1>, vector<256x1024xf32>
    %reduce_max3A = arith.constant dense<0xFF800000> : vector<256xf32>
    %reduce_max3A_19 = vector.multi_reduction <maximumf>, %select_n3A, %reduce_max3A [1] : vector<256x1024xf32> to vector<256xf32>
    %broadcast_in_dim3A_20 = vector.shape_cast %reduce_max3A_19 : vector<256xf32> to vector<256x1xf32>
    %sub3A = vector.broadcast %broadcast_in_dim3A_20 : vector<256x1xf32> to vector<256x1024xf32>
    %sub3A_21 = arith.subf %select_n3A, %sub3A : vector<256x1024xf32>
    %exp3A = math.exp %sub3A_21 : vector<256x1024xf32>
    %reduce_sum3A = arith.constant dense<0.000000e+00> : vector<256xf32>
    %reduce_sum3A_22 = vector.multi_reduction <add>, %exp3A, %reduce_sum3A [1] : vector<256x1024xf32> to vector<256xf32>
    %broadcast_in_dim3A_23 = vector.shape_cast %reduce_sum3A_22 : vector<256xf32> to vector<256x1xf32>
    %div3A = vector.broadcast %broadcast_in_dim3A_23 : vector<256x1xf32> to vector<256x1024xf32>
    %div3A_24 = arith.divf %exp3A, %div3A : vector<256x1024xf32>
    %get3A_25 = arith.constant 0 : index
    %get3A_26 = arith.constant 0 : index
    %get3A_27 = arith.constant 0 : index
    %get3A_28 = vector.load %arg3[%get3A_25, %get3A_26, %get3A_27] : memref<8x1024x64xf32, #tpu.memory_space<vmem>>, vector<1x1024x64xf32>
    %get3A_29 = vector.shape_cast %get3A_28 : vector<1x1024x64xf32> to vector<1024x64xf32>
    %dot_general3A_30 = arith.constant dense<0.000000e+00> : vector<256x64xf32>
    %dot_general3A_31 = tpu.matmul %div3A_24, %get3A_29, %dot_general3A_30 {dimension_numbers = #tpu.dot_dimension_numbers<[1], [0], [0], [1], [0, 0, 1, 1], [], []>, transpose_lhs_hint = false} : vector<256x1024xf32>, vector<1024x64xf32>, vector<256x64xf32> -> vector<256x64xf32>
    %get3A_32 = arith.constant 1 : index
    %get3A_33 = arith.constant 0 : index
    %get3A_34 = arith.constant 0 : index
    %get3A_35 = vector.load %arg1[%get3A_32, %get3A_33, %get3A_34] : memref<16x256x64xf32, #tpu.memory_space<vmem>>, vector<1x256x64xf32>
    %get3A_36 = vector.shape_cast %get3A_35 : vector<1x256x64xf32> to vector<256x64xf32>
    %get3A_37 = arith.constant 0 : index
    %get3A_38 = arith.constant 0 : index
    %get3A_39 = arith.constant 0 : index
    %get3A_40 = vector.load %arg2[%get3A_37, %get3A_38, %get3A_39] : memref<8x1024x64xf32, #tpu.memory_space<vmem>>, vector<1x1024x64xf32>
    %get3A_41 = vector.shape_cast %get3A_40 : vector<1x1024x64xf32> to vector<1024x64xf32>
    %dot_general3A_42 = arith.constant dense<0.000000e+00> : vector<256x1024xf32>
    %dot_general3A_43 = tpu.matmul %get3A_36, %get3A_41, %dot_general3A_42 {dimension_numbers = #tpu.dot_dimension_numbers<[1], [1], [0], [0], [0, 0, 1, 0], [], []>, transpose_lhs_hint = false} : vector<256x64xf32>, vector<1024x64xf32>, vector<256x1024xf32> -> vector<256x1024xf32>
    %mul3A_44 = arith.constant 1.250000e-01 : f32
    %mul3A_45 = vector.broadcast %mul3A_44 : f32 to vector<256x1024xf32>
    %mul3A_46 = arith.mulf %dot_general3A_43, %mul3A_45 : vector<256x1024xf32>
    %iota3A_47 = tpu.iota {dimensions = array<i32: 0>} : vector<256x1024xi32>
    %add3A_48 = arith.constant 512 : i32
    %add3A_49 = vector.broadcast %add3A_48 : i32 to vector<256x1024xi32>
    %add3A_50 = arith.addi %iota3A_47, %add3A_49 : vector<256x1024xi32>
    %mul3A_51 = arith.constant 256 : i32
    %mul3A_52 = arith.muli %arg0, %mul3A_51 : i32
    %add3A_53 = vector.broadcast %mul3A_52 : i32 to vector<256x1024xi32>
    %add3A_54 = arith.addi %add3A_50, %add3A_53 : vector<256x1024xi32>
    %iota3A_55 = tpu.iota {dimensions = array<i32: 1>} : vector<256x1024xi32>
    %le3A_56 = arith.cmpi sle, %iota3A_55, %add3A_54 : vector<256x1024xi32>
    %jit3A_57 = arith.constant -1.000000e+30 : f32
    %broadcast_in_dim3A_58 = vector.broadcast %jit3A_57 : f32 to vector<256x1024xf32>
    %select_n3A_59 = arith.select %le3A_56, %mul3A_46, %broadcast_in_dim3A_58 : vector<256x1024xi1>, vector<256x1024xf32>
    %reduce_max3A_60 = arith.constant dense<0xFF800000> : vector<256xf32>
    %reduce_max3A_61 = vector.multi_reduction <maximumf>, %select_n3A_59, %reduce_max3A_60 [1] : vector<256x1024xf32> to vector<256xf32>
    %broadcast_in_dim3A_62 = vector.shape_cast %reduce_max3A_61 : vector<256xf32> to vector<256x1xf32>
    %sub3A_63 = vector.broadcast %broadcast_in_dim3A_62 : vector<256x1xf32> to vector<256x1024xf32>
    %sub3A_64 = arith.subf %select_n3A_59, %sub3A_63 : vector<256x1024xf32>
    %exp3A_65 = math.exp %sub3A_64 : vector<256x1024xf32>
    %reduce_sum3A_66 = arith.constant dense<0.000000e+00> : vector<256xf32>
    %reduce_sum3A_67 = vector.multi_reduction <add>, %exp3A_65, %reduce_sum3A_66 [1] : vector<256x1024xf32> to vector<256xf32>
    %broadcast_in_dim3A_68 = vector.shape_cast %reduce_sum3A_67 : vector<256xf32> to vector<256x1xf32>
    %div3A_69 = vector.broadcast %broadcast_in_dim3A_68 : vector<256x1xf32> to vector<256x1024xf32>
    %div3A_70 = arith.divf %exp3A_65, %div3A_69 : vector<256x1024xf32>
    %get3A_71 = arith.constant 0 : index
    %get3A_72 = arith.constant 0 : index
    %get3A_73 = arith.constant 0 : index
    %get3A_74 = vector.load %arg3[%get3A_71, %get3A_72, %get3A_73] : memref<8x1024x64xf32, #tpu.memory_space<vmem>>, vector<1x1024x64xf32>
    %get3A_75 = vector.shape_cast %get3A_74 : vector<1x1024x64xf32> to vector<1024x64xf32>
    %dot_general3A_76 = arith.constant dense<0.000000e+00> : vector<256x64xf32>
    %dot_general3A_77 = tpu.matmul %div3A_70, %get3A_75, %dot_general3A_76 {dimension_numbers = #tpu.dot_dimension_numbers<[1], [0], [0], [1], [0, 0, 1, 1], [], []>, transpose_lhs_hint = false} : vector<256x1024xf32>, vector<1024x64xf32>, vector<256x64xf32> -> vector<256x64xf32>
    %get3A_78 = arith.constant 2 : index
    %get3A_79 = arith.constant 0 : index
    %get3A_80 = arith.constant 0 : index
    %get3A_81 = vector.load %arg1[%get3A_78, %get3A_79, %get3A_80] : memref<16x256x64xf32, #tpu.memory_space<vmem>>, vector<1x256x64xf32>
    %get3A_82 = vector.shape_cast %get3A_81 : vector<1x256x64xf32> to vector<256x64xf32>
    %get3A_83 = arith.constant 1 : index
    %get3A_84 = arith.constant 0 : index
    %get3A_85 = arith.constant 0 : index
    %get3A_86 = vector.load %arg2[%get3A_83, %get3A_84, %get3A_85] : memref<8x1024x64xf32, #tpu.memory_space<vmem>>, vector<1x1024x64xf32>
    %get3A_87 = vector.shape_cast %get3A_86 : vector<1x1024x64xf32> to vector<1024x64xf32>
    %dot_general3A_88 = arith.constant dense<0.000000e+00> : vector<256x1024xf32>
    %dot_general3A_89 = tpu.matmul %get3A_82, %get3A_87, %dot_general3A_88 {dimension_numbers = #tpu.dot_dimension_numbers<[1], [1], [0], [0], [0, 0, 1, 0], [], []>, transpose_lhs_hint = false} : vector<256x64xf32>, vector<1024x64xf32>, vector<256x1024xf32> -> vector<256x1024xf32>
    %mul3A_90 = arith.constant 1.250000e-01 : f32
    %mul3A_91 = vector.broadcast %mul3A_90 : f32 to vector<256x1024xf32>
    %mul3A_92 = arith.mulf %dot_general3A_89, %mul3A_91 : vector<256x1024xf32>
    %iota3A_93 = tpu.iota {dimensions = array<i32: 0>} : vector<256x1024xi32>
    %add3A_94 = arith.constant 512 : i32
    %add3A_95 = vector.broadcast %add3A_94 : i32 to vector<256x1024xi32>
    %add3A_96 = arith.addi %iota3A_93, %add3A_95 : vector<256x1024xi32>
    %mul3A_97 = arith.constant 256 : i32
    %mul3A_98 = arith.muli %arg0, %mul3A_97 : i32
    %add3A_99 = vector.broadcast %mul3A_98 : i32 to vector<256x1024xi32>
    %add3A_100 = arith.addi %add3A_96, %add3A_99 : vector<256x1024xi32>
    %iota3A_101 = tpu.iota {dimensions = array<i32: 1>} : vector<256x1024xi32>
    %le3A_102 = arith.cmpi sle, %iota3A_101, %add3A_100 : vector<256x1024xi32>
    %jit3A_103 = arith.constant -1.000000e+30 : f32
    %broadcast_in_dim3A_104 = vector.broadcast %jit3A_103 : f32 to vector<256x1024xf32>
    %select_n3A_105 = arith.select %le3A_102, %mul3A_92, %broadcast_in_dim3A_104 : vector<256x1024xi1>, vector<256x1024xf32>
    %reduce_max3A_106 = arith.constant dense<0xFF800000> : vector<256xf32>
    %reduce_max3A_107 = vector.multi_reduction <maximumf>, %select_n3A_105, %reduce_max3A_106 [1] : vector<256x1024xf32> to vector<256xf32>
    %broadcast_in_dim3A_108 = vector.shape_cast %reduce_max3A_107 : vector<256xf32> to vector<256x1xf32>
    %sub3A_109 = vector.broadcast %broadcast_in_dim3A_108 : vector<256x1xf32> to vector<256x1024xf32>
    %sub3A_110 = arith.subf %select_n3A_105, %sub3A_109 : vector<256x1024xf32>
    %exp3A_111 = math.exp %sub3A_110 : vector<256x1024xf32>
    %reduce_sum3A_112 = arith.constant dense<0.000000e+00> : vector<256xf32>
    %reduce_sum3A_113 = vector.multi_reduction <add>, %exp3A_111, %reduce_sum3A_112 [1] : vector<256x1024xf32> to vector<256xf32>
    %broadcast_in_dim3A_114 = vector.shape_cast %reduce_sum3A_113 : vector<256xf32> to vector<256x1xf32>
    %div3A_115 = vector.broadcast %broadcast_in_dim3A_114 : vector<256x1xf32> to vector<256x1024xf32>
    %div3A_116 = arith.divf %exp3A_111, %div3A_115 : vector<256x1024xf32>
    %get3A_117 = arith.constant 1 : index
    %get3A_118 = arith.constant 0 : index
    %get3A_119 = arith.constant 0 : index
    %get3A_120 = vector.load %arg3[%get3A_117, %get3A_118, %get3A_119] : memref<8x1024x64xf32, #tpu.memory_space<vmem>>, vector<1x1024x64xf32>
    %get3A_121 = vector.shape_cast %get3A_120 : vector<1x1024x64xf32> to vector<1024x64xf32>
    %dot_general3A_122 = arith.constant dense<0.000000e+00> : vector<256x64xf32>
    %dot_general3A_123 = tpu.matmul %div3A_116, %get3A_121, %dot_general3A_122 {dimension_numbers = #tpu.dot_dimension_numbers<[1], [0], [0], [1], [0, 0, 1, 1], [], []>, transpose_lhs_hint = false} : vector<256x1024xf32>, vector<1024x64xf32>, vector<256x64xf32> -> vector<256x64xf32>
    %get3A_124 = arith.constant 3 : index
    %get3A_125 = arith.constant 0 : index
    %get3A_126 = arith.constant 0 : index
    %get3A_127 = vector.load %arg1[%get3A_124, %get3A_125, %get3A_126] : memref<16x256x64xf32, #tpu.memory_space<vmem>>, vector<1x256x64xf32>
    %get3A_128 = vector.shape_cast %get3A_127 : vector<1x256x64xf32> to vector<256x64xf32>
    %get3A_129 = arith.constant 1 : index
    %get3A_130 = arith.constant 0 : index
    %get3A_131 = arith.constant 0 : index
    %get3A_132 = vector.load %arg2[%get3A_129, %get3A_130, %get3A_131] : memref<8x1024x64xf32, #tpu.memory_space<vmem>>, vector<1x1024x64xf32>
    %get3A_133 = vector.shape_cast %get3A_132 : vector<1x1024x64xf32> to vector<1024x64xf32>
    %dot_general3A_134 = arith.constant dense<0.000000e+00> : vector<256x1024xf32>
    %dot_general3A_135 = tpu.matmul %get3A_128, %get3A_133, %dot_general3A_134 {dimension_numbers = #tpu.dot_dimension_numbers<[1], [1], [0], [0], [0, 0, 1, 0], [], []>, transpose_lhs_hint = false} : vector<256x64xf32>, vector<1024x64xf32>, vector<256x1024xf32> -> vector<256x1024xf32>
    %mul3A_136 = arith.constant 1.250000e-01 : f32
    %mul3A_137 = vector.broadcast %mul3A_136 : f32 to vector<256x1024xf32>
    %mul3A_138 = arith.mulf %dot_general3A_135, %mul3A_137 : vector<256x1024xf32>
    %iota3A_139 = tpu.iota {dimensions = array<i32: 0>} : vector<256x1024xi32>
    %add3A_140 = arith.constant 512 : i32
    %add3A_141 = vector.broadcast %add3A_140 : i32 to vector<256x1024xi32>
    %add3A_142 = arith.addi %iota3A_139, %add3A_141 : vector<256x1024xi32>
    %mul3A_143 = arith.constant 256 : i32
    %mul3A_144 = arith.muli %arg0, %mul3A_143 : i32
    %add3A_145 = vector.broadcast %mul3A_144 : i32 to vector<256x1024xi32>
    %add3A_146 = arith.addi %add3A_142, %add3A_145 : vector<256x1024xi32>
    %iota3A_147 = tpu.iota {dimensions = array<i32: 1>} : vector<256x1024xi32>
    %le3A_148 = arith.cmpi sle, %iota3A_147, %add3A_146 : vector<256x1024xi32>
    %jit3A_149 = arith.constant -1.000000e+30 : f32
    %broadcast_in_dim3A_150 = vector.broadcast %jit3A_149 : f32 to vector<256x1024xf32>
    %select_n3A_151 = arith.select %le3A_148, %mul3A_138, %broadcast_in_dim3A_150 : vector<256x1024xi1>, vector<256x1024xf32>
    %reduce_max3A_152 = arith.constant dense<0xFF800000> : vector<256xf32>
    %reduce_max3A_153 = vector.multi_reduction <maximumf>, %select_n3A_151, %reduce_max3A_152 [1] : vector<256x1024xf32> to vector<256xf32>
    %broadcast_in_dim3A_154 = vector.shape_cast %reduce_max3A_153 : vector<256xf32> to vector<256x1xf32>
    %sub3A_155 = vector.broadcast %broadcast_in_dim3A_154 : vector<256x1xf32> to vector<256x1024xf32>
    %sub3A_156 = arith.subf %select_n3A_151, %sub3A_155 : vector<256x1024xf32>
    %exp3A_157 = math.exp %sub3A_156 : vector<256x1024xf32>
    %reduce_sum3A_158 = arith.constant dense<0.000000e+00> : vector<256xf32>
    %reduce_sum3A_159 = vector.multi_reduction <add>, %exp3A_157, %reduce_sum3A_158 [1] : vector<256x1024xf32> to vector<256xf32>
    %broadcast_in_dim3A_160 = vector.shape_cast %reduce_sum3A_159 : vector<256xf32> to vector<256x1xf32>
    %div3A_161 = vector.broadcast %broadcast_in_dim3A_160 : vector<256x1xf32> to vector<256x1024xf32>
    %div3A_162 = arith.divf %exp3A_157, %div3A_161 : vector<256x1024xf32>
    %get3A_163 = arith.constant 1 : index
    %get3A_164 = arith.constant 0 : index
    %get3A_165 = arith.constant 0 : index
    %get3A_166 = vector.load %arg3[%get3A_163, %get3A_164, %get3A_165] : memref<8x1024x64xf32, #tpu.memory_space<vmem>>, vector<1x1024x64xf32>
    %get3A_167 = vector.shape_cast %get3A_166 : vector<1x1024x64xf32> to vector<1024x64xf32>
    %dot_general3A_168 = arith.constant dense<0.000000e+00> : vector<256x64xf32>
    %dot_general3A_169 = tpu.matmul %div3A_162, %get3A_167, %dot_general3A_168 {dimension_numbers = #tpu.dot_dimension_numbers<[1], [0], [0], [1], [0, 0, 1, 1], [], []>, transpose_lhs_hint = false} : vector<256x1024xf32>, vector<1024x64xf32>, vector<256x64xf32> -> vector<256x64xf32>
    %get3A_170 = arith.constant 4 : index
    %get3A_171 = arith.constant 0 : index
    %get3A_172 = arith.constant 0 : index
    %get3A_173 = vector.load %arg1[%get3A_170, %get3A_171, %get3A_172] : memref<16x256x64xf32, #tpu.memory_space<vmem>>, vector<1x256x64xf32>
    %get3A_174 = vector.shape_cast %get3A_173 : vector<1x256x64xf32> to vector<256x64xf32>
    %get3A_175 = arith.constant 2 : index
    %get3A_176 = arith.constant 0 : index
    %get3A_177 = arith.constant 0 : index
    %get3A_178 = vector.load %arg2[%get3A_175, %get3A_176, %get3A_177] : memref<8x1024x64xf32, #tpu.memory_space<vmem>>, vector<1x1024x64xf32>
    %get3A_179 = vector.shape_cast %get3A_178 : vector<1x1024x64xf32> to vector<1024x64xf32>
    %dot_general3A_180 = arith.constant dense<0.000000e+00> : vector<256x1024xf32>
    %dot_general3A_181 = tpu.matmul %get3A_174, %get3A_179, %dot_general3A_180 {dimension_numbers = #tpu.dot_dimension_numbers<[1], [1], [0], [0], [0, 0, 1, 0], [], []>, transpose_lhs_hint = false} : vector<256x64xf32>, vector<1024x64xf32>, vector<256x1024xf32> -> vector<256x1024xf32>
    %mul3A_182 = arith.constant 1.250000e-01 : f32
    %mul3A_183 = vector.broadcast %mul3A_182 : f32 to vector<256x1024xf32>
    %mul3A_184 = arith.mulf %dot_general3A_181, %mul3A_183 : vector<256x1024xf32>
    %iota3A_185 = tpu.iota {dimensions = array<i32: 0>} : vector<256x1024xi32>
    %add3A_186 = arith.constant 512 : i32
    %add3A_187 = vector.broadcast %add3A_186 : i32 to vector<256x1024xi32>
    %add3A_188 = arith.addi %iota3A_185, %add3A_187 : vector<256x1024xi32>
    %mul3A_189 = arith.constant 256 : i32
    %mul3A_190 = arith.muli %arg0, %mul3A_189 : i32
    %add3A_191 = vector.broadcast %mul3A_190 : i32 to vector<256x1024xi32>
    %add3A_192 = arith.addi %add3A_188, %add3A_191 : vector<256x1024xi32>
    %iota3A_193 = tpu.iota {dimensions = array<i32: 1>} : vector<256x1024xi32>
    %le3A_194 = arith.cmpi sle, %iota3A_193, %add3A_192 : vector<256x1024xi32>
    %jit3A_195 = arith.constant -1.000000e+30 : f32
    %broadcast_in_dim3A_196 = vector.broadcast %jit3A_195 : f32 to vector<256x1024xf32>
    %select_n3A_197 = arith.select %le3A_194, %mul3A_184, %broadcast_in_dim3A_196 : vector<256x1024xi1>, vector<256x1024xf32>
    %reduce_max3A_198 = arith.constant dense<0xFF800000> : vector<256xf32>
    %reduce_max3A_199 = vector.multi_reduction <maximumf>, %select_n3A_197, %reduce_max3A_198 [1] : vector<256x1024xf32> to vector<256xf32>
    %broadcast_in_dim3A_200 = vector.shape_cast %reduce_max3A_199 : vector<256xf32> to vector<256x1xf32>
    %sub3A_201 = vector.broadcast %broadcast_in_dim3A_200 : vector<256x1xf32> to vector<256x1024xf32>
    %sub3A_202 = arith.subf %select_n3A_197, %sub3A_201 : vector<256x1024xf32>
    %exp3A_203 = math.exp %sub3A_202 : vector<256x1024xf32>
    %reduce_sum3A_204 = arith.constant dense<0.000000e+00> : vector<256xf32>
    %reduce_sum3A_205 = vector.multi_reduction <add>, %exp3A_203, %reduce_sum3A_204 [1] : vector<256x1024xf32> to vector<256xf32>
    %broadcast_in_dim3A_206 = vector.shape_cast %reduce_sum3A_205 : vector<256xf32> to vector<256x1xf32>
    %div3A_207 = vector.broadcast %broadcast_in_dim3A_206 : vector<256x1xf32> to vector<256x1024xf32>
    %div3A_208 = arith.divf %exp3A_203, %div3A_207 : vector<256x1024xf32>
    %get3A_209 = arith.constant 2 : index
    %get3A_210 = arith.constant 0 : index
    %get3A_211 = arith.constant 0 : index
    %get3A_212 = vector.load %arg3[%get3A_209, %get3A_210, %get3A_211] : memref<8x1024x64xf32, #tpu.memory_space<vmem>>, vector<1x1024x64xf32>
    %get3A_213 = vector.shape_cast %get3A_212 : vector<1x1024x64xf32> to vector<1024x64xf32>
    %dot_general3A_214 = arith.constant dense<0.000000e+00> : vector<256x64xf32>
    %dot_general3A_215 = tpu.matmul %div3A_208, %get3A_213, %dot_general3A_214 {dimension_numbers = #tpu.dot_dimension_numbers<[1], [0], [0], [1], [0, 0, 1, 1], [], []>, transpose_lhs_hint = false} : vector<256x1024xf32>, vector<1024x64xf32>, vector<256x64xf32> -> vector<256x64xf32>
    %get3A_216 = arith.constant 5 : index
    %get3A_217 = arith.constant 0 : index
    %get3A_218 = arith.constant 0 : index
    %get3A_219 = vector.load %arg1[%get3A_216, %get3A_217, %get3A_218] : memref<16x256x64xf32, #tpu.memory_space<vmem>>, vector<1x256x64xf32>
    %get3A_220 = vector.shape_cast %get3A_219 : vector<1x256x64xf32> to vector<256x64xf32>
    %get3A_221 = arith.constant 2 : index
    %get3A_222 = arith.constant 0 : index
    %get3A_223 = arith.constant 0 : index
    %get3A_224 = vector.load %arg2[%get3A_221, %get3A_222, %get3A_223] : memref<8x1024x64xf32, #tpu.memory_space<vmem>>, vector<1x1024x64xf32>
    %get3A_225 = vector.shape_cast %get3A_224 : vector<1x1024x64xf32> to vector<1024x64xf32>
    %dot_general3A_226 = arith.constant dense<0.000000e+00> : vector<256x1024xf32>
    %dot_general3A_227 = tpu.matmul %get3A_220, %get3A_225, %dot_general3A_226 {dimension_numbers = #tpu.dot_dimension_numbers<[1], [1], [0], [0], [0, 0, 1, 0], [], []>, transpose_lhs_hint = false} : vector<256x64xf32>, vector<1024x64xf32>, vector<256x1024xf32> -> vector<256x1024xf32>
    %mul3A_228 = arith.constant 1.250000e-01 : f32
    %mul3A_229 = vector.broadcast %mul3A_228 : f32 to vector<256x1024xf32>
    %mul3A_230 = arith.mulf %dot_general3A_227, %mul3A_229 : vector<256x1024xf32>
    %iota3A_231 = tpu.iota {dimensions = array<i32: 0>} : vector<256x1024xi32>
    %add3A_232 = arith.constant 512 : i32
    %add3A_233 = vector.broadcast %add3A_232 : i32 to vector<256x1024xi32>
    %add3A_234 = arith.addi %iota3A_231, %add3A_233 : vector<256x1024xi32>
    %mul3A_235 = arith.constant 256 : i32
    %mul3A_236 = arith.muli %arg0, %mul3A_235 : i32
    %add3A_237 = vector.broadcast %mul3A_236 : i32 to vector<256x1024xi32>
    %add3A_238 = arith.addi %add3A_234, %add3A_237 : vector<256x1024xi32>
    %iota3A_239 = tpu.iota {dimensions = array<i32: 1>} : vector<256x1024xi32>
    %le3A_240 = arith.cmpi sle, %iota3A_239, %add3A_238 : vector<256x1024xi32>
    %jit3A_241 = arith.constant -1.000000e+30 : f32
    %broadcast_in_dim3A_242 = vector.broadcast %jit3A_241 : f32 to vector<256x1024xf32>
    %select_n3A_243 = arith.select %le3A_240, %mul3A_230, %broadcast_in_dim3A_242 : vector<256x1024xi1>, vector<256x1024xf32>
    %reduce_max3A_244 = arith.constant dense<0xFF800000> : vector<256xf32>
    %reduce_max3A_245 = vector.multi_reduction <maximumf>, %select_n3A_243, %reduce_max3A_244 [1] : vector<256x1024xf32> to vector<256xf32>
    %broadcast_in_dim3A_246 = vector.shape_cast %reduce_max3A_245 : vector<256xf32> to vector<256x1xf32>
    %sub3A_247 = vector.broadcast %broadcast_in_dim3A_246 : vector<256x1xf32> to vector<256x1024xf32>
    %sub3A_248 = arith.subf %select_n3A_243, %sub3A_247 : vector<256x1024xf32>
    %exp3A_249 = math.exp %sub3A_248 : vector<256x1024xf32>
    %reduce_sum3A_250 = arith.constant dense<0.000000e+00> : vector<256xf32>
    %reduce_sum3A_251 = vector.multi_reduction <add>, %exp3A_249, %reduce_sum3A_250 [1] : vector<256x1024xf32> to vector<256xf32>
    %broadcast_in_dim3A_252 = vector.shape_cast %reduce_sum3A_251 : vector<256xf32> to vector<256x1xf32>
    %div3A_253 = vector.broadcast %broadcast_in_dim3A_252 : vector<256x1xf32> to vector<256x1024xf32>
    %div3A_254 = arith.divf %exp3A_249, %div3A_253 : vector<256x1024xf32>
    %get3A_255 = arith.constant 2 : index
    %get3A_256 = arith.constant 0 : index
    %get3A_257 = arith.constant 0 : index
    %get3A_258 = vector.load %arg3[%get3A_255, %get3A_256, %get3A_257] : memref<8x1024x64xf32, #tpu.memory_space<vmem>>, vector<1x1024x64xf32>
    %get3A_259 = vector.shape_cast %get3A_258 : vector<1x1024x64xf32> to vector<1024x64xf32>
    %dot_general3A_260 = arith.constant dense<0.000000e+00> : vector<256x64xf32>
    %dot_general3A_261 = tpu.matmul %div3A_254, %get3A_259, %dot_general3A_260 {dimension_numbers = #tpu.dot_dimension_numbers<[1], [0], [0], [1], [0, 0, 1, 1], [], []>, transpose_lhs_hint = false} : vector<256x1024xf32>, vector<1024x64xf32>, vector<256x64xf32> -> vector<256x64xf32>
    %get3A_262 = arith.constant 6 : index
    %get3A_263 = arith.constant 0 : index
    %get3A_264 = arith.constant 0 : index
    %get3A_265 = vector.load %arg1[%get3A_262, %get3A_263, %get3A_264] : memref<16x256x64xf32, #tpu.memory_space<vmem>>, vector<1x256x64xf32>
    %get3A_266 = vector.shape_cast %get3A_265 : vector<1x256x64xf32> to vector<256x64xf32>
    %get3A_267 = arith.constant 3 : index
    %get3A_268 = arith.constant 0 : index
    %get3A_269 = arith.constant 0 : index
    %get3A_270 = vector.load %arg2[%get3A_267, %get3A_268, %get3A_269] : memref<8x1024x64xf32, #tpu.memory_space<vmem>>, vector<1x1024x64xf32>
    %get3A_271 = vector.shape_cast %get3A_270 : vector<1x1024x64xf32> to vector<1024x64xf32>
    %dot_general3A_272 = arith.constant dense<0.000000e+00> : vector<256x1024xf32>
    %dot_general3A_273 = tpu.matmul %get3A_266, %get3A_271, %dot_general3A_272 {dimension_numbers = #tpu.dot_dimension_numbers<[1], [1], [0], [0], [0, 0, 1, 0], [], []>, transpose_lhs_hint = false} : vector<256x64xf32>, vector<1024x64xf32>, vector<256x1024xf32> -> vector<256x1024xf32>
    %mul3A_274 = arith.constant 1.250000e-01 : f32
    %mul3A_275 = vector.broadcast %mul3A_274 : f32 to vector<256x1024xf32>
    %mul3A_276 = arith.mulf %dot_general3A_273, %mul3A_275 : vector<256x1024xf32>
    %iota3A_277 = tpu.iota {dimensions = array<i32: 0>} : vector<256x1024xi32>
    %add3A_278 = arith.constant 512 : i32
    %add3A_279 = vector.broadcast %add3A_278 : i32 to vector<256x1024xi32>
    %add3A_280 = arith.addi %iota3A_277, %add3A_279 : vector<256x1024xi32>
    %mul3A_281 = arith.constant 256 : i32
    %mul3A_282 = arith.muli %arg0, %mul3A_281 : i32
    %add3A_283 = vector.broadcast %mul3A_282 : i32 to vector<256x1024xi32>
    %add3A_284 = arith.addi %add3A_280, %add3A_283 : vector<256x1024xi32>
    %iota3A_285 = tpu.iota {dimensions = array<i32: 1>} : vector<256x1024xi32>
    %le3A_286 = arith.cmpi sle, %iota3A_285, %add3A_284 : vector<256x1024xi32>
    %jit3A_287 = arith.constant -1.000000e+30 : f32
    %broadcast_in_dim3A_288 = vector.broadcast %jit3A_287 : f32 to vector<256x1024xf32>
    %select_n3A_289 = arith.select %le3A_286, %mul3A_276, %broadcast_in_dim3A_288 : vector<256x1024xi1>, vector<256x1024xf32>
    %reduce_max3A_290 = arith.constant dense<0xFF800000> : vector<256xf32>
    %reduce_max3A_291 = vector.multi_reduction <maximumf>, %select_n3A_289, %reduce_max3A_290 [1] : vector<256x1024xf32> to vector<256xf32>
    %broadcast_in_dim3A_292 = vector.shape_cast %reduce_max3A_291 : vector<256xf32> to vector<256x1xf32>
    %sub3A_293 = vector.broadcast %broadcast_in_dim3A_292 : vector<256x1xf32> to vector<256x1024xf32>
    %sub3A_294 = arith.subf %select_n3A_289, %sub3A_293 : vector<256x1024xf32>
    %exp3A_295 = math.exp %sub3A_294 : vector<256x1024xf32>
    %reduce_sum3A_296 = arith.constant dense<0.000000e+00> : vector<256xf32>
    %reduce_sum3A_297 = vector.multi_reduction <add>, %exp3A_295, %reduce_sum3A_296 [1] : vector<256x1024xf32> to vector<256xf32>
    %broadcast_in_dim3A_298 = vector.shape_cast %reduce_sum3A_297 : vector<256xf32> to vector<256x1xf32>
    %div3A_299 = vector.broadcast %broadcast_in_dim3A_298 : vector<256x1xf32> to vector<256x1024xf32>
    %div3A_300 = arith.divf %exp3A_295, %div3A_299 : vector<256x1024xf32>
    %get3A_301 = arith.constant 3 : index
    %get3A_302 = arith.constant 0 : index
    %get3A_303 = arith.constant 0 : index
    %get3A_304 = vector.load %arg3[%get3A_301, %get3A_302, %get3A_303] : memref<8x1024x64xf32, #tpu.memory_space<vmem>>, vector<1x1024x64xf32>
    %get3A_305 = vector.shape_cast %get3A_304 : vector<1x1024x64xf32> to vector<1024x64xf32>
    %dot_general3A_306 = arith.constant dense<0.000000e+00> : vector<256x64xf32>
    %dot_general3A_307 = tpu.matmul %div3A_300, %get3A_305, %dot_general3A_306 {dimension_numbers = #tpu.dot_dimension_numbers<[1], [0], [0], [1], [0, 0, 1, 1], [], []>, transpose_lhs_hint = false} : vector<256x1024xf32>, vector<1024x64xf32>, vector<256x64xf32> -> vector<256x64xf32>
    %get3A_308 = arith.constant 7 : index
    %get3A_309 = arith.constant 0 : index
    %get3A_310 = arith.constant 0 : index
    %get3A_311 = vector.load %arg1[%get3A_308, %get3A_309, %get3A_310] : memref<16x256x64xf32, #tpu.memory_space<vmem>>, vector<1x256x64xf32>
    %get3A_312 = vector.shape_cast %get3A_311 : vector<1x256x64xf32> to vector<256x64xf32>
    %get3A_313 = arith.constant 3 : index
    %get3A_314 = arith.constant 0 : index
    %get3A_315 = arith.constant 0 : index
    %get3A_316 = vector.load %arg2[%get3A_313, %get3A_314, %get3A_315] : memref<8x1024x64xf32, #tpu.memory_space<vmem>>, vector<1x1024x64xf32>
    %get3A_317 = vector.shape_cast %get3A_316 : vector<1x1024x64xf32> to vector<1024x64xf32>
    %dot_general3A_318 = arith.constant dense<0.000000e+00> : vector<256x1024xf32>
    %dot_general3A_319 = tpu.matmul %get3A_312, %get3A_317, %dot_general3A_318 {dimension_numbers = #tpu.dot_dimension_numbers<[1], [1], [0], [0], [0, 0, 1, 0], [], []>, transpose_lhs_hint = false} : vector<256x64xf32>, vector<1024x64xf32>, vector<256x1024xf32> -> vector<256x1024xf32>
    %mul3A_320 = arith.constant 1.250000e-01 : f32
    %mul3A_321 = vector.broadcast %mul3A_320 : f32 to vector<256x1024xf32>
    %mul3A_322 = arith.mulf %dot_general3A_319, %mul3A_321 : vector<256x1024xf32>
    %iota3A_323 = tpu.iota {dimensions = array<i32: 0>} : vector<256x1024xi32>
    %add3A_324 = arith.constant 512 : i32
    %add3A_325 = vector.broadcast %add3A_324 : i32 to vector<256x1024xi32>
    %add3A_326 = arith.addi %iota3A_323, %add3A_325 : vector<256x1024xi32>
    %mul3A_327 = arith.constant 256 : i32
    %mul3A_328 = arith.muli %arg0, %mul3A_327 : i32
    %add3A_329 = vector.broadcast %mul3A_328 : i32 to vector<256x1024xi32>
    %add3A_330 = arith.addi %add3A_326, %add3A_329 : vector<256x1024xi32>
    %iota3A_331 = tpu.iota {dimensions = array<i32: 1>} : vector<256x1024xi32>
    %le3A_332 = arith.cmpi sle, %iota3A_331, %add3A_330 : vector<256x1024xi32>
    %jit3A_333 = arith.constant -1.000000e+30 : f32
    %broadcast_in_dim3A_334 = vector.broadcast %jit3A_333 : f32 to vector<256x1024xf32>
    %select_n3A_335 = arith.select %le3A_332, %mul3A_322, %broadcast_in_dim3A_334 : vector<256x1024xi1>, vector<256x1024xf32>
    %reduce_max3A_336 = arith.constant dense<0xFF800000> : vector<256xf32>
    %reduce_max3A_337 = vector.multi_reduction <maximumf>, %select_n3A_335, %reduce_max3A_336 [1] : vector<256x1024xf32> to vector<256xf32>
    %broadcast_in_dim3A_338 = vector.shape_cast %reduce_max3A_337 : vector<256xf32> to vector<256x1xf32>
    %sub3A_339 = vector.broadcast %broadcast_in_dim3A_338 : vector<256x1xf32> to vector<256x1024xf32>
    %sub3A_340 = arith.subf %select_n3A_335, %sub3A_339 : vector<256x1024xf32>
    %exp3A_341 = math.exp %sub3A_340 : vector<256x1024xf32>
    %reduce_sum3A_342 = arith.constant dense<0.000000e+00> : vector<256xf32>
    %reduce_sum3A_343 = vector.multi_reduction <add>, %exp3A_341, %reduce_sum3A_342 [1] : vector<256x1024xf32> to vector<256xf32>
    %broadcast_in_dim3A_344 = vector.shape_cast %reduce_sum3A_343 : vector<256xf32> to vector<256x1xf32>
    %div3A_345 = vector.broadcast %broadcast_in_dim3A_344 : vector<256x1xf32> to vector<256x1024xf32>
    %div3A_346 = arith.divf %exp3A_341, %div3A_345 : vector<256x1024xf32>
    %get3A_347 = arith.constant 3 : index
    %get3A_348 = arith.constant 0 : index
    %get3A_349 = arith.constant 0 : index
    %get3A_350 = vector.load %arg3[%get3A_347, %get3A_348, %get3A_349] : memref<8x1024x64xf32, #tpu.memory_space<vmem>>, vector<1x1024x64xf32>
    %get3A_351 = vector.shape_cast %get3A_350 : vector<1x1024x64xf32> to vector<1024x64xf32>
    %dot_general3A_352 = arith.constant dense<0.000000e+00> : vector<256x64xf32>
    %dot_general3A_353 = tpu.matmul %div3A_346, %get3A_351, %dot_general3A_352 {dimension_numbers = #tpu.dot_dimension_numbers<[1], [0], [0], [1], [0, 0, 1, 1], [], []>, transpose_lhs_hint = false} : vector<256x1024xf32>, vector<1024x64xf32>, vector<256x64xf32> -> vector<256x64xf32>
    %get3A_354 = arith.constant 8 : index
    %get3A_355 = arith.constant 0 : index
    %get3A_356 = arith.constant 0 : index
    %get3A_357 = vector.load %arg1[%get3A_354, %get3A_355, %get3A_356] : memref<16x256x64xf32, #tpu.memory_space<vmem>>, vector<1x256x64xf32>
    %get3A_358 = vector.shape_cast %get3A_357 : vector<1x256x64xf32> to vector<256x64xf32>
    %get3A_359 = arith.constant 4 : index
    %get3A_360 = arith.constant 0 : index
    %get3A_361 = arith.constant 0 : index
    %get3A_362 = vector.load %arg2[%get3A_359, %get3A_360, %get3A_361] : memref<8x1024x64xf32, #tpu.memory_space<vmem>>, vector<1x1024x64xf32>
    %get3A_363 = vector.shape_cast %get3A_362 : vector<1x1024x64xf32> to vector<1024x64xf32>
    %dot_general3A_364 = arith.constant dense<0.000000e+00> : vector<256x1024xf32>
    %dot_general3A_365 = tpu.matmul %get3A_358, %get3A_363, %dot_general3A_364 {dimension_numbers = #tpu.dot_dimension_numbers<[1], [1], [0], [0], [0, 0, 1, 0], [], []>, transpose_lhs_hint = false} : vector<256x64xf32>, vector<1024x64xf32>, vector<256x1024xf32> -> vector<256x1024xf32>
    %mul3A_366 = arith.constant 1.250000e-01 : f32
    %mul3A_367 = vector.broadcast %mul3A_366 : f32 to vector<256x1024xf32>
    %mul3A_368 = arith.mulf %dot_general3A_365, %mul3A_367 : vector<256x1024xf32>
    %iota3A_369 = tpu.iota {dimensions = array<i32: 0>} : vector<256x1024xi32>
    %add3A_370 = arith.constant 512 : i32
    %add3A_371 = vector.broadcast %add3A_370 : i32 to vector<256x1024xi32>
    %add3A_372 = arith.addi %iota3A_369, %add3A_371 : vector<256x1024xi32>
    %mul3A_373 = arith.constant 256 : i32
    %mul3A_374 = arith.muli %arg0, %mul3A_373 : i32
    %add3A_375 = vector.broadcast %mul3A_374 : i32 to vector<256x1024xi32>
    %add3A_376 = arith.addi %add3A_372, %add3A_375 : vector<256x1024xi32>
    %iota3A_377 = tpu.iota {dimensions = array<i32: 1>} : vector<256x1024xi32>
    %le3A_378 = arith.cmpi sle, %iota3A_377, %add3A_376 : vector<256x1024xi32>
    %jit3A_379 = arith.constant -1.000000e+30 : f32
    %broadcast_in_dim3A_380 = vector.broadcast %jit3A_379 : f32 to vector<256x1024xf32>
    %select_n3A_381 = arith.select %le3A_378, %mul3A_368, %broadcast_in_dim3A_380 : vector<256x1024xi1>, vector<256x1024xf32>
    %reduce_max3A_382 = arith.constant dense<0xFF800000> : vector<256xf32>
    %reduce_max3A_383 = vector.multi_reduction <maximumf>, %select_n3A_381, %reduce_max3A_382 [1] : vector<256x1024xf32> to vector<256xf32>
    %broadcast_in_dim3A_384 = vector.shape_cast %reduce_max3A_383 : vector<256xf32> to vector<256x1xf32>
    %sub3A_385 = vector.broadcast %broadcast_in_dim3A_384 : vector<256x1xf32> to vector<256x1024xf32>
    %sub3A_386 = arith.subf %select_n3A_381, %sub3A_385 : vector<256x1024xf32>
    %exp3A_387 = math.exp %sub3A_386 : vector<256x1024xf32>
    %reduce_sum3A_388 = arith.constant dense<0.000000e+00> : vector<256xf32>
    %reduce_sum3A_389 = vector.multi_reduction <add>, %exp3A_387, %reduce_sum3A_388 [1] : vector<256x1024xf32> to vector<256xf32>
    %broadcast_in_dim3A_390 = vector.shape_cast %reduce_sum3A_389 : vector<256xf32> to vector<256x1xf32>
    %div3A_391 = vector.broadcast %broadcast_in_dim3A_390 : vector<256x1xf32> to vector<256x1024xf32>
    %div3A_392 = arith.divf %exp3A_387, %div3A_391 : vector<256x1024xf32>
    %get3A_393 = arith.constant 4 : index
    %get3A_394 = arith.constant 0 : index
    %get3A_395 = arith.constant 0 : index
    %get3A_396 = vector.load %arg3[%get3A_393, %get3A_394, %get3A_395] : memref<8x1024x64xf32, #tpu.memory_space<vmem>>, vector<1x1024x64xf32>
    %get3A_397 = vector.shape_cast %get3A_396 : vector<1x1024x64xf32> to vector<1024x64xf32>
    %dot_general3A_398 = arith.constant dense<0.000000e+00> : vector<256x64xf32>
    %dot_general3A_399 = tpu.matmul %div3A_392, %get3A_397, %dot_general3A_398 {dimension_numbers = #tpu.dot_dimension_numbers<[1], [0], [0], [1], [0, 0, 1, 1], [], []>, transpose_lhs_hint = false} : vector<256x1024xf32>, vector<1024x64xf32>, vector<256x64xf32> -> vector<256x64xf32>
    %get3A_400 = arith.constant 9 : index
    %get3A_401 = arith.constant 0 : index
    %get3A_402 = arith.constant 0 : index
    %get3A_403 = vector.load %arg1[%get3A_400, %get3A_401, %get3A_402] : memref<16x256x64xf32, #tpu.memory_space<vmem>>, vector<1x256x64xf32>
    %get3A_404 = vector.shape_cast %get3A_403 : vector<1x256x64xf32> to vector<256x64xf32>
    %get3A_405 = arith.constant 4 : index
    %get3A_406 = arith.constant 0 : index
    %get3A_407 = arith.constant 0 : index
    %get3A_408 = vector.load %arg2[%get3A_405, %get3A_406, %get3A_407] : memref<8x1024x64xf32, #tpu.memory_space<vmem>>, vector<1x1024x64xf32>
    %get3A_409 = vector.shape_cast %get3A_408 : vector<1x1024x64xf32> to vector<1024x64xf32>
    %dot_general3A_410 = arith.constant dense<0.000000e+00> : vector<256x1024xf32>
    %dot_general3A_411 = tpu.matmul %get3A_404, %get3A_409, %dot_general3A_410 {dimension_numbers = #tpu.dot_dimension_numbers<[1], [1], [0], [0], [0, 0, 1, 0], [], []>, transpose_lhs_hint = false} : vector<256x64xf32>, vector<1024x64xf32>, vector<256x1024xf32> -> vector<256x1024xf32>
    %mul3A_412 = arith.constant 1.250000e-01 : f32
    %mul3A_413 = vector.broadcast %mul3A_412 : f32 to vector<256x1024xf32>
    %mul3A_414 = arith.mulf %dot_general3A_411, %mul3A_413 : vector<256x1024xf32>
    %iota3A_415 = tpu.iota {dimensions = array<i32: 0>} : vector<256x1024xi32>
    %add3A_416 = arith.constant 512 : i32
    %add3A_417 = vector.broadcast %add3A_416 : i32 to vector<256x1024xi32>
    %add3A_418 = arith.addi %iota3A_415, %add3A_417 : vector<256x1024xi32>
    %mul3A_419 = arith.constant 256 : i32
    %mul3A_420 = arith.muli %arg0, %mul3A_419 : i32
    %add3A_421 = vector.broadcast %mul3A_420 : i32 to vector<256x1024xi32>
    %add3A_422 = arith.addi %add3A_418, %add3A_421 : vector<256x1024xi32>
    %iota3A_423 = tpu.iota {dimensions = array<i32: 1>} : vector<256x1024xi32>
    %le3A_424 = arith.cmpi sle, %iota3A_423, %add3A_422 : vector<256x1024xi32>
    %jit3A_425 = arith.constant -1.000000e+30 : f32
    %broadcast_in_dim3A_426 = vector.broadcast %jit3A_425 : f32 to vector<256x1024xf32>
    %select_n3A_427 = arith.select %le3A_424, %mul3A_414, %broadcast_in_dim3A_426 : vector<256x1024xi1>, vector<256x1024xf32>
    %reduce_max3A_428 = arith.constant dense<0xFF800000> : vector<256xf32>
    %reduce_max3A_429 = vector.multi_reduction <maximumf>, %select_n3A_427, %reduce_max3A_428 [1] : vector<256x1024xf32> to vector<256xf32>
    %broadcast_in_dim3A_430 = vector.shape_cast %reduce_max3A_429 : vector<256xf32> to vector<256x1xf32>
    %sub3A_431 = vector.broadcast %broadcast_in_dim3A_430 : vector<256x1xf32> to vector<256x1024xf32>
    %sub3A_432 = arith.subf %select_n3A_427, %sub3A_431 : vector<256x1024xf32>
    %exp3A_433 = math.exp %sub3A_432 : vector<256x1024xf32>
    %reduce_sum3A_434 = arith.constant dense<0.000000e+00> : vector<256xf32>
    %reduce_sum3A_435 = vector.multi_reduction <add>, %exp3A_433, %reduce_sum3A_434 [1] : vector<256x1024xf32> to vector<256xf32>
    %broadcast_in_dim3A_436 = vector.shape_cast %reduce_sum3A_435 : vector<256xf32> to vector<256x1xf32>
    %div3A_437 = vector.broadcast %broadcast_in_dim3A_436 : vector<256x1xf32> to vector<256x1024xf32>
    %div3A_438 = arith.divf %exp3A_433, %div3A_437 : vector<256x1024xf32>
    %get3A_439 = arith.constant 4 : index
    %get3A_440 = arith.constant 0 : index
    %get3A_441 = arith.constant 0 : index
    %get3A_442 = vector.load %arg3[%get3A_439, %get3A_440, %get3A_441] : memref<8x1024x64xf32, #tpu.memory_space<vmem>>, vector<1x1024x64xf32>
    %get3A_443 = vector.shape_cast %get3A_442 : vector<1x1024x64xf32> to vector<1024x64xf32>
    %dot_general3A_444 = arith.constant dense<0.000000e+00> : vector<256x64xf32>
    %dot_general3A_445 = tpu.matmul %div3A_438, %get3A_443, %dot_general3A_444 {dimension_numbers = #tpu.dot_dimension_numbers<[1], [0], [0], [1], [0, 0, 1, 1], [], []>, transpose_lhs_hint = false} : vector<256x1024xf32>, vector<1024x64xf32>, vector<256x64xf32> -> vector<256x64xf32>
    %get3A_446 = arith.constant 10 : index
    %get3A_447 = arith.constant 0 : index
    %get3A_448 = arith.constant 0 : index
    %get3A_449 = vector.load %arg1[%get3A_446, %get3A_447, %get3A_448] : memref<16x256x64xf32, #tpu.memory_space<vmem>>, vector<1x256x64xf32>
    %get3A_450 = vector.shape_cast %get3A_449 : vector<1x256x64xf32> to vector<256x64xf32>
    %get3A_451 = arith.constant 5 : index
    %get3A_452 = arith.constant 0 : index
    %get3A_453 = arith.constant 0 : index
    %get3A_454 = vector.load %arg2[%get3A_451, %get3A_452, %get3A_453] : memref<8x1024x64xf32, #tpu.memory_space<vmem>>, vector<1x1024x64xf32>
    %get3A_455 = vector.shape_cast %get3A_454 : vector<1x1024x64xf32> to vector<1024x64xf32>
    %dot_general3A_456 = arith.constant dense<0.000000e+00> : vector<256x1024xf32>
    %dot_general3A_457 = tpu.matmul %get3A_450, %get3A_455, %dot_general3A_456 {dimension_numbers = #tpu.dot_dimension_numbers<[1], [1], [0], [0], [0, 0, 1, 0], [], []>, transpose_lhs_hint = false} : vector<256x64xf32>, vector<1024x64xf32>, vector<256x1024xf32> -> vector<256x1024xf32>
    %mul3A_458 = arith.constant 1.250000e-01 : f32
    %mul3A_459 = vector.broadcast %mul3A_458 : f32 to vector<256x1024xf32>
    %mul3A_460 = arith.mulf %dot_general3A_457, %mul3A_459 : vector<256x1024xf32>
    %iota3A_461 = tpu.iota {dimensions = array<i32: 0>} : vector<256x1024xi32>
    %add3A_462 = arith.constant 512 : i32
    %add3A_463 = vector.broadcast %add3A_462 : i32 to vector<256x1024xi32>
    %add3A_464 = arith.addi %iota3A_461, %add3A_463 : vector<256x1024xi32>
    %mul3A_465 = arith.constant 256 : i32
    %mul3A_466 = arith.muli %arg0, %mul3A_465 : i32
    %add3A_467 = vector.broadcast %mul3A_466 : i32 to vector<256x1024xi32>
    %add3A_468 = arith.addi %add3A_464, %add3A_467 : vector<256x1024xi32>
    %iota3A_469 = tpu.iota {dimensions = array<i32: 1>} : vector<256x1024xi32>
    %le3A_470 = arith.cmpi sle, %iota3A_469, %add3A_468 : vector<256x1024xi32>
    %jit3A_471 = arith.constant -1.000000e+30 : f32
    %broadcast_in_dim3A_472 = vector.broadcast %jit3A_471 : f32 to vector<256x1024xf32>
    %select_n3A_473 = arith.select %le3A_470, %mul3A_460, %broadcast_in_dim3A_472 : vector<256x1024xi1>, vector<256x1024xf32>
    %reduce_max3A_474 = arith.constant dense<0xFF800000> : vector<256xf32>
    %reduce_max3A_475 = vector.multi_reduction <maximumf>, %select_n3A_473, %reduce_max3A_474 [1] : vector<256x1024xf32> to vector<256xf32>
    %broadcast_in_dim3A_476 = vector.shape_cast %reduce_max3A_475 : vector<256xf32> to vector<256x1xf32>
    %sub3A_477 = vector.broadcast %broadcast_in_dim3A_476 : vector<256x1xf32> to vector<256x1024xf32>
    %sub3A_478 = arith.subf %select_n3A_473, %sub3A_477 : vector<256x1024xf32>
    %exp3A_479 = math.exp %sub3A_478 : vector<256x1024xf32>
    %reduce_sum3A_480 = arith.constant dense<0.000000e+00> : vector<256xf32>
    %reduce_sum3A_481 = vector.multi_reduction <add>, %exp3A_479, %reduce_sum3A_480 [1] : vector<256x1024xf32> to vector<256xf32>
    %broadcast_in_dim3A_482 = vector.shape_cast %reduce_sum3A_481 : vector<256xf32> to vector<256x1xf32>
    %div3A_483 = vector.broadcast %broadcast_in_dim3A_482 : vector<256x1xf32> to vector<256x1024xf32>
    %div3A_484 = arith.divf %exp3A_479, %div3A_483 : vector<256x1024xf32>
    %get3A_485 = arith.constant 5 : index
    %get3A_486 = arith.constant 0 : index
    %get3A_487 = arith.constant 0 : index
    %get3A_488 = vector.load %arg3[%get3A_485, %get3A_486, %get3A_487] : memref<8x1024x64xf32, #tpu.memory_space<vmem>>, vector<1x1024x64xf32>
    %get3A_489 = vector.shape_cast %get3A_488 : vector<1x1024x64xf32> to vector<1024x64xf32>
    %dot_general3A_490 = arith.constant dense<0.000000e+00> : vector<256x64xf32>
    %dot_general3A_491 = tpu.matmul %div3A_484, %get3A_489, %dot_general3A_490 {dimension_numbers = #tpu.dot_dimension_numbers<[1], [0], [0], [1], [0, 0, 1, 1], [], []>, transpose_lhs_hint = false} : vector<256x1024xf32>, vector<1024x64xf32>, vector<256x64xf32> -> vector<256x64xf32>
    %get3A_492 = arith.constant 11 : index
    %get3A_493 = arith.constant 0 : index
    %get3A_494 = arith.constant 0 : index
    %get3A_495 = vector.load %arg1[%get3A_492, %get3A_493, %get3A_494] : memref<16x256x64xf32, #tpu.memory_space<vmem>>, vector<1x256x64xf32>
    %get3A_496 = vector.shape_cast %get3A_495 : vector<1x256x64xf32> to vector<256x64xf32>
    %get3A_497 = arith.constant 5 : index
    %get3A_498 = arith.constant 0 : index
    %get3A_499 = arith.constant 0 : index
    %get3A_500 = vector.load %arg2[%get3A_497, %get3A_498, %get3A_499] : memref<8x1024x64xf32, #tpu.memory_space<vmem>>, vector<1x1024x64xf32>
    %get3A_501 = vector.shape_cast %get3A_500 : vector<1x1024x64xf32> to vector<1024x64xf32>
    %dot_general3A_502 = arith.constant dense<0.000000e+00> : vector<256x1024xf32>
    %dot_general3A_503 = tpu.matmul %get3A_496, %get3A_501, %dot_general3A_502 {dimension_numbers = #tpu.dot_dimension_numbers<[1], [1], [0], [0], [0, 0, 1, 0], [], []>, transpose_lhs_hint = false} : vector<256x64xf32>, vector<1024x64xf32>, vector<256x1024xf32> -> vector<256x1024xf32>
    %mul3A_504 = arith.constant 1.250000e-01 : f32
    %mul3A_505 = vector.broadcast %mul3A_504 : f32 to vector<256x1024xf32>
    %mul3A_506 = arith.mulf %dot_general3A_503, %mul3A_505 : vector<256x1024xf32>
    %iota3A_507 = tpu.iota {dimensions = array<i32: 0>} : vector<256x1024xi32>
    %add3A_508 = arith.constant 512 : i32
    %add3A_509 = vector.broadcast %add3A_508 : i32 to vector<256x1024xi32>
    %add3A_510 = arith.addi %iota3A_507, %add3A_509 : vector<256x1024xi32>
    %mul3A_511 = arith.constant 256 : i32
    %mul3A_512 = arith.muli %arg0, %mul3A_511 : i32
    %add3A_513 = vector.broadcast %mul3A_512 : i32 to vector<256x1024xi32>
    %add3A_514 = arith.addi %add3A_510, %add3A_513 : vector<256x1024xi32>
    %iota3A_515 = tpu.iota {dimensions = array<i32: 1>} : vector<256x1024xi32>
    %le3A_516 = arith.cmpi sle, %iota3A_515, %add3A_514 : vector<256x1024xi32>
    %jit3A_517 = arith.constant -1.000000e+30 : f32
    %broadcast_in_dim3A_518 = vector.broadcast %jit3A_517 : f32 to vector<256x1024xf32>
    %select_n3A_519 = arith.select %le3A_516, %mul3A_506, %broadcast_in_dim3A_518 : vector<256x1024xi1>, vector<256x1024xf32>
    %reduce_max3A_520 = arith.constant dense<0xFF800000> : vector<256xf32>
    %reduce_max3A_521 = vector.multi_reduction <maximumf>, %select_n3A_519, %reduce_max3A_520 [1] : vector<256x1024xf32> to vector<256xf32>
    %broadcast_in_dim3A_522 = vector.shape_cast %reduce_max3A_521 : vector<256xf32> to vector<256x1xf32>
    %sub3A_523 = vector.broadcast %broadcast_in_dim3A_522 : vector<256x1xf32> to vector<256x1024xf32>
    %sub3A_524 = arith.subf %select_n3A_519, %sub3A_523 : vector<256x1024xf32>
    %exp3A_525 = math.exp %sub3A_524 : vector<256x1024xf32>
    %reduce_sum3A_526 = arith.constant dense<0.000000e+00> : vector<256xf32>
    %reduce_sum3A_527 = vector.multi_reduction <add>, %exp3A_525, %reduce_sum3A_526 [1] : vector<256x1024xf32> to vector<256xf32>
    %broadcast_in_dim3A_528 = vector.shape_cast %reduce_sum3A_527 : vector<256xf32> to vector<256x1xf32>
    %div3A_529 = vector.broadcast %broadcast_in_dim3A_528 : vector<256x1xf32> to vector<256x1024xf32>
    %div3A_530 = arith.divf %exp3A_525, %div3A_529 : vector<256x1024xf32>
    %get3A_531 = arith.constant 5 : index
    %get3A_532 = arith.constant 0 : index
    %get3A_533 = arith.constant 0 : index
    %get3A_534 = vector.load %arg3[%get3A_531, %get3A_532, %get3A_533] : memref<8x1024x64xf32, #tpu.memory_space<vmem>>, vector<1x1024x64xf32>
    %get3A_535 = vector.shape_cast %get3A_534 : vector<1x1024x64xf32> to vector<1024x64xf32>
    %dot_general3A_536 = arith.constant dense<0.000000e+00> : vector<256x64xf32>
    %dot_general3A_537 = tpu.matmul %div3A_530, %get3A_535, %dot_general3A_536 {dimension_numbers = #tpu.dot_dimension_numbers<[1], [0], [0], [1], [0, 0, 1, 1], [], []>, transpose_lhs_hint = false} : vector<256x1024xf32>, vector<1024x64xf32>, vector<256x64xf32> -> vector<256x64xf32>
    %get3A_538 = arith.constant 12 : index
    %get3A_539 = arith.constant 0 : index
    %get3A_540 = arith.constant 0 : index
    %get3A_541 = vector.load %arg1[%get3A_538, %get3A_539, %get3A_540] : memref<16x256x64xf32, #tpu.memory_space<vmem>>, vector<1x256x64xf32>
    %get3A_542 = vector.shape_cast %get3A_541 : vector<1x256x64xf32> to vector<256x64xf32>
    %get3A_543 = arith.constant 6 : index
    %get3A_544 = arith.constant 0 : index
    %get3A_545 = arith.constant 0 : index
    %get3A_546 = vector.load %arg2[%get3A_543, %get3A_544, %get3A_545] : memref<8x1024x64xf32, #tpu.memory_space<vmem>>, vector<1x1024x64xf32>
    %get3A_547 = vector.shape_cast %get3A_546 : vector<1x1024x64xf32> to vector<1024x64xf32>
    %dot_general3A_548 = arith.constant dense<0.000000e+00> : vector<256x1024xf32>
    %dot_general3A_549 = tpu.matmul %get3A_542, %get3A_547, %dot_general3A_548 {dimension_numbers = #tpu.dot_dimension_numbers<[1], [1], [0], [0], [0, 0, 1, 0], [], []>, transpose_lhs_hint = false} : vector<256x64xf32>, vector<1024x64xf32>, vector<256x1024xf32> -> vector<256x1024xf32>
    %mul3A_550 = arith.constant 1.250000e-01 : f32
    %mul3A_551 = vector.broadcast %mul3A_550 : f32 to vector<256x1024xf32>
    %mul3A_552 = arith.mulf %dot_general3A_549, %mul3A_551 : vector<256x1024xf32>
    %iota3A_553 = tpu.iota {dimensions = array<i32: 0>} : vector<256x1024xi32>
    %add3A_554 = arith.constant 512 : i32
    %add3A_555 = vector.broadcast %add3A_554 : i32 to vector<256x1024xi32>
    %add3A_556 = arith.addi %iota3A_553, %add3A_555 : vector<256x1024xi32>
    %mul3A_557 = arith.constant 256 : i32
    %mul3A_558 = arith.muli %arg0, %mul3A_557 : i32
    %add3A_559 = vector.broadcast %mul3A_558 : i32 to vector<256x1024xi32>
    %add3A_560 = arith.addi %add3A_556, %add3A_559 : vector<256x1024xi32>
    %iota3A_561 = tpu.iota {dimensions = array<i32: 1>} : vector<256x1024xi32>
    %le3A_562 = arith.cmpi sle, %iota3A_561, %add3A_560 : vector<256x1024xi32>
    %jit3A_563 = arith.constant -1.000000e+30 : f32
    %broadcast_in_dim3A_564 = vector.broadcast %jit3A_563 : f32 to vector<256x1024xf32>
    %select_n3A_565 = arith.select %le3A_562, %mul3A_552, %broadcast_in_dim3A_564 : vector<256x1024xi1>, vector<256x1024xf32>
    %reduce_max3A_566 = arith.constant dense<0xFF800000> : vector<256xf32>
    %reduce_max3A_567 = vector.multi_reduction <maximumf>, %select_n3A_565, %reduce_max3A_566 [1] : vector<256x1024xf32> to vector<256xf32>
    %broadcast_in_dim3A_568 = vector.shape_cast %reduce_max3A_567 : vector<256xf32> to vector<256x1xf32>
    %sub3A_569 = vector.broadcast %broadcast_in_dim3A_568 : vector<256x1xf32> to vector<256x1024xf32>
    %sub3A_570 = arith.subf %select_n3A_565, %sub3A_569 : vector<256x1024xf32>
    %exp3A_571 = math.exp %sub3A_570 : vector<256x1024xf32>
    %reduce_sum3A_572 = arith.constant dense<0.000000e+00> : vector<256xf32>
    %reduce_sum3A_573 = vector.multi_reduction <add>, %exp3A_571, %reduce_sum3A_572 [1] : vector<256x1024xf32> to vector<256xf32>
    %broadcast_in_dim3A_574 = vector.shape_cast %reduce_sum3A_573 : vector<256xf32> to vector<256x1xf32>
    %div3A_575 = vector.broadcast %broadcast_in_dim3A_574 : vector<256x1xf32> to vector<256x1024xf32>
    %div3A_576 = arith.divf %exp3A_571, %div3A_575 : vector<256x1024xf32>
    %get3A_577 = arith.constant 6 : index
    %get3A_578 = arith.constant 0 : index
    %get3A_579 = arith.constant 0 : index
    %get3A_580 = vector.load %arg3[%get3A_577, %get3A_578, %get3A_579] : memref<8x1024x64xf32, #tpu.memory_space<vmem>>, vector<1x1024x64xf32>
    %get3A_581 = vector.shape_cast %get3A_580 : vector<1x1024x64xf32> to vector<1024x64xf32>
    %dot_general3A_582 = arith.constant dense<0.000000e+00> : vector<256x64xf32>
    %dot_general3A_583 = tpu.matmul %div3A_576, %get3A_581, %dot_general3A_582 {dimension_numbers = #tpu.dot_dimension_numbers<[1], [0], [0], [1], [0, 0, 1, 1], [], []>, transpose_lhs_hint = false} : vector<256x1024xf32>, vector<1024x64xf32>, vector<256x64xf32> -> vector<256x64xf32>
    %get3A_584 = arith.constant 13 : index
    %get3A_585 = arith.constant 0 : index
    %get3A_586 = arith.constant 0 : index
    %get3A_587 = vector.load %arg1[%get3A_584, %get3A_585, %get3A_586] : memref<16x256x64xf32, #tpu.memory_space<vmem>>, vector<1x256x64xf32>
    %get3A_588 = vector.shape_cast %get3A_587 : vector<1x256x64xf32> to vector<256x64xf32>
    %get3A_589 = arith.constant 6 : index
    %get3A_590 = arith.constant 0 : index
    %get3A_591 = arith.constant 0 : index
    %get3A_592 = vector.load %arg2[%get3A_589, %get3A_590, %get3A_591] : memref<8x1024x64xf32, #tpu.memory_space<vmem>>, vector<1x1024x64xf32>
    %get3A_593 = vector.shape_cast %get3A_592 : vector<1x1024x64xf32> to vector<1024x64xf32>
    %dot_general3A_594 = arith.constant dense<0.000000e+00> : vector<256x1024xf32>
    %dot_general3A_595 = tpu.matmul %get3A_588, %get3A_593, %dot_general3A_594 {dimension_numbers = #tpu.dot_dimension_numbers<[1], [1], [0], [0], [0, 0, 1, 0], [], []>, transpose_lhs_hint = false} : vector<256x64xf32>, vector<1024x64xf32>, vector<256x1024xf32> -> vector<256x1024xf32>
    %mul3A_596 = arith.constant 1.250000e-01 : f32
    %mul3A_597 = vector.broadcast %mul3A_596 : f32 to vector<256x1024xf32>
    %mul3A_598 = arith.mulf %dot_general3A_595, %mul3A_597 : vector<256x1024xf32>
    %iota3A_599 = tpu.iota {dimensions = array<i32: 0>} : vector<256x1024xi32>
    %add3A_600 = arith.constant 512 : i32
    %add3A_601 = vector.broadcast %add3A_600 : i32 to vector<256x1024xi32>
    %add3A_602 = arith.addi %iota3A_599, %add3A_601 : vector<256x1024xi32>
    %mul3A_603 = arith.constant 256 : i32
    %mul3A_604 = arith.muli %arg0, %mul3A_603 : i32
    %add3A_605 = vector.broadcast %mul3A_604 : i32 to vector<256x1024xi32>
    %add3A_606 = arith.addi %add3A_602, %add3A_605 : vector<256x1024xi32>
    %iota3A_607 = tpu.iota {dimensions = array<i32: 1>} : vector<256x1024xi32>
    %le3A_608 = arith.cmpi sle, %iota3A_607, %add3A_606 : vector<256x1024xi32>
    %jit3A_609 = arith.constant -1.000000e+30 : f32
    %broadcast_in_dim3A_610 = vector.broadcast %jit3A_609 : f32 to vector<256x1024xf32>
    %select_n3A_611 = arith.select %le3A_608, %mul3A_598, %broadcast_in_dim3A_610 : vector<256x1024xi1>, vector<256x1024xf32>
    %reduce_max3A_612 = arith.constant dense<0xFF800000> : vector<256xf32>
    %reduce_max3A_613 = vector.multi_reduction <maximumf>, %select_n3A_611, %reduce_max3A_612 [1] : vector<256x1024xf32> to vector<256xf32>
    %broadcast_in_dim3A_614 = vector.shape_cast %reduce_max3A_613 : vector<256xf32> to vector<256x1xf32>
    %sub3A_615 = vector.broadcast %broadcast_in_dim3A_614 : vector<256x1xf32> to vector<256x1024xf32>
    %sub3A_616 = arith.subf %select_n3A_611, %sub3A_615 : vector<256x1024xf32>
    %exp3A_617 = math.exp %sub3A_616 : vector<256x1024xf32>
    %reduce_sum3A_618 = arith.constant dense<0.000000e+00> : vector<256xf32>
    %reduce_sum3A_619 = vector.multi_reduction <add>, %exp3A_617, %reduce_sum3A_618 [1] : vector<256x1024xf32> to vector<256xf32>
    %broadcast_in_dim3A_620 = vector.shape_cast %reduce_sum3A_619 : vector<256xf32> to vector<256x1xf32>
    %div3A_621 = vector.broadcast %broadcast_in_dim3A_620 : vector<256x1xf32> to vector<256x1024xf32>
    %div3A_622 = arith.divf %exp3A_617, %div3A_621 : vector<256x1024xf32>
    %get3A_623 = arith.constant 6 : index
    %get3A_624 = arith.constant 0 : index
    %get3A_625 = arith.constant 0 : index
    %get3A_626 = vector.load %arg3[%get3A_623, %get3A_624, %get3A_625] : memref<8x1024x64xf32, #tpu.memory_space<vmem>>, vector<1x1024x64xf32>
    %get3A_627 = vector.shape_cast %get3A_626 : vector<1x1024x64xf32> to vector<1024x64xf32>
    %dot_general3A_628 = arith.constant dense<0.000000e+00> : vector<256x64xf32>
    %dot_general3A_629 = tpu.matmul %div3A_622, %get3A_627, %dot_general3A_628 {dimension_numbers = #tpu.dot_dimension_numbers<[1], [0], [0], [1], [0, 0, 1, 1], [], []>, transpose_lhs_hint = false} : vector<256x1024xf32>, vector<1024x64xf32>, vector<256x64xf32> -> vector<256x64xf32>
    %get3A_630 = arith.constant 14 : index
    %get3A_631 = arith.constant 0 : index
    %get3A_632 = arith.constant 0 : index
    %get3A_633 = vector.load %arg1[%get3A_630, %get3A_631, %get3A_632] : memref<16x256x64xf32, #tpu.memory_space<vmem>>, vector<1x256x64xf32>
    %get3A_634 = vector.shape_cast %get3A_633 : vector<1x256x64xf32> to vector<256x64xf32>
    %get3A_635 = arith.constant 7 : index
    %get3A_636 = arith.constant 0 : index
    %get3A_637 = arith.constant 0 : index
    %get3A_638 = vector.load %arg2[%get3A_635, %get3A_636, %get3A_637] : memref<8x1024x64xf32, #tpu.memory_space<vmem>>, vector<1x1024x64xf32>
    %get3A_639 = vector.shape_cast %get3A_638 : vector<1x1024x64xf32> to vector<1024x64xf32>
    %dot_general3A_640 = arith.constant dense<0.000000e+00> : vector<256x1024xf32>
    %dot_general3A_641 = tpu.matmul %get3A_634, %get3A_639, %dot_general3A_640 {dimension_numbers = #tpu.dot_dimension_numbers<[1], [1], [0], [0], [0, 0, 1, 0], [], []>, transpose_lhs_hint = false} : vector<256x64xf32>, vector<1024x64xf32>, vector<256x1024xf32> -> vector<256x1024xf32>
    %mul3A_642 = arith.constant 1.250000e-01 : f32
    %mul3A_643 = vector.broadcast %mul3A_642 : f32 to vector<256x1024xf32>
    %mul3A_644 = arith.mulf %dot_general3A_641, %mul3A_643 : vector<256x1024xf32>
    %iota3A_645 = tpu.iota {dimensions = array<i32: 0>} : vector<256x1024xi32>
    %add3A_646 = arith.constant 512 : i32
    %add3A_647 = vector.broadcast %add3A_646 : i32 to vector<256x1024xi32>
    %add3A_648 = arith.addi %iota3A_645, %add3A_647 : vector<256x1024xi32>
    %mul3A_649 = arith.constant 256 : i32
    %mul3A_650 = arith.muli %arg0, %mul3A_649 : i32
    %add3A_651 = vector.broadcast %mul3A_650 : i32 to vector<256x1024xi32>
    %add3A_652 = arith.addi %add3A_648, %add3A_651 : vector<256x1024xi32>
    %iota3A_653 = tpu.iota {dimensions = array<i32: 1>} : vector<256x1024xi32>
    %le3A_654 = arith.cmpi sle, %iota3A_653, %add3A_652 : vector<256x1024xi32>
    %jit3A_655 = arith.constant -1.000000e+30 : f32
    %broadcast_in_dim3A_656 = vector.broadcast %jit3A_655 : f32 to vector<256x1024xf32>
    %select_n3A_657 = arith.select %le3A_654, %mul3A_644, %broadcast_in_dim3A_656 : vector<256x1024xi1>, vector<256x1024xf32>
    %reduce_max3A_658 = arith.constant dense<0xFF800000> : vector<256xf32>
    %reduce_max3A_659 = vector.multi_reduction <maximumf>, %select_n3A_657, %reduce_max3A_658 [1] : vector<256x1024xf32> to vector<256xf32>
    %broadcast_in_dim3A_660 = vector.shape_cast %reduce_max3A_659 : vector<256xf32> to vector<256x1xf32>
    %sub3A_661 = vector.broadcast %broadcast_in_dim3A_660 : vector<256x1xf32> to vector<256x1024xf32>
    %sub3A_662 = arith.subf %select_n3A_657, %sub3A_661 : vector<256x1024xf32>
    %exp3A_663 = math.exp %sub3A_662 : vector<256x1024xf32>
    %reduce_sum3A_664 = arith.constant dense<0.000000e+00> : vector<256xf32>
    %reduce_sum3A_665 = vector.multi_reduction <add>, %exp3A_663, %reduce_sum3A_664 [1] : vector<256x1024xf32> to vector<256xf32>
    %broadcast_in_dim3A_666 = vector.shape_cast %reduce_sum3A_665 : vector<256xf32> to vector<256x1xf32>
    %div3A_667 = vector.broadcast %broadcast_in_dim3A_666 : vector<256x1xf32> to vector<256x1024xf32>
    %div3A_668 = arith.divf %exp3A_663, %div3A_667 : vector<256x1024xf32>
    %get3A_669 = arith.constant 7 : index
    %get3A_670 = arith.constant 0 : index
    %get3A_671 = arith.constant 0 : index
    %get3A_672 = vector.load %arg3[%get3A_669, %get3A_670, %get3A_671] : memref<8x1024x64xf32, #tpu.memory_space<vmem>>, vector<1x1024x64xf32>
    %get3A_673 = vector.shape_cast %get3A_672 : vector<1x1024x64xf32> to vector<1024x64xf32>
    %dot_general3A_674 = arith.constant dense<0.000000e+00> : vector<256x64xf32>
    %dot_general3A_675 = tpu.matmul %div3A_668, %get3A_673, %dot_general3A_674 {dimension_numbers = #tpu.dot_dimension_numbers<[1], [0], [0], [1], [0, 0, 1, 1], [], []>, transpose_lhs_hint = false} : vector<256x1024xf32>, vector<1024x64xf32>, vector<256x64xf32> -> vector<256x64xf32>
    %get3A_676 = arith.constant 15 : index
    %get3A_677 = arith.constant 0 : index
    %get3A_678 = arith.constant 0 : index
    %get3A_679 = vector.load %arg1[%get3A_676, %get3A_677, %get3A_678] : memref<16x256x64xf32, #tpu.memory_space<vmem>>, vector<1x256x64xf32>
    %get3A_680 = vector.shape_cast %get3A_679 : vector<1x256x64xf32> to vector<256x64xf32>
    %get3A_681 = arith.constant 7 : index
    %get3A_682 = arith.constant 0 : index
    %get3A_683 = arith.constant 0 : index
    %get3A_684 = vector.load %arg2[%get3A_681, %get3A_682, %get3A_683] : memref<8x1024x64xf32, #tpu.memory_space<vmem>>, vector<1x1024x64xf32>
    %get3A_685 = vector.shape_cast %get3A_684 : vector<1x1024x64xf32> to vector<1024x64xf32>
    %dot_general3A_686 = arith.constant dense<0.000000e+00> : vector<256x1024xf32>
    %dot_general3A_687 = tpu.matmul %get3A_680, %get3A_685, %dot_general3A_686 {dimension_numbers = #tpu.dot_dimension_numbers<[1], [1], [0], [0], [0, 0, 1, 0], [], []>, transpose_lhs_hint = false} : vector<256x64xf32>, vector<1024x64xf32>, vector<256x1024xf32> -> vector<256x1024xf32>
    %mul3A_688 = arith.constant 1.250000e-01 : f32
    %mul3A_689 = vector.broadcast %mul3A_688 : f32 to vector<256x1024xf32>
    %mul3A_690 = arith.mulf %dot_general3A_687, %mul3A_689 : vector<256x1024xf32>
    %iota3A_691 = tpu.iota {dimensions = array<i32: 0>} : vector<256x1024xi32>
    %add3A_692 = arith.constant 512 : i32
    %add3A_693 = vector.broadcast %add3A_692 : i32 to vector<256x1024xi32>
    %add3A_694 = arith.addi %iota3A_691, %add3A_693 : vector<256x1024xi32>
    %mul3A_695 = arith.constant 256 : i32
    %mul3A_696 = arith.muli %arg0, %mul3A_695 : i32
    %add3A_697 = vector.broadcast %mul3A_696 : i32 to vector<256x1024xi32>
    %add3A_698 = arith.addi %add3A_694, %add3A_697 : vector<256x1024xi32>
    %iota3A_699 = tpu.iota {dimensions = array<i32: 1>} : vector<256x1024xi32>
    %le3A_700 = arith.cmpi sle, %iota3A_699, %add3A_698 : vector<256x1024xi32>
    %jit3A_701 = arith.constant -1.000000e+30 : f32
    %broadcast_in_dim3A_702 = vector.broadcast %jit3A_701 : f32 to vector<256x1024xf32>
    %select_n3A_703 = arith.select %le3A_700, %mul3A_690, %broadcast_in_dim3A_702 : vector<256x1024xi1>, vector<256x1024xf32>
    %reduce_max3A_704 = arith.constant dense<0xFF800000> : vector<256xf32>
    %reduce_max3A_705 = vector.multi_reduction <maximumf>, %select_n3A_703, %reduce_max3A_704 [1] : vector<256x1024xf32> to vector<256xf32>
    %broadcast_in_dim3A_706 = vector.shape_cast %reduce_max3A_705 : vector<256xf32> to vector<256x1xf32>
    %sub3A_707 = vector.broadcast %broadcast_in_dim3A_706 : vector<256x1xf32> to vector<256x1024xf32>
    %sub3A_708 = arith.subf %select_n3A_703, %sub3A_707 : vector<256x1024xf32>
    %exp3A_709 = math.exp %sub3A_708 : vector<256x1024xf32>
    %reduce_sum3A_710 = arith.constant dense<0.000000e+00> : vector<256xf32>
    %reduce_sum3A_711 = vector.multi_reduction <add>, %exp3A_709, %reduce_sum3A_710 [1] : vector<256x1024xf32> to vector<256xf32>
    %broadcast_in_dim3A_712 = vector.shape_cast %reduce_sum3A_711 : vector<256xf32> to vector<256x1xf32>
    %div3A_713 = vector.broadcast %broadcast_in_dim3A_712 : vector<256x1xf32> to vector<256x1024xf32>
    %div3A_714 = arith.divf %exp3A_709, %div3A_713 : vector<256x1024xf32>
    %get3A_715 = arith.constant 7 : index
    %get3A_716 = arith.constant 0 : index
    %get3A_717 = arith.constant 0 : index
    %get3A_718 = vector.load %arg3[%get3A_715, %get3A_716, %get3A_717] : memref<8x1024x64xf32, #tpu.memory_space<vmem>>, vector<1x1024x64xf32>
    %get3A_719 = vector.shape_cast %get3A_718 : vector<1x1024x64xf32> to vector<1024x64xf32>
    %dot_general3A_720 = arith.constant dense<0.000000e+00> : vector<256x64xf32>
    %dot_general3A_721 = tpu.matmul %div3A_714, %get3A_719, %dot_general3A_720 {dimension_numbers = #tpu.dot_dimension_numbers<[1], [0], [0], [1], [0, 0, 1, 1], [], []>, transpose_lhs_hint = false} : vector<256x1024xf32>, vector<1024x64xf32>, vector<256x64xf32> -> vector<256x64xf32>
    %concatenate3A = tpu.concatenate %dot_general3A_31, %dot_general3A_77, %dot_general3A_123, %dot_general3A_169, %dot_general3A_215, %dot_general3A_261, %dot_general3A_307, %dot_general3A_353, %dot_general3A_399, %dot_general3A_445, %dot_general3A_491, %dot_general3A_537, %dot_general3A_583, %dot_general3A_629, %dot_general3A_675, %dot_general3A_721 in 1 : vector<256x64xf32>, vector<256x64xf32>, vector<256x64xf32>, vector<256x64xf32>, vector<256x64xf32>, vector<256x64xf32>, vector<256x64xf32>, vector<256x64xf32>, vector<256x64xf32>, vector<256x64xf32>, vector<256x64xf32>, vector<256x64xf32>, vector<256x64xf32>, vector<256x64xf32>, vector<256x64xf32>, vector<256x64xf32> -> vector<256x1024xf32>
    %swap3A = arith.constant 0 : index
    %swap3A_722 = arith.constant 0 : index
    %swap3A_723 = vector.load %arg4[%swap3A, %swap3A_722] : memref<256x1024xf32, #tpu.memory_space<vmem>>, vector<256x1024xf32>
    tpu.vector_store %arg4[%swap3A, %swap3A_722], %concatenate3A {strides = array<i32>} : memref<256x1024xf32, #tpu.memory_space<vmem>>, vector<256x1024xf32>,
    return
  }
  func.func @transform_0(%arg0: i32) -> (i32, i32, i32) {
    %c0_i32 = arith.constant 0 : i32
    %c0_i32_0 = arith.constant 0 : i32
    %c0_i32_1 = arith.constant 0 : i32
    return %c0_i32, %arg0, %c0_i32_0 : i32, i32, i32
  }
  func.func @transform_1(%arg0: i32) -> (i32, i32, i32) {
    %c0_i32 = arith.constant 0 : i32
    %c0_i32_0 = arith.constant 0 : i32
    %c0_i32_1 = arith.constant 0 : i32
    %c0_i32_2 = arith.constant 0 : i32
    return %c0_i32, %c0_i32_0, %c0_i32_1 : i32, i32, i32
  }
  func.func @transform_2(%arg0: i32) -> (i32, i32, i32) {
    %c0_i32 = arith.constant 0 : i32
    %c0_i32_0 = arith.constant 0 : i32
    %c0_i32_1 = arith.constant 0 : i32
    %c0_i32_2 = arith.constant 0 : i32
    return %c0_i32, %c0_i32_0, %c0_i32_1 : i32, i32, i32
  }
  func.func @transform_3(%arg0: i32) -> (i32, i32) {
    %c0_i32 = arith.constant 0 : i32
    %c0_i32_0 = arith.constant 0 : i32
    return %arg0, %c0_i32 : i32, i32
  }
}

module attributes {stable_mosaic.version = 14 : i64} {
  func.func @_attn_body(%arg0: i32, %arg1: memref<16x256x64xf32, #tpu.memory_space<vmem>>, %arg2: memref<8x512x64xf32, #tpu.memory_space<vmem>>, %arg3: memref<8x512x64xf32, #tpu.memory_space<vmem>>, %arg4: memref<256x1024xf32, #tpu.memory_space<vmem>>) attributes {dimension_semantics = [#tpu.dimension_semantics<arbitrary>], iteration_bounds = array<i64: 2>, scalar_prefetch = 0 : i64, scratch_operands = 0 : i64, tpu.core_type = #tpu.core_type<tc>, window_params = [{transform_indices = @transform_0, window_bounds = array<i64: 16, 256, 64>}, {transform_indices = @transform_1, window_bounds = array<i64: 8, 512, 64>}, {transform_indices = @transform_2, window_bounds = array<i64: 8, 512, 64>}, {transform_indices = @transform_3, window_bounds = array<i64: 256, 1024>}]} {
    %get3A = arith.constant 0 : index
    %get3A_0 = arith.constant 0 : index
    %get3A_1 = arith.constant 0 : index
    %get3A_2 = vector.load %arg1[%get3A, %get3A_0, %get3A_1] : memref<16x256x64xf32, #tpu.memory_space<vmem>>, vector<1x256x64xf32>
    %get3A_3 = vector.shape_cast %get3A_2 : vector<1x256x64xf32> to vector<256x64xf32>
    %get3A_4 = arith.constant 0 : index
    %get3A_5 = arith.constant 0 : index
    %get3A_6 = arith.constant 0 : index
    %get3A_7 = vector.load %arg2[%get3A_4, %get3A_5, %get3A_6] : memref<8x512x64xf32, #tpu.memory_space<vmem>>, vector<1x512x64xf32>
    %get3A_8 = vector.shape_cast %get3A_7 : vector<1x512x64xf32> to vector<512x64xf32>
    %dot_general3A = arith.constant dense<0.000000e+00> : vector<256x512xf32>
    %dot_general3A_9 = tpu.matmul %get3A_3, %get3A_8, %dot_general3A {dimension_numbers = #tpu.dot_dimension_numbers<[1], [1], [0], [0], [0, 0, 1, 0], [], []>, transpose_lhs_hint = false} : vector<256x64xf32>, vector<512x64xf32>, vector<256x512xf32> -> vector<256x512xf32>
    %mul3A = arith.constant 1.250000e-01 : f32
    %mul3A_10 = vector.broadcast %mul3A : f32 to vector<256x512xf32>
    %mul3A_11 = arith.mulf %dot_general3A_9, %mul3A_10 : vector<256x512xf32>
    %iota3A = tpu.iota {dimensions = array<i32: 0>} : vector<256x512xi32>
    %add3A = arith.constant 0 : i32
    %add3A_12 = vector.broadcast %add3A : i32 to vector<256x512xi32>
    %add3A_13 = arith.addi %iota3A, %add3A_12 : vector<256x512xi32>
    %mul3A_14 = arith.constant 256 : i32
    %mul3A_15 = arith.muli %arg0, %mul3A_14 : i32
    %add3A_16 = vector.broadcast %mul3A_15 : i32 to vector<256x512xi32>
    %add3A_17 = arith.addi %add3A_13, %add3A_16 : vector<256x512xi32>
    %iota3A_18 = tpu.iota {dimensions = array<i32: 1>} : vector<256x512xi32>
    %le3A = arith.cmpi sle, %iota3A_18, %add3A_17 : vector<256x512xi32>
    %jit3A = arith.constant -1.000000e+30 : f32
    %broadcast_in_dim3A = vector.broadcast %jit3A : f32 to vector<256x512xf32>
    %select_n3A = arith.select %le3A, %mul3A_11, %broadcast_in_dim3A : vector<256x512xi1>, vector<256x512xf32>
    %reduce_max3A = arith.constant dense<0xFF800000> : vector<256xf32>
    %reduce_max3A_19 = vector.multi_reduction <maximumf>, %select_n3A, %reduce_max3A [1] : vector<256x512xf32> to vector<256xf32>
    %broadcast_in_dim3A_20 = vector.shape_cast %reduce_max3A_19 : vector<256xf32> to vector<256x1xf32>
    %sub3A = vector.broadcast %broadcast_in_dim3A_20 : vector<256x1xf32> to vector<256x512xf32>
    %sub3A_21 = arith.subf %select_n3A, %sub3A : vector<256x512xf32>
    %exp3A = math.exp %sub3A_21 : vector<256x512xf32>
    %reduce_sum3A = arith.constant dense<0.000000e+00> : vector<256xf32>
    %reduce_sum3A_22 = vector.multi_reduction <add>, %exp3A, %reduce_sum3A [1] : vector<256x512xf32> to vector<256xf32>
    %broadcast_in_dim3A_23 = vector.shape_cast %reduce_sum3A_22 : vector<256xf32> to vector<256x1xf32>
    %div3A = vector.broadcast %broadcast_in_dim3A_23 : vector<256x1xf32> to vector<256x512xf32>
    %div3A_24 = arith.divf %exp3A, %div3A : vector<256x512xf32>
    %get3A_25 = arith.constant 0 : index
    %get3A_26 = arith.constant 0 : index
    %get3A_27 = arith.constant 0 : index
    %get3A_28 = vector.load %arg3[%get3A_25, %get3A_26, %get3A_27] : memref<8x512x64xf32, #tpu.memory_space<vmem>>, vector<1x512x64xf32>
    %get3A_29 = vector.shape_cast %get3A_28 : vector<1x512x64xf32> to vector<512x64xf32>
    %dot_general3A_30 = arith.constant dense<0.000000e+00> : vector<256x64xf32>
    %dot_general3A_31 = tpu.matmul %div3A_24, %get3A_29, %dot_general3A_30 {dimension_numbers = #tpu.dot_dimension_numbers<[1], [0], [0], [1], [0, 0, 1, 1], [], []>, transpose_lhs_hint = false} : vector<256x512xf32>, vector<512x64xf32>, vector<256x64xf32> -> vector<256x64xf32>
    %get3A_32 = arith.constant 1 : index
    %get3A_33 = arith.constant 0 : index
    %get3A_34 = arith.constant 0 : index
    %get3A_35 = vector.load %arg1[%get3A_32, %get3A_33, %get3A_34] : memref<16x256x64xf32, #tpu.memory_space<vmem>>, vector<1x256x64xf32>
    %get3A_36 = vector.shape_cast %get3A_35 : vector<1x256x64xf32> to vector<256x64xf32>
    %get3A_37 = arith.constant 0 : index
    %get3A_38 = arith.constant 0 : index
    %get3A_39 = arith.constant 0 : index
    %get3A_40 = vector.load %arg2[%get3A_37, %get3A_38, %get3A_39] : memref<8x512x64xf32, #tpu.memory_space<vmem>>, vector<1x512x64xf32>
    %get3A_41 = vector.shape_cast %get3A_40 : vector<1x512x64xf32> to vector<512x64xf32>
    %dot_general3A_42 = arith.constant dense<0.000000e+00> : vector<256x512xf32>
    %dot_general3A_43 = tpu.matmul %get3A_36, %get3A_41, %dot_general3A_42 {dimension_numbers = #tpu.dot_dimension_numbers<[1], [1], [0], [0], [0, 0, 1, 0], [], []>, transpose_lhs_hint = false} : vector<256x64xf32>, vector<512x64xf32>, vector<256x512xf32> -> vector<256x512xf32>
    %mul3A_44 = arith.constant 1.250000e-01 : f32
    %mul3A_45 = vector.broadcast %mul3A_44 : f32 to vector<256x512xf32>
    %mul3A_46 = arith.mulf %dot_general3A_43, %mul3A_45 : vector<256x512xf32>
    %iota3A_47 = tpu.iota {dimensions = array<i32: 0>} : vector<256x512xi32>
    %add3A_48 = arith.constant 0 : i32
    %add3A_49 = vector.broadcast %add3A_48 : i32 to vector<256x512xi32>
    %add3A_50 = arith.addi %iota3A_47, %add3A_49 : vector<256x512xi32>
    %mul3A_51 = arith.constant 256 : i32
    %mul3A_52 = arith.muli %arg0, %mul3A_51 : i32
    %add3A_53 = vector.broadcast %mul3A_52 : i32 to vector<256x512xi32>
    %add3A_54 = arith.addi %add3A_50, %add3A_53 : vector<256x512xi32>
    %iota3A_55 = tpu.iota {dimensions = array<i32: 1>} : vector<256x512xi32>
    %le3A_56 = arith.cmpi sle, %iota3A_55, %add3A_54 : vector<256x512xi32>
    %jit3A_57 = arith.constant -1.000000e+30 : f32
    %broadcast_in_dim3A_58 = vector.broadcast %jit3A_57 : f32 to vector<256x512xf32>
    %select_n3A_59 = arith.select %le3A_56, %mul3A_46, %broadcast_in_dim3A_58 : vector<256x512xi1>, vector<256x512xf32>
    %reduce_max3A_60 = arith.constant dense<0xFF800000> : vector<256xf32>
    %reduce_max3A_61 = vector.multi_reduction <maximumf>, %select_n3A_59, %reduce_max3A_60 [1] : vector<256x512xf32> to vector<256xf32>
    %broadcast_in_dim3A_62 = vector.shape_cast %reduce_max3A_61 : vector<256xf32> to vector<256x1xf32>
    %sub3A_63 = vector.broadcast %broadcast_in_dim3A_62 : vector<256x1xf32> to vector<256x512xf32>
    %sub3A_64 = arith.subf %select_n3A_59, %sub3A_63 : vector<256x512xf32>
    %exp3A_65 = math.exp %sub3A_64 : vector<256x512xf32>
    %reduce_sum3A_66 = arith.constant dense<0.000000e+00> : vector<256xf32>
    %reduce_sum3A_67 = vector.multi_reduction <add>, %exp3A_65, %reduce_sum3A_66 [1] : vector<256x512xf32> to vector<256xf32>
    %broadcast_in_dim3A_68 = vector.shape_cast %reduce_sum3A_67 : vector<256xf32> to vector<256x1xf32>
    %div3A_69 = vector.broadcast %broadcast_in_dim3A_68 : vector<256x1xf32> to vector<256x512xf32>
    %div3A_70 = arith.divf %exp3A_65, %div3A_69 : vector<256x512xf32>
    %get3A_71 = arith.constant 0 : index
    %get3A_72 = arith.constant 0 : index
    %get3A_73 = arith.constant 0 : index
    %get3A_74 = vector.load %arg3[%get3A_71, %get3A_72, %get3A_73] : memref<8x512x64xf32, #tpu.memory_space<vmem>>, vector<1x512x64xf32>
    %get3A_75 = vector.shape_cast %get3A_74 : vector<1x512x64xf32> to vector<512x64xf32>
    %dot_general3A_76 = arith.constant dense<0.000000e+00> : vector<256x64xf32>
    %dot_general3A_77 = tpu.matmul %div3A_70, %get3A_75, %dot_general3A_76 {dimension_numbers = #tpu.dot_dimension_numbers<[1], [0], [0], [1], [0, 0, 1, 1], [], []>, transpose_lhs_hint = false} : vector<256x512xf32>, vector<512x64xf32>, vector<256x64xf32> -> vector<256x64xf32>
    %get3A_78 = arith.constant 2 : index
    %get3A_79 = arith.constant 0 : index
    %get3A_80 = arith.constant 0 : index
    %get3A_81 = vector.load %arg1[%get3A_78, %get3A_79, %get3A_80] : memref<16x256x64xf32, #tpu.memory_space<vmem>>, vector<1x256x64xf32>
    %get3A_82 = vector.shape_cast %get3A_81 : vector<1x256x64xf32> to vector<256x64xf32>
    %get3A_83 = arith.constant 1 : index
    %get3A_84 = arith.constant 0 : index
    %get3A_85 = arith.constant 0 : index
    %get3A_86 = vector.load %arg2[%get3A_83, %get3A_84, %get3A_85] : memref<8x512x64xf32, #tpu.memory_space<vmem>>, vector<1x512x64xf32>
    %get3A_87 = vector.shape_cast %get3A_86 : vector<1x512x64xf32> to vector<512x64xf32>
    %dot_general3A_88 = arith.constant dense<0.000000e+00> : vector<256x512xf32>
    %dot_general3A_89 = tpu.matmul %get3A_82, %get3A_87, %dot_general3A_88 {dimension_numbers = #tpu.dot_dimension_numbers<[1], [1], [0], [0], [0, 0, 1, 0], [], []>, transpose_lhs_hint = false} : vector<256x64xf32>, vector<512x64xf32>, vector<256x512xf32> -> vector<256x512xf32>
    %mul3A_90 = arith.constant 1.250000e-01 : f32
    %mul3A_91 = vector.broadcast %mul3A_90 : f32 to vector<256x512xf32>
    %mul3A_92 = arith.mulf %dot_general3A_89, %mul3A_91 : vector<256x512xf32>
    %iota3A_93 = tpu.iota {dimensions = array<i32: 0>} : vector<256x512xi32>
    %add3A_94 = arith.constant 0 : i32
    %add3A_95 = vector.broadcast %add3A_94 : i32 to vector<256x512xi32>
    %add3A_96 = arith.addi %iota3A_93, %add3A_95 : vector<256x512xi32>
    %mul3A_97 = arith.constant 256 : i32
    %mul3A_98 = arith.muli %arg0, %mul3A_97 : i32
    %add3A_99 = vector.broadcast %mul3A_98 : i32 to vector<256x512xi32>
    %add3A_100 = arith.addi %add3A_96, %add3A_99 : vector<256x512xi32>
    %iota3A_101 = tpu.iota {dimensions = array<i32: 1>} : vector<256x512xi32>
    %le3A_102 = arith.cmpi sle, %iota3A_101, %add3A_100 : vector<256x512xi32>
    %jit3A_103 = arith.constant -1.000000e+30 : f32
    %broadcast_in_dim3A_104 = vector.broadcast %jit3A_103 : f32 to vector<256x512xf32>
    %select_n3A_105 = arith.select %le3A_102, %mul3A_92, %broadcast_in_dim3A_104 : vector<256x512xi1>, vector<256x512xf32>
    %reduce_max3A_106 = arith.constant dense<0xFF800000> : vector<256xf32>
    %reduce_max3A_107 = vector.multi_reduction <maximumf>, %select_n3A_105, %reduce_max3A_106 [1] : vector<256x512xf32> to vector<256xf32>
    %broadcast_in_dim3A_108 = vector.shape_cast %reduce_max3A_107 : vector<256xf32> to vector<256x1xf32>
    %sub3A_109 = vector.broadcast %broadcast_in_dim3A_108 : vector<256x1xf32> to vector<256x512xf32>
    %sub3A_110 = arith.subf %select_n3A_105, %sub3A_109 : vector<256x512xf32>
    %exp3A_111 = math.exp %sub3A_110 : vector<256x512xf32>
    %reduce_sum3A_112 = arith.constant dense<0.000000e+00> : vector<256xf32>
    %reduce_sum3A_113 = vector.multi_reduction <add>, %exp3A_111, %reduce_sum3A_112 [1] : vector<256x512xf32> to vector<256xf32>
    %broadcast_in_dim3A_114 = vector.shape_cast %reduce_sum3A_113 : vector<256xf32> to vector<256x1xf32>
    %div3A_115 = vector.broadcast %broadcast_in_dim3A_114 : vector<256x1xf32> to vector<256x512xf32>
    %div3A_116 = arith.divf %exp3A_111, %div3A_115 : vector<256x512xf32>
    %get3A_117 = arith.constant 1 : index
    %get3A_118 = arith.constant 0 : index
    %get3A_119 = arith.constant 0 : index
    %get3A_120 = vector.load %arg3[%get3A_117, %get3A_118, %get3A_119] : memref<8x512x64xf32, #tpu.memory_space<vmem>>, vector<1x512x64xf32>
    %get3A_121 = vector.shape_cast %get3A_120 : vector<1x512x64xf32> to vector<512x64xf32>
    %dot_general3A_122 = arith.constant dense<0.000000e+00> : vector<256x64xf32>
    %dot_general3A_123 = tpu.matmul %div3A_116, %get3A_121, %dot_general3A_122 {dimension_numbers = #tpu.dot_dimension_numbers<[1], [0], [0], [1], [0, 0, 1, 1], [], []>, transpose_lhs_hint = false} : vector<256x512xf32>, vector<512x64xf32>, vector<256x64xf32> -> vector<256x64xf32>
    %get3A_124 = arith.constant 3 : index
    %get3A_125 = arith.constant 0 : index
    %get3A_126 = arith.constant 0 : index
    %get3A_127 = vector.load %arg1[%get3A_124, %get3A_125, %get3A_126] : memref<16x256x64xf32, #tpu.memory_space<vmem>>, vector<1x256x64xf32>
    %get3A_128 = vector.shape_cast %get3A_127 : vector<1x256x64xf32> to vector<256x64xf32>
    %get3A_129 = arith.constant 1 : index
    %get3A_130 = arith.constant 0 : index
    %get3A_131 = arith.constant 0 : index
    %get3A_132 = vector.load %arg2[%get3A_129, %get3A_130, %get3A_131] : memref<8x512x64xf32, #tpu.memory_space<vmem>>, vector<1x512x64xf32>
    %get3A_133 = vector.shape_cast %get3A_132 : vector<1x512x64xf32> to vector<512x64xf32>
    %dot_general3A_134 = arith.constant dense<0.000000e+00> : vector<256x512xf32>
    %dot_general3A_135 = tpu.matmul %get3A_128, %get3A_133, %dot_general3A_134 {dimension_numbers = #tpu.dot_dimension_numbers<[1], [1], [0], [0], [0, 0, 1, 0], [], []>, transpose_lhs_hint = false} : vector<256x64xf32>, vector<512x64xf32>, vector<256x512xf32> -> vector<256x512xf32>
    %mul3A_136 = arith.constant 1.250000e-01 : f32
    %mul3A_137 = vector.broadcast %mul3A_136 : f32 to vector<256x512xf32>
    %mul3A_138 = arith.mulf %dot_general3A_135, %mul3A_137 : vector<256x512xf32>
    %iota3A_139 = tpu.iota {dimensions = array<i32: 0>} : vector<256x512xi32>
    %add3A_140 = arith.constant 0 : i32
    %add3A_141 = vector.broadcast %add3A_140 : i32 to vector<256x512xi32>
    %add3A_142 = arith.addi %iota3A_139, %add3A_141 : vector<256x512xi32>
    %mul3A_143 = arith.constant 256 : i32
    %mul3A_144 = arith.muli %arg0, %mul3A_143 : i32
    %add3A_145 = vector.broadcast %mul3A_144 : i32 to vector<256x512xi32>
    %add3A_146 = arith.addi %add3A_142, %add3A_145 : vector<256x512xi32>
    %iota3A_147 = tpu.iota {dimensions = array<i32: 1>} : vector<256x512xi32>
    %le3A_148 = arith.cmpi sle, %iota3A_147, %add3A_146 : vector<256x512xi32>
    %jit3A_149 = arith.constant -1.000000e+30 : f32
    %broadcast_in_dim3A_150 = vector.broadcast %jit3A_149 : f32 to vector<256x512xf32>
    %select_n3A_151 = arith.select %le3A_148, %mul3A_138, %broadcast_in_dim3A_150 : vector<256x512xi1>, vector<256x512xf32>
    %reduce_max3A_152 = arith.constant dense<0xFF800000> : vector<256xf32>
    %reduce_max3A_153 = vector.multi_reduction <maximumf>, %select_n3A_151, %reduce_max3A_152 [1] : vector<256x512xf32> to vector<256xf32>
    %broadcast_in_dim3A_154 = vector.shape_cast %reduce_max3A_153 : vector<256xf32> to vector<256x1xf32>
    %sub3A_155 = vector.broadcast %broadcast_in_dim3A_154 : vector<256x1xf32> to vector<256x512xf32>
    %sub3A_156 = arith.subf %select_n3A_151, %sub3A_155 : vector<256x512xf32>
    %exp3A_157 = math.exp %sub3A_156 : vector<256x512xf32>
    %reduce_sum3A_158 = arith.constant dense<0.000000e+00> : vector<256xf32>
    %reduce_sum3A_159 = vector.multi_reduction <add>, %exp3A_157, %reduce_sum3A_158 [1] : vector<256x512xf32> to vector<256xf32>
    %broadcast_in_dim3A_160 = vector.shape_cast %reduce_sum3A_159 : vector<256xf32> to vector<256x1xf32>
    %div3A_161 = vector.broadcast %broadcast_in_dim3A_160 : vector<256x1xf32> to vector<256x512xf32>
    %div3A_162 = arith.divf %exp3A_157, %div3A_161 : vector<256x512xf32>
    %get3A_163 = arith.constant 1 : index
    %get3A_164 = arith.constant 0 : index
    %get3A_165 = arith.constant 0 : index
    %get3A_166 = vector.load %arg3[%get3A_163, %get3A_164, %get3A_165] : memref<8x512x64xf32, #tpu.memory_space<vmem>>, vector<1x512x64xf32>
    %get3A_167 = vector.shape_cast %get3A_166 : vector<1x512x64xf32> to vector<512x64xf32>
    %dot_general3A_168 = arith.constant dense<0.000000e+00> : vector<256x64xf32>
    %dot_general3A_169 = tpu.matmul %div3A_162, %get3A_167, %dot_general3A_168 {dimension_numbers = #tpu.dot_dimension_numbers<[1], [0], [0], [1], [0, 0, 1, 1], [], []>, transpose_lhs_hint = false} : vector<256x512xf32>, vector<512x64xf32>, vector<256x64xf32> -> vector<256x64xf32>
    %get3A_170 = arith.constant 4 : index
    %get3A_171 = arith.constant 0 : index
    %get3A_172 = arith.constant 0 : index
    %get3A_173 = vector.load %arg1[%get3A_170, %get3A_171, %get3A_172] : memref<16x256x64xf32, #tpu.memory_space<vmem>>, vector<1x256x64xf32>
    %get3A_174 = vector.shape_cast %get3A_173 : vector<1x256x64xf32> to vector<256x64xf32>
    %get3A_175 = arith.constant 2 : index
    %get3A_176 = arith.constant 0 : index
    %get3A_177 = arith.constant 0 : index
    %get3A_178 = vector.load %arg2[%get3A_175, %get3A_176, %get3A_177] : memref<8x512x64xf32, #tpu.memory_space<vmem>>, vector<1x512x64xf32>
    %get3A_179 = vector.shape_cast %get3A_178 : vector<1x512x64xf32> to vector<512x64xf32>
    %dot_general3A_180 = arith.constant dense<0.000000e+00> : vector<256x512xf32>
    %dot_general3A_181 = tpu.matmul %get3A_174, %get3A_179, %dot_general3A_180 {dimension_numbers = #tpu.dot_dimension_numbers<[1], [1], [0], [0], [0, 0, 1, 0], [], []>, transpose_lhs_hint = false} : vector<256x64xf32>, vector<512x64xf32>, vector<256x512xf32> -> vector<256x512xf32>
    %mul3A_182 = arith.constant 1.250000e-01 : f32
    %mul3A_183 = vector.broadcast %mul3A_182 : f32 to vector<256x512xf32>
    %mul3A_184 = arith.mulf %dot_general3A_181, %mul3A_183 : vector<256x512xf32>
    %iota3A_185 = tpu.iota {dimensions = array<i32: 0>} : vector<256x512xi32>
    %add3A_186 = arith.constant 0 : i32
    %add3A_187 = vector.broadcast %add3A_186 : i32 to vector<256x512xi32>
    %add3A_188 = arith.addi %iota3A_185, %add3A_187 : vector<256x512xi32>
    %mul3A_189 = arith.constant 256 : i32
    %mul3A_190 = arith.muli %arg0, %mul3A_189 : i32
    %add3A_191 = vector.broadcast %mul3A_190 : i32 to vector<256x512xi32>
    %add3A_192 = arith.addi %add3A_188, %add3A_191 : vector<256x512xi32>
    %iota3A_193 = tpu.iota {dimensions = array<i32: 1>} : vector<256x512xi32>
    %le3A_194 = arith.cmpi sle, %iota3A_193, %add3A_192 : vector<256x512xi32>
    %jit3A_195 = arith.constant -1.000000e+30 : f32
    %broadcast_in_dim3A_196 = vector.broadcast %jit3A_195 : f32 to vector<256x512xf32>
    %select_n3A_197 = arith.select %le3A_194, %mul3A_184, %broadcast_in_dim3A_196 : vector<256x512xi1>, vector<256x512xf32>
    %reduce_max3A_198 = arith.constant dense<0xFF800000> : vector<256xf32>
    %reduce_max3A_199 = vector.multi_reduction <maximumf>, %select_n3A_197, %reduce_max3A_198 [1] : vector<256x512xf32> to vector<256xf32>
    %broadcast_in_dim3A_200 = vector.shape_cast %reduce_max3A_199 : vector<256xf32> to vector<256x1xf32>
    %sub3A_201 = vector.broadcast %broadcast_in_dim3A_200 : vector<256x1xf32> to vector<256x512xf32>
    %sub3A_202 = arith.subf %select_n3A_197, %sub3A_201 : vector<256x512xf32>
    %exp3A_203 = math.exp %sub3A_202 : vector<256x512xf32>
    %reduce_sum3A_204 = arith.constant dense<0.000000e+00> : vector<256xf32>
    %reduce_sum3A_205 = vector.multi_reduction <add>, %exp3A_203, %reduce_sum3A_204 [1] : vector<256x512xf32> to vector<256xf32>
    %broadcast_in_dim3A_206 = vector.shape_cast %reduce_sum3A_205 : vector<256xf32> to vector<256x1xf32>
    %div3A_207 = vector.broadcast %broadcast_in_dim3A_206 : vector<256x1xf32> to vector<256x512xf32>
    %div3A_208 = arith.divf %exp3A_203, %div3A_207 : vector<256x512xf32>
    %get3A_209 = arith.constant 2 : index
    %get3A_210 = arith.constant 0 : index
    %get3A_211 = arith.constant 0 : index
    %get3A_212 = vector.load %arg3[%get3A_209, %get3A_210, %get3A_211] : memref<8x512x64xf32, #tpu.memory_space<vmem>>, vector<1x512x64xf32>
    %get3A_213 = vector.shape_cast %get3A_212 : vector<1x512x64xf32> to vector<512x64xf32>
    %dot_general3A_214 = arith.constant dense<0.000000e+00> : vector<256x64xf32>
    %dot_general3A_215 = tpu.matmul %div3A_208, %get3A_213, %dot_general3A_214 {dimension_numbers = #tpu.dot_dimension_numbers<[1], [0], [0], [1], [0, 0, 1, 1], [], []>, transpose_lhs_hint = false} : vector<256x512xf32>, vector<512x64xf32>, vector<256x64xf32> -> vector<256x64xf32>
    %get3A_216 = arith.constant 5 : index
    %get3A_217 = arith.constant 0 : index
    %get3A_218 = arith.constant 0 : index
    %get3A_219 = vector.load %arg1[%get3A_216, %get3A_217, %get3A_218] : memref<16x256x64xf32, #tpu.memory_space<vmem>>, vector<1x256x64xf32>
    %get3A_220 = vector.shape_cast %get3A_219 : vector<1x256x64xf32> to vector<256x64xf32>
    %get3A_221 = arith.constant 2 : index
    %get3A_222 = arith.constant 0 : index
    %get3A_223 = arith.constant 0 : index
    %get3A_224 = vector.load %arg2[%get3A_221, %get3A_222, %get3A_223] : memref<8x512x64xf32, #tpu.memory_space<vmem>>, vector<1x512x64xf32>
    %get3A_225 = vector.shape_cast %get3A_224 : vector<1x512x64xf32> to vector<512x64xf32>
    %dot_general3A_226 = arith.constant dense<0.000000e+00> : vector<256x512xf32>
    %dot_general3A_227 = tpu.matmul %get3A_220, %get3A_225, %dot_general3A_226 {dimension_numbers = #tpu.dot_dimension_numbers<[1], [1], [0], [0], [0, 0, 1, 0], [], []>, transpose_lhs_hint = false} : vector<256x64xf32>, vector<512x64xf32>, vector<256x512xf32> -> vector<256x512xf32>
    %mul3A_228 = arith.constant 1.250000e-01 : f32
    %mul3A_229 = vector.broadcast %mul3A_228 : f32 to vector<256x512xf32>
    %mul3A_230 = arith.mulf %dot_general3A_227, %mul3A_229 : vector<256x512xf32>
    %iota3A_231 = tpu.iota {dimensions = array<i32: 0>} : vector<256x512xi32>
    %add3A_232 = arith.constant 0 : i32
    %add3A_233 = vector.broadcast %add3A_232 : i32 to vector<256x512xi32>
    %add3A_234 = arith.addi %iota3A_231, %add3A_233 : vector<256x512xi32>
    %mul3A_235 = arith.constant 256 : i32
    %mul3A_236 = arith.muli %arg0, %mul3A_235 : i32
    %add3A_237 = vector.broadcast %mul3A_236 : i32 to vector<256x512xi32>
    %add3A_238 = arith.addi %add3A_234, %add3A_237 : vector<256x512xi32>
    %iota3A_239 = tpu.iota {dimensions = array<i32: 1>} : vector<256x512xi32>
    %le3A_240 = arith.cmpi sle, %iota3A_239, %add3A_238 : vector<256x512xi32>
    %jit3A_241 = arith.constant -1.000000e+30 : f32
    %broadcast_in_dim3A_242 = vector.broadcast %jit3A_241 : f32 to vector<256x512xf32>
    %select_n3A_243 = arith.select %le3A_240, %mul3A_230, %broadcast_in_dim3A_242 : vector<256x512xi1>, vector<256x512xf32>
    %reduce_max3A_244 = arith.constant dense<0xFF800000> : vector<256xf32>
    %reduce_max3A_245 = vector.multi_reduction <maximumf>, %select_n3A_243, %reduce_max3A_244 [1] : vector<256x512xf32> to vector<256xf32>
    %broadcast_in_dim3A_246 = vector.shape_cast %reduce_max3A_245 : vector<256xf32> to vector<256x1xf32>
    %sub3A_247 = vector.broadcast %broadcast_in_dim3A_246 : vector<256x1xf32> to vector<256x512xf32>
    %sub3A_248 = arith.subf %select_n3A_243, %sub3A_247 : vector<256x512xf32>
    %exp3A_249 = math.exp %sub3A_248 : vector<256x512xf32>
    %reduce_sum3A_250 = arith.constant dense<0.000000e+00> : vector<256xf32>
    %reduce_sum3A_251 = vector.multi_reduction <add>, %exp3A_249, %reduce_sum3A_250 [1] : vector<256x512xf32> to vector<256xf32>
    %broadcast_in_dim3A_252 = vector.shape_cast %reduce_sum3A_251 : vector<256xf32> to vector<256x1xf32>
    %div3A_253 = vector.broadcast %broadcast_in_dim3A_252 : vector<256x1xf32> to vector<256x512xf32>
    %div3A_254 = arith.divf %exp3A_249, %div3A_253 : vector<256x512xf32>
    %get3A_255 = arith.constant 2 : index
    %get3A_256 = arith.constant 0 : index
    %get3A_257 = arith.constant 0 : index
    %get3A_258 = vector.load %arg3[%get3A_255, %get3A_256, %get3A_257] : memref<8x512x64xf32, #tpu.memory_space<vmem>>, vector<1x512x64xf32>
    %get3A_259 = vector.shape_cast %get3A_258 : vector<1x512x64xf32> to vector<512x64xf32>
    %dot_general3A_260 = arith.constant dense<0.000000e+00> : vector<256x64xf32>
    %dot_general3A_261 = tpu.matmul %div3A_254, %get3A_259, %dot_general3A_260 {dimension_numbers = #tpu.dot_dimension_numbers<[1], [0], [0], [1], [0, 0, 1, 1], [], []>, transpose_lhs_hint = false} : vector<256x512xf32>, vector<512x64xf32>, vector<256x64xf32> -> vector<256x64xf32>
    %get3A_262 = arith.constant 6 : index
    %get3A_263 = arith.constant 0 : index
    %get3A_264 = arith.constant 0 : index
    %get3A_265 = vector.load %arg1[%get3A_262, %get3A_263, %get3A_264] : memref<16x256x64xf32, #tpu.memory_space<vmem>>, vector<1x256x64xf32>
    %get3A_266 = vector.shape_cast %get3A_265 : vector<1x256x64xf32> to vector<256x64xf32>
    %get3A_267 = arith.constant 3 : index
    %get3A_268 = arith.constant 0 : index
    %get3A_269 = arith.constant 0 : index
    %get3A_270 = vector.load %arg2[%get3A_267, %get3A_268, %get3A_269] : memref<8x512x64xf32, #tpu.memory_space<vmem>>, vector<1x512x64xf32>
    %get3A_271 = vector.shape_cast %get3A_270 : vector<1x512x64xf32> to vector<512x64xf32>
    %dot_general3A_272 = arith.constant dense<0.000000e+00> : vector<256x512xf32>
    %dot_general3A_273 = tpu.matmul %get3A_266, %get3A_271, %dot_general3A_272 {dimension_numbers = #tpu.dot_dimension_numbers<[1], [1], [0], [0], [0, 0, 1, 0], [], []>, transpose_lhs_hint = false} : vector<256x64xf32>, vector<512x64xf32>, vector<256x512xf32> -> vector<256x512xf32>
    %mul3A_274 = arith.constant 1.250000e-01 : f32
    %mul3A_275 = vector.broadcast %mul3A_274 : f32 to vector<256x512xf32>
    %mul3A_276 = arith.mulf %dot_general3A_273, %mul3A_275 : vector<256x512xf32>
    %iota3A_277 = tpu.iota {dimensions = array<i32: 0>} : vector<256x512xi32>
    %add3A_278 = arith.constant 0 : i32
    %add3A_279 = vector.broadcast %add3A_278 : i32 to vector<256x512xi32>
    %add3A_280 = arith.addi %iota3A_277, %add3A_279 : vector<256x512xi32>
    %mul3A_281 = arith.constant 256 : i32
    %mul3A_282 = arith.muli %arg0, %mul3A_281 : i32
    %add3A_283 = vector.broadcast %mul3A_282 : i32 to vector<256x512xi32>
    %add3A_284 = arith.addi %add3A_280, %add3A_283 : vector<256x512xi32>
    %iota3A_285 = tpu.iota {dimensions = array<i32: 1>} : vector<256x512xi32>
    %le3A_286 = arith.cmpi sle, %iota3A_285, %add3A_284 : vector<256x512xi32>
    %jit3A_287 = arith.constant -1.000000e+30 : f32
    %broadcast_in_dim3A_288 = vector.broadcast %jit3A_287 : f32 to vector<256x512xf32>
    %select_n3A_289 = arith.select %le3A_286, %mul3A_276, %broadcast_in_dim3A_288 : vector<256x512xi1>, vector<256x512xf32>
    %reduce_max3A_290 = arith.constant dense<0xFF800000> : vector<256xf32>
    %reduce_max3A_291 = vector.multi_reduction <maximumf>, %select_n3A_289, %reduce_max3A_290 [1] : vector<256x512xf32> to vector<256xf32>
    %broadcast_in_dim3A_292 = vector.shape_cast %reduce_max3A_291 : vector<256xf32> to vector<256x1xf32>
    %sub3A_293 = vector.broadcast %broadcast_in_dim3A_292 : vector<256x1xf32> to vector<256x512xf32>
    %sub3A_294 = arith.subf %select_n3A_289, %sub3A_293 : vector<256x512xf32>
    %exp3A_295 = math.exp %sub3A_294 : vector<256x512xf32>
    %reduce_sum3A_296 = arith.constant dense<0.000000e+00> : vector<256xf32>
    %reduce_sum3A_297 = vector.multi_reduction <add>, %exp3A_295, %reduce_sum3A_296 [1] : vector<256x512xf32> to vector<256xf32>
    %broadcast_in_dim3A_298 = vector.shape_cast %reduce_sum3A_297 : vector<256xf32> to vector<256x1xf32>
    %div3A_299 = vector.broadcast %broadcast_in_dim3A_298 : vector<256x1xf32> to vector<256x512xf32>
    %div3A_300 = arith.divf %exp3A_295, %div3A_299 : vector<256x512xf32>
    %get3A_301 = arith.constant 3 : index
    %get3A_302 = arith.constant 0 : index
    %get3A_303 = arith.constant 0 : index
    %get3A_304 = vector.load %arg3[%get3A_301, %get3A_302, %get3A_303] : memref<8x512x64xf32, #tpu.memory_space<vmem>>, vector<1x512x64xf32>
    %get3A_305 = vector.shape_cast %get3A_304 : vector<1x512x64xf32> to vector<512x64xf32>
    %dot_general3A_306 = arith.constant dense<0.000000e+00> : vector<256x64xf32>
    %dot_general3A_307 = tpu.matmul %div3A_300, %get3A_305, %dot_general3A_306 {dimension_numbers = #tpu.dot_dimension_numbers<[1], [0], [0], [1], [0, 0, 1, 1], [], []>, transpose_lhs_hint = false} : vector<256x512xf32>, vector<512x64xf32>, vector<256x64xf32> -> vector<256x64xf32>
    %get3A_308 = arith.constant 7 : index
    %get3A_309 = arith.constant 0 : index
    %get3A_310 = arith.constant 0 : index
    %get3A_311 = vector.load %arg1[%get3A_308, %get3A_309, %get3A_310] : memref<16x256x64xf32, #tpu.memory_space<vmem>>, vector<1x256x64xf32>
    %get3A_312 = vector.shape_cast %get3A_311 : vector<1x256x64xf32> to vector<256x64xf32>
    %get3A_313 = arith.constant 3 : index
    %get3A_314 = arith.constant 0 : index
    %get3A_315 = arith.constant 0 : index
    %get3A_316 = vector.load %arg2[%get3A_313, %get3A_314, %get3A_315] : memref<8x512x64xf32, #tpu.memory_space<vmem>>, vector<1x512x64xf32>
    %get3A_317 = vector.shape_cast %get3A_316 : vector<1x512x64xf32> to vector<512x64xf32>
    %dot_general3A_318 = arith.constant dense<0.000000e+00> : vector<256x512xf32>
    %dot_general3A_319 = tpu.matmul %get3A_312, %get3A_317, %dot_general3A_318 {dimension_numbers = #tpu.dot_dimension_numbers<[1], [1], [0], [0], [0, 0, 1, 0], [], []>, transpose_lhs_hint = false} : vector<256x64xf32>, vector<512x64xf32>, vector<256x512xf32> -> vector<256x512xf32>
    %mul3A_320 = arith.constant 1.250000e-01 : f32
    %mul3A_321 = vector.broadcast %mul3A_320 : f32 to vector<256x512xf32>
    %mul3A_322 = arith.mulf %dot_general3A_319, %mul3A_321 : vector<256x512xf32>
    %iota3A_323 = tpu.iota {dimensions = array<i32: 0>} : vector<256x512xi32>
    %add3A_324 = arith.constant 0 : i32
    %add3A_325 = vector.broadcast %add3A_324 : i32 to vector<256x512xi32>
    %add3A_326 = arith.addi %iota3A_323, %add3A_325 : vector<256x512xi32>
    %mul3A_327 = arith.constant 256 : i32
    %mul3A_328 = arith.muli %arg0, %mul3A_327 : i32
    %add3A_329 = vector.broadcast %mul3A_328 : i32 to vector<256x512xi32>
    %add3A_330 = arith.addi %add3A_326, %add3A_329 : vector<256x512xi32>
    %iota3A_331 = tpu.iota {dimensions = array<i32: 1>} : vector<256x512xi32>
    %le3A_332 = arith.cmpi sle, %iota3A_331, %add3A_330 : vector<256x512xi32>
    %jit3A_333 = arith.constant -1.000000e+30 : f32
    %broadcast_in_dim3A_334 = vector.broadcast %jit3A_333 : f32 to vector<256x512xf32>
    %select_n3A_335 = arith.select %le3A_332, %mul3A_322, %broadcast_in_dim3A_334 : vector<256x512xi1>, vector<256x512xf32>
    %reduce_max3A_336 = arith.constant dense<0xFF800000> : vector<256xf32>
    %reduce_max3A_337 = vector.multi_reduction <maximumf>, %select_n3A_335, %reduce_max3A_336 [1] : vector<256x512xf32> to vector<256xf32>
    %broadcast_in_dim3A_338 = vector.shape_cast %reduce_max3A_337 : vector<256xf32> to vector<256x1xf32>
    %sub3A_339 = vector.broadcast %broadcast_in_dim3A_338 : vector<256x1xf32> to vector<256x512xf32>
    %sub3A_340 = arith.subf %select_n3A_335, %sub3A_339 : vector<256x512xf32>
    %exp3A_341 = math.exp %sub3A_340 : vector<256x512xf32>
    %reduce_sum3A_342 = arith.constant dense<0.000000e+00> : vector<256xf32>
    %reduce_sum3A_343 = vector.multi_reduction <add>, %exp3A_341, %reduce_sum3A_342 [1] : vector<256x512xf32> to vector<256xf32>
    %broadcast_in_dim3A_344 = vector.shape_cast %reduce_sum3A_343 : vector<256xf32> to vector<256x1xf32>
    %div3A_345 = vector.broadcast %broadcast_in_dim3A_344 : vector<256x1xf32> to vector<256x512xf32>
    %div3A_346 = arith.divf %exp3A_341, %div3A_345 : vector<256x512xf32>
    %get3A_347 = arith.constant 3 : index
    %get3A_348 = arith.constant 0 : index
    %get3A_349 = arith.constant 0 : index
    %get3A_350 = vector.load %arg3[%get3A_347, %get3A_348, %get3A_349] : memref<8x512x64xf32, #tpu.memory_space<vmem>>, vector<1x512x64xf32>
    %get3A_351 = vector.shape_cast %get3A_350 : vector<1x512x64xf32> to vector<512x64xf32>
    %dot_general3A_352 = arith.constant dense<0.000000e+00> : vector<256x64xf32>
    %dot_general3A_353 = tpu.matmul %div3A_346, %get3A_351, %dot_general3A_352 {dimension_numbers = #tpu.dot_dimension_numbers<[1], [0], [0], [1], [0, 0, 1, 1], [], []>, transpose_lhs_hint = false} : vector<256x512xf32>, vector<512x64xf32>, vector<256x64xf32> -> vector<256x64xf32>
    %get3A_354 = arith.constant 8 : index
    %get3A_355 = arith.constant 0 : index
    %get3A_356 = arith.constant 0 : index
    %get3A_357 = vector.load %arg1[%get3A_354, %get3A_355, %get3A_356] : memref<16x256x64xf32, #tpu.memory_space<vmem>>, vector<1x256x64xf32>
    %get3A_358 = vector.shape_cast %get3A_357 : vector<1x256x64xf32> to vector<256x64xf32>
    %get3A_359 = arith.constant 4 : index
    %get3A_360 = arith.constant 0 : index
    %get3A_361 = arith.constant 0 : index
    %get3A_362 = vector.load %arg2[%get3A_359, %get3A_360, %get3A_361] : memref<8x512x64xf32, #tpu.memory_space<vmem>>, vector<1x512x64xf32>
    %get3A_363 = vector.shape_cast %get3A_362 : vector<1x512x64xf32> to vector<512x64xf32>
    %dot_general3A_364 = arith.constant dense<0.000000e+00> : vector<256x512xf32>
    %dot_general3A_365 = tpu.matmul %get3A_358, %get3A_363, %dot_general3A_364 {dimension_numbers = #tpu.dot_dimension_numbers<[1], [1], [0], [0], [0, 0, 1, 0], [], []>, transpose_lhs_hint = false} : vector<256x64xf32>, vector<512x64xf32>, vector<256x512xf32> -> vector<256x512xf32>
    %mul3A_366 = arith.constant 1.250000e-01 : f32
    %mul3A_367 = vector.broadcast %mul3A_366 : f32 to vector<256x512xf32>
    %mul3A_368 = arith.mulf %dot_general3A_365, %mul3A_367 : vector<256x512xf32>
    %iota3A_369 = tpu.iota {dimensions = array<i32: 0>} : vector<256x512xi32>
    %add3A_370 = arith.constant 0 : i32
    %add3A_371 = vector.broadcast %add3A_370 : i32 to vector<256x512xi32>
    %add3A_372 = arith.addi %iota3A_369, %add3A_371 : vector<256x512xi32>
    %mul3A_373 = arith.constant 256 : i32
    %mul3A_374 = arith.muli %arg0, %mul3A_373 : i32
    %add3A_375 = vector.broadcast %mul3A_374 : i32 to vector<256x512xi32>
    %add3A_376 = arith.addi %add3A_372, %add3A_375 : vector<256x512xi32>
    %iota3A_377 = tpu.iota {dimensions = array<i32: 1>} : vector<256x512xi32>
    %le3A_378 = arith.cmpi sle, %iota3A_377, %add3A_376 : vector<256x512xi32>
    %jit3A_379 = arith.constant -1.000000e+30 : f32
    %broadcast_in_dim3A_380 = vector.broadcast %jit3A_379 : f32 to vector<256x512xf32>
    %select_n3A_381 = arith.select %le3A_378, %mul3A_368, %broadcast_in_dim3A_380 : vector<256x512xi1>, vector<256x512xf32>
    %reduce_max3A_382 = arith.constant dense<0xFF800000> : vector<256xf32>
    %reduce_max3A_383 = vector.multi_reduction <maximumf>, %select_n3A_381, %reduce_max3A_382 [1] : vector<256x512xf32> to vector<256xf32>
    %broadcast_in_dim3A_384 = vector.shape_cast %reduce_max3A_383 : vector<256xf32> to vector<256x1xf32>
    %sub3A_385 = vector.broadcast %broadcast_in_dim3A_384 : vector<256x1xf32> to vector<256x512xf32>
    %sub3A_386 = arith.subf %select_n3A_381, %sub3A_385 : vector<256x512xf32>
    %exp3A_387 = math.exp %sub3A_386 : vector<256x512xf32>
    %reduce_sum3A_388 = arith.constant dense<0.000000e+00> : vector<256xf32>
    %reduce_sum3A_389 = vector.multi_reduction <add>, %exp3A_387, %reduce_sum3A_388 [1] : vector<256x512xf32> to vector<256xf32>
    %broadcast_in_dim3A_390 = vector.shape_cast %reduce_sum3A_389 : vector<256xf32> to vector<256x1xf32>
    %div3A_391 = vector.broadcast %broadcast_in_dim3A_390 : vector<256x1xf32> to vector<256x512xf32>
    %div3A_392 = arith.divf %exp3A_387, %div3A_391 : vector<256x512xf32>
    %get3A_393 = arith.constant 4 : index
    %get3A_394 = arith.constant 0 : index
    %get3A_395 = arith.constant 0 : index
    %get3A_396 = vector.load %arg3[%get3A_393, %get3A_394, %get3A_395] : memref<8x512x64xf32, #tpu.memory_space<vmem>>, vector<1x512x64xf32>
    %get3A_397 = vector.shape_cast %get3A_396 : vector<1x512x64xf32> to vector<512x64xf32>
    %dot_general3A_398 = arith.constant dense<0.000000e+00> : vector<256x64xf32>
    %dot_general3A_399 = tpu.matmul %div3A_392, %get3A_397, %dot_general3A_398 {dimension_numbers = #tpu.dot_dimension_numbers<[1], [0], [0], [1], [0, 0, 1, 1], [], []>, transpose_lhs_hint = false} : vector<256x512xf32>, vector<512x64xf32>, vector<256x64xf32> -> vector<256x64xf32>
    %get3A_400 = arith.constant 9 : index
    %get3A_401 = arith.constant 0 : index
    %get3A_402 = arith.constant 0 : index
    %get3A_403 = vector.load %arg1[%get3A_400, %get3A_401, %get3A_402] : memref<16x256x64xf32, #tpu.memory_space<vmem>>, vector<1x256x64xf32>
    %get3A_404 = vector.shape_cast %get3A_403 : vector<1x256x64xf32> to vector<256x64xf32>
    %get3A_405 = arith.constant 4 : index
    %get3A_406 = arith.constant 0 : index
    %get3A_407 = arith.constant 0 : index
    %get3A_408 = vector.load %arg2[%get3A_405, %get3A_406, %get3A_407] : memref<8x512x64xf32, #tpu.memory_space<vmem>>, vector<1x512x64xf32>
    %get3A_409 = vector.shape_cast %get3A_408 : vector<1x512x64xf32> to vector<512x64xf32>
    %dot_general3A_410 = arith.constant dense<0.000000e+00> : vector<256x512xf32>
    %dot_general3A_411 = tpu.matmul %get3A_404, %get3A_409, %dot_general3A_410 {dimension_numbers = #tpu.dot_dimension_numbers<[1], [1], [0], [0], [0, 0, 1, 0], [], []>, transpose_lhs_hint = false} : vector<256x64xf32>, vector<512x64xf32>, vector<256x512xf32> -> vector<256x512xf32>
    %mul3A_412 = arith.constant 1.250000e-01 : f32
    %mul3A_413 = vector.broadcast %mul3A_412 : f32 to vector<256x512xf32>
    %mul3A_414 = arith.mulf %dot_general3A_411, %mul3A_413 : vector<256x512xf32>
    %iota3A_415 = tpu.iota {dimensions = array<i32: 0>} : vector<256x512xi32>
    %add3A_416 = arith.constant 0 : i32
    %add3A_417 = vector.broadcast %add3A_416 : i32 to vector<256x512xi32>
    %add3A_418 = arith.addi %iota3A_415, %add3A_417 : vector<256x512xi32>
    %mul3A_419 = arith.constant 256 : i32
    %mul3A_420 = arith.muli %arg0, %mul3A_419 : i32
    %add3A_421 = vector.broadcast %mul3A_420 : i32 to vector<256x512xi32>
    %add3A_422 = arith.addi %add3A_418, %add3A_421 : vector<256x512xi32>
    %iota3A_423 = tpu.iota {dimensions = array<i32: 1>} : vector<256x512xi32>
    %le3A_424 = arith.cmpi sle, %iota3A_423, %add3A_422 : vector<256x512xi32>
    %jit3A_425 = arith.constant -1.000000e+30 : f32
    %broadcast_in_dim3A_426 = vector.broadcast %jit3A_425 : f32 to vector<256x512xf32>
    %select_n3A_427 = arith.select %le3A_424, %mul3A_414, %broadcast_in_dim3A_426 : vector<256x512xi1>, vector<256x512xf32>
    %reduce_max3A_428 = arith.constant dense<0xFF800000> : vector<256xf32>
    %reduce_max3A_429 = vector.multi_reduction <maximumf>, %select_n3A_427, %reduce_max3A_428 [1] : vector<256x512xf32> to vector<256xf32>
    %broadcast_in_dim3A_430 = vector.shape_cast %reduce_max3A_429 : vector<256xf32> to vector<256x1xf32>
    %sub3A_431 = vector.broadcast %broadcast_in_dim3A_430 : vector<256x1xf32> to vector<256x512xf32>
    %sub3A_432 = arith.subf %select_n3A_427, %sub3A_431 : vector<256x512xf32>
    %exp3A_433 = math.exp %sub3A_432 : vector<256x512xf32>
    %reduce_sum3A_434 = arith.constant dense<0.000000e+00> : vector<256xf32>
    %reduce_sum3A_435 = vector.multi_reduction <add>, %exp3A_433, %reduce_sum3A_434 [1] : vector<256x512xf32> to vector<256xf32>
    %broadcast_in_dim3A_436 = vector.shape_cast %reduce_sum3A_435 : vector<256xf32> to vector<256x1xf32>
    %div3A_437 = vector.broadcast %broadcast_in_dim3A_436 : vector<256x1xf32> to vector<256x512xf32>
    %div3A_438 = arith.divf %exp3A_433, %div3A_437 : vector<256x512xf32>
    %get3A_439 = arith.constant 4 : index
    %get3A_440 = arith.constant 0 : index
    %get3A_441 = arith.constant 0 : index
    %get3A_442 = vector.load %arg3[%get3A_439, %get3A_440, %get3A_441] : memref<8x512x64xf32, #tpu.memory_space<vmem>>, vector<1x512x64xf32>
    %get3A_443 = vector.shape_cast %get3A_442 : vector<1x512x64xf32> to vector<512x64xf32>
    %dot_general3A_444 = arith.constant dense<0.000000e+00> : vector<256x64xf32>
    %dot_general3A_445 = tpu.matmul %div3A_438, %get3A_443, %dot_general3A_444 {dimension_numbers = #tpu.dot_dimension_numbers<[1], [0], [0], [1], [0, 0, 1, 1], [], []>, transpose_lhs_hint = false} : vector<256x512xf32>, vector<512x64xf32>, vector<256x64xf32> -> vector<256x64xf32>
    %get3A_446 = arith.constant 10 : index
    %get3A_447 = arith.constant 0 : index
    %get3A_448 = arith.constant 0 : index
    %get3A_449 = vector.load %arg1[%get3A_446, %get3A_447, %get3A_448] : memref<16x256x64xf32, #tpu.memory_space<vmem>>, vector<1x256x64xf32>
    %get3A_450 = vector.shape_cast %get3A_449 : vector<1x256x64xf32> to vector<256x64xf32>
    %get3A_451 = arith.constant 5 : index
    %get3A_452 = arith.constant 0 : index
    %get3A_453 = arith.constant 0 : index
    %get3A_454 = vector.load %arg2[%get3A_451, %get3A_452, %get3A_453] : memref<8x512x64xf32, #tpu.memory_space<vmem>>, vector<1x512x64xf32>
    %get3A_455 = vector.shape_cast %get3A_454 : vector<1x512x64xf32> to vector<512x64xf32>
    %dot_general3A_456 = arith.constant dense<0.000000e+00> : vector<256x512xf32>
    %dot_general3A_457 = tpu.matmul %get3A_450, %get3A_455, %dot_general3A_456 {dimension_numbers = #tpu.dot_dimension_numbers<[1], [1], [0], [0], [0, 0, 1, 0], [], []>, transpose_lhs_hint = false} : vector<256x64xf32>, vector<512x64xf32>, vector<256x512xf32> -> vector<256x512xf32>
    %mul3A_458 = arith.constant 1.250000e-01 : f32
    %mul3A_459 = vector.broadcast %mul3A_458 : f32 to vector<256x512xf32>
    %mul3A_460 = arith.mulf %dot_general3A_457, %mul3A_459 : vector<256x512xf32>
    %iota3A_461 = tpu.iota {dimensions = array<i32: 0>} : vector<256x512xi32>
    %add3A_462 = arith.constant 0 : i32
    %add3A_463 = vector.broadcast %add3A_462 : i32 to vector<256x512xi32>
    %add3A_464 = arith.addi %iota3A_461, %add3A_463 : vector<256x512xi32>
    %mul3A_465 = arith.constant 256 : i32
    %mul3A_466 = arith.muli %arg0, %mul3A_465 : i32
    %add3A_467 = vector.broadcast %mul3A_466 : i32 to vector<256x512xi32>
    %add3A_468 = arith.addi %add3A_464, %add3A_467 : vector<256x512xi32>
    %iota3A_469 = tpu.iota {dimensions = array<i32: 1>} : vector<256x512xi32>
    %le3A_470 = arith.cmpi sle, %iota3A_469, %add3A_468 : vector<256x512xi32>
    %jit3A_471 = arith.constant -1.000000e+30 : f32
    %broadcast_in_dim3A_472 = vector.broadcast %jit3A_471 : f32 to vector<256x512xf32>
    %select_n3A_473 = arith.select %le3A_470, %mul3A_460, %broadcast_in_dim3A_472 : vector<256x512xi1>, vector<256x512xf32>
    %reduce_max3A_474 = arith.constant dense<0xFF800000> : vector<256xf32>
    %reduce_max3A_475 = vector.multi_reduction <maximumf>, %select_n3A_473, %reduce_max3A_474 [1] : vector<256x512xf32> to vector<256xf32>
    %broadcast_in_dim3A_476 = vector.shape_cast %reduce_max3A_475 : vector<256xf32> to vector<256x1xf32>
    %sub3A_477 = vector.broadcast %broadcast_in_dim3A_476 : vector<256x1xf32> to vector<256x512xf32>
    %sub3A_478 = arith.subf %select_n3A_473, %sub3A_477 : vector<256x512xf32>
    %exp3A_479 = math.exp %sub3A_478 : vector<256x512xf32>
    %reduce_sum3A_480 = arith.constant dense<0.000000e+00> : vector<256xf32>
    %reduce_sum3A_481 = vector.multi_reduction <add>, %exp3A_479, %reduce_sum3A_480 [1] : vector<256x512xf32> to vector<256xf32>
    %broadcast_in_dim3A_482 = vector.shape_cast %reduce_sum3A_481 : vector<256xf32> to vector<256x1xf32>
    %div3A_483 = vector.broadcast %broadcast_in_dim3A_482 : vector<256x1xf32> to vector<256x512xf32>
    %div3A_484 = arith.divf %exp3A_479, %div3A_483 : vector<256x512xf32>
    %get3A_485 = arith.constant 5 : index
    %get3A_486 = arith.constant 0 : index
    %get3A_487 = arith.constant 0 : index
    %get3A_488 = vector.load %arg3[%get3A_485, %get3A_486, %get3A_487] : memref<8x512x64xf32, #tpu.memory_space<vmem>>, vector<1x512x64xf32>
    %get3A_489 = vector.shape_cast %get3A_488 : vector<1x512x64xf32> to vector<512x64xf32>
    %dot_general3A_490 = arith.constant dense<0.000000e+00> : vector<256x64xf32>
    %dot_general3A_491 = tpu.matmul %div3A_484, %get3A_489, %dot_general3A_490 {dimension_numbers = #tpu.dot_dimension_numbers<[1], [0], [0], [1], [0, 0, 1, 1], [], []>, transpose_lhs_hint = false} : vector<256x512xf32>, vector<512x64xf32>, vector<256x64xf32> -> vector<256x64xf32>
    %get3A_492 = arith.constant 11 : index
    %get3A_493 = arith.constant 0 : index
    %get3A_494 = arith.constant 0 : index
    %get3A_495 = vector.load %arg1[%get3A_492, %get3A_493, %get3A_494] : memref<16x256x64xf32, #tpu.memory_space<vmem>>, vector<1x256x64xf32>
    %get3A_496 = vector.shape_cast %get3A_495 : vector<1x256x64xf32> to vector<256x64xf32>
    %get3A_497 = arith.constant 5 : index
    %get3A_498 = arith.constant 0 : index
    %get3A_499 = arith.constant 0 : index
    %get3A_500 = vector.load %arg2[%get3A_497, %get3A_498, %get3A_499] : memref<8x512x64xf32, #tpu.memory_space<vmem>>, vector<1x512x64xf32>
    %get3A_501 = vector.shape_cast %get3A_500 : vector<1x512x64xf32> to vector<512x64xf32>
    %dot_general3A_502 = arith.constant dense<0.000000e+00> : vector<256x512xf32>
    %dot_general3A_503 = tpu.matmul %get3A_496, %get3A_501, %dot_general3A_502 {dimension_numbers = #tpu.dot_dimension_numbers<[1], [1], [0], [0], [0, 0, 1, 0], [], []>, transpose_lhs_hint = false} : vector<256x64xf32>, vector<512x64xf32>, vector<256x512xf32> -> vector<256x512xf32>
    %mul3A_504 = arith.constant 1.250000e-01 : f32
    %mul3A_505 = vector.broadcast %mul3A_504 : f32 to vector<256x512xf32>
    %mul3A_506 = arith.mulf %dot_general3A_503, %mul3A_505 : vector<256x512xf32>
    %iota3A_507 = tpu.iota {dimensions = array<i32: 0>} : vector<256x512xi32>
    %add3A_508 = arith.constant 0 : i32
    %add3A_509 = vector.broadcast %add3A_508 : i32 to vector<256x512xi32>
    %add3A_510 = arith.addi %iota3A_507, %add3A_509 : vector<256x512xi32>
    %mul3A_511 = arith.constant 256 : i32
    %mul3A_512 = arith.muli %arg0, %mul3A_511 : i32
    %add3A_513 = vector.broadcast %mul3A_512 : i32 to vector<256x512xi32>
    %add3A_514 = arith.addi %add3A_510, %add3A_513 : vector<256x512xi32>
    %iota3A_515 = tpu.iota {dimensions = array<i32: 1>} : vector<256x512xi32>
    %le3A_516 = arith.cmpi sle, %iota3A_515, %add3A_514 : vector<256x512xi32>
    %jit3A_517 = arith.constant -1.000000e+30 : f32
    %broadcast_in_dim3A_518 = vector.broadcast %jit3A_517 : f32 to vector<256x512xf32>
    %select_n3A_519 = arith.select %le3A_516, %mul3A_506, %broadcast_in_dim3A_518 : vector<256x512xi1>, vector<256x512xf32>
    %reduce_max3A_520 = arith.constant dense<0xFF800000> : vector<256xf32>
    %reduce_max3A_521 = vector.multi_reduction <maximumf>, %select_n3A_519, %reduce_max3A_520 [1] : vector<256x512xf32> to vector<256xf32>
    %broadcast_in_dim3A_522 = vector.shape_cast %reduce_max3A_521 : vector<256xf32> to vector<256x1xf32>
    %sub3A_523 = vector.broadcast %broadcast_in_dim3A_522 : vector<256x1xf32> to vector<256x512xf32>
    %sub3A_524 = arith.subf %select_n3A_519, %sub3A_523 : vector<256x512xf32>
    %exp3A_525 = math.exp %sub3A_524 : vector<256x512xf32>
    %reduce_sum3A_526 = arith.constant dense<0.000000e+00> : vector<256xf32>
    %reduce_sum3A_527 = vector.multi_reduction <add>, %exp3A_525, %reduce_sum3A_526 [1] : vector<256x512xf32> to vector<256xf32>
    %broadcast_in_dim3A_528 = vector.shape_cast %reduce_sum3A_527 : vector<256xf32> to vector<256x1xf32>
    %div3A_529 = vector.broadcast %broadcast_in_dim3A_528 : vector<256x1xf32> to vector<256x512xf32>
    %div3A_530 = arith.divf %exp3A_525, %div3A_529 : vector<256x512xf32>
    %get3A_531 = arith.constant 5 : index
    %get3A_532 = arith.constant 0 : index
    %get3A_533 = arith.constant 0 : index
    %get3A_534 = vector.load %arg3[%get3A_531, %get3A_532, %get3A_533] : memref<8x512x64xf32, #tpu.memory_space<vmem>>, vector<1x512x64xf32>
    %get3A_535 = vector.shape_cast %get3A_534 : vector<1x512x64xf32> to vector<512x64xf32>
    %dot_general3A_536 = arith.constant dense<0.000000e+00> : vector<256x64xf32>
    %dot_general3A_537 = tpu.matmul %div3A_530, %get3A_535, %dot_general3A_536 {dimension_numbers = #tpu.dot_dimension_numbers<[1], [0], [0], [1], [0, 0, 1, 1], [], []>, transpose_lhs_hint = false} : vector<256x512xf32>, vector<512x64xf32>, vector<256x64xf32> -> vector<256x64xf32>
    %get3A_538 = arith.constant 12 : index
    %get3A_539 = arith.constant 0 : index
    %get3A_540 = arith.constant 0 : index
    %get3A_541 = vector.load %arg1[%get3A_538, %get3A_539, %get3A_540] : memref<16x256x64xf32, #tpu.memory_space<vmem>>, vector<1x256x64xf32>
    %get3A_542 = vector.shape_cast %get3A_541 : vector<1x256x64xf32> to vector<256x64xf32>
    %get3A_543 = arith.constant 6 : index
    %get3A_544 = arith.constant 0 : index
    %get3A_545 = arith.constant 0 : index
    %get3A_546 = vector.load %arg2[%get3A_543, %get3A_544, %get3A_545] : memref<8x512x64xf32, #tpu.memory_space<vmem>>, vector<1x512x64xf32>
    %get3A_547 = vector.shape_cast %get3A_546 : vector<1x512x64xf32> to vector<512x64xf32>
    %dot_general3A_548 = arith.constant dense<0.000000e+00> : vector<256x512xf32>
    %dot_general3A_549 = tpu.matmul %get3A_542, %get3A_547, %dot_general3A_548 {dimension_numbers = #tpu.dot_dimension_numbers<[1], [1], [0], [0], [0, 0, 1, 0], [], []>, transpose_lhs_hint = false} : vector<256x64xf32>, vector<512x64xf32>, vector<256x512xf32> -> vector<256x512xf32>
    %mul3A_550 = arith.constant 1.250000e-01 : f32
    %mul3A_551 = vector.broadcast %mul3A_550 : f32 to vector<256x512xf32>
    %mul3A_552 = arith.mulf %dot_general3A_549, %mul3A_551 : vector<256x512xf32>
    %iota3A_553 = tpu.iota {dimensions = array<i32: 0>} : vector<256x512xi32>
    %add3A_554 = arith.constant 0 : i32
    %add3A_555 = vector.broadcast %add3A_554 : i32 to vector<256x512xi32>
    %add3A_556 = arith.addi %iota3A_553, %add3A_555 : vector<256x512xi32>
    %mul3A_557 = arith.constant 256 : i32
    %mul3A_558 = arith.muli %arg0, %mul3A_557 : i32
    %add3A_559 = vector.broadcast %mul3A_558 : i32 to vector<256x512xi32>
    %add3A_560 = arith.addi %add3A_556, %add3A_559 : vector<256x512xi32>
    %iota3A_561 = tpu.iota {dimensions = array<i32: 1>} : vector<256x512xi32>
    %le3A_562 = arith.cmpi sle, %iota3A_561, %add3A_560 : vector<256x512xi32>
    %jit3A_563 = arith.constant -1.000000e+30 : f32
    %broadcast_in_dim3A_564 = vector.broadcast %jit3A_563 : f32 to vector<256x512xf32>
    %select_n3A_565 = arith.select %le3A_562, %mul3A_552, %broadcast_in_dim3A_564 : vector<256x512xi1>, vector<256x512xf32>
    %reduce_max3A_566 = arith.constant dense<0xFF800000> : vector<256xf32>
    %reduce_max3A_567 = vector.multi_reduction <maximumf>, %select_n3A_565, %reduce_max3A_566 [1] : vector<256x512xf32> to vector<256xf32>
    %broadcast_in_dim3A_568 = vector.shape_cast %reduce_max3A_567 : vector<256xf32> to vector<256x1xf32>
    %sub3A_569 = vector.broadcast %broadcast_in_dim3A_568 : vector<256x1xf32> to vector<256x512xf32>
    %sub3A_570 = arith.subf %select_n3A_565, %sub3A_569 : vector<256x512xf32>
    %exp3A_571 = math.exp %sub3A_570 : vector<256x512xf32>
    %reduce_sum3A_572 = arith.constant dense<0.000000e+00> : vector<256xf32>
    %reduce_sum3A_573 = vector.multi_reduction <add>, %exp3A_571, %reduce_sum3A_572 [1] : vector<256x512xf32> to vector<256xf32>
    %broadcast_in_dim3A_574 = vector.shape_cast %reduce_sum3A_573 : vector<256xf32> to vector<256x1xf32>
    %div3A_575 = vector.broadcast %broadcast_in_dim3A_574 : vector<256x1xf32> to vector<256x512xf32>
    %div3A_576 = arith.divf %exp3A_571, %div3A_575 : vector<256x512xf32>
    %get3A_577 = arith.constant 6 : index
    %get3A_578 = arith.constant 0 : index
    %get3A_579 = arith.constant 0 : index
    %get3A_580 = vector.load %arg3[%get3A_577, %get3A_578, %get3A_579] : memref<8x512x64xf32, #tpu.memory_space<vmem>>, vector<1x512x64xf32>
    %get3A_581 = vector.shape_cast %get3A_580 : vector<1x512x64xf32> to vector<512x64xf32>
    %dot_general3A_582 = arith.constant dense<0.000000e+00> : vector<256x64xf32>
    %dot_general3A_583 = tpu.matmul %div3A_576, %get3A_581, %dot_general3A_582 {dimension_numbers = #tpu.dot_dimension_numbers<[1], [0], [0], [1], [0, 0, 1, 1], [], []>, transpose_lhs_hint = false} : vector<256x512xf32>, vector<512x64xf32>, vector<256x64xf32> -> vector<256x64xf32>
    %get3A_584 = arith.constant 13 : index
    %get3A_585 = arith.constant 0 : index
    %get3A_586 = arith.constant 0 : index
    %get3A_587 = vector.load %arg1[%get3A_584, %get3A_585, %get3A_586] : memref<16x256x64xf32, #tpu.memory_space<vmem>>, vector<1x256x64xf32>
    %get3A_588 = vector.shape_cast %get3A_587 : vector<1x256x64xf32> to vector<256x64xf32>
    %get3A_589 = arith.constant 6 : index
    %get3A_590 = arith.constant 0 : index
    %get3A_591 = arith.constant 0 : index
    %get3A_592 = vector.load %arg2[%get3A_589, %get3A_590, %get3A_591] : memref<8x512x64xf32, #tpu.memory_space<vmem>>, vector<1x512x64xf32>
    %get3A_593 = vector.shape_cast %get3A_592 : vector<1x512x64xf32> to vector<512x64xf32>
    %dot_general3A_594 = arith.constant dense<0.000000e+00> : vector<256x512xf32>
    %dot_general3A_595 = tpu.matmul %get3A_588, %get3A_593, %dot_general3A_594 {dimension_numbers = #tpu.dot_dimension_numbers<[1], [1], [0], [0], [0, 0, 1, 0], [], []>, transpose_lhs_hint = false} : vector<256x64xf32>, vector<512x64xf32>, vector<256x512xf32> -> vector<256x512xf32>
    %mul3A_596 = arith.constant 1.250000e-01 : f32
    %mul3A_597 = vector.broadcast %mul3A_596 : f32 to vector<256x512xf32>
    %mul3A_598 = arith.mulf %dot_general3A_595, %mul3A_597 : vector<256x512xf32>
    %iota3A_599 = tpu.iota {dimensions = array<i32: 0>} : vector<256x512xi32>
    %add3A_600 = arith.constant 0 : i32
    %add3A_601 = vector.broadcast %add3A_600 : i32 to vector<256x512xi32>
    %add3A_602 = arith.addi %iota3A_599, %add3A_601 : vector<256x512xi32>
    %mul3A_603 = arith.constant 256 : i32
    %mul3A_604 = arith.muli %arg0, %mul3A_603 : i32
    %add3A_605 = vector.broadcast %mul3A_604 : i32 to vector<256x512xi32>
    %add3A_606 = arith.addi %add3A_602, %add3A_605 : vector<256x512xi32>
    %iota3A_607 = tpu.iota {dimensions = array<i32: 1>} : vector<256x512xi32>
    %le3A_608 = arith.cmpi sle, %iota3A_607, %add3A_606 : vector<256x512xi32>
    %jit3A_609 = arith.constant -1.000000e+30 : f32
    %broadcast_in_dim3A_610 = vector.broadcast %jit3A_609 : f32 to vector<256x512xf32>
    %select_n3A_611 = arith.select %le3A_608, %mul3A_598, %broadcast_in_dim3A_610 : vector<256x512xi1>, vector<256x512xf32>
    %reduce_max3A_612 = arith.constant dense<0xFF800000> : vector<256xf32>
    %reduce_max3A_613 = vector.multi_reduction <maximumf>, %select_n3A_611, %reduce_max3A_612 [1] : vector<256x512xf32> to vector<256xf32>
    %broadcast_in_dim3A_614 = vector.shape_cast %reduce_max3A_613 : vector<256xf32> to vector<256x1xf32>
    %sub3A_615 = vector.broadcast %broadcast_in_dim3A_614 : vector<256x1xf32> to vector<256x512xf32>
    %sub3A_616 = arith.subf %select_n3A_611, %sub3A_615 : vector<256x512xf32>
    %exp3A_617 = math.exp %sub3A_616 : vector<256x512xf32>
    %reduce_sum3A_618 = arith.constant dense<0.000000e+00> : vector<256xf32>
    %reduce_sum3A_619 = vector.multi_reduction <add>, %exp3A_617, %reduce_sum3A_618 [1] : vector<256x512xf32> to vector<256xf32>
    %broadcast_in_dim3A_620 = vector.shape_cast %reduce_sum3A_619 : vector<256xf32> to vector<256x1xf32>
    %div3A_621 = vector.broadcast %broadcast_in_dim3A_620 : vector<256x1xf32> to vector<256x512xf32>
    %div3A_622 = arith.divf %exp3A_617, %div3A_621 : vector<256x512xf32>
    %get3A_623 = arith.constant 6 : index
    %get3A_624 = arith.constant 0 : index
    %get3A_625 = arith.constant 0 : index
    %get3A_626 = vector.load %arg3[%get3A_623, %get3A_624, %get3A_625] : memref<8x512x64xf32, #tpu.memory_space<vmem>>, vector<1x512x64xf32>
    %get3A_627 = vector.shape_cast %get3A_626 : vector<1x512x64xf32> to vector<512x64xf32>
    %dot_general3A_628 = arith.constant dense<0.000000e+00> : vector<256x64xf32>
    %dot_general3A_629 = tpu.matmul %div3A_622, %get3A_627, %dot_general3A_628 {dimension_numbers = #tpu.dot_dimension_numbers<[1], [0], [0], [1], [0, 0, 1, 1], [], []>, transpose_lhs_hint = false} : vector<256x512xf32>, vector<512x64xf32>, vector<256x64xf32> -> vector<256x64xf32>
    %get3A_630 = arith.constant 14 : index
    %get3A_631 = arith.constant 0 : index
    %get3A_632 = arith.constant 0 : index
    %get3A_633 = vector.load %arg1[%get3A_630, %get3A_631, %get3A_632] : memref<16x256x64xf32, #tpu.memory_space<vmem>>, vector<1x256x64xf32>
    %get3A_634 = vector.shape_cast %get3A_633 : vector<1x256x64xf32> to vector<256x64xf32>
    %get3A_635 = arith.constant 7 : index
    %get3A_636 = arith.constant 0 : index
    %get3A_637 = arith.constant 0 : index
    %get3A_638 = vector.load %arg2[%get3A_635, %get3A_636, %get3A_637] : memref<8x512x64xf32, #tpu.memory_space<vmem>>, vector<1x512x64xf32>
    %get3A_639 = vector.shape_cast %get3A_638 : vector<1x512x64xf32> to vector<512x64xf32>
    %dot_general3A_640 = arith.constant dense<0.000000e+00> : vector<256x512xf32>
    %dot_general3A_641 = tpu.matmul %get3A_634, %get3A_639, %dot_general3A_640 {dimension_numbers = #tpu.dot_dimension_numbers<[1], [1], [0], [0], [0, 0, 1, 0], [], []>, transpose_lhs_hint = false} : vector<256x64xf32>, vector<512x64xf32>, vector<256x512xf32> -> vector<256x512xf32>
    %mul3A_642 = arith.constant 1.250000e-01 : f32
    %mul3A_643 = vector.broadcast %mul3A_642 : f32 to vector<256x512xf32>
    %mul3A_644 = arith.mulf %dot_general3A_641, %mul3A_643 : vector<256x512xf32>
    %iota3A_645 = tpu.iota {dimensions = array<i32: 0>} : vector<256x512xi32>
    %add3A_646 = arith.constant 0 : i32
    %add3A_647 = vector.broadcast %add3A_646 : i32 to vector<256x512xi32>
    %add3A_648 = arith.addi %iota3A_645, %add3A_647 : vector<256x512xi32>
    %mul3A_649 = arith.constant 256 : i32
    %mul3A_650 = arith.muli %arg0, %mul3A_649 : i32
    %add3A_651 = vector.broadcast %mul3A_650 : i32 to vector<256x512xi32>
    %add3A_652 = arith.addi %add3A_648, %add3A_651 : vector<256x512xi32>
    %iota3A_653 = tpu.iota {dimensions = array<i32: 1>} : vector<256x512xi32>
    %le3A_654 = arith.cmpi sle, %iota3A_653, %add3A_652 : vector<256x512xi32>
    %jit3A_655 = arith.constant -1.000000e+30 : f32
    %broadcast_in_dim3A_656 = vector.broadcast %jit3A_655 : f32 to vector<256x512xf32>
    %select_n3A_657 = arith.select %le3A_654, %mul3A_644, %broadcast_in_dim3A_656 : vector<256x512xi1>, vector<256x512xf32>
    %reduce_max3A_658 = arith.constant dense<0xFF800000> : vector<256xf32>
    %reduce_max3A_659 = vector.multi_reduction <maximumf>, %select_n3A_657, %reduce_max3A_658 [1] : vector<256x512xf32> to vector<256xf32>
    %broadcast_in_dim3A_660 = vector.shape_cast %reduce_max3A_659 : vector<256xf32> to vector<256x1xf32>
    %sub3A_661 = vector.broadcast %broadcast_in_dim3A_660 : vector<256x1xf32> to vector<256x512xf32>
    %sub3A_662 = arith.subf %select_n3A_657, %sub3A_661 : vector<256x512xf32>
    %exp3A_663 = math.exp %sub3A_662 : vector<256x512xf32>
    %reduce_sum3A_664 = arith.constant dense<0.000000e+00> : vector<256xf32>
    %reduce_sum3A_665 = vector.multi_reduction <add>, %exp3A_663, %reduce_sum3A_664 [1] : vector<256x512xf32> to vector<256xf32>
    %broadcast_in_dim3A_666 = vector.shape_cast %reduce_sum3A_665 : vector<256xf32> to vector<256x1xf32>
    %div3A_667 = vector.broadcast %broadcast_in_dim3A_666 : vector<256x1xf32> to vector<256x512xf32>
    %div3A_668 = arith.divf %exp3A_663, %div3A_667 : vector<256x512xf32>
    %get3A_669 = arith.constant 7 : index
    %get3A_670 = arith.constant 0 : index
    %get3A_671 = arith.constant 0 : index
    %get3A_672 = vector.load %arg3[%get3A_669, %get3A_670, %get3A_671] : memref<8x512x64xf32, #tpu.memory_space<vmem>>, vector<1x512x64xf32>
    %get3A_673 = vector.shape_cast %get3A_672 : vector<1x512x64xf32> to vector<512x64xf32>
    %dot_general3A_674 = arith.constant dense<0.000000e+00> : vector<256x64xf32>
    %dot_general3A_675 = tpu.matmul %div3A_668, %get3A_673, %dot_general3A_674 {dimension_numbers = #tpu.dot_dimension_numbers<[1], [0], [0], [1], [0, 0, 1, 1], [], []>, transpose_lhs_hint = false} : vector<256x512xf32>, vector<512x64xf32>, vector<256x64xf32> -> vector<256x64xf32>
    %get3A_676 = arith.constant 15 : index
    %get3A_677 = arith.constant 0 : index
    %get3A_678 = arith.constant 0 : index
    %get3A_679 = vector.load %arg1[%get3A_676, %get3A_677, %get3A_678] : memref<16x256x64xf32, #tpu.memory_space<vmem>>, vector<1x256x64xf32>
    %get3A_680 = vector.shape_cast %get3A_679 : vector<1x256x64xf32> to vector<256x64xf32>
    %get3A_681 = arith.constant 7 : index
    %get3A_682 = arith.constant 0 : index
    %get3A_683 = arith.constant 0 : index
    %get3A_684 = vector.load %arg2[%get3A_681, %get3A_682, %get3A_683] : memref<8x512x64xf32, #tpu.memory_space<vmem>>, vector<1x512x64xf32>
    %get3A_685 = vector.shape_cast %get3A_684 : vector<1x512x64xf32> to vector<512x64xf32>
    %dot_general3A_686 = arith.constant dense<0.000000e+00> : vector<256x512xf32>
    %dot_general3A_687 = tpu.matmul %get3A_680, %get3A_685, %dot_general3A_686 {dimension_numbers = #tpu.dot_dimension_numbers<[1], [1], [0], [0], [0, 0, 1, 0], [], []>, transpose_lhs_hint = false} : vector<256x64xf32>, vector<512x64xf32>, vector<256x512xf32> -> vector<256x512xf32>
    %mul3A_688 = arith.constant 1.250000e-01 : f32
    %mul3A_689 = vector.broadcast %mul3A_688 : f32 to vector<256x512xf32>
    %mul3A_690 = arith.mulf %dot_general3A_687, %mul3A_689 : vector<256x512xf32>
    %iota3A_691 = tpu.iota {dimensions = array<i32: 0>} : vector<256x512xi32>
    %add3A_692 = arith.constant 0 : i32
    %add3A_693 = vector.broadcast %add3A_692 : i32 to vector<256x512xi32>
    %add3A_694 = arith.addi %iota3A_691, %add3A_693 : vector<256x512xi32>
    %mul3A_695 = arith.constant 256 : i32
    %mul3A_696 = arith.muli %arg0, %mul3A_695 : i32
    %add3A_697 = vector.broadcast %mul3A_696 : i32 to vector<256x512xi32>
    %add3A_698 = arith.addi %add3A_694, %add3A_697 : vector<256x512xi32>
    %iota3A_699 = tpu.iota {dimensions = array<i32: 1>} : vector<256x512xi32>
    %le3A_700 = arith.cmpi sle, %iota3A_699, %add3A_698 : vector<256x512xi32>
    %jit3A_701 = arith.constant -1.000000e+30 : f32
    %broadcast_in_dim3A_702 = vector.broadcast %jit3A_701 : f32 to vector<256x512xf32>
    %select_n3A_703 = arith.select %le3A_700, %mul3A_690, %broadcast_in_dim3A_702 : vector<256x512xi1>, vector<256x512xf32>
    %reduce_max3A_704 = arith.constant dense<0xFF800000> : vector<256xf32>
    %reduce_max3A_705 = vector.multi_reduction <maximumf>, %select_n3A_703, %reduce_max3A_704 [1] : vector<256x512xf32> to vector<256xf32>
    %broadcast_in_dim3A_706 = vector.shape_cast %reduce_max3A_705 : vector<256xf32> to vector<256x1xf32>
    %sub3A_707 = vector.broadcast %broadcast_in_dim3A_706 : vector<256x1xf32> to vector<256x512xf32>
    %sub3A_708 = arith.subf %select_n3A_703, %sub3A_707 : vector<256x512xf32>
    %exp3A_709 = math.exp %sub3A_708 : vector<256x512xf32>
    %reduce_sum3A_710 = arith.constant dense<0.000000e+00> : vector<256xf32>
    %reduce_sum3A_711 = vector.multi_reduction <add>, %exp3A_709, %reduce_sum3A_710 [1] : vector<256x512xf32> to vector<256xf32>
    %broadcast_in_dim3A_712 = vector.shape_cast %reduce_sum3A_711 : vector<256xf32> to vector<256x1xf32>
    %div3A_713 = vector.broadcast %broadcast_in_dim3A_712 : vector<256x1xf32> to vector<256x512xf32>
    %div3A_714 = arith.divf %exp3A_709, %div3A_713 : vector<256x512xf32>
    %get3A_715 = arith.constant 7 : index
    %get3A_716 = arith.constant 0 : index
    %get3A_717 = arith.constant 0 : index
    %get3A_718 = vector.load %arg3[%get3A_715, %get3A_716, %get3A_717] : memref<8x512x64xf32, #tpu.memory_space<vmem>>, vector<1x512x64xf32>
    %get3A_719 = vector.shape_cast %get3A_718 : vector<1x512x64xf32> to vector<512x64xf32>
    %dot_general3A_720 = arith.constant dense<0.000000e+00> : vector<256x64xf32>
    %dot_general3A_721 = tpu.matmul %div3A_714, %get3A_719, %dot_general3A_720 {dimension_numbers = #tpu.dot_dimension_numbers<[1], [0], [0], [1], [0, 0, 1, 1], [], []>, transpose_lhs_hint = false} : vector<256x512xf32>, vector<512x64xf32>, vector<256x64xf32> -> vector<256x64xf32>
    %concatenate3A = tpu.concatenate %dot_general3A_31, %dot_general3A_77, %dot_general3A_123, %dot_general3A_169, %dot_general3A_215, %dot_general3A_261, %dot_general3A_307, %dot_general3A_353, %dot_general3A_399, %dot_general3A_445, %dot_general3A_491, %dot_general3A_537, %dot_general3A_583, %dot_general3A_629, %dot_general3A_675, %dot_general3A_721 in 1 : vector<256x64xf32>, vector<256x64xf32>, vector<256x64xf32>, vector<256x64xf32>, vector<256x64xf32>, vector<256x64xf32>, vector<256x64xf32>, vector<256x64xf32>, vector<256x64xf32>, vector<256x64xf32>, vector<256x64xf32>, vector<256x64xf32>, vector<256x64xf32>, vector<256x64xf32>, vector<256x64xf32>, vector<256x64xf32> -> vector<256x1024xf32>
    %swap3A = arith.constant 0 : index
    %swap3A_722 = arith.constant 0 : index
    %swap3A_723 = vector.load %arg4[%swap3A, %swap3A_722] : memref<256x1024xf32, #tpu.memory_space<vmem>>, vector<256x1024xf32>
    tpu.vector_store %arg4[%swap3A, %swap3A_722], %concatenate3A {strides = array<i32>} : memref<256x1024xf32, #tpu.memory_space<vmem>>, vector<256x1024xf32>,
    return
  }
  func.func @transform_0(%arg0: i32) -> (i32, i32, i32) {
    %c0_i32 = arith.constant 0 : i32
    %c0_i32_0 = arith.constant 0 : i32
    %c0_i32_1 = arith.constant 0 : i32
    return %c0_i32, %arg0, %c0_i32_0 : i32, i32, i32
  }
  func.func @transform_1(%arg0: i32) -> (i32, i32, i32) {
    %c0_i32 = arith.constant 0 : i32
    %c0_i32_0 = arith.constant 0 : i32
    %c0_i32_1 = arith.constant 0 : i32
    %c0_i32_2 = arith.constant 0 : i32
    return %c0_i32, %c0_i32_0, %c0_i32_1 : i32, i32, i32
  }
  func.func @transform_2(%arg0: i32) -> (i32, i32, i32) {
    %c0_i32 = arith.constant 0 : i32
    %c0_i32_0 = arith.constant 0 : i32
    %c0_i32_1 = arith.constant 0 : i32
    %c0_i32_2 = arith.constant 0 : i32
    return %c0_i32, %c0_i32_0, %c0_i32_1 : i32, i32, i32
  }
  func.func @transform_3(%arg0: i32) -> (i32, i32) {
    %c0_i32 = arith.constant 0 : i32
    %c0_i32_0 = arith.constant 0 : i32
    return %arg0, %c0_i32 : i32, i32
  }
}

module attributes {stable_mosaic.version = 14 : i64} {
  func.func @_post_body(%arg0: i32, %arg1: memref<256x1024xf32, #tpu.memory_space<vmem>>, %arg2: memref<256x1024xf32, #tpu.memory_space<vmem>>, %arg3: memref<1024x1024xf32, #tpu.memory_space<vmem>>, %arg4: memref<1x1024xf32, #tpu.memory_space<vmem>>, %arg5: memref<256x1024xf32, #tpu.memory_space<vmem>>, %arg6: memref<256x1024xf32, #tpu.memory_space<vmem>>) attributes {dimension_semantics = [#tpu.dimension_semantics<arbitrary>], iteration_bounds = array<i64: 8>, scalar_prefetch = 0 : i64, scratch_operands = 0 : i64, tpu.core_type = #tpu.core_type<tc>, window_params = [{transform_indices = @transform_0, window_bounds = array<i64: 256, 1024>}, {transform_indices = @transform_1, window_bounds = array<i64: 256, 1024>}, {pipeline_mode = #tpu.pipeline_mode<synchronous>, transform_indices = @transform_2, window_bounds = array<i64: 1024, 1024>}, {pipeline_mode = #tpu.pipeline_mode<synchronous>, transform_indices = @transform_3, window_bounds = array<i64: 1, 1024>}, {transform_indices = @transform_4, window_bounds = array<i64: 256, 1024>}, {transform_indices = @transform_5, window_bounds = array<i64: 256, 1024>}]} {
    %get3A = arith.constant 0 : index
    %get3A_0 = arith.constant 0 : index
    %get3A_1 = vector.load %arg1[%get3A, %get3A_0] : memref<256x1024xf32, #tpu.memory_space<vmem>>, vector<256x1024xf32>
    %get3A_2 = arith.constant 0 : index
    %get3A_3 = arith.constant 0 : index
    %get3A_4 = vector.load %arg3[%get3A_2, %get3A_3] : memref<1024x1024xf32, #tpu.memory_space<vmem>>, vector<1024x1024xf32>
    %dot_general3A = arith.constant dense<0.000000e+00> : vector<256x1024xf32>
    %dot_general3A_5 = tpu.matmul %get3A_1, %get3A_4, %dot_general3A {dimension_numbers = #tpu.dot_dimension_numbers<[1], [0], [0], [1], [0, 0, 1, 1], [], []>, transpose_lhs_hint = false} : vector<256x1024xf32>, vector<1024x1024xf32>, vector<256x1024xf32> -> vector<256x1024xf32>
    %get3A_6 = arith.constant 0 : index
    %get3A_7 = arith.constant 0 : index
    %get3A_8 = vector.load %arg2[%get3A_6, %get3A_7] : memref<256x1024xf32, #tpu.memory_space<vmem>>, vector<256x1024xf32>
    %add3A = arith.addf %dot_general3A_5, %get3A_8 : vector<256x1024xf32>
    %swap3A = arith.constant 0 : index
    %swap3A_9 = arith.constant 0 : index
    %swap3A_10 = vector.load %arg5[%swap3A, %swap3A_9] : memref<256x1024xf32, #tpu.memory_space<vmem>>, vector<256x1024xf32>
    tpu.vector_store %arg5[%swap3A, %swap3A_9], %add3A {strides = array<i32>} : memref<256x1024xf32, #tpu.memory_space<vmem>>, vector<256x1024xf32>,
    %get3A_11 = arith.constant 0 : index
    %get3A_12 = arith.constant 0 : index
    %get3A_13 = vector.load %arg4[%get3A_11, %get3A_12] : memref<1x1024xf32, #tpu.memory_space<vmem>>, vector<1x1024xf32>
    %mul3A = arith.mulf %add3A, %add3A : vector<256x1024xf32>
    %reduce_sum3A = arith.constant dense<0.000000e+00> : vector<256xf32>
    %reduce_sum3A_14 = vector.multi_reduction <add>, %mul3A, %reduce_sum3A [1] : vector<256x1024xf32> to vector<256xf32>
    %broadcast_in_dim3A = vector.shape_cast %reduce_sum3A_14 : vector<256xf32> to vector<256x1xf32>
    %div3A = arith.constant 1.024000e+03 : f32
    %div3A_15 = vector.broadcast %div3A : f32 to vector<256x1xf32>
    %div3A_16 = arith.divf %broadcast_in_dim3A, %div3A_15 : vector<256x1xf32>
    %add3A_17 = arith.constant 9.99999974E-6 : f32
    %add3A_18 = vector.broadcast %add3A_17 : f32 to vector<256x1xf32>
    %add3A_19 = arith.addf %div3A_16, %add3A_18 : vector<256x1xf32>
    %rsqrt3A = math.rsqrt %add3A_19 : vector<256x1xf32>
    %mul3A_20 = vector.broadcast %rsqrt3A : vector<256x1xf32> to vector<256x1024xf32>
    %mul3A_21 = arith.mulf %add3A, %mul3A_20 : vector<256x1024xf32>
    %mul3A_22 = vector.broadcast %get3A_13 : vector<1x1024xf32> to vector<256x1024xf32>
    %mul3A_23 = arith.mulf %mul3A_21, %mul3A_22 : vector<256x1024xf32>
    %swap3A_24 = arith.constant 0 : index
    %swap3A_25 = arith.constant 0 : index
    %swap3A_26 = vector.load %arg6[%swap3A_24, %swap3A_25] : memref<256x1024xf32, #tpu.memory_space<vmem>>, vector<256x1024xf32>
    tpu.vector_store %arg6[%swap3A_24, %swap3A_25], %mul3A_23 {strides = array<i32>} : memref<256x1024xf32, #tpu.memory_space<vmem>>, vector<256x1024xf32>,
    return
  }
  func.func @transform_0(%arg0: i32) -> (i32, i32) {
    %c0_i32 = arith.constant 0 : i32
    %c0_i32_0 = arith.constant 0 : i32
    return %arg0, %c0_i32 : i32, i32
  }
  func.func @transform_1(%arg0: i32) -> (i32, i32) {
    %c0_i32 = arith.constant 0 : i32
    %c0_i32_0 = arith.constant 0 : i32
    return %arg0, %c0_i32 : i32, i32
  }
  func.func @transform_2(%arg0: i32) -> (i32, i32) {
    %c0_i32 = arith.constant 0 : i32
    %c0_i32_0 = arith.constant 0 : i32
    %c0_i32_1 = arith.constant 0 : i32
    return %c0_i32, %c0_i32_0 : i32, i32
  }
  func.func @transform_3(%arg0: i32) -> (i32, i32) {
    %c0_i32 = arith.constant 0 : i32
    %c0_i32_0 = arith.constant 0 : i32
    %c0_i32_1 = arith.constant 0 : i32
    return %c0_i32, %c0_i32_0 : i32, i32
  }
  func.func @transform_4(%arg0: i32) -> (i32, i32) {
    %c0_i32 = arith.constant 0 : i32
    %c0_i32_0 = arith.constant 0 : i32
    return %arg0, %c0_i32 : i32, i32
  }
  func.func @transform_5(%arg0: i32) -> (i32, i32) {
    %c0_i32 = arith.constant 0 : i32
    %c0_i32_0 = arith.constant 0 : i32
    return %arg0, %c0_i32 : i32, i32
  }
}

module attributes {stable_mosaic.version = 14 : i64} {
  func.func @_route_body(%arg0: i32, %arg1: memref<2048x1024xf32, #tpu.memory_space<vmem>>, %arg2: memref<1024x128xf32, #tpu.memory_space<vmem>>, %arg3: memref<2048x1xi32, #tpu.memory_space<vmem>>, %arg4: memref<2048x1xf32, #tpu.memory_space<vmem>>, %arg5: memref<16x128xi32, #tpu.memory_space<vmem>>, %arg6: memref<16x128xi32, #tpu.memory_space<vmem>>, %arg7: memref<1x128xi32, #tpu.memory_space<vmem>>) attributes {dimension_semantics = [#tpu.dimension_semantics<arbitrary>], iteration_bounds = array<i64: 1>, scalar_prefetch = 0 : i64, scratch_operands = 0 : i64, tpu.core_type = #tpu.core_type<tc>, window_params = [{pipeline_mode = #tpu.pipeline_mode<synchronous>, transform_indices = @transform_0, window_bounds = array<i64: 2048, 1024>}, {pipeline_mode = #tpu.pipeline_mode<synchronous>, transform_indices = @transform_1, window_bounds = array<i64: 1024, 128>}, {pipeline_mode = #tpu.pipeline_mode<synchronous>, transform_indices = @transform_2, window_bounds = array<i64: 2048, 1>}, {pipeline_mode = #tpu.pipeline_mode<synchronous>, transform_indices = @transform_3, window_bounds = array<i64: 2048, 1>}, {pipeline_mode = #tpu.pipeline_mode<synchronous>, transform_indices = @transform_4, window_bounds = array<i64: 16, 128>}, {pipeline_mode = #tpu.pipeline_mode<synchronous>, transform_indices = @transform_5, window_bounds = array<i64: 16, 128>}, {pipeline_mode = #tpu.pipeline_mode<synchronous>, transform_indices = @transform_6, window_bounds = array<i64: 1, 128>}]} {
    %get3A = arith.constant 0 : index
    %get3A_0 = arith.constant 0 : index
    %get3A_1 = vector.load %arg1[%get3A, %get3A_0] : memref<2048x1024xf32, #tpu.memory_space<vmem>>, vector<2048x1024xf32>
    %get3A_2 = arith.constant 0 : index
    %get3A_3 = arith.constant 0 : index
    %get3A_4 = vector.load %arg2[%get3A_2, %get3A_3] : memref<1024x128xf32, #tpu.memory_space<vmem>>, vector<1024x128xf32>
    %dot_general3A = arith.constant dense<0.000000e+00> : vector<2048x128xf32>
    %dot_general3A_5 = tpu.matmul %get3A_1, %get3A_4, %dot_general3A {dimension_numbers = #tpu.dot_dimension_numbers<[1], [0], [0], [1], [0, 0, 1, 1], [], []>, transpose_lhs_hint = false} : vector<2048x1024xf32>, vector<1024x128xf32>, vector<2048x128xf32> -> vector<2048x128xf32>
    %iota3A = tpu.iota {dimensions = array<i32: 1>} : vector<2048x128xi32>
    %lt3A = arith.constant 8 : i32
    %lt3A_6 = vector.broadcast %lt3A : i32 to vector<2048x128xi32>
    %lt3A_7 = arith.cmpi slt, %iota3A, %lt3A_6 : vector<2048x128xi32>
    %jit3A = arith.constant -1.000000e+30 : f32
    %broadcast_in_dim3A = vector.broadcast %jit3A : f32 to vector<2048x128xf32>
    %select_n3A = arith.select %lt3A_7, %dot_general3A_5, %broadcast_in_dim3A : vector<2048x128xi1>, vector<2048x128xf32>
    %reduce_max3A = arith.constant dense<0xFF800000> : vector<2048xf32>
    %reduce_max3A_8 = vector.multi_reduction <maximumf>, %select_n3A, %reduce_max3A [1] : vector<2048x128xf32> to vector<2048xf32>
    %broadcast_in_dim3A_9 = vector.shape_cast %reduce_max3A_8 : vector<2048xf32> to vector<2048x1xf32>
    %convert_element_type3A = arith.sitofp %iota3A : vector<2048x128xi32> to vector<2048x128xf32>
    %eq3A = vector.broadcast %broadcast_in_dim3A_9 : vector<2048x1xf32> to vector<2048x128xf32>
    %eq3A_10 = arith.cmpf oeq, %select_n3A, %eq3A : vector<2048x128xf32>
    %jit3A_11 = arith.constant 1.280000e+02 : f32
    %broadcast_in_dim3A_12 = vector.broadcast %jit3A_11 : f32 to vector<2048x128xf32>
    %select_n3A_13 = arith.select %eq3A_10, %convert_element_type3A, %broadcast_in_dim3A_12 : vector<2048x128xi1>, vector<2048x128xf32>
    %reduce_min3A = arith.constant dense<0x7F800000> : vector<2048xf32>
    %reduce_min3A_14 = vector.multi_reduction <minimumf>, %select_n3A_13, %reduce_min3A [1] : vector<2048x128xf32> to vector<2048xf32>
    %broadcast_in_dim3A_15 = vector.shape_cast %reduce_min3A_14 : vector<2048xf32> to vector<2048x1xf32>
    %neg3A = arith.constant 0.000000e+00 : f32
    %neg3A_16 = vector.broadcast %neg3A : f32 to vector<2048x1xf32>
    %neg3A_17 = arith.subf %neg3A_16, %broadcast_in_dim3A_9 : vector<2048x1xf32>
    %exp3A = math.exp %neg3A_17 : vector<2048x1xf32>
    %add3A = arith.constant 1.000000e+00 : f32
    %add3A_18 = vector.broadcast %add3A : f32 to vector<2048x1xf32>
    %add3A_19 = arith.addf %add3A_18, %exp3A : vector<2048x1xf32>
    %div3A = arith.constant 1.000000e+00 : f32
    %div3A_20 = vector.broadcast %div3A : f32 to vector<2048x1xf32>
    %div3A_21 = arith.divf %div3A_20, %add3A_19 : vector<2048x1xf32>
    %swap3A = arith.constant 0 : index
    %swap3A_22 = arith.constant 0 : index
    %swap3A_23 = vector.load %arg4[%swap3A, %swap3A_22] : memref<2048x1xf32, #tpu.memory_space<vmem>>, vector<2048x1xf32>
    tpu.vector_store %arg4[%swap3A, %swap3A_22], %div3A_21 {strides = array<i32>} : memref<2048x1xf32, #tpu.memory_space<vmem>>, vector<2048x1xf32>,
    %eq3A_24 = vector.broadcast %broadcast_in_dim3A_15 : vector<2048x1xf32> to vector<2048x128xf32>
    %eq3A_25 = arith.cmpf oeq, %convert_element_type3A, %eq3A_24 : vector<2048x128xf32>
    %convert_element_type3A_26 = arith.extui %eq3A_25 : vector<2048x128xi1> to vector<2048x128xi32>
    %convert_element_type3A_27 = arith.sitofp %convert_element_type3A_26 : vector<2048x128xi32> to vector<2048x128xf32>
    %convert_element_type3A_28 = arith.extui %lt3A_7 : vector<2048x128xi1> to vector<2048x128xi32>
    %convert_element_type3A_29 = arith.sitofp %convert_element_type3A_28 : vector<2048x128xi32> to vector<2048x128xf32>
    %mul3A = arith.mulf %convert_element_type3A_27, %convert_element_type3A_29 : vector<2048x128xf32>
    %reduce_sum3A = arith.constant dense<0.000000e+00> : vector<128xf32>
    %reduce_sum3A_30 = vector.multi_reduction <add>, %mul3A, %reduce_sum3A [0] : vector<2048x128xf32> to vector<128xf32>
    %broadcast_in_dim3A_31 = vector.shape_cast %reduce_sum3A_30 : vector<128xf32> to vector<1x128xf32>
    %iota3A_32 = tpu.iota {dimensions = array<i32: 0>} : vector<128x128xi32>
    %iota3A_33 = tpu.iota {dimensions = array<i32: 1>} : vector<128x128xi32>
    %le3A = arith.cmpi sle, %iota3A_32, %iota3A_33 : vector<128x128xi32>
    %lt3A_34 = arith.constant 8 : i32
    %lt3A_35 = vector.broadcast %lt3A_34 : i32 to vector<128x128xi32>
    %lt3A_36 = arith.cmpi slt, %iota3A_32, %lt3A_35 : vector<128x128xi32>
    %and3A = arith.andi %le3A, %lt3A_36 : vector<128x128xi1>
    %convert_element_type3A_37 = arith.extui %and3A : vector<128x128xi1> to vector<128x128xi32>
    %convert_element_type3A_38 = arith.sitofp %convert_element_type3A_37 : vector<128x128xi32> to vector<128x128xf32>
    %dot_general3A_39 = arith.constant dense<0.000000e+00> : vector<1x128xf32>
    %dot_general3A_40 = tpu.matmul %broadcast_in_dim3A_31, %convert_element_type3A_38, %dot_general3A_39 {dimension_numbers = #tpu.dot_dimension_numbers<[1], [0], [0], [1], [0, 0, 1, 1], [], []>, precision = #tpu.contract_precision<fp32>, transpose_lhs_hint = false} : vector<1x128xf32>, vector<128x128xf32>, vector<1x128xf32> -> vector<1x128xf32>
    %sub3A = arith.subf %dot_general3A_40, %broadcast_in_dim3A_31 : vector<1x128xf32>
    %broadcast_in_dim3A_41 = arith.constant 0.000000e+00 : f32
    %broadcast_in_dim3A_42 = vector.broadcast %broadcast_in_dim3A_41 : f32 to vector<1x128xf32>
    %slice3A = vector.extract_strided_slice %mul3A {offsets = [0, 0], sizes = [2047, 128], strides = [1, 1]} : vector<2048x128xf32> to vector<2047x128xf32>
    %concatenate3A = tpu.concatenate %broadcast_in_dim3A_42, %slice3A in 0 : vector<1x128xf32>, vector<2047x128xf32> -> vector<2048x128xf32>
    %add3A_43 = arith.addf %mul3A, %concatenate3A : vector<2048x128xf32>
    %broadcast_in_dim3A_44 = arith.constant 0.000000e+00 : f32
    %broadcast_in_dim3A_45 = vector.broadcast %broadcast_in_dim3A_44 : f32 to vector<2x128xf32>
    %slice3A_46 = vector.extract_strided_slice %add3A_43 {offsets = [0, 0], sizes = [2046, 128], strides = [1, 1]} : vector<2048x128xf32> to vector<2046x128xf32>
    %concatenate3A_47 = tpu.concatenate %broadcast_in_dim3A_45, %slice3A_46 in 0 : vector<2x128xf32>, vector<2046x128xf32> -> vector<2048x128xf32>
    %add3A_48 = arith.addf %add3A_43, %concatenate3A_47 : vector<2048x128xf32>
    %broadcast_in_dim3A_49 = arith.constant 0.000000e+00 : f32
    %broadcast_in_dim3A_50 = vector.broadcast %broadcast_in_dim3A_49 : f32 to vector<4x128xf32>
    %slice3A_51 = vector.extract_strided_slice %add3A_48 {offsets = [0, 0], sizes = [2044, 128], strides = [1, 1]} : vector<2048x128xf32> to vector<2044x128xf32>
    %concatenate3A_52 = tpu.concatenate %broadcast_in_dim3A_50, %slice3A_51 in 0 : vector<4x128xf32>, vector<2044x128xf32> -> vector<2048x128xf32>
    %add3A_53 = arith.addf %add3A_48, %concatenate3A_52 : vector<2048x128xf32>
    %broadcast_in_dim3A_54 = arith.constant 0.000000e+00 : f32
    %broadcast_in_dim3A_55 = vector.broadcast %broadcast_in_dim3A_54 : f32 to vector<8x128xf32>
    %slice3A_56 = vector.extract_strided_slice %add3A_53 {offsets = [0, 0], sizes = [2040, 128], strides = [1, 1]} : vector<2048x128xf32> to vector<2040x128xf32>
    %concatenate3A_57 = tpu.concatenate %broadcast_in_dim3A_55, %slice3A_56 in 0 : vector<8x128xf32>, vector<2040x128xf32> -> vector<2048x128xf32>
    %add3A_58 = arith.addf %add3A_53, %concatenate3A_57 : vector<2048x128xf32>
    %broadcast_in_dim3A_59 = arith.constant 0.000000e+00 : f32
    %broadcast_in_dim3A_60 = vector.broadcast %broadcast_in_dim3A_59 : f32 to vector<16x128xf32>
    %slice3A_61 = vector.extract_strided_slice %add3A_58 {offsets = [0, 0], sizes = [2032, 128], strides = [1, 1]} : vector<2048x128xf32> to vector<2032x128xf32>
    %concatenate3A_62 = tpu.concatenate %broadcast_in_dim3A_60, %slice3A_61 in 0 : vector<16x128xf32>, vector<2032x128xf32> -> vector<2048x128xf32>
    %add3A_63 = arith.addf %add3A_58, %concatenate3A_62 : vector<2048x128xf32>
    %broadcast_in_dim3A_64 = arith.constant 0.000000e+00 : f32
    %broadcast_in_dim3A_65 = vector.broadcast %broadcast_in_dim3A_64 : f32 to vector<32x128xf32>
    %slice3A_66 = vector.extract_strided_slice %add3A_63 {offsets = [0, 0], sizes = [2016, 128], strides = [1, 1]} : vector<2048x128xf32> to vector<2016x128xf32>
    %concatenate3A_67 = tpu.concatenate %broadcast_in_dim3A_65, %slice3A_66 in 0 : vector<32x128xf32>, vector<2016x128xf32> -> vector<2048x128xf32>
    %add3A_68 = arith.addf %add3A_63, %concatenate3A_67 : vector<2048x128xf32>
    %broadcast_in_dim3A_69 = arith.constant 0.000000e+00 : f32
    %broadcast_in_dim3A_70 = vector.broadcast %broadcast_in_dim3A_69 : f32 to vector<64x128xf32>
    %slice3A_71 = vector.extract_strided_slice %add3A_68 {offsets = [0, 0], sizes = [1984, 128], strides = [1, 1]} : vector<2048x128xf32> to vector<1984x128xf32>
    %concatenate3A_72 = tpu.concatenate %broadcast_in_dim3A_70, %slice3A_71 in 0 : vector<64x128xf32>, vector<1984x128xf32> -> vector<2048x128xf32>
    %add3A_73 = arith.addf %add3A_68, %concatenate3A_72 : vector<2048x128xf32>
    %broadcast_in_dim3A_74 = arith.constant 0.000000e+00 : f32
    %broadcast_in_dim3A_75 = vector.broadcast %broadcast_in_dim3A_74 : f32 to vector<128x128xf32>
    %slice3A_76 = vector.extract_strided_slice %add3A_73 {offsets = [0, 0], sizes = [1920, 128], strides = [1, 1]} : vector<2048x128xf32> to vector<1920x128xf32>
    %concatenate3A_77 = tpu.concatenate %broadcast_in_dim3A_75, %slice3A_76 in 0 : vector<128x128xf32>, vector<1920x128xf32> -> vector<2048x128xf32>
    %add3A_78 = arith.addf %add3A_73, %concatenate3A_77 : vector<2048x128xf32>
    %broadcast_in_dim3A_79 = arith.constant 0.000000e+00 : f32
    %broadcast_in_dim3A_80 = vector.broadcast %broadcast_in_dim3A_79 : f32 to vector<256x128xf32>
    %slice3A_81 = vector.extract_strided_slice %add3A_78 {offsets = [0, 0], sizes = [1792, 128], strides = [1, 1]} : vector<2048x128xf32> to vector<1792x128xf32>
    %concatenate3A_82 = tpu.concatenate %broadcast_in_dim3A_80, %slice3A_81 in 0 : vector<256x128xf32>, vector<1792x128xf32> -> vector<2048x128xf32>
    %add3A_83 = arith.addf %add3A_78, %concatenate3A_82 : vector<2048x128xf32>
    %broadcast_in_dim3A_84 = arith.constant 0.000000e+00 : f32
    %broadcast_in_dim3A_85 = vector.broadcast %broadcast_in_dim3A_84 : f32 to vector<512x128xf32>
    %slice3A_86 = vector.extract_strided_slice %add3A_83 {offsets = [0, 0], sizes = [1536, 128], strides = [1, 1]} : vector<2048x128xf32> to vector<1536x128xf32>
    %concatenate3A_87 = tpu.concatenate %broadcast_in_dim3A_85, %slice3A_86 in 0 : vector<512x128xf32>, vector<1536x128xf32> -> vector<2048x128xf32>
    %add3A_88 = arith.addf %add3A_83, %concatenate3A_87 : vector<2048x128xf32>
    %broadcast_in_dim3A_89 = arith.constant 0.000000e+00 : f32
    %broadcast_in_dim3A_90 = vector.broadcast %broadcast_in_dim3A_89 : f32 to vector<1024x128xf32>
    %slice3A_91 = vector.extract_strided_slice %add3A_88 {offsets = [0, 0], sizes = [1024, 128], strides = [1, 1]} : vector<2048x128xf32> to vector<1024x128xf32>
    %concatenate3A_92 = tpu.concatenate %broadcast_in_dim3A_90, %slice3A_91 in 0 : vector<1024x128xf32>, vector<1024x128xf32> -> vector<2048x128xf32>
    %add3A_93 = arith.addf %add3A_88, %concatenate3A_92 : vector<2048x128xf32>
    %sub3A_94 = arith.subf %add3A_93, %mul3A : vector<2048x128xf32>
    %eq3A_95 = vector.broadcast %broadcast_in_dim3A_15 : vector<2048x1xf32> to vector<2048x128xf32>
    %eq3A_96 = arith.cmpf oeq, %convert_element_type3A, %eq3A_95 : vector<2048x128xf32>
    %add3A_97 = vector.broadcast %sub3A : vector<1x128xf32> to vector<2048x128xf32>
    %add3A_98 = arith.addf %add3A_97, %sub3A_94 : vector<2048x128xf32>
    %jit3A_99 = arith.constant 0.000000e+00 : f32
    %broadcast_in_dim3A_100 = vector.broadcast %jit3A_99 : f32 to vector<2048x128xf32>
    %select_n3A_101 = arith.select %eq3A_96, %add3A_98, %broadcast_in_dim3A_100 : vector<2048x128xi1>, vector<2048x128xf32>
    %reduce_sum3A_102 = arith.constant dense<0.000000e+00> : vector<2048xf32>
    %reduce_sum3A_103 = vector.multi_reduction <add>, %select_n3A_101, %reduce_sum3A_102 [1] : vector<2048x128xf32> to vector<2048xf32>
    %broadcast_in_dim3A_104 = vector.shape_cast %reduce_sum3A_103 : vector<2048xf32> to vector<2048x1xf32>
    %convert_element_type3A_105 = arith.fptosi %broadcast_in_dim3A_104 : vector<2048x1xf32> to vector<2048x1xi32>
    %swap3A_106 = arith.constant 0 : index
    %swap3A_107 = arith.constant 0 : index
    %swap3A_108 = vector.load %arg3[%swap3A_106, %swap3A_107] : memref<2048x1xi32, #tpu.memory_space<vmem>>, vector<2048x1xi32>
    tpu.vector_store %arg3[%swap3A_106, %swap3A_107], %convert_element_type3A_105 {strides = array<i32>} : memref<2048x1xi32, #tpu.memory_space<vmem>>, vector<2048x1xi32>,
    %broadcast_in_dim3A_109 = vector.shape_cast %dot_general3A_40 : vector<1x128xf32> to vector<1x128xf32>
    %broadcast_in_dim3A_110 = vector.broadcast %broadcast_in_dim3A_109 : vector<1x128xf32> to vector<16x128xf32>
    %iota3A_111 = tpu.iota {dimensions = array<i32: 0>} : vector<16x128xi32>
    %mul3A_112 = arith.constant 128 : i32
    %mul3A_113 = vector.broadcast %mul3A_112 : i32 to vector<16x128xi32>
    %mul3A_114 = arith.muli %iota3A_111, %mul3A_113 : vector<16x128xi32>
    %convert_element_type3A_115 = arith.sitofp %mul3A_114 : vector<16x128xi32> to vector<16x128xf32>
    %iota3A_116 = tpu.iota {dimensions = array<i32: 1>} : vector<16x128xi32>
    %lt3A_117 = arith.constant 8 : i32
    %lt3A_118 = vector.broadcast %lt3A_117 : i32 to vector<16x128xi32>
    %lt3A_119 = arith.cmpi slt, %iota3A_116, %lt3A_118 : vector<16x128xi32>
    %le3A_120 = arith.cmpf ole, %broadcast_in_dim3A_110, %convert_element_type3A_115 : vector<16x128xf32>
    %and3A_121 = arith.andi %le3A_120, %lt3A_119 : vector<16x128xi1>
    %convert_element_type3A_122 = arith.extui %and3A_121 : vector<16x128xi1> to vector<16x128xi32>
    %reduce_sum3A_123 = arith.constant dense<0> : vector<16xi32>
    %reduce_sum3A_124 = vector.multi_reduction <add>, %convert_element_type3A_122, %reduce_sum3A_123 [1] : vector<16x128xi32> to vector<16xi32>
    %broadcast_in_dim3A_125 = vector.shape_cast %reduce_sum3A_124 : vector<16xi32> to vector<16x1xi32>
    %add3A_126 = arith.constant 1.270000e+02 : f32
    %add3A_127 = vector.broadcast %add3A_126 : f32 to vector<16x128xf32>
    %add3A_128 = arith.addf %convert_element_type3A_115, %add3A_127 : vector<16x128xf32>
    %le3A_129 = arith.cmpf ole, %broadcast_in_dim3A_110, %add3A_128 : vector<16x128xf32>
    %and3A_130 = arith.andi %le3A_129, %lt3A_119 : vector<16x128xi1>
    %convert_element_type3A_131 = arith.extui %and3A_130 : vector<16x128xi1> to vector<16x128xi32>
    %reduce_sum3A_132 = arith.constant dense<0> : vector<16xi32>
    %reduce_sum3A_133 = vector.multi_reduction <add>, %convert_element_type3A_131, %reduce_sum3A_132 [1] : vector<16x128xi32> to vector<16xi32>
    %broadcast_in_dim3A_134 = vector.shape_cast %reduce_sum3A_133 : vector<16xi32> to vector<16x1xi32>
    %iota3A_135 = tpu.iota {dimensions = array<i32: 1>} : vector<16x128xi32>
    %add3A_136 = vector.broadcast %broadcast_in_dim3A_125 : vector<16x1xi32> to vector<16x128xi32>
    %add3A_137 = arith.addi %add3A_136, %iota3A_135 : vector<16x128xi32>
    %min3A = vector.broadcast %broadcast_in_dim3A_134 : vector<16x1xi32> to vector<16x128xi32>
    %min3A_138 = arith.minsi %add3A_137, %min3A : vector<16x128xi32>
    %swap3A_139 = arith.constant 0 : index
    %swap3A_140 = arith.constant 0 : index
    %swap3A_141 = vector.load %arg5[%swap3A_139, %swap3A_140] : memref<16x128xi32, #tpu.memory_space<vmem>>, vector<16x128xi32>
    tpu.vector_store %arg5[%swap3A_139, %swap3A_140], %min3A_138 {strides = array<i32>} : memref<16x128xi32, #tpu.memory_space<vmem>>, vector<16x128xi32>,
    %sub3A_142 = arith.subi %broadcast_in_dim3A_134, %broadcast_in_dim3A_125 : vector<16x1xi32>
    %le3A_143 = vector.broadcast %sub3A_142 : vector<16x1xi32> to vector<16x128xi32>
    %le3A_144 = arith.cmpi sle, %iota3A_135, %le3A_143 : vector<16x128xi32>
    %convert_element_type3A_145 = arith.extui %le3A_144 : vector<16x128xi1> to vector<16x128xi32>
    %swap3A_146 = arith.constant 0 : index
    %swap3A_147 = arith.constant 0 : index
    %swap3A_148 = vector.load %arg6[%swap3A_146, %swap3A_147] : memref<16x128xi32, #tpu.memory_space<vmem>>, vector<16x128xi32>
    tpu.vector_store %arg6[%swap3A_146, %swap3A_147], %convert_element_type3A_145 {strides = array<i32>} : memref<16x128xi32, #tpu.memory_space<vmem>>, vector<16x128xi32>,
    %convert_element_type3A_149 = arith.fptosi %dot_general3A_40 : vector<1x128xf32> to vector<1x128xi32>
    %swap3A_150 = arith.constant 0 : index
    %swap3A_151 = arith.constant 0 : index
    %swap3A_152 = vector.load %arg7[%swap3A_150, %swap3A_151] : memref<1x128xi32, #tpu.memory_space<vmem>>, vector<1x128xi32>
    tpu.vector_store %arg7[%swap3A_150, %swap3A_151], %convert_element_type3A_149 {strides = array<i32>} : memref<1x128xi32, #tpu.memory_space<vmem>>, vector<1x128xi32>,
    return
  }
  func.func @transform_0(%arg0: i32) -> (i32, i32) {
    %c0_i32 = arith.constant 0 : i32
    %c0_i32_0 = arith.constant 0 : i32
    %c0_i32_1 = arith.constant 0 : i32
    return %c0_i32, %c0_i32_0 : i32, i32
  }
  func.func @transform_1(%arg0: i32) -> (i32, i32) {
    %c0_i32 = arith.constant 0 : i32
    %c0_i32_0 = arith.constant 0 : i32
    %c0_i32_1 = arith.constant 0 : i32
    return %c0_i32, %c0_i32_0 : i32, i32
  }
  func.func @transform_2(%arg0: i32) -> (i32, i32) {
    %c0_i32 = arith.constant 0 : i32
    %c0_i32_0 = arith.constant 0 : i32
    %c0_i32_1 = arith.constant 0 : i32
    return %c0_i32, %c0_i32_0 : i32, i32
  }
  func.func @transform_3(%arg0: i32) -> (i32, i32) {
    %c0_i32 = arith.constant 0 : i32
    %c0_i32_0 = arith.constant 0 : i32
    %c0_i32_1 = arith.constant 0 : i32
    return %c0_i32, %c0_i32_0 : i32, i32
  }
  func.func @transform_4(%arg0: i32) -> (i32, i32) {
    %c0_i32 = arith.constant 0 : i32
    %c0_i32_0 = arith.constant 0 : i32
    %c0_i32_1 = arith.constant 0 : i32
    return %c0_i32, %c0_i32_0 : i32, i32
  }
  func.func @transform_5(%arg0: i32) -> (i32, i32) {
    %c0_i32 = arith.constant 0 : i32
    %c0_i32_0 = arith.constant 0 : i32
    %c0_i32_1 = arith.constant 0 : i32
    return %c0_i32, %c0_i32_0 : i32, i32
  }
  func.func @transform_6(%arg0: i32) -> (i32, i32) {
    %c0_i32 = arith.constant 0 : i32
    %c0_i32_0 = arith.constant 0 : i32
    %c0_i32_1 = arith.constant 0 : i32
    return %c0_i32, %c0_i32_0 : i32, i32
  }
}

module attributes {stable_mosaic.version = 14 : i64} {
  func.func @_moe_body(%arg0: i32, %arg1: i32, %arg2: memref<16x8xi32, #tpu.memory_space<smem>>, %arg3: memref<16x8xi32, #tpu.memory_space<smem>>, %arg4: memref<8xi32, #tpu.memory_space<smem>>, %arg5: memref<128x1024xf32, #tpu.memory_space<vmem>>, %arg6: memref<1x1024x1024xf32, #tpu.memory_space<vmem>>, %arg7: memref<1x1024x1024xf32, #tpu.memory_space<vmem>>, %arg8: memref<1x1024x1024xf32, #tpu.memory_space<vmem>>, %arg9: memref<128x1024xf32, #tpu.memory_space<vmem>>) attributes {dimension_semantics = [#tpu.dimension_semantics<arbitrary>, #tpu.dimension_semantics<arbitrary>], iteration_bounds = array<i64: 16, 8>, scalar_prefetch = 3 : i64, scratch_operands = 0 : i64, tpu.core_type = #tpu.core_type<tc>, window_params = [{transform_indices = @transform_0, window_bounds = array<i64: 128, 1024>}, {transform_indices = @transform_1, window_bounds = array<i64: 1, 1024, 1024>}, {transform_indices = @transform_2, window_bounds = array<i64: 1, 1024, 1024>}, {transform_indices = @transform_3, window_bounds = array<i64: 1, 1024, 1024>}, {transform_indices = @transform_4, window_bounds = array<i64: 128, 1024>}]} {
    %eq3A = arith.constant 0 : i32
    %eq3A_0 = arith.cmpi eq, %arg1, %eq3A : i32
    %convert_element_type3A = arith.extui %eq3A_0 : i1 to i32
    %cond3A = arith.constant 0 : i32
    %cond3A_1 = arith.cmpi ne, %convert_element_type3A, %cond3A : i32
    scf.if %cond3A_1 {
      %broadcast_in_dim3A = arith.constant 0.000000e+00 : f32
      %broadcast_in_dim3A_9 = vector.broadcast %broadcast_in_dim3A : f32 to vector<128x1024xf32>
      %swap3A = arith.constant 0 : index
      %swap3A_10 = arith.constant 0 : index
      %swap3A_11 = vector.load %arg9[%swap3A, %swap3A_10] : memref<128x1024xf32, #tpu.memory_space<vmem>>, vector<128x1024xf32>
      tpu.vector_store %arg9[%swap3A, %swap3A_10], %broadcast_in_dim3A_9 {strides = array<i32>} : memref<128x1024xf32, #tpu.memory_space<vmem>>, vector<128x1024xf32>,
    } else {
    }
    %get3A = arith.index_cast %arg0 : i32 to index
    %get3A_2 = arith.index_cast %arg1 : i32 to index
    %get3A_3 = memref.load %arg3[%get3A, %get3A_2] : memref<16x8xi32, #tpu.memory_space<smem>>
    %eq3A_4 = arith.constant 1 : i32
    %eq3A_5 = arith.cmpi eq, %get3A_3, %eq3A_4 : i32
    %convert_element_type3A_6 = arith.extui %eq3A_5 : i1 to i32
    %cond3A_7 = arith.constant 0 : i32
    %cond3A_8 = arith.cmpi ne, %convert_element_type3A_6, %cond3A_7 : i32
    scf.if %cond3A_8 {
      %get3A_9 = arith.index_cast %arg0 : i32 to index
      %get3A_10 = arith.index_cast %arg1 : i32 to index
      %get3A_11 = memref.load %arg2[%get3A_9, %get3A_10] : memref<16x8xi32, #tpu.memory_space<smem>>
      %iota3A = tpu.iota {dimensions = array<i32: 0>} : vector<128x1xi32>
      %mul3A = arith.constant 128 : i32
      %mul3A_12 = arith.muli %arg0, %mul3A : i32
      %add3A = vector.broadcast %mul3A_12 : i32 to vector<128x1xi32>
      %add3A_13 = arith.addi %iota3A, %add3A : vector<128x1xi32>
      %broadcast_in_dim3A = arith.constant 0 : i32
      %broadcast_in_dim3A_14 = vector.broadcast %broadcast_in_dim3A : i32 to vector<128x1xi32>
      %get3A_15 = arith.constant 0 : index
      %get3A_16 = memref.load %arg4[%get3A_15] : memref<8xi32, #tpu.memory_space<smem>>
      %ge3A = vector.broadcast %get3A_16 : i32 to vector<128x1xi32>
      %ge3A_17 = arith.cmpi sge, %add3A_13, %ge3A : vector<128x1xi32>
      %convert_element_type3A_18 = arith.extui %ge3A_17 : vector<128x1xi1> to vector<128x1xi32>
      %add3A_19 = arith.addi %broadcast_in_dim3A_14, %convert_element_type3A_18 : vector<128x1xi32>
      %get3A_20 = arith.constant 1 : index
      %get3A_21 = memref.load %arg4[%get3A_20] : memref<8xi32, #tpu.memory_space<smem>>
      %ge3A_22 = vector.broadcast %get3A_21 : i32 to vector<128x1xi32>
      %ge3A_23 = arith.cmpi sge, %add3A_13, %ge3A_22 : vector<128x1xi32>
      %convert_element_type3A_24 = arith.extui %ge3A_23 : vector<128x1xi1> to vector<128x1xi32>
      %add3A_25 = arith.addi %add3A_19, %convert_element_type3A_24 : vector<128x1xi32>
      %get3A_26 = arith.constant 2 : index
      %get3A_27 = memref.load %arg4[%get3A_26] : memref<8xi32, #tpu.memory_space<smem>>
      %ge3A_28 = vector.broadcast %get3A_27 : i32 to vector<128x1xi32>
      %ge3A_29 = arith.cmpi sge, %add3A_13, %ge3A_28 : vector<128x1xi32>
      %convert_element_type3A_30 = arith.extui %ge3A_29 : vector<128x1xi1> to vector<128x1xi32>
      %add3A_31 = arith.addi %add3A_25, %convert_element_type3A_30 : vector<128x1xi32>
      %get3A_32 = arith.constant 3 : index
      %get3A_33 = memref.load %arg4[%get3A_32] : memref<8xi32, #tpu.memory_space<smem>>
      %ge3A_34 = vector.broadcast %get3A_33 : i32 to vector<128x1xi32>
      %ge3A_35 = arith.cmpi sge, %add3A_13, %ge3A_34 : vector<128x1xi32>
      %convert_element_type3A_36 = arith.extui %ge3A_35 : vector<128x1xi1> to vector<128x1xi32>
      %add3A_37 = arith.addi %add3A_31, %convert_element_type3A_36 : vector<128x1xi32>
      %get3A_38 = arith.constant 4 : index
      %get3A_39 = memref.load %arg4[%get3A_38] : memref<8xi32, #tpu.memory_space<smem>>
      %ge3A_40 = vector.broadcast %get3A_39 : i32 to vector<128x1xi32>
      %ge3A_41 = arith.cmpi sge, %add3A_13, %ge3A_40 : vector<128x1xi32>
      %convert_element_type3A_42 = arith.extui %ge3A_41 : vector<128x1xi1> to vector<128x1xi32>
      %add3A_43 = arith.addi %add3A_37, %convert_element_type3A_42 : vector<128x1xi32>
      %get3A_44 = arith.constant 5 : index
      %get3A_45 = memref.load %arg4[%get3A_44] : memref<8xi32, #tpu.memory_space<smem>>
      %ge3A_46 = vector.broadcast %get3A_45 : i32 to vector<128x1xi32>
      %ge3A_47 = arith.cmpi sge, %add3A_13, %ge3A_46 : vector<128x1xi32>
      %convert_element_type3A_48 = arith.extui %ge3A_47 : vector<128x1xi1> to vector<128x1xi32>
      %add3A_49 = arith.addi %add3A_43, %convert_element_type3A_48 : vector<128x1xi32>
      %get3A_50 = arith.constant 6 : index
      %get3A_51 = memref.load %arg4[%get3A_50] : memref<8xi32, #tpu.memory_space<smem>>
      %ge3A_52 = vector.broadcast %get3A_51 : i32 to vector<128x1xi32>
      %ge3A_53 = arith.cmpi sge, %add3A_13, %ge3A_52 : vector<128x1xi32>
      %convert_element_type3A_54 = arith.extui %ge3A_53 : vector<128x1xi1> to vector<128x1xi32>
      %add3A_55 = arith.addi %add3A_49, %convert_element_type3A_54 : vector<128x1xi32>
      %get3A_56 = arith.constant 7 : index
      %get3A_57 = memref.load %arg4[%get3A_56] : memref<8xi32, #tpu.memory_space<smem>>
      %ge3A_58 = vector.broadcast %get3A_57 : i32 to vector<128x1xi32>
      %ge3A_59 = arith.cmpi sge, %add3A_13, %ge3A_58 : vector<128x1xi32>
      %convert_element_type3A_60 = arith.extui %ge3A_59 : vector<128x1xi1> to vector<128x1xi32>
      %add3A_61 = arith.addi %add3A_55, %convert_element_type3A_60 : vector<128x1xi32>
      %eq3A_62 = vector.broadcast %get3A_11 : i32 to vector<128x1xi32>
      %eq3A_63 = arith.cmpi eq, %add3A_61, %eq3A_62 : vector<128x1xi32>
      %get3A_64 = arith.constant 0 : index
      %get3A_65 = arith.constant 0 : index
      %get3A_66 = vector.load %arg5[%get3A_64, %get3A_65] : memref<128x1024xf32, #tpu.memory_space<vmem>>, vector<128x1024xf32>
      %jit3A = arith.constant 0.000000e+00 : f32
      %broadcast_in_dim3A_67 = vector.shape_cast %eq3A_63 : vector<128x1xi1> to vector<128x1xi1>
      %broadcast_in_dim3A_68 = vector.broadcast %broadcast_in_dim3A_67 : vector<128x1xi1> to vector<128x1024xi1>
      %broadcast_in_dim3A_69 = vector.broadcast %jit3A : f32 to vector<128x1024xf32>
      %select_n3A = arith.select %broadcast_in_dim3A_68, %get3A_66, %broadcast_in_dim3A_69 : vector<128x1024xi1>, vector<128x1024xf32>
      %get3A_70 = arith.constant 0 : index
      %get3A_71 = arith.constant 0 : index
      %get3A_72 = arith.constant 0 : index
      %get3A_73 = vector.load %arg6[%get3A_70, %get3A_71, %get3A_72] : memref<1x1024x1024xf32, #tpu.memory_space<vmem>>, vector<1x1024x1024xf32>
      %get3A_74 = vector.shape_cast %get3A_73 : vector<1x1024x1024xf32> to vector<1024x1024xf32>
      %dot_general3A = arith.constant dense<0.000000e+00> : vector<128x1024xf32>
      %dot_general3A_75 = tpu.matmul %select_n3A, %get3A_74, %dot_general3A {dimension_numbers = #tpu.dot_dimension_numbers<[1], [0], [0], [1], [0, 0, 1, 1], [], []>, transpose_lhs_hint = false} : vector<128x1024xf32>, vector<1024x1024xf32>, vector<128x1024xf32> -> vector<128x1024xf32>
      %get3A_76 = arith.constant 0 : index
      %get3A_77 = arith.constant 0 : index
      %get3A_78 = arith.constant 0 : index
      %get3A_79 = vector.load %arg7[%get3A_76, %get3A_77, %get3A_78] : memref<1x1024x1024xf32, #tpu.memory_space<vmem>>, vector<1x1024x1024xf32>
      %get3A_80 = vector.shape_cast %get3A_79 : vector<1x1024x1024xf32> to vector<1024x1024xf32>
      %dot_general3A_81 = arith.constant dense<0.000000e+00> : vector<128x1024xf32>
      %dot_general3A_82 = tpu.matmul %select_n3A, %get3A_80, %dot_general3A_81 {dimension_numbers = #tpu.dot_dimension_numbers<[1], [0], [0], [1], [0, 0, 1, 1], [], []>, transpose_lhs_hint = false} : vector<128x1024xf32>, vector<1024x1024xf32>, vector<128x1024xf32> -> vector<128x1024xf32>
      %neg3A = arith.constant 0.000000e+00 : f32
      %neg3A_83 = vector.broadcast %neg3A : f32 to vector<128x1024xf32>
      %neg3A_84 = arith.subf %neg3A_83, %dot_general3A_75 : vector<128x1024xf32>
      %exp3A = math.exp %neg3A_84 : vector<128x1024xf32>
      %add3A_85 = arith.constant 1.000000e+00 : f32
      %add3A_86 = vector.broadcast %add3A_85 : f32 to vector<128x1024xf32>
      %add3A_87 = arith.addf %add3A_86, %exp3A : vector<128x1024xf32>
      %div3A = arith.constant 1.000000e+00 : f32
      %div3A_88 = vector.broadcast %div3A : f32 to vector<128x1024xf32>
      %div3A_89 = arith.divf %div3A_88, %add3A_87 : vector<128x1024xf32>
      %mul3A_90 = arith.mulf %dot_general3A_75, %div3A_89 : vector<128x1024xf32>
      %mul3A_91 = arith.mulf %mul3A_90, %dot_general3A_82 : vector<128x1024xf32>
      %get3A_92 = arith.constant 0 : index
      %get3A_93 = arith.constant 0 : index
      %get3A_94 = vector.load %arg9[%get3A_92, %get3A_93] : memref<128x1024xf32, #tpu.memory_space<vmem>>, vector<128x1024xf32>
      %get3A_95 = arith.constant 0 : index
      %get3A_96 = arith.constant 0 : index
      %get3A_97 = arith.constant 0 : index
      %get3A_98 = vector.load %arg8[%get3A_95, %get3A_96, %get3A_97] : memref<1x1024x1024xf32, #tpu.memory_space<vmem>>, vector<1x1024x1024xf32>
      %get3A_99 = vector.shape_cast %get3A_98 : vector<1x1024x1024xf32> to vector<1024x1024xf32>
      %dot_general3A_100 = arith.constant dense<0.000000e+00> : vector<128x1024xf32>
      %dot_general3A_101 = tpu.matmul %mul3A_91, %get3A_99, %dot_general3A_100 {dimension_numbers = #tpu.dot_dimension_numbers<[1], [0], [0], [1], [0, 0, 1, 1], [], []>, transpose_lhs_hint = false} : vector<128x1024xf32>, vector<1024x1024xf32>, vector<128x1024xf32> -> vector<128x1024xf32>
      %add3A_102 = arith.addf %get3A_94, %dot_general3A_101 : vector<128x1024xf32>
      %swap3A = arith.constant 0 : index
      %swap3A_103 = arith.constant 0 : index
      %swap3A_104 = vector.load %arg9[%swap3A, %swap3A_103] : memref<128x1024xf32, #tpu.memory_space<vmem>>, vector<128x1024xf32>
      tpu.vector_store %arg9[%swap3A, %swap3A_103], %add3A_102 {strides = array<i32>} : memref<128x1024xf32, #tpu.memory_space<vmem>>, vector<128x1024xf32>,
    } else {
    }
    return
  }
  func.func @transform_0(%arg0: i32, %arg1: i32, %arg2: memref<16x8xi32, #tpu.memory_space<smem>>, %arg3: memref<16x8xi32, #tpu.memory_space<smem>>, %arg4: memref<8xi32, #tpu.memory_space<smem>>) -> (i32, i32) {
    %c0_i32 = arith.constant 0 : i32
    %c0_i32_0 = arith.constant 0 : i32
    return %arg0, %c0_i32 : i32, i32
  }
  func.func @transform_1(%arg0: i32, %arg1: i32, %arg2: memref<16x8xi32, #tpu.memory_space<smem>>, %arg3: memref<16x8xi32, #tpu.memory_space<smem>>, %arg4: memref<8xi32, #tpu.memory_space<smem>>) -> (i32, i32, i32) {
    %get3A = arith.index_cast %arg0 : i32 to index
    %get3A_0 = arith.index_cast %arg1 : i32 to index
    %get3A_1 = memref.load %arg2[%get3A, %get3A_0] : memref<16x8xi32, #tpu.memory_space<smem>>
    %c0_i32 = arith.constant 0 : i32
    %c0_i32_2 = arith.constant 0 : i32
    %c0_i32_3 = arith.constant 0 : i32
    return %get3A_1, %c0_i32, %c0_i32_2 : i32, i32, i32
  }
  func.func @transform_2(%arg0: i32, %arg1: i32, %arg2: memref<16x8xi32, #tpu.memory_space<smem>>, %arg3: memref<16x8xi32, #tpu.memory_space<smem>>, %arg4: memref<8xi32, #tpu.memory_space<smem>>) -> (i32, i32, i32) {
    %get3A = arith.index_cast %arg0 : i32 to index
    %get3A_0 = arith.index_cast %arg1 : i32 to index
    %get3A_1 = memref.load %arg2[%get3A, %get3A_0] : memref<16x8xi32, #tpu.memory_space<smem>>
    %c0_i32 = arith.constant 0 : i32
    %c0_i32_2 = arith.constant 0 : i32
    %c0_i32_3 = arith.constant 0 : i32
    return %get3A_1, %c0_i32, %c0_i32_2 : i32, i32, i32
  }
  func.func @transform_3(%arg0: i32, %arg1: i32, %arg2: memref<16x8xi32, #tpu.memory_space<smem>>, %arg3: memref<16x8xi32, #tpu.memory_space<smem>>, %arg4: memref<8xi32, #tpu.memory_space<smem>>) -> (i32, i32, i32) {
    %get3A = arith.index_cast %arg0 : i32 to index
    %get3A_0 = arith.index_cast %arg1 : i32 to index
    %get3A_1 = memref.load %arg2[%get3A, %get3A_0] : memref<16x8xi32, #tpu.memory_space<smem>>
    %c0_i32 = arith.constant 0 : i32
    %c0_i32_2 = arith.constant 0 : i32
    %c0_i32_3 = arith.constant 0 : i32
    return %get3A_1, %c0_i32, %c0_i32_2 : i32, i32, i32
  }
  func.func @transform_4(%arg0: i32, %arg1: i32, %arg2: memref<16x8xi32, #tpu.memory_space<smem>>, %arg3: memref<16x8xi32, #tpu.memory_space<smem>>, %arg4: memref<8xi32, #tpu.memory_space<smem>>) -> (i32, i32) {
    %c0_i32 = arith.constant 0 : i32
    %c0_i32_0 = arith.constant 0 : i32
    return %arg0, %c0_i32 : i32, i32
  }
}

module attributes {stable_mosaic.version = 14 : i64} {
  func.func @_shared_body(%arg0: i32, %arg1: memref<256x1024xf32, #tpu.memory_space<vmem>>, %arg2: memref<256x1024xf32, #tpu.memory_space<vmem>>, %arg3: memref<256x1xf32, #tpu.memory_space<vmem>>, %arg4: memref<1024x1024xf32, #tpu.memory_space<vmem>>, %arg5: memref<1024x1024xf32, #tpu.memory_space<vmem>>, %arg6: memref<1024x1024xf32, #tpu.memory_space<vmem>>, %arg7: memref<256x1024xf32, #tpu.memory_space<vmem>>) attributes {dimension_semantics = [#tpu.dimension_semantics<arbitrary>], iteration_bounds = array<i64: 8>, scalar_prefetch = 0 : i64, scratch_operands = 0 : i64, tpu.core_type = #tpu.core_type<tc>, window_params = [{transform_indices = @transform_0, window_bounds = array<i64: 256, 1024>}, {transform_indices = @transform_1, window_bounds = array<i64: 256, 1024>}, {transform_indices = @transform_2, window_bounds = array<i64: 256, 1>}, {pipeline_mode = #tpu.pipeline_mode<synchronous>, transform_indices = @transform_3, window_bounds = array<i64: 1024, 1024>}, {pipeline_mode = #tpu.pipeline_mode<synchronous>, transform_indices = @transform_4, window_bounds = array<i64: 1024, 1024>}, {pipeline_mode = #tpu.pipeline_mode<synchronous>, transform_indices = @transform_5, window_bounds = array<i64: 1024, 1024>}, {transform_indices = @transform_6, window_bounds = array<i64: 256, 1024>}]} {
    %get3A = arith.constant 0 : index
    %get3A_0 = arith.constant 0 : index
    %get3A_1 = vector.load %arg1[%get3A, %get3A_0] : memref<256x1024xf32, #tpu.memory_space<vmem>>, vector<256x1024xf32>
    %get3A_2 = arith.constant 0 : index
    %get3A_3 = arith.constant 0 : index
    %get3A_4 = vector.load %arg4[%get3A_2, %get3A_3] : memref<1024x1024xf32, #tpu.memory_space<vmem>>, vector<1024x1024xf32>
    %dot_general3A = arith.constant dense<0.000000e+00> : vector<256x1024xf32>
    %dot_general3A_5 = tpu.matmul %get3A_1, %get3A_4, %dot_general3A {dimension_numbers = #tpu.dot_dimension_numbers<[1], [0], [0], [1], [0, 0, 1, 1], [], []>, transpose_lhs_hint = false} : vector<256x1024xf32>, vector<1024x1024xf32>, vector<256x1024xf32> -> vector<256x1024xf32>
    %get3A_6 = arith.constant 0 : index
    %get3A_7 = arith.constant 0 : index
    %get3A_8 = vector.load %arg5[%get3A_6, %get3A_7] : memref<1024x1024xf32, #tpu.memory_space<vmem>>, vector<1024x1024xf32>
    %dot_general3A_9 = arith.constant dense<0.000000e+00> : vector<256x1024xf32>
    %dot_general3A_10 = tpu.matmul %get3A_1, %get3A_8, %dot_general3A_9 {dimension_numbers = #tpu.dot_dimension_numbers<[1], [0], [0], [1], [0, 0, 1, 1], [], []>, transpose_lhs_hint = false} : vector<256x1024xf32>, vector<1024x1024xf32>, vector<256x1024xf32> -> vector<256x1024xf32>
    %neg3A = arith.constant 0.000000e+00 : f32
    %neg3A_11 = vector.broadcast %neg3A : f32 to vector<256x1024xf32>
    %neg3A_12 = arith.subf %neg3A_11, %dot_general3A_5 : vector<256x1024xf32>
    %exp3A = math.exp %neg3A_12 : vector<256x1024xf32>
    %add3A = arith.constant 1.000000e+00 : f32
    %add3A_13 = vector.broadcast %add3A : f32 to vector<256x1024xf32>
    %add3A_14 = arith.addf %add3A_13, %exp3A : vector<256x1024xf32>
    %div3A = arith.constant 1.000000e+00 : f32
    %div3A_15 = vector.broadcast %div3A : f32 to vector<256x1024xf32>
    %div3A_16 = arith.divf %div3A_15, %add3A_14 : vector<256x1024xf32>
    %mul3A = arith.mulf %dot_general3A_5, %div3A_16 : vector<256x1024xf32>
    %mul3A_17 = arith.mulf %mul3A, %dot_general3A_10 : vector<256x1024xf32>
    %get3A_18 = arith.constant 0 : index
    %get3A_19 = arith.constant 0 : index
    %get3A_20 = vector.load %arg6[%get3A_18, %get3A_19] : memref<1024x1024xf32, #tpu.memory_space<vmem>>, vector<1024x1024xf32>
    %dot_general3A_21 = arith.constant dense<0.000000e+00> : vector<256x1024xf32>
    %dot_general3A_22 = tpu.matmul %mul3A_17, %get3A_20, %dot_general3A_21 {dimension_numbers = #tpu.dot_dimension_numbers<[1], [0], [0], [1], [0, 0, 1, 1], [], []>, transpose_lhs_hint = false} : vector<256x1024xf32>, vector<1024x1024xf32>, vector<256x1024xf32> -> vector<256x1024xf32>
    %get3A_23 = arith.constant 0 : index
    %get3A_24 = arith.constant 0 : index
    %get3A_25 = vector.load %arg2[%get3A_23, %get3A_24] : memref<256x1024xf32, #tpu.memory_space<vmem>>, vector<256x1024xf32>
    %get3A_26 = arith.constant 0 : index
    %get3A_27 = arith.constant 0 : index
    %get3A_28 = vector.load %arg3[%get3A_26, %get3A_27] : memref<256x1xf32, #tpu.memory_space<vmem>>, vector<256x1xf32>
    %mul3A_29 = vector.broadcast %get3A_28 : vector<256x1xf32> to vector<256x1024xf32>
    %mul3A_30 = arith.mulf %get3A_25, %mul3A_29 : vector<256x1024xf32>
    %add3A_31 = arith.addf %dot_general3A_22, %mul3A_30 : vector<256x1024xf32>
    %swap3A = arith.constant 0 : index
    %swap3A_32 = arith.constant 0 : index
    %swap3A_33 = vector.load %arg7[%swap3A, %swap3A_32] : memref<256x1024xf32, #tpu.memory_space<vmem>>, vector<256x1024xf32>
    tpu.vector_store %arg7[%swap3A, %swap3A_32], %add3A_31 {strides = array<i32>} : memref<256x1024xf32, #tpu.memory_space<vmem>>, vector<256x1024xf32>,
    return
  }
  func.func @transform_0(%arg0: i32) -> (i32, i32) {
    %c0_i32 = arith.constant 0 : i32
    %c0_i32_0 = arith.constant 0 : i32
    return %arg0, %c0_i32 : i32, i32
  }
  func.func @transform_1(%arg0: i32) -> (i32, i32) {
    %c0_i32 = arith.constant 0 : i32
    %c0_i32_0 = arith.constant 0 : i32
    return %arg0, %c0_i32 : i32, i32
  }
  func.func @transform_2(%arg0: i32) -> (i32, i32) {
    %c0_i32 = arith.constant 0 : i32
    %c0_i32_0 = arith.constant 0 : i32
    return %arg0, %c0_i32 : i32, i32
  }
  func.func @transform_3(%arg0: i32) -> (i32, i32) {
    %c0_i32 = arith.constant 0 : i32
    %c0_i32_0 = arith.constant 0 : i32
    %c0_i32_1 = arith.constant 0 : i32
    return %c0_i32, %c0_i32_0 : i32, i32
  }
  func.func @transform_4(%arg0: i32) -> (i32, i32) {
    %c0_i32 = arith.constant 0 : i32
    %c0_i32_0 = arith.constant 0 : i32
    %c0_i32_1 = arith.constant 0 : i32
    return %c0_i32, %c0_i32_0 : i32, i32
  }
  func.func @transform_5(%arg0: i32) -> (i32, i32) {
    %c0_i32 = arith.constant 0 : i32
    %c0_i32_0 = arith.constant 0 : i32
    %c0_i32_1 = arith.constant 0 : i32
    return %c0_i32, %c0_i32_0 : i32, i32
  }
  func.func @transform_6(%arg0: i32) -> (i32, i32) {
    %c0_i32 = arith.constant 0 : i32
    %c0_i32_0 = arith.constant 0 : i32
    return %arg0, %c0_i32 : i32, i32
  }
}

</mosaic_0001>

<sc_bundles>
// kernel: kernel.13.cloned.1.call-start
scs
__scs_entry_jumppad:
0x0: {  	(pc) =	sbr.rel $0x88, $3  }
0x1: {  	(tag) =	ssettag $0x0;
	lr =	simm.s32 $0x1  }
0x2: {  	[smem:$0x3F92] =	sst lr;
	_ =	strace $0xD0000000  }
0x3: {  	_ = 	snop  }
0x4: {  	_ = 	snop  }
0x5: {  	_ = 	snop  }
0x6: {  	_ = 	snop  }
0x7: {  	_ = 	snop  }
__scs_overlays_trampoline_lowered:
0x8: {  	[smem:$0x3FA1] =	sst s0  }
0x9: {  	[smem:$0x3FA2] =	sst s1  }
0xa: {  	[smem:$0x3FA3] =	sst s2  }
0xb: {  	[smem:$0x3FA4] =	sst s3  }
0xc: {  	[smem:$0x3FA5] =	sst s4  }
0xd: {  	[smem:$0x3FA6] =	sst s5  }
0xe: {  	[smem:$0x3FA7] =	sst s6  }
0xf: {  	[smem:$0x3FA8] =	sst s7  }
0x10: {  	[smem:$0x3FA9] =	sst s8  }
0x11: {  	[smem:$0x3FAA] =	sst s9;
	s0 =	simm.s32 @!p0 $0x0  }
0x12: {  	s1 =	sld [smem:$0x3F90];
	s0 =	simm.s32 @p0 $0x1  }
0x13: {  	[smem:$0x3FAB] =	sst s0;
	s0 =	simm.s32 @!p1 $0x0  }
0x14: {  	s2 =	sld [smem:$0x3F8F];
	s0 =	simm.s32 @p1 $0x1  }
0x15: {  	[smem:$0x3FAC] =	sst s0;
	s0 =	simm.s32 @!p2 $0x0  }
0x16: {  	s3 =	sld [smem:$0x3FDB];
	s0 =	simm.s32 @p2 $0x1  }
0x17: {  	s4 =	simm.s32 $0x1BF5;
	[smem:$0x3FAE] =	sst s0  }
0x18: {  	s0 =	sld [smem:$0x3F91];
	_ =	swait.ge [sflag:s4], $0x0  }
0x19: {  	s7 =	sld [smem:$0x3F92]  }
0x1a: {  	s8 =	sadd.s32 $0xFFFFE003, lr  }
0x1b: {  	s9 =	sadd.s32 $0xFFFFFEF7, lr;
	s5 =	simm.s32 $0xFFFFFFFF;
	p2 =	slt.u32 s8, $0xFFFFF086  }
0x1c: {  	p1 =	slt.u32 s9, $0xF7A;
	s5 =	simm.s32 @!p2 $0x0  }
0x1d: {  	s5 =	simm.s32 @p1 $0x1;
	p0 =	seq.s32 s7, s2  }
0x1e: {  	s7 =	smul.u32 @!p0 $0xF7A, s2;
	p2 =	seq.s32 @!p0 s5, $0x0  }
0x1f: {  	s9 =	smul.u32 $0xF7A, s1;
	s8 =	simm.s32 @!p0 $0x1BF5;
	p2 =	por !p2, p0  }
0x20: {  	[sflag:s8] =	ssyncset.s32 @!p0 $0xFFFFF086;
	s6 =	sadd.s32 @!p0 s3, s7;
	s7 =	simm.s32 @!p0 $0x108  }
0x21: {  	s3 =	sadd.s32 s3, s9;
	s6 =	sadd.s32 @!p0 $0x88, s6;
	s7 =	simm.s32 @p2 $0x1082  }
0x22: {  	[simem:s7], [sflag:s8] =	dma.local @!p0 [hbm:s6], $0xF7A  }
0x23: {  	s9 =	sor.u32 $0xD0000000, s2;
	s6 =	simm.s32 $0x108;
	_ =	swait.ge @!p0 [sflag:s8], $0x0  }
0x24: {  	s3 =	sadd.s32 $0x88, s3;
	s6 =	simm.s32 @!p1 $0x1082;
	[sflag:s4] =	ssyncset.s32 $0xFFFFF086  }
0x25: {  	[simem:s6], [sflag:s4] =	dma.local [hbm:s3], $0xF7A  }
0x26: {  	[smem:$0x3F92] =	sst s1;
	(tag) =	ssettag s2;
	_ =	strace s9  }
0x27: {  	s1 =	sld [smem:$0x3FA2]  }
0x28: {  	s2 =	sld [smem:$0x3FA3]  }
0x29: {  	s4 =	sld [smem:$0x3FA5]  }
0x2a: {  	p0 =	seq.s32 s5, $0x0;
	s5 =	sld [smem:$0x3FA6]  }
0x2b: {  	s6 =	sld [smem:$0x3FA7]  }
0x2c: {  	s7 =	sld [smem:$0x3FA8]  }
0x2d: {  	s3 =	simm.s32 $0x108;
	s8 =	sld [smem:$0x3FA9]  }
0x2e: {  	s3 =	simm.s32 @!p0 $0x1082;
	s9 =	sld [smem:$0x3FAA]  }
0x2f: {  	lr =	sadd.s32 s0, s3;
	s0 =	sld [smem:$0x3FA1]  }
0x30: {  	s3 =	sld [smem:$0x3FA4]  }
0x31: {  	[smem:$0x3FAD] =	sst s10  }
0x32: {  	s10 =	sld [smem:$0x3FAB];
	_ =	sdelay $0x3  }
0x33: {  	p0 =	seq.s32 s10, $0x1;
	s10 =	sld [smem:$0x3FAD];
	_ =	sdelay $0x3  }
0x34: {  	[smem:$0x3FAD] =	sst s10  }
0x35: {  	s10 =	sld [smem:$0x3FAC];
	_ =	sdelay $0x3  }
0x36: {  	p1 =	seq.s32 s10, $0x1;
	s10 =	sld [smem:$0x3FAD];
	_ =	sdelay $0x3  }
0x37: {  	[smem:$0x3FAD] =	sst s10  }
0x38: {  	s10 =	sld [smem:$0x3FAE]  }
0x39: {  	_ = 	snop;
	(pc) =	sbr.ind lr, $3  }
0x3a: {  	_ = 	snop  }
0x3b: {  	_ = 	snop  }
0x3c: {  	p2 =	seq.s32 s10, $0x1;
	s10 =	sld [smem:$0x3FAD]  }
0x3d: {  	_ =	shalt  }
0x3e: {  	_ =	shalt  }
0x3f: {  	_ =	shalt  }
0x40: {  	_ =	shalt  }
0x41: {  	_ =	shalt  }
0x42: {  	_ =	shalt  }
0x43: {  	_ =	shalt  }
0x44: {  	_ =	shalt  }
0x45: {  	_ =	shalt  }
0x46: {  	_ =	shalt  }
0x47: {  	_ =	shalt  }
0x48: {  	_ =	shalt  }
0x49: {  	_ =	shalt  }
0x4a: {  	_ =	shalt  }
0x4b: {  	_ =	shalt  }
0x4c: {  	_ =	shalt  }
0x4d: {  	_ =	shalt  }
0x4e: {  	_ =	shalt  }
0x4f: {  	_ =	shalt  }
0x50: {  	_ =	shalt  }
0x51: {  	_ =	shalt  }
0x52: {  	_ =	shalt  }
0x53: {  	_ =	shalt  }
0x54: {  	_ =	shalt  }
0x55: {  	_ =	shalt  }
0x56: {  	_ =	shalt  }
0x57: {  	_ =	shalt  }
0x58: {  	_ =	shalt  }
0x59: {  	_ =	shalt  }
0x5a: {  	_ =	shalt  }
0x5b: {  	_ =	shalt  }
0x5c: {  	_ =	shalt  }
0x5d: {  	_ =	shalt  }
0x5e: {  	_ =	shalt  }
0x5f: {  	_ =	shalt  }
0x60: {  	_ =	shalt  }
0x61: {  	_ =	shalt  }
0x62: {  	_ =	shalt  }
0x63: {  	_ =	shalt  }
0x64: {  	_ =	shalt  }
0x65: {  	_ =	shalt  }
0x66: {  	_ =	shalt  }
0x67: {  	_ =	shalt  }
0x68: {  	_ =	shalt  }
0x69: {  	_ =	shalt  }
0x6a: {  	_ =	shalt  }
0x6b: {  	_ =	shalt  }
0x6c: {  	_ =	shalt  }
0x6d: {  	_ =	shalt  }
0x6e: {  	_ =	shalt  }
0x6f: {  	_ =	shalt  }
0x70: {  	_ =	shalt  }
0x71: {  	_ =	shalt  }
0x72: {  	_ =	shalt  }
0x73: {  	_ =	shalt  }
0x74: {  	_ =	shalt  }
0x75: {  	_ =	shalt  }
0x76: {  	_ =	shalt  }
0x77: {  	_ =	shalt  }
0x78: {  	_ =	shalt  }
0x79: {  	_ =	shalt  }
0x7a: {  	_ =	shalt  }
0x7b: {  	_ =	shalt  }
0x7c: {  	_ =	shalt  }
0x7d: {  	_ =	shalt  }
0x7e: {  	_ =	shalt  }
0x7f: {  	_ =	shalt  }
0x80: {  	_ =	shalt  }
0x81: {  	_ =	shalt  }
0x82: {  	_ =	shalt  }
0x83: {  	_ =	shalt  }
0x84: {  	_ =	shalt  }
0x85: {  	_ =	shalt  }
0x86: {  	_ =	shalt  }
0x87: {  	_ =	shalt  }
.Lfunc_end0:
.L_simem_size_0:
called_computation_lowered:
.L_overlay_start_0:
0x88: {  	s2 =	sld [smem:$0x3FD9]  }
0x89: {  	s3 =	sld [smem:$0x3FFE];
	_ =	sdelay $0x1  }
0x8a: {  	s1 =	srdreg.scid  }
0x8b: {  	s0 =	sand.u32 $0x1, s1  }
0x8c: {  	s14 =	sshll.u32 s0, $0xA;
	s2 =	sadd.s32 s3, s2  }
0x8d: {  	s2 =	sadd.s32 s2, s14  }
0x8e: {  	[smem:$0x3FB9] =	sst s2  }
0x8f: {  	_ = 	snop  }
0x90: {  	s2 =	sld [smem:$0x3FD0];
	_ =	sdelay $0x2  }
0x91: {  	s15 =	simm.s32 $0xA;
	s4 =	simm.s32 $0x10  }
0x92: {  	[smem:s4], [sflag:s15] =	dma.local [hbm:s2], $0x1  }
0x93: {  	_ =	swait.eq [sflag:s15], $0x1  }
0x94: {  	[sflag:s15] =	ssyncset.done $0x0  }
0x95: {  	[sflag:s15] =	ssyncadd.s32 $0xFFFFFFFF  }
0x96: {  	s16 =	sld [smem:$0x10];
	(tm) =	ssettm $0x1  }
0x97: {  	s17 =	sld [smem:$0x3FFB];
	_ =	sdelay $0x3  }
0x98: {  	_ =	strace s17  }
0x99: {  	s3 =	sld [smem:$0x3FFC];
	_ =	sdelay $0x3  }
0x9a: {  	_ =	strace s3  }
0x9b: {  	s3 =	sld [smem:$0x3FFD];
	_ =	sdelay $0x3  }
0x9c: {  	_ =	strace s3  }
0x9d: {  	_ =	strace $0x8FFFFFFF  }
0x9e: {  	s18 =	sld [smem:$0x3FDB];
	_ =	sdelay $0x1  }
0x9f: {  	s19 =	simm.s32 $_scs_section_size  }
0xa0: {  	s5 =	simm.s32 $_size__tile_overlayer_lowered;
	s6 =	simm.s32 $_tile_overlayer_lowered  }
0xa1: {  	s22 =	simm.s32 $0x1BFF;
	s21 =	sshll.u32 s6, $0x1;
	s3 =	sadd.s32 s19, s18  }
0xa2: {  	s7 =	simm.s32 $0x0;
	s20 =	sshll.u32 s5, $0x1;
	s5 =	sadd.s32 s21, s3  }
0xa3: {  	[timem:s7], [sflag:s22] =	dma.local [hbm:s5], s20  }
0xa4: {  	_ =	swait.ge [sflag:s22], s20  }
0xa5: {  	s4 =	ssub.s32 $0x0, s20;
	[sflag:s22] =	ssyncset.done $0x0  }
0xa6: {  	[sflag:s22] =	ssyncadd.s32 s4;
	_ =	sdelay $0x1  }
0xa7: {  	s23 =	simm.s32 $0x1B8B  }
0xa8: {  	_ =	swait.ge [sflag:s23], $0x1  }
0xa9: {  	[sflag:s23] =	ssyncset.done $0x0  }
0xaa: {  	s25 =	simm.s32 $0x1B8E;
	s24 =	sld [smem:$0x3FFE];
	[sflag:s23] =	ssyncadd.s32 $0xFFFFFFFF  }
0xab: {  	s26 =	simm.s32 $execute0_lowered;
	[smem:$0x3FD2] =	sst s25  }
0xac: {  	s5 =	sshll.u32 s26, $0x1;
	_ =	strace $0x80000046;
	[dreg:$0x1] =	wrdreg $0xFFFFFFFF  }
0xad: {  	s28 =	simm.s32 $_size_execute0_lowered;
	s3 =	sadd.s32 s3, s5;
	[dreg:$0x0] =	wrdreg $0x0  }
0xae: {  	s5 =	sshll.u32 s28, $0x1;
	[dreg:$0x2] =	wrdreg s3  }
0xaf: {  	[dreg:$0x3] =	wrdreg s5  }
0xb0: {  	[dreg:$0x4] =	wrdreg $0xC0  }
0xb1: {  	_ =	task [dreg:s7], $0x5FFFF  }
0xb2: {  	[dreg:$0x1] =	wrdreg $0xFFFFFFFF  }
0xb3: {  	[dreg:$0x0] =	wrdreg $0x60  }
0xb4: {  	[dreg:$0x2] =	wrdreg s16  }
0xb5: {  	[dreg:$0x3] =	wrdreg s24  }
0xb6: {  	[dreg:$0x4] =	wrdreg $0x9  }
0xb7: {  	_ =	task.clear_ibuf [dreg:s7], $0x5FFFF;
	_ =	strace $0x90000046  }
0xb8: {  	s29 =	simm.s32 $0x9;
	_ =	strace $0x80000048  }
0xb9: {  	_ =	swait.ge [sflag:s29], $0x1  }
0xba: {  	[sflag:s29] =	ssyncadd.s32 $0xFFFFFFFF  }
0xbb: {  	_ =	strace $0x90000048  }
0xbc: {  	_ =	sfence  }
0xbd: {  	s30 =	sld [smem:$0x0];
	_ =	sdelay $0x2  }
0xbe: {  	s31 =	sshll.u32 s1, $0xD;
	s1 =	sshrl.u32 s1, $0x2  }
0xbf: {  	s3 =	sand.u32 $0x4000, s31;
	s1 =	sadd.s32 s1, s30  }
0xc0: {  	s0 =	sor.u32 s3, s0;
	s1 =	sshll.u32 s1, $0x11  }
0xc1: {  	s0 =	sor.u32 s1, s0  }
0xc2: {  	s0 =	sadd.s32 $0x8F2B, s0  }
0xc3: {  	[sflag:s0] =	ssyncadd.remote.s32 $0x1  }
0xc4: {  	_ =	sfence.sel $0xFFFF  }
0xc5: {  	[dreg:$0x0] =	wrdreg $0xFFFFFFFF;
	(pc) =	sbr.abs _section_cstart, $3  }
0xc6: {  	[dreg:$0x1] =	wrdreg $0xFFFFFFFF  }
0xc7: {  	_ =	task.clear_ibuf [dreg:s7], $0x2FFFF;
	_ =	strace $0x9FFFFFFF  }
0xc8: {  	(tm) =	ssettm $0x7FFFFFFF  }
0xc9: {  	_ =	shalt  }
tec
execute0_lowered:
.L_overlay_start_1:
0x0: {  	(tag) =	ssettag $0x1  }
0x1: {  	s1 =	srdreg.scid  }
0x2: {  	s0 =	stileid.u32;
	s3 =	rddreg [dreg:$0x0]  }
0x3: {  	s6 =	rddreg [dreg:$0x1];
	s18 =	simm.s32 $0x880;
	s19 =	simm.s32 $0x1080  }
0x4: {  	s20 =	simm.s32 $0x1880;
	s22 =	simm.s32 $0x2080;
	s23 =	simm.s32 $0x2880  }
0x5: {  	s7 =	simm.s32 $0x3080;
	s24 =	simm.s32 $0x3880;
	s8 =	simm.s32 $0x4080  }
0x6: {  	s25 =	simm.s32 $0x4880;
	s26 =	simm.s32 $0x5080;
	s1 =	sand.u32 $0x1, s1  }
0x7: {  	s9 =	simm.s32 $0x80;
	s2 =	sshll.u32 s0, $0x7;
	s4 =	sshll.u32 s1, $0x6  }
0x8: {  	s11 =	simm.s32 $0x6080;
	s4 =	sor.u32 s4, s2;
	s2 =	simm.s32 $0x0  }
0x9: {  	s12 =	simm.s32 $0x6880;
	s13 =	simm.s32 $0x7080;
	[smem:$0x7FF] =	sst s2  }
0xa: {  	s14 =	simm.s32 $0x7880;
	_ =	strace $0x80000047;
	[dreg:$0x5] =	wrdreg s18  }
0xb: {  	s15 =	simm.s32 $0x8080;
	s16 =	simm.s32 $0x8880;
	[dreg:$0x6] =	wrdreg s19  }
0xc: {  	s17 =	simm.s32 $0x9080;
	s28 =	simm.s32 $0xE080;
	[dreg:$0x7] =	wrdreg s20  }
0xd: {  	s29 =	simm.s32 $0xE880;
	s30 =	simm.s32 $0xF080;
	[dreg:$0x8] =	wrdreg s22  }
0xe: {  	s31 =	simm.s32 $0xF880;
	s1 =	ssub.s32 $0x2, s1;
	[dreg:$0x9] =	wrdreg s23  }
0xf: {  	s21 =	sshrl.u32 s1, $0x1;
	s5 =	sshrl.u32 s4, $0x3;
	[dreg:$0xa] =	wrdreg s7  }
0x10: {  	s4 =	sshll.u32 s4, $0x7;
	s1 =	ssub.s32 s1, s21;
	[dreg:$0xb] =	wrdreg s24  }
0x11: {  	s21 =	simm.s32 $0xB080;
	s5 =	sadd.s32 s5, s6;
	[dreg:$0xc] =	wrdreg s8  }
0x12: {  	s3 =	sadd.s32 s3, s4;
	s4 =	sadd.s32 $0x4100, s6;
	[dreg:$0xd] =	wrdreg s25  }
0x13: {  	s7 =	smax.u32 s1, $0x1;
	s8 =	simm.s32 $0x2;
	[dreg:$0xe] =	wrdreg s26  }
0x14: {  	s18 =	simm.s32 $0x9880;
	s19 =	simm.s32 $0xA080;
	s20 =	simm.s32 $0xA880  }
0x15: {  	s22 =	simm.s32 $0xB880;
	s23 =	simm.s32 $0xC080;
	s24 =	simm.s32 $0xC880  }
0x16: {  	v2 =	vlaneseq.u32;
	s25 =	simm.s32 $0xD080;
	s26 =	simm.s32 $0xD880;
	s1 =	simm.s32 $0x1  }
0x17: {  	vm0 =	vmmov $0xffff;
	v1 =	vshrl.u32 v2, $0x3;
	s5 =	sadd.s32 $0x3E00, s5;
	[dreg:$0x4] =	wrdreg s3;
	s3 =	sadd.s32 $0x4000, s6  }
0x18: {  	v0 =	vand.u32 $0x7, v2;
	v2 =	vor.u32 $0x8, v2;
	v1 =	vmul.u32 $0x8, v1;
	[dreg:$0x3] =	wrdreg s5;
	s5 =	sadd.s32 $0x4200, s6;
	s6 =	sadd.s32 $0x4300, s6  }
.LBB2_1:
0x19: {  	s0 =	rddreg [dreg:$0x3]  }
0x1a: {  	[tilespmem:s2], [sflag:$0x2] =	stream.linear.gather [hbm4b:s0+s2], $0x40, $0x38;
	[tilespmem:$0x10080] =	vst v63  }
0x1b: {  	_ =	swait.ge [sflag:s8], $0x40  }
0x1c: {  	[sflag:s8] =	ssyncset.done $0x0  }
0x1d: {  	s10 =	rddreg [dreg:$0x4];
	[sflag:s8] =	ssyncadd.s32 $0xFFFFFFC0  }
0x1e: {  	[tilespmem:s9], [sflag:$0x2] =	stream.linear.gather [hbm4b:s10+s2], $0x10000, $0x38;
	[tilespmem:$0x10080] =	vst v63  }
0x1f: {  	_ =	swait.ge [sflag:s8], $0x10000  }
0x20: {  	[sflag:s8] =	ssyncset.done $0x0  }
0x21: {  	[sflag:s8] =	ssyncadd.s32 $0xFFFF0000  }
0x22: {  	v3 =	vld [tilespmem:$0x0];
	_ =	sdelay $0x4  }
0x23: {  	v4 =	vshll.u32 v3, $0x3  }
0x24: {  	v3 =	vand.u32 $0x7, v3;
	v4 =	vand.u32 $0xFFFFFFC0, v4  }
0x25: {  	v3 =	vor.u32 v3, v4  }
0x26: {  	v4 =	vperm.xlane v3, v0;
	_ =	sdelay $0x1  }
0x27: {  	v4 =	vadd.s32 v1, v4;
	_ =	sdelay $0x4  }
0x28: {  	[hbm4b:s3+s2] =	stream.indirect_vreg.scatter [tilespmem:s9], [sflag:$0x1], $0x80, v4, vm0, $0xb8;
	[tilespmem:$0x10080] =	vst v63  }
0x29: {  	s0 =	rddreg [dreg:$0x5];
	v3 =	vperm.xlane v3, v2  }
0x2a: {  	[hbm4b:s4+s2] =	stream.indirect_vreg.scatter [tilespmem:s0], [sflag:$0x1], $0x80, v4, vm0, $0xb8;
	[tilespmem:$0x10080] =	vst v63  }
0x2b: {  	s10 =	rddreg [dreg:$0x6];
	v3 =	vadd.s32 v1, v3  }
0x2c: {  	[hbm4b:s5+s2] =	stream.indirect_vreg.scatter [tilespmem:s10], [sflag:$0x1], $0x80, v4, vm0, $0xb8;
	[tilespmem:$0x10080] =	vst v63  }
0x2d: {  	s0 =	rddreg [dreg:$0x7]  }
0x2e: {  	[hbm4b:s6+s2] =	stream.indirect_vreg.scatter [tilespmem:s0], [sflag:$0x1], $0x80, v4, vm0, $0xb8;
	[tilespmem:$0x10080] =	vst v63  }
0x2f: {  	s10 =	rddreg [dreg:$0x8]  }
0x30: {  	[hbm4b:s3+s2] =	stream.indirect_vreg.scatter [tilespmem:s10], [sflag:$0x1], $0x80, v3, vm0, $0xb8;
	[tilespmem:$0x10080] =	vst v63  }
0x31: {  	s0 =	rddreg [dreg:$0x9]  }
0x32: {  	[hbm4b:s4+s2] =	stream.indirect_vreg.scatter [tilespmem:s0], [sflag:$0x1], $0x80, v3, vm0, $0xb8;
	[tilespmem:$0x10080] =	vst v63  }
0x33: {  	s10 =	rddreg [dreg:$0xa]  }
0x34: {  	[hbm4b:s5+s2] =	stream.indirect_vreg.scatter [tilespmem:s10], [sflag:$0x1], $0x80, v3, vm0, $0xb8;
	[tilespmem:$0x10080] =	vst v63  }
0x35: {  	s0 =	rddreg [dreg:$0xb]  }
0x36: {  	[hbm4b:s6+s2] =	stream.indirect_vreg.scatter [tilespmem:s0], [sflag:$0x1], $0x80, v3, vm0, $0xb8;
	[tilespmem:$0x10080] =	vst v63  }
0x37: {  	v3 =	vld [tilespmem:$0x10];
	_ =	sdelay $0x4  }
0x38: {  	v61 =	vshll.u32 v3, $0x3  }
0x39: {  	v3 =	vand.u32 $0x7, v3;
	v4 =	vand.u32 $0xFFFFFFC0, v61  }
0x3a: {  	v3 =	vor.u32 v3, v4  }
0x3b: {  	v4 =	vperm.xlane v3, v0;
	_ =	sdelay $0x1  }
0x3c: {  	v4 =	vadd.s32 v1, v4;
	_ =	sdelay $0x3  }
0x3d: {  	s0 =	rddreg [dreg:$0xc]  }
0x3e: {  	[hbm4b:s3+s2] =	stream.indirect_vreg.scatter [tilespmem:s0], [sflag:$0x1], $0x80, v4, vm0, $0xb8;
	[tilespmem:$0x10080] =	vst v63  }
0x3f: {  	s10 =	rddreg [dreg:$0xd];
	v3 =	vperm.xlane v3, v2  }
0x40: {  	[hbm4b:s4+s2] =	stream.indirect_vreg.scatter [tilespmem:s10], [sflag:$0x1], $0x80, v4, vm0, $0xb8;
	[tilespmem:$0x10080] =	vst v63  }
0x41: {  	v3 =	vadd.s32 v1, v3;
	s0 =	rddreg [dreg:$0xe]  }
0x42: {  	[hbm4b:s5+s2] =	stream.indirect_vreg.scatter [tilespmem:s0], [sflag:$0x1], $0x80, v4, vm0, $0xb8;
	[tilespmem:$0x10080] =	vst v63  }
0x43: {  	s10 =	simm.s32 $0x5880  }
0x44: {  	[hbm4b:s6+s2] =	stream.indirect_vreg.scatter [tilespmem:s10], [sflag:$0x1], $0x80, v4, vm0, $0xb8;
	[tilespmem:$0x10080] =	vst v63  }
0x45: {  	_ = 	snop  }
0x46: {  	[hbm4b:s3+s2] =	stream.indirect_vreg.scatter [tilespmem:s11], [sflag:$0x1], $0x80, v3, vm0, $0xb8;
	[tilespmem:$0x10080] =	vst v63  }
0x47: {  	_ = 	snop  }
0x48: {  	[hbm4b:s4+s2] =	stream.indirect_vreg.scatter [tilespmem:s12], [sflag:$0x1], $0x80, v3, vm0, $0xb8;
	[tilespmem:$0x10080] =	vst v63  }
0x49: {  	_ = 	snop  }
0x4a: {  	[hbm4b:s5+s2] =	stream.indirect_vreg.scatter [tilespmem:s13], [sflag:$0x1], $0x80, v3, vm0, $0xb8;
	[tilespmem:$0x10080] =	vst v63  }
0x4b: {  	_ = 	snop  }
0x4c: {  	[hbm4b:s6+s2] =	stream.indirect_vreg.scatter [tilespmem:s14], [sflag:$0x1], $0x80, v3, vm0, $0xb8;
	[tilespmem:$0x10080] =	vst v63  }
0x4d: {  	v3 =	vld [tilespmem:$0x20];
	_ =	sdelay $0x4  }
0x4e: {  	v62 =	vshll.u32 v3, $0x3  }
0x4f: {  	v3 =	vand.u32 $0x7, v3;
	v4 =	vand.u32 $0xFFFFFFC0, v62  }
0x50: {  	v3 =	vor.u32 v3, v4  }
0x51: {  	v4 =	vperm.xlane v3, v0;
	_ =	sdelay $0x1  }
0x52: {  	v4 =	vadd.s32 v1, v4;
	_ =	sdelay $0x4  }
0x53: {  	[hbm4b:s3+s2] =	stream.indirect_vreg.scatter [tilespmem:s15], [sflag:$0x1], $0x80, v4, vm0, $0xb8;
	[tilespmem:$0x10080] =	vst v63  }
0x54: {  	v3 =	vperm.xlane v3, v2  }
0x55: {  	[hbm4b:s4+s2] =	stream.indirect_vreg.scatter [tilespmem:s16], [sflag:$0x1], $0x80, v4, vm0, $0xb8;
	[tilespmem:$0x10080] =	vst v63  }
0x56: {  	v3 =	vadd.s32 v1, v3  }
0x57: {  	[hbm4b:s5+s2] =	stream.indirect_vreg.scatter [tilespmem:s17], [sflag:$0x1], $0x80, v4, vm0, $0xb8;
	[tilespmem:$0x10080] =	vst v63  }
0x58: {  	_ = 	snop  }
0x59: {  	[hbm4b:s6+s2] =	stream.indirect_vreg.scatter [tilespmem:s18], [sflag:$0x1], $0x80, v4, vm0, $0xb8;
	[tilespmem:$0x10080] =	vst v63  }
0x5a: {  	_ = 	snop  }
0x5b: {  	[hbm4b:s3+s2] =	stream.indirect_vreg.scatter [tilespmem:s19], [sflag:$0x1], $0x80, v3, vm0, $0xb8;
	[tilespmem:$0x10080] =	vst v63  }
0x5c: {  	_ = 	snop  }
0x5d: {  	[hbm4b:s4+s2] =	stream.indirect_vreg.scatter [tilespmem:s20], [sflag:$0x1], $0x80, v3, vm0, $0xb8;
	[tilespmem:$0x10080] =	vst v63  }
0x5e: {  	_ = 	snop  }
0x5f: {  	[hbm4b:s5+s2] =	stream.indirect_vreg.scatter [tilespmem:s21], [sflag:$0x1], $0x80, v3, vm0, $0xb8;
	[tilespmem:$0x10080] =	vst v63  }
0x60: {  	_ = 	snop  }
0x61: {  	[hbm4b:s6+s2] =	stream.indirect_vreg.scatter [tilespmem:s22], [sflag:$0x1], $0x80, v3, vm0, $0xb8;
	[tilespmem:$0x10080] =	vst v63  }
0x62: {  	v3 =	vld [tilespmem:$0x30];
	_ =	sdelay $0x4  }
0x63: {  	v63 =	vshll.u32 v3, $0x3  }
0x64: {  	v3 =	vand.u32 $0x7, v3;
	v4 =	vand.u32 $0xFFFFFFC0, v63  }
0x65: {  	v3 =	vor.u32 v3, v4  }
0x66: {  	v4 =	vperm.xlane v3, v0;
	_ =	sdelay $0x1  }
0x67: {  	v4 =	vadd.s32 v1, v4;
	_ =	sdelay $0x4  }
0x68: {  	[hbm4b:s3+s2] =	stream.indirect_vreg.scatter [tilespmem:s23], [sflag:$0x1], $0x80, v4, vm0, $0xb8;
	[tilespmem:$0x10080] =	vst v63  }
0x69: {  	v3 =	vperm.xlane v3, v2  }
0x6a: {  	[hbm4b:s4+s2] =	stream.indirect_vreg.scatter [tilespmem:s24], [sflag:$0x1], $0x80, v4, vm0, $0xb8;
	[tilespmem:$0x10080] =	vst v63  }
0x6b: {  	v3 =	vadd.s32 v1, v3  }
0x6c: {  	[hbm4b:s5+s2] =	stream.indirect_vreg.scatter [tilespmem:s25], [sflag:$0x1], $0x80, v4, vm0, $0xb8;
	[tilespmem:$0x10080] =	vst v63  }
0x6d: {  	_ = 	snop  }
0x6e: {  	[hbm4b:s6+s2] =	stream.indirect_vreg.scatter [tilespmem:s26], [sflag:$0x1], $0x80, v4, vm0, $0xb8;
	[tilespmem:$0x10080] =	vst v63  }
0x6f: {  	_ = 	snop  }
0x70: {  	[hbm4b:s3+s2] =	stream.indirect_vreg.scatter [tilespmem:s28], [sflag:$0x1], $0x80, v3, vm0, $0xb8;
	[tilespmem:$0x10080] =	vst v63  }
0x71: {  	_ = 	snop  }
0x72: {  	[hbm4b:s4+s2] =	stream.indirect_vreg.scatter [tilespmem:s29], [sflag:$0x1], $0x80, v3, vm0, $0xb8;
	[tilespmem:$0x10080] =	vst v63  }
0x73: {  	p0 =	sne.s32 s7, $0x1  }
0x74: {  	[hbm4b:s5+s2] =	stream.indirect_vreg.scatter [tilespmem:s30], [sflag:$0x1], $0x80, v3, vm0, $0xb8;
	[tilespmem:$0x10080] =	vst v63  }
.Ltmp0:
0x75: {  	_ = 	snop;
	(pc) =	sbr.rel @p0 .LBB2_1-.Ltmp0, $4  }
0x76: {  	[hbm4b:s6+s2] =	stream.indirect_vreg.scatter [tilespmem:s31], [sflag:$0x1], $0x80, v3, vm0, $0xb8;
	[tilespmem:$0x10080] =	vst v63  }
0x77: {  	_ =	swait.ge [sflag:s1], $0x10000  }
0x78: {  	[sflag:s1] =	ssyncset.done $0x0  }
0x79: {  	s7 =	sadd.s32 $0xFFFFFFFF, s7;
	[sflag:s1] =	ssyncadd.s32 $0xFFFF0000  }
0x7a: {  	_ =	sfence.sel $0x180000  }
0x7b: {  	[bflag:$0x0] =	sbarrier.arrive $0xFFFF  }
0x7c: {  	_ =	strace $0x90000047  }
0x7d: {  	s0 =	stileid.u32;
	[bflag:$0x2] =	sbarrier.arrive $0xFFFF  }
0x7e: {  	p0 =	sne.s32 s0, $0x0;
	s0 =	rddreg [dreg:$0x2]  }
0x7f: {  	s0 =	sadd.s32 @!p0 $0x100000, s0  }
0x80: {  	[sflag:s0] =	ssyncadd.tile.s32 @!p0 $0x1;
	_ =	shalt  }
.Lfunc_end2:
_tile_overlayer_lowered:
.L_overlay_start_2:
0x81: {  	(tag) =	ssettag $0x2  }
0x82: {  	s0 =	rddreg [dreg:$0x0];
	s2 =	stileid.u32  }
0x83: {  	s1 =	rddreg [dreg:$0x1];
	p0 =	sne.s32 s2, $0x0  }
0x84: {  	s3 =	rddreg [dreg:$0x2];
	[bflag:$0x3] =	sbarrier.arrive $0xFFFF;
	s2 =	simm.s32 @!p0 $0x1C02  }
0x85: {  	[timem:s3], [sflag:s2] =	dma.local @!p0 [hbm:s0], s1  }
0x86: {  	s0 =	simm.s32 @!p0 $0x2  }
0x87: {  	_ =	swait.ge @!p0 [sflag:s0], s1  }
0x88: {  	s1 =	ssub.s32 @!p0 $0x0, s1;
	[sflag:s0] =	ssyncset.done @!p0 $0x0  }
0x89: {  	[sflag:s0] =	ssyncadd.s32 @!p0 s1  }
0x8a: {  	[bflag:$0x3] =	sbarrier.arrive $0xFFFF  }
0x8b: {  	_ =	shalt  }

// kernel: kernel.16.cloned.1.call-start
scs
__scs_entry_jumppad:
0x0: {  	(pc) =	sbr.rel $0x88, $3  }
0x1: {  	(tag) =	ssettag $0x0;
	lr =	simm.s32 $0x1  }
0x2: {  	[smem:$0x3F92] =	sst lr;
	_ =	strace $0xD0000000  }
0x3: {  	_ = 	snop  }
0x4: {  	_ = 	snop  }
0x5: {  	_ = 	snop  }
0x6: {  	_ = 	snop  }
0x7: {  	_ = 	snop  }
__scs_overlays_trampoline_lowered:
0x8: {  	[smem:$0x3FA1] =	sst s0  }
0x9: {  	[smem:$0x3FA2] =	sst s1  }
0xa: {  	[smem:$0x3FA3] =	sst s2  }
0xb: {  	[smem:$0x3FA4] =	sst s3  }
0xc: {  	[smem:$0x3FA5] =	sst s4  }
0xd: {  	[smem:$0x3FA6] =	sst s5  }
0xe: {  	[smem:$0x3FA7] =	sst s6  }
0xf: {  	[smem:$0x3FA8] =	sst s7  }
0x10: {  	[smem:$0x3FA9] =	sst s8  }
0x11: {  	[smem:$0x3FAA] =	sst s9;
	s0 =	simm.s32 @!p0 $0x0  }
0x12: {  	s1 =	sld [smem:$0x3F90];
	s0 =	simm.s32 @p0 $0x1  }
0x13: {  	[smem:$0x3FAB] =	sst s0;
	s0 =	simm.s32 @!p1 $0x0  }
0x14: {  	s2 =	sld [smem:$0x3F8F];
	s0 =	simm.s32 @p1 $0x1  }
0x15: {  	[smem:$0x3FAC] =	sst s0;
	s0 =	simm.s32 @!p2 $0x0  }
0x16: {  	s3 =	sld [smem:$0x3FDB];
	s0 =	simm.s32 @p2 $0x1  }
0x17: {  	s4 =	simm.s32 $0x1BF5;
	[smem:$0x3FAE] =	sst s0  }
0x18: {  	s0 =	sld [smem:$0x3F91];
	_ =	swait.ge [sflag:s4], $0x0  }
0x19: {  	s7 =	sld [smem:$0x3F92]  }
0x1a: {  	s8 =	sadd.s32 $0xFFFFE003, lr  }
0x1b: {  	s9 =	sadd.s32 $0xFFFFFEF7, lr;
	s5 =	simm.s32 $0xFFFFFFFF;
	p2 =	slt.u32 s8, $0xFFFFF086  }
0x1c: {  	p1 =	slt.u32 s9, $0xF7A;
	s5 =	simm.s32 @!p2 $0x0  }
0x1d: {  	s5 =	simm.s32 @p1 $0x1;
	p0 =	seq.s32 s7, s2  }
0x1e: {  	s7 =	smul.u32 @!p0 $0xF7A, s2;
	p2 =	seq.s32 @!p0 s5, $0x0  }
0x1f: {  	s9 =	smul.u32 $0xF7A, s1;
	s8 =	simm.s32 @!p0 $0x1BF5;
	p2 =	por !p2, p0  }
0x20: {  	[sflag:s8] =	ssyncset.s32 @!p0 $0xFFFFF086;
	s6 =	sadd.s32 @!p0 s3, s7;
	s7 =	simm.s32 @!p0 $0x108  }
0x21: {  	s3 =	sadd.s32 s3, s9;
	s6 =	sadd.s32 @!p0 $0x88, s6;
	s7 =	simm.s32 @p2 $0x1082  }
0x22: {  	[simem:s7], [sflag:s8] =	dma.local @!p0 [hbm:s6], $0xF7A  }
0x23: {  	s9 =	sor.u32 $0xD0000000, s2;
	s6 =	simm.s32 $0x108;
	_ =	swait.ge @!p0 [sflag:s8], $0x0  }
0x24: {  	s3 =	sadd.s32 $0x88, s3;
	s6 =	simm.s32 @!p1 $0x1082;
	[sflag:s4] =	ssyncset.s32 $0xFFFFF086  }
0x25: {  	[simem:s6], [sflag:s4] =	dma.local [hbm:s3], $0xF7A  }
0x26: {  	[smem:$0x3F92] =	sst s1;
	(tag) =	ssettag s2;
	_ =	strace s9  }
0x27: {  	s1 =	sld [smem:$0x3FA2]  }
0x28: {  	s2 =	sld [smem:$0x3FA3]  }
0x29: {  	s4 =	sld [smem:$0x3FA5]  }
0x2a: {  	p0 =	seq.s32 s5, $0x0;
	s5 =	sld [smem:$0x3FA6]  }
0x2b: {  	s6 =	sld [smem:$0x3FA7]  }
0x2c: {  	s7 =	sld [smem:$0x3FA8]  }
0x2d: {  	s3 =	simm.s32 $0x108;
	s8 =	sld [smem:$0x3FA9]  }
0x2e: {  	s3 =	simm.s32 @!p0 $0x1082;
	s9 =	sld [smem:$0x3FAA]  }
0x2f: {  	lr =	sadd.s32 s0, s3;
	s0 =	sld [smem:$0x3FA1]  }
0x30: {  	s3 =	sld [smem:$0x3FA4]  }
0x31: {  	[smem:$0x3FAD] =	sst s10  }
0x32: {  	s10 =	sld [smem:$0x3FAB];
	_ =	sdelay $0x3  }
0x33: {  	p0 =	seq.s32 s10, $0x1;
	s10 =	sld [smem:$0x3FAD];
	_ =	sdelay $0x3  }
0x34: {  	[smem:$0x3FAD] =	sst s10  }
0x35: {  	s10 =	sld [smem:$0x3FAC];
	_ =	sdelay $0x3  }
0x36: {  	p1 =	seq.s32 s10, $0x1;
	s10 =	sld [smem:$0x3FAD];
	_ =	sdelay $0x3  }
0x37: {  	[smem:$0x3FAD] =	sst s10  }
0x38: {  	s10 =	sld [smem:$0x3FAE]  }
0x39: {  	_ = 	snop;
	(pc) =	sbr.ind lr, $3  }
0x3a: {  	_ = 	snop  }
0x3b: {  	_ = 	snop  }
0x3c: {  	p2 =	seq.s32 s10, $0x1;
	s10 =	sld [smem:$0x3FAD]  }
0x3d: {  	_ =	shalt  }
0x3e: {  	_ =	shalt  }
0x3f: {  	_ =	shalt  }
0x40: {  	_ =	shalt  }
0x41: {  	_ =	shalt  }
0x42: {  	_ =	shalt  }
0x43: {  	_ =	shalt  }
0x44: {  	_ =	shalt  }
0x45: {  	_ =	shalt  }
0x46: {  	_ =	shalt  }
0x47: {  	_ =	shalt  }
0x48: {  	_ =	shalt  }
0x49: {  	_ =	shalt  }
0x4a: {  	_ =	shalt  }
0x4b: {  	_ =	shalt  }
0x4c: {  	_ =	shalt  }
0x4d: {  	_ =	shalt  }
0x4e: {  	_ =	shalt  }
0x4f: {  	_ =	shalt  }
0x50: {  	_ =	shalt  }
0x51: {  	_ =	shalt  }
0x52: {  	_ =	shalt  }
0x53: {  	_ =	shalt  }
0x54: {  	_ =	shalt  }
0x55: {  	_ =	shalt  }
0x56: {  	_ =	shalt  }
0x57: {  	_ =	shalt  }
0x58: {  	_ =	shalt  }
0x59: {  	_ =	shalt  }
0x5a: {  	_ =	shalt  }
0x5b: {  	_ =	shalt  }
0x5c: {  	_ =	shalt  }
0x5d: {  	_ =	shalt  }
0x5e: {  	_ =	shalt  }
0x5f: {  	_ =	shalt  }
0x60: {  	_ =	shalt  }
0x61: {  	_ =	shalt  }
0x62: {  	_ =	shalt  }
0x63: {  	_ =	shalt  }
0x64: {  	_ =	shalt  }
0x65: {  	_ =	shalt  }
0x66: {  	_ =	shalt  }
0x67: {  	_ =	shalt  }
0x68: {  	_ =	shalt  }
0x69: {  	_ =	shalt  }
0x6a: {  	_ =	shalt  }
0x6b: {  	_ =	shalt  }
0x6c: {  	_ =	shalt  }
0x6d: {  	_ =	shalt  }
0x6e: {  	_ =	shalt  }
0x6f: {  	_ =	shalt  }
0x70: {  	_ =	shalt  }
0x71: {  	_ =	shalt  }
0x72: {  	_ =	shalt  }
0x73: {  	_ =	shalt  }
0x74: {  	_ =	shalt  }
0x75: {  	_ =	shalt  }
0x76: {  	_ =	shalt  }
0x77: {  	_ =	shalt  }
0x78: {  	_ =	shalt  }
0x79: {  	_ =	shalt  }
0x7a: {  	_ =	shalt  }
0x7b: {  	_ =	shalt  }
0x7c: {  	_ =	shalt  }
0x7d: {  	_ =	shalt  }
0x7e: {  	_ =	shalt  }
0x7f: {  	_ =	shalt  }
0x80: {  	_ =	shalt  }
0x81: {  	_ =	shalt  }
0x82: {  	_ =	shalt  }
0x83: {  	_ =	shalt  }
0x84: {  	_ =	shalt  }
0x85: {  	_ =	shalt  }
0x86: {  	_ =	shalt  }
0x87: {  	_ =	shalt  }
.Lfunc_end0:
.L_simem_size_0:
called_computation.1_lowered:
.L_overlay_start_0:
0x88: {  	s2 =	sld [smem:$0x3FD9]  }
0x89: {  	s3 =	sld [smem:$0x3FFE];
	_ =	sdelay $0x1  }
0x8a: {  	s1 =	srdreg.scid  }
0x8b: {  	s0 =	sand.u32 $0x1, s1  }
0x8c: {  	s16 =	sshll.u32 s0, $0xA;
	s2 =	sadd.s32 s3, s2  }
0x8d: {  	s2 =	sadd.s32 s2, s16  }
0x8e: {  	[smem:$0x3FB9] =	sst s2  }
0x8f: {  	_ = 	snop  }
0x90: {  	(tm) =	ssettm $0x1  }
0x91: {  	s17 =	sld [smem:$0x3FFB];
	_ =	sdelay $0x3  }
0x92: {  	_ =	strace s17  }
0x93: {  	s2 =	sld [smem:$0x3FFC];
	_ =	sdelay $0x3  }
0x94: {  	_ =	strace s2  }
0x95: {  	s2 =	sld [smem:$0x3FFD];
	_ =	sdelay $0x3  }
0x96: {  	_ =	strace s2  }
0x97: {  	_ =	strace $0x8FFFFFFF  }
0x98: {  	s18 =	sld [smem:$0x3FDB];
	_ =	sdelay $0x1  }
0x99: {  	s19 =	simm.s32 $_scs_section_size  }
0x9a: {  	s4 =	simm.s32 $_size__tile_overlayer_lowered;
	s5 =	simm.s32 $_tile_overlayer_lowered  }
0x9b: {  	s22 =	simm.s32 $0x1BFF;
	s21 =	sshll.u32 s5, $0x1;
	s2 =	sadd.s32 s19, s18  }
0x9c: {  	s6 =	simm.s32 $0x0;
	s20 =	sshll.u32 s4, $0x1;
	s4 =	sadd.s32 s21, s2  }
0x9d: {  	[timem:s6], [sflag:s22] =	dma.local [hbm:s4], s20  }
0x9e: {  	_ =	swait.ge [sflag:s22], s20  }
0x9f: {  	s3 =	ssub.s32 $0x0, s20;
	[sflag:s22] =	ssyncset.done $0x0  }
0xa0: {  	[sflag:s22] =	ssyncadd.s32 s3;
	_ =	sdelay $0x1  }
0xa1: {  	s23 =	simm.s32 $0x1B8B  }
0xa2: {  	_ =	swait.ge [sflag:s23], $0x1  }
0xa3: {  	[sflag:s23] =	ssyncset.done $0x0  }
0xa4: {  	s25 =	simm.s32 $0x1B8E;
	s24 =	sld [smem:$0x3FFE];
	[sflag:s23] =	ssyncadd.s32 $0xFFFFFFFF  }
0xa5: {  	s26 =	simm.s32 $execute0_lowered;
	[smem:$0x3FD2] =	sst s25  }
0xa6: {  	s4 =	sshll.u32 s26, $0x1;
	_ =	strace $0x80000049;
	[dreg:$0x1] =	wrdreg $0xFFFFFFFF  }
0xa7: {  	s28 =	simm.s32 $_size_execute0_lowered;
	s2 =	sadd.s32 s2, s4;
	[dreg:$0x0] =	wrdreg $0x0  }
0xa8: {  	s4 =	sshll.u32 s28, $0x1;
	[dreg:$0x2] =	wrdreg s2  }
0xa9: {  	[dreg:$0x3] =	wrdreg s4  }
0xaa: {  	[dreg:$0x4] =	wrdreg $0xC0  }
0xab: {  	_ =	task [dreg:s6], $0x5FFFF  }
0xac: {  	[dreg:$0x1] =	wrdreg $0xFFFFFFFF  }
0xad: {  	[dreg:$0x0] =	wrdreg $0x60  }
0xae: {  	[dreg:$0x2] =	wrdreg s24  }
0xaf: {  	[dreg:$0x3] =	wrdreg $0x9  }
0xb0: {  	_ =	task.clear_ibuf [dreg:s6], $0x4FFFF;
	_ =	strace $0x90000049  }
0xb1: {  	s29 =	simm.s32 $0x9;
	_ =	strace $0x8000004B  }
0xb2: {  	_ =	swait.ge [sflag:s29], $0x1  }
0xb3: {  	[sflag:s29] =	ssyncadd.s32 $0xFFFFFFFF  }
0xb4: {  	_ =	strace $0x9000004B  }
0xb5: {  	_ =	sfence  }
0xb6: {  	s30 =	sld [smem:$0x0];
	_ =	sdelay $0x2  }
0xb7: {  	s31 =	sshll.u32 s1, $0xD;
	s1 =	sshrl.u32 s1, $0x2  }
0xb8: {  	s3 =	sand.u32 $0x4000, s31;
	s1 =	sadd.s32 s1, s30  }
0xb9: {  	s0 =	sor.u32 s3, s0;
	s1 =	sshll.u32 s1, $0x11  }
0xba: {  	s0 =	sor.u32 s1, s0  }
0xbb: {  	s0 =	sadd.s32 $0x8F2B, s0  }
0xbc: {  	[sflag:s0] =	ssyncadd.remote.s32 $0x1  }
0xbd: {  	_ =	sfence.sel $0xFFFF  }
0xbe: {  	[dreg:$0x0] =	wrdreg $0xFFFFFFFF;
	(pc) =	sbr.abs _section_cstart, $3  }
0xbf: {  	[dreg:$0x1] =	wrdreg $0xFFFFFFFF  }
0xc0: {  	_ =	task.clear_ibuf [dreg:s6], $0x2FFFF;
	_ =	strace $0x9FFFFFFF  }
0xc1: {  	(tm) =	ssettm $0x7FFFFFFF  }
tec
execute0_lowered:
.L_overlay_start_1:
0x0: {  	(tag) =	ssettag $0x1  }
0x1: {  	s1 =	srdreg.scid  }
0x2: {  	s0 =	stileid.u32;
	s6 =	rddreg [dreg:$0x0]  }
0x3: {  	s19 =	simm.s32 $0x880;
	s20 =	simm.s32 $0x1080;
	s21 =	simm.s32 $0x1880  }
0x4: {  	s22 =	simm.s32 $0x2080;
	s23 =	simm.s32 $0x2880;
	s7 =	simm.s32 $0x3080  }
0x5: {  	s24 =	simm.s32 $0x3880;
	s8 =	simm.s32 $0x4080;
	s25 =	simm.s32 $0x4880  }
0x6: {  	s26 =	simm.s32 $0x5080;
	s9 =	simm.s32 $0x80;
	s1 =	sand.u32 $0x1, s1  }
0x7: {  	s11 =	simm.s32 $0x6080;
	s2 =	sshll.u32 s0, $0x7;
	s3 =	sshll.u32 s1, $0x6  }
0x8: {  	s12 =	simm.s32 $0x6880;
	s3 =	sor.u32 s3, s2;
	s2 =	simm.s32 $0x0  }
0x9: {  	s13 =	simm.s32 $0x7080;
	s14 =	simm.s32 $0x7880;
	[smem:$0x7FF] =	sst s2  }
0xa: {  	s15 =	simm.s32 $0x8080;
	_ =	strace $0x8000004A;
	[dreg:$0x4] =	wrdreg s19  }
0xb: {  	s16 =	simm.s32 $0x8880;
	s17 =	simm.s32 $0x9080;
	[dreg:$0x5] =	wrdreg s20  }
0xc: {  	s18 =	simm.s32 $0x9880;
	s28 =	simm.s32 $0xE080;
	[dreg:$0x6] =	wrdreg s21  }
0xd: {  	s29 =	simm.s32 $0xE880;
	s30 =	simm.s32 $0xF080;
	[dreg:$0x7] =	wrdreg s22  }
0xe: {  	s31 =	simm.s32 $0xF880;
	s1 =	ssub.s32 $0x2, s1;
	[dreg:$0x8] =	wrdreg s23  }
0xf: {  	s5 =	sshrl.u32 s1, $0x1;
	s4 =	sshrl.u32 s3, $0x3;
	[dreg:$0x9] =	wrdreg s7  }
0x10: {  	s3 =	sshll.u32 s3, $0x7;
	s1 =	ssub.s32 s1, s5;
	[dreg:$0xa] =	wrdreg s24  }
0x11: {  	s5 =	sadd.s32 $0x4200, s6;
	s4 =	sadd.s32 s4, s6;
	[dreg:$0xb] =	wrdreg s8  }
0x12: {  	s3 =	sadd.s32 s3, s6;
	s7 =	smax.u32 s1, $0x1;
	[dreg:$0xc] =	wrdreg s25  }
0x13: {  	s8 =	simm.s32 $0x2;
	[dreg:$0xd] =	wrdreg s26;
	s19 =	simm.s32 $0xA080  }
0x14: {  	s20 =	simm.s32 $0xA880;
	s21 =	simm.s32 $0xB080;
	s22 =	simm.s32 $0xB880  }
0x15: {  	s23 =	simm.s32 $0xC080;
	s24 =	simm.s32 $0xC880;
	s4 =	sadd.s32 $0x3E00, s4  }
0x16: {  	v2 =	vlaneseq.u32;
	s25 =	simm.s32 $0xD080;
	s3 =	sadd.s32 $0x44000, s3;
	[dreg:$0x2] =	wrdreg s4  }
0x17: {  	vm0 =	vmmov $0xffff;
	v1 =	vshrl.u32 v2, $0x3;
	s26 =	simm.s32 $0xD880;
	s1 =	simm.s32 $0x1;
	[dreg:$0x3] =	wrdreg s3  }
0x18: {  	v0 =	vand.u32 $0x7, v2;
	v2 =	vor.u32 $0x8, v2;
	v1 =	vmul.u32 $0x8, v1;
	s3 =	sadd.s32 $0x4000, s6;
	s4 =	sadd.s32 $0x4100, s6;
	s6 =	sadd.s32 $0x4300, s6  }
.LBB2_1:
0x19: {  	s0 =	rddreg [dreg:$0x2]  }
0x1a: {  	[tilespmem:s2], [sflag:$0x2] =	stream.linear.gather [hbm4b:s0+s2], $0x40, $0x38;
	[tilespmem:$0x10080] =	vst v63  }
0x1b: {  	_ =	swait.ge [sflag:s8], $0x40  }
0x1c: {  	[sflag:s8] =	ssyncset.done $0x0  }
0x1d: {  	[sflag:s8] =	ssyncadd.s32 $0xFFFFFFC0  }
0x1e: {  	v3 =	vld [tilespmem:$0x0];
	_ =	sdelay $0x4  }
0x1f: {  	v4 =	vshll.u32 v3, $0x3  }
0x20: {  	v3 =	vand.u32 $0x7, v3;
	v4 =	vand.u32 $0xFFFFFFC0, v4  }
0x21: {  	v3 =	vor.u32 v3, v4  }
0x22: {  	v4 =	vperm.xlane v3, v0;
	_ =	sdelay $0x1  }
0x23: {  	v4 =	vadd.s32 v1, v4;
	_ =	sdelay $0x4  }
0x24: {  	[tilespmem:s9], [sflag:$0x1] =	stream.indirect_vreg.gather [hbm4b:s3+s2], $0x80, v4, vm0, $0xb8;
	[tilespmem:$0x10080] =	vst v63  }
0x25: {  	s0 =	rddreg [dreg:$0x4];
	v3 =	vperm.xlane v3, v2  }
0x26: {  	[tilespmem:s0], [sflag:$0x1] =	stream.indirect_vreg.gather [hbm4b:s4+s2], $0x80, v4, vm0, $0xb8;
	[tilespmem:$0x10080] =	vst v63  }
0x27: {  	s10 =	rddreg [dreg:$0x5];
	v3 =	vadd.s32 v1, v3  }
0x28: {  	[tilespmem:s10], [sflag:$0x1] =	stream.indirect_vreg.gather [hbm4b:s5+s2], $0x80, v4, vm0, $0xb8;
	[tilespmem:$0x10080] =	vst v63  }
0x29: {  	s0 =	rddreg [dreg:$0x6]  }
0x2a: {  	[tilespmem:s0], [sflag:$0x1] =	stream.indirect_vreg.gather [hbm4b:s6+s2], $0x80, v4, vm0, $0xb8;
	[tilespmem:$0x10080] =	vst v63  }
0x2b: {  	s10 =	rddreg [dreg:$0x7]  }
0x2c: {  	[tilespmem:s10], [sflag:$0x1] =	stream.indirect_vreg.gather [hbm4b:s3+s2], $0x80, v3, vm0, $0xb8;
	[tilespmem:$0x10080] =	vst v63  }
0x2d: {  	s0 =	rddreg [dreg:$0x8]  }
0x2e: {  	[tilespmem:s0], [sflag:$0x1] =	stream.indirect_vreg.gather [hbm4b:s4+s2], $0x80, v3, vm0, $0xb8;
	[tilespmem:$0x10080] =	vst v63  }
0x2f: {  	s10 =	rddreg [dreg:$0x9]  }
0x30: {  	[tilespmem:s10], [sflag:$0x1] =	stream.indirect_vreg.gather [hbm4b:s5+s2], $0x80, v3, vm0, $0xb8;
	[tilespmem:$0x10080] =	vst v63  }
0x31: {  	s0 =	rddreg [dreg:$0xa]  }
0x32: {  	[tilespmem:s0], [sflag:$0x1] =	stream.indirect_vreg.gather [hbm4b:s6+s2], $0x80, v3, vm0, $0xb8;
	[tilespmem:$0x10080] =	vst v63  }
0x33: {  	v3 =	vld [tilespmem:$0x10];
	_ =	sdelay $0x4  }
0x34: {  	v61 =	vshll.u32 v3, $0x3  }
0x35: {  	v3 =	vand.u32 $0x7, v3;
	v4 =	vand.u32 $0xFFFFFFC0, v61  }
0x36: {  	v3 =	vor.u32 v3, v4  }
0x37: {  	v4 =	vperm.xlane v3, v0;
	_ =	sdelay $0x1  }
0x38: {  	v4 =	vadd.s32 v1, v4;
	_ =	sdelay $0x3  }
0x39: {  	s0 =	rddreg [dreg:$0xb]  }
0x3a: {  	[tilespmem:s0], [sflag:$0x1] =	stream.indirect_vreg.gather [hbm4b:s3+s2], $0x80, v4, vm0, $0xb8;
	[tilespmem:$0x10080] =	vst v63  }
0x3b: {  	s10 =	rddreg [dreg:$0xc];
	v3 =	vperm.xlane v3, v2  }
0x3c: {  	[tilespmem:s10], [sflag:$0x1] =	stream.indirect_vreg.gather [hbm4b:s4+s2], $0x80, v4, vm0, $0xb8;
	[tilespmem:$0x10080] =	vst v63  }
0x3d: {  	v3 =	vadd.s32 v1, v3;
	s0 =	rddreg [dreg:$0xd]  }
0x3e: {  	[tilespmem:s0], [sflag:$0x1] =	stream.indirect_vreg.gather [hbm4b:s5+s2], $0x80, v4, vm0, $0xb8;
	[tilespmem:$0x10080] =	vst v63  }
0x3f: {  	s10 =	simm.s32 $0x5880  }
0x40: {  	[tilespmem:s10], [sflag:$0x1] =	stream.indirect_vreg.gather [hbm4b:s6+s2], $0x80, v4, vm0, $0xb8;
	[tilespmem:$0x10080] =	vst v63  }
0x41: {  	_ = 	snop  }
0x42: {  	[tilespmem:s11], [sflag:$0x1] =	stream.indirect_vreg.gather [hbm4b:s3+s2], $0x80, v3, vm0, $0xb8;
	[tilespmem:$0x10080] =	vst v63  }
0x43: {  	_ = 	snop  }
0x44: {  	[tilespmem:s12], [sflag:$0x1] =	stream.indirect_vreg.gather [hbm4b:s4+s2], $0x80, v3, vm0, $0xb8;
	[tilespmem:$0x10080] =	vst v63  }
0x45: {  	_ = 	snop  }
0x46: {  	[tilespmem:s13], [sflag:$0x1] =	stream.indirect_vreg.gather [hbm4b:s5+s2], $0x80, v3, vm0, $0xb8;
	[tilespmem:$0x10080] =	vst v63  }
0x47: {  	_ = 	snop  }
0x48: {  	[tilespmem:s14], [sflag:$0x1] =	stream.indirect_vreg.gather [hbm4b:s6+s2], $0x80, v3, vm0, $0xb8;
	[tilespmem:$0x10080] =	vst v63  }
0x49: {  	v3 =	vld [tilespmem:$0x20];
	_ =	sdelay $0x4  }
0x4a: {  	v62 =	vshll.u32 v3, $0x3  }
0x4b: {  	v3 =	vand.u32 $0x7, v3;
	v4 =	vand.u32 $0xFFFFFFC0, v62  }
0x4c: {  	v3 =	vor.u32 v3, v4  }
0x4d: {  	v4 =	vperm.xlane v3, v0;
	_ =	sdelay $0x1  }
0x4e: {  	v4 =	vadd.s32 v1, v4;
	_ =	sdelay $0x4  }
0x4f: {  	[tilespmem:s15], [sflag:$0x1] =	stream.indirect_vreg.gather [hbm4b:s3+s2], $0x80, v4, vm0, $0xb8;
	[tilespmem:$0x10080] =	vst v63  }
0x50: {  	v3 =	vperm.xlane v3, v2  }
0x51: {  	[tilespmem:s16], [sflag:$0x1] =	stream.indirect_vreg.gather [hbm4b:s4+s2], $0x80, v4, vm0, $0xb8;
	[tilespmem:$0x10080] =	vst v63  }
0x52: {  	v3 =	vadd.s32 v1, v3  }
0x53: {  	[tilespmem:s17], [sflag:$0x1] =	stream.indirect_vreg.gather [hbm4b:s5+s2], $0x80, v4, vm0, $0xb8;
	[tilespmem:$0x10080] =	vst v63  }
0x54: {  	_ = 	snop  }
0x55: {  	[tilespmem:s18], [sflag:$0x1] =	stream.indirect_vreg.gather [hbm4b:s6+s2], $0x80, v4, vm0, $0xb8;
	[tilespmem:$0x10080] =	vst v63  }
0x56: {  	_ = 	snop  }
0x57: {  	[tilespmem:s19], [sflag:$0x1] =	stream.indirect_vreg.gather [hbm4b:s3+s2], $0x80, v3, vm0, $0xb8;
	[tilespmem:$0x10080] =	vst v63  }
0x58: {  	_ = 	snop  }
0x59: {  	[tilespmem:s20], [sflag:$0x1] =	stream.indirect_vreg.gather [hbm4b:s4+s2], $0x80, v3, vm0, $0xb8;
	[tilespmem:$0x10080] =	vst v63  }
0x5a: {  	_ = 	snop  }
0x5b: {  	[tilespmem:s21], [sflag:$0x1] =	stream.indirect_vreg.gather [hbm4b:s5+s2], $0x80, v3, vm0, $0xb8;
	[tilespmem:$0x10080] =	vst v63  }
0x5c: {  	_ = 	snop  }
0x5d: {  	[tilespmem:s22], [sflag:$0x1] =	stream.indirect_vreg.gather [hbm4b:s6+s2], $0x80, v3, vm0, $0xb8;
	[tilespmem:$0x10080] =	vst v63  }
0x5e: {  	v3 =	vld [tilespmem:$0x30];
	_ =	sdelay $0x4  }
0x5f: {  	v63 =	vshll.u32 v3, $0x3  }
0x60: {  	v3 =	vand.u32 $0x7, v3;
	v4 =	vand.u32 $0xFFFFFFC0, v63  }
0x61: {  	v3 =	vor.u32 v3, v4  }
0x62: {  	v4 =	vperm.xlane v3, v0;
	_ =	sdelay $0x1  }
0x63: {  	v4 =	vadd.s32 v1, v4;
	_ =	sdelay $0x4  }
0x64: {  	[tilespmem:s23], [sflag:$0x1] =	stream.indirect_vreg.gather [hbm4b:s3+s2], $0x80, v4, vm0, $0xb8;
	[tilespmem:$0x10080] =	vst v63  }
0x65: {  	v3 =	vperm.xlane v3, v2  }
0x66: {  	[tilespmem:s24], [sflag:$0x1] =	stream.indirect_vreg.gather [hbm4b:s4+s2], $0x80, v4, vm0, $0xb8;
	[tilespmem:$0x10080] =	vst v63  }
0x67: {  	v3 =	vadd.s32 v1, v3  }
0x68: {  	[tilespmem:s25], [sflag:$0x1] =	stream.indirect_vreg.gather [hbm4b:s5+s2], $0x80, v4, vm0, $0xb8;
	[tilespmem:$0x10080] =	vst v63  }
0x69: {  	_ = 	snop  }
0x6a: {  	[tilespmem:s26], [sflag:$0x1] =	stream.indirect_vreg.gather [hbm4b:s6+s2], $0x80, v4, vm0, $0xb8;
	[tilespmem:$0x10080] =	vst v63  }
0x6b: {  	_ = 	snop  }
0x6c: {  	[tilespmem:s28], [sflag:$0x1] =	stream.indirect_vreg.gather [hbm4b:s3+s2], $0x80, v3, vm0, $0xb8;
	[tilespmem:$0x10080] =	vst v63  }
0x6d: {  	_ = 	snop  }
0x6e: {  	[tilespmem:s29], [sflag:$0x1] =	stream.indirect_vreg.gather [hbm4b:s4+s2], $0x80, v3, vm0, $0xb8;
	[tilespmem:$0x10080] =	vst v63  }
0x6f: {  	_ = 	snop  }
0x70: {  	[tilespmem:s30], [sflag:$0x1] =	stream.indirect_vreg.gather [hbm4b:s5+s2], $0x80, v3, vm0, $0xb8;
	[tilespmem:$0x10080] =	vst v63  }
0x71: {  	_ = 	snop  }
0x72: {  	[tilespmem:s31], [sflag:$0x1] =	stream.indirect_vreg.gather [hbm4b:s6+s2], $0x80, v3, vm0, $0xb8;
	[tilespmem:$0x10080] =	vst v63  }
0x73: {  	_ =	swait.ge [sflag:s1], $0x10000  }
0x74: {  	p0 =	sne.s32 s7, $0x1;
	[sflag:s1] =	ssyncset.done $0x0  }
.Ltmp0:
0x75: {  	s10 =	rddreg [dreg:$0x3];
	[sflag:s1] =	ssyncadd.s32 $0xFFFF0000;
	(pc) =	sbr.rel @p0 .LBB2_1-.Ltmp0, $4  }
0x76: {  	[hbm4b:s10+s2] =	stream.linear.scatter [tilespmem:s9], [sflag:$0x2], $0x10000, $0x38;
	[tilespmem:$0x10080] =	vst v63  }
0x77: {  	_ =	swait.ge [sflag:s8], $0x10000  }
0x78: {  	[sflag:s8] =	ssyncset.done $0x0  }
0x79: {  	s7 =	sadd.s32 $0xFFFFFFFF, s7;
	[sflag:s8] =	ssyncadd.s32 $0xFFFF0000  }
0x7a: {  	_ =	sfence.sel $0x180000  }
0x7b: {  	[bflag:$0x0] =	sbarrier.arrive $0xFFFF  }
0x7c: {  	_ =	strace $0x9000004A  }
0x7d: {  	s0 =	stileid.u32;
	[bflag:$0x2] =	sbarrier.arrive $0xFFFF  }
0x7e: {  	p0 =	sne.s32 s0, $0x0;
	s0 =	rddreg [dreg:$0x1]  }
0x7f: {  	s0 =	sadd.s32 @!p0 $0x100000, s0  }
0x80: {  	[sflag:s0] =	ssyncadd.tile.s32 @!p0 $0x1;
	_ =	shalt  }
.Lfunc_end2:
_tile_overlayer_lowered:
.L_overlay_start_2:
0x81: {  	(tag) =	ssettag $0x2  }
0x82: {  	s0 =	rddreg [dreg:$0x0];
	s2 =	stileid.u32  }
0x83: {  	s1 =	rddreg [dreg:$0x1];
	p0 =	sne.s32 s2, $0x0  }
0x84: {  	s3 =	rddreg [dreg:$0x2];
	[bflag:$0x3] =	sbarrier.arrive $0xFFFF;
	s2 =	simm.s32 @!p0 $0x1C02  }
0x85: {  	[timem:s3], [sflag:s2] =	dma.local @!p0 [hbm:s0], s1  }
0x86: {  	s0 =	simm.s32 @!p0 $0x2  }
0x87: {  	_ =	swait.ge @!p0 [sflag:s0], s1  }
0x88: {  	s1 =	ssub.s32 @!p0 $0x0, s1;
	[sflag:s0] =	ssyncset.done @!p0 $0x0  }
0x89: {  	[sflag:s0] =	ssyncadd.s32 @!p0 s1  }
0x8a: {  	[bflag:$0x3] =	sbarrier.arrive $0xFFFF  }
0x8b: {  	_ =	shalt  }

</sc_bundles>
